<compile_context>
chip_gen: v7x
topology: tpu7x:2x2x1
jax: 0.10.2.dev20260603
libtpu: 0.0.44.dev20260713+nightly
codegen_flags: <defaults>
</compile_context>

<pallas_src>
import functools

import jax
import jax.numpy as jnp
from jax import lax
from jax.experimental import pallas as pl
from jax.experimental.pallas import tpu as pltpu
from jax.experimental.pallas import tpu_sc as plsc

N = 10000
E = 320000
NC = 2
NS = 16
NW = NC * NS
EB = 128
BPW = 80
NBLK = NW * BPW
E_PAD = NBLK * EB
NPAD = 10240
RPT = NPAD // NS
HR = NPAD // 16

_MESH = plsc.VectorSubcoreMesh(
    core_axis_name="c", subcore_axis_name="s", num_cores=NC, num_subcores=NS
)
_SC_PARAMS = pltpu.CompilerParams(
    needs_layout_passes=False, use_tc_tiling_on_sc=False
)


HR2 = NPAD // 128


def _deg_body(dst_hbm, out_hbm, dbuf, hist):
    cid = lax.axis_index("c")
    sid = lax.axis_index("s")
    wid = sid * NC + cid
    z16 = jnp.zeros((16,), jnp.float32)

    def zrow(r, carry):
        for c in range(8):
            hist[r, pl.ds(c * 16, 16)] = z16
        return carry

    lax.fori_loop(0, HR2, zrow, 0)
    pltpu.sync_copy(dst_hbm.at[pl.ds(wid * BPW, BPW)], dbuf)
    ones = jnp.ones((16,), jnp.float32)

    def row(r, carry):
        for c in range(EB // 16):
            idx = dbuf[r, pl.ds(c * 16, 16)]
            plsc.addupdate_scatter(
                hist, [jnp.right_shift(idx, 7), jnp.bitwise_and(idx, 127)], ones
            )
        return carry

    lax.fori_loop(0, BPW, row, 0)
    pltpu.sync_copy(hist, out_hbm.at[wid])


_deg_kernel = pl.kernel(
    _deg_body,
    out_type=jax.ShapeDtypeStruct((NW, HR2, 128), jnp.float32),
    mesh=_MESH,
    compiler_params=_SC_PARAMS,
    scratch_types=[
        pltpu.VMEM((BPW, EB), jnp.int32),
        pltpu.VMEM((HR2, 128), jnp.float32),
    ],
)


CHUNK = 16
NCHUNK = BPW // CHUNK


def _agg_body(Dh, H, dtype, *refs):
    vals_hbms = refs[:H]
    src_hbm, dst_hbm, out_hbm = refs[H:H + 3]
    xsbuf, acc, sbuf, dbuf, rows = refs[H + 3:H + 8]
    gsems = refs[H + 8:H + 10]
    ssems = refs[H + 10:H + 12]
    cid = lax.axis_index("c")
    sid = lax.axis_index("s")
    wid = sid * NC + cid
    base = wid * BPW

    for h in range(H):
        pltpu.sync_copy(vals_hbms[h].at[pl.ds(sid * RPT, RPT)],
                        xsbuf.at[pl.ds(sid * RPT, RPT)])
        pltpu.sync_copy(vals_hbms[h].at[pl.ds(sid * RPT, RPT)],
                        acc.at[pl.ds(sid * RPT, RPT)])
        plsc.subcore_barrier()

        def chunk_body(c, carry):
            off = base + c * CHUNK
            pltpu.sync_copy(src_hbm.at[pl.ds(off, CHUNK)], sbuf)
            pltpu.sync_copy(dst_hbm.at[pl.ds(off, CHUNK)], dbuf)
            gd = {0: pltpu.async_copy(xsbuf.at[sbuf.at[0]], rows.at[0],
                                      gsems[0])}
            sd = {}
            for b in range(CHUNK):
                nb = b & 1
                gd[b].wait()
                sd[b] = pltpu.async_copy(rows.at[nb], acc.at[dbuf.at[b]],
                                         ssems[nb], add=True)
                if b + 1 < CHUNK:
                    nb1 = (b + 1) & 1
                    if b >= 1:
                        sd[b - 1].wait()
                    gd[b + 1] = pltpu.async_copy(xsbuf.at[sbuf.at[b + 1]],
                                                 rows.at[nb1], gsems[nb1])
            sd[CHUNK - 2].wait()
            sd[CHUNK - 1].wait()
            return carry

        lax.fori_loop(0, NCHUNK, chunk_body, 0)
        plsc.subcore_barrier()
        pltpu.sync_copy(
            acc.at[pl.ds(sid * RPT, RPT)],
            out_hbm.at[h, cid, pl.ds(sid * RPT, RPT)],
        )


def _make_agg(Dh, H, dtype):
    return pl.kernel(
        functools.partial(_agg_body, Dh, H, dtype),
        out_type=jax.ShapeDtypeStruct((H, NC, NPAD, Dh), dtype),
        mesh=_MESH,
        compiler_params=_SC_PARAMS,
        scratch_types=[
            pltpu.VMEM_SHARED((NPAD, Dh), dtype),
            pltpu.VMEM_SHARED((NPAD, Dh), dtype),
            pltpu.VMEM((CHUNK, EB), jnp.int32),
            pltpu.VMEM((CHUNK, EB), jnp.int32),
            pltpu.VMEM((2, EB, Dh), dtype),
            pltpu.SemaphoreType.DMA,
            pltpu.SemaphoreType.DMA,
            pltpu.SemaphoreType.DMA,
            pltpu.SemaphoreType.DMA,
        ],
    )


_agg128 = _make_agg(128, 1, jnp.bfloat16)
_agg16 = _make_agg(16, 1, jnp.float32)


def _tca_body(degp_ref, x_ref, dis_ref, xs_ref):
    deg = jnp.sum(degp_ref[...], axis=1, keepdims=True) + 1.0
    dis = lax.rsqrt(deg)
    dis_ref[...] = dis
    xs = (x_ref[...] * dis[:N]).astype(jnp.bfloat16)
    rowpad = jnp.zeros((NPAD - N, 128), jnp.bfloat16)
    xs_ref[...] = jnp.concatenate([xs, rowpad])


_tca = pl.pallas_call(
    _tca_body,
    out_shape=[
        jax.ShapeDtypeStruct((NPAD, 1), jnp.float32),
        jax.ShapeDtypeStruct((NPAD, 128), jnp.bfloat16),
    ],
)

_R = 2000


def _tcb_body(pp_ref, dis_ref, w1_ref, b1_ref, w2_ref, gs_ref):
    dis = dis_ref[...]
    pp = pp_ref[...].astype(jnp.float32)
    xa = (pp[0, 0] + pp[0, 1]) * dis
    h1 = jnp.tanh(
        jnp.dot(xa, w1_ref[...], preferred_element_type=jnp.float32) + b1_ref[...]
    )
    g = jnp.dot(h1, w2_ref[...], preferred_element_type=jnp.float32)
    gs_ref[...] = g * dis


_tcb = pl.pallas_call(
    _tcb_body,
    grid=(N // _R,),
    in_specs=[
        pl.BlockSpec((1, NC, _R, 128), lambda i: (0, 0, i, 0)),
        pl.BlockSpec((_R, 1), lambda i: (i, 0)),
        pl.BlockSpec((128, 256), lambda i: (0, 0)),
        pl.BlockSpec((1, 256), lambda i: (0, 0)),
        pl.BlockSpec((256, 16), lambda i: (0, 0)),
    ],
    out_specs=pl.BlockSpec((_R, 16), lambda i: (i, 0)),
    out_shape=jax.ShapeDtypeStruct((NPAD, 16), jnp.float32),
)


def _tcc_body(qq_ref, dis_ref, b2_ref, wout_ref, bout_ref, out_ref):
    qq = qq_ref[...]
    pre = (qq[0, 0] + qq[0, 1]) * dis_ref[...] + b2_ref[...]
    h2 = jnp.tanh(pre)
    logits = jnp.dot(h2, wout_ref[...], preferred_element_type=jnp.float32) \
        + bout_ref[...]
    m = jnp.max(logits, axis=1, keepdims=True)
    e = jnp.exp(logits - m)
    out_ref[...] = e / jnp.sum(e, axis=1, keepdims=True)


_tcc = pl.pallas_call(
    _tcc_body,
    grid=(N // _R,),
    in_specs=[
        pl.BlockSpec((1, NC, _R, 16), lambda i: (0, 0, i, 0)),
        pl.BlockSpec((_R, 1), lambda i: (i, 0)),
        pl.BlockSpec((1, 16), lambda i: (0, 0)),
        pl.BlockSpec((16, 40), lambda i: (0, 0)),
        pl.BlockSpec((1, 40), lambda i: (0, 0)),
    ],
    out_specs=pl.BlockSpec((_R, 40), lambda i: (i, 0)),
    out_shape=jax.ShapeDtypeStruct((N, 40), jnp.float32),
)


def kernel(x, edge_index, W1, b1, W2, b2, Wout, bout):
    src = edge_index[0].astype(jnp.int32).reshape(E // EB, EB)
    dst = edge_index[1].astype(jnp.int32).reshape(E // EB, EB)
    padblk = NBLK - E // EB
    src2 = jnp.concatenate([src, jnp.zeros((padblk, EB), jnp.int32)])
    dst2 = jnp.concatenate([dst, jnp.full((padblk, EB), N, jnp.int32)])

    degp = _deg_kernel(dst2)
    degp_t = degp.reshape(NW, NPAD).T

    dis, xs = _tca(degp_t, x)

    parts1 = _agg128(xs, src2, dst2)
    gs_p = _tcb(parts1, dis, W1, b1.reshape(1, -1), W2)

    parts2 = _agg16(gs_p, src2, dst2)
    return _tcc(parts2, dis, b2.reshape(1, -1), Wout, bout.reshape(1, -1))

# --- scband reference (transcript-rebuilt; emitter-appended) ---
"""Pipeline reference for scband-gconv-network-50448685859228 (READ-ONLY COPY).

The authoritative reference and input builder live on the scoring server;
editing this copy changes nothing except your own understanding.
"""

import jax, jax.numpy as jnp
import numpy as np

N_NODES = 10000

def gcn_conv(x, edge_index, W, b):
    # Faithful PyG GCNConv: add self-loops, symmetric normalization, linear, scatter-add aggregate, bias.
    n = x.shape[0]
    loop = jnp.arange(n, dtype=edge_index.dtype)
    src = jnp.concatenate([edge_index[0], loop])
    dst = jnp.concatenate([edge_index[1], loop])
    ones = jnp.ones(src.shape[0], dtype=x.dtype)
    deg = jnp.zeros(n, dtype=x.dtype).at[dst].add(ones)
    deg_inv_sqrt = jnp.where(deg > 0, deg ** -0.5, 0.0)
    norm = deg_inv_sqrt[src] * deg_inv_sqrt[dst]
    h = x @ W
    msg = h[src] * norm[:, None]
    out = jnp.zeros((n, h.shape[1]), dtype=x.dtype).at[dst].add(msg)
    return out + b


def setup_inputs(seed: int = 0) -> dict:
    key = jax.random.key(seed)
    ks = jax.random.split(key, 8)
    x = jax.random.normal(ks[0], (N_NODES, 128), dtype=jnp.float32)
    edge_index = jax.random.randint(ks[1], (2, 320000), 0, N_NODES, dtype=jnp.int64)
    W1 = jax.random.normal(ks[2], (128, 256), dtype=jnp.float32) * 0.05
    b1 = jnp.zeros((256,), dtype=jnp.float32)
    W2 = jax.random.normal(ks[3], (256, 16), dtype=jnp.float32) * 0.05
    b2 = jnp.zeros((16,), dtype=jnp.float32)
    Wout = jax.random.normal(ks[4], (16, 40), dtype=jnp.float32) * 0.05
    bout = jnp.zeros((40,), dtype=jnp.float32)
    return {"x": x, "edge_index": edge_index, "W1": W1, "b1": b1, "W2": W2, "b2": b2, "Wout": Wout, "bout": bout}


def reference(x, edge_index, W1, b1, W2, b2, Wout, bout):
    h = gcn_conv(x, edge_index, W1, b1)
    h = jnp.tanh(h)
    # dropout is identity in eval mode
    h = gcn_conv(h, edge_index, W2, b2)
    h = jnp.tanh(h)
    logits = h @ Wout + bout
    return jax.nn.softmax(logits, axis=1)

if __name__ == "__main__":
    import jax
    _d = setup_inputs()
    print(jax.jit(kernel)(*tuple(_d.values())))

</pallas_src>

<mosaic_0001>
#map = affine_map<(d0, d1) -> (0, 0)>
#map1 = affine_map<(d0, d1) -> (0, 0, 0)>
module attributes {stable_mosaic.version = 14 : i64} {
  func.func @_deg_body(%arg0: i32, %arg1: i32, %arg2: memref<2560x128xi32, #tpu.memory_space<hbm>>, %arg3: memref<32x80x128xf32, #tpu.memory_space<hbm>>, %arg4: memref<80x128xi32, #tpu.memory_space<vmem>>, %arg5: memref<80x128xf32, #tpu.memory_space<vmem>>) attributes {dimension_semantics = [#tpu.dimension_semantics<core_parallel>, #tpu.dimension_semantics<subcore_parallel>], iteration_bounds = array<i64: 2, 16>, scalar_prefetch = 0 : i64, scratch_operands = 2 : i64, tpu.core_type = #tpu.core_type<sc_vector_subcore>, window_params = [{transform_indices = #map}, {transform_indices = #map1}]} {
    %mul3A = arith.constant 2 : i32
    %mul3A_0 = arith.muli %arg1, %mul3A : i32
    %add3A = arith.addi %mul3A_0, %arg0 : i32
    %broadcast_in_dim3A = arith.constant 0.000000e+00 : f32
    %broadcast_in_dim3A_1 = vector.broadcast %broadcast_in_dim3A : f32 to vector<16xf32>
    %scan3A = arith.constant 0 : i32
    %scan3A_2 = arith.constant 0 : i32
    %scan3A_3 = arith.constant 80 : i32
    %scan3A_4 = arith.addi %scan3A_2, %scan3A_3 : i32
    %scan3A_5 = arith.constant 1 : i32
    scf.for %scan3A_17 = %scan3A_2 to %scan3A_4 step %scan3A_5  : i32 {
      %swap3A = arith.index_cast %scan3A_17 : i32 to index
      %swap3A_18 = arith.constant 0 : index
      %swap3A_19 = tpu.vector_load %arg5[%swap3A, %swap3A_18] {strides = array<i32>} : memref<80x128xf32, #tpu.memory_space<vmem>>, vector<16xf32>,
      tpu.vector_store %arg5[%swap3A, %swap3A_18], %broadcast_in_dim3A_1 {strides = array<i32>} : memref<80x128xf32, #tpu.memory_space<vmem>>, vector<16xf32>,
      %swap3A_20 = arith.index_cast %scan3A_17 : i32 to index
      %swap3A_21 = arith.constant 16 : index
      %swap3A_22 = tpu.vector_load %arg5[%swap3A_20, %swap3A_21] {strides = array<i32>} : memref<80x128xf32, #tpu.memory_space<vmem>>, vector<16xf32>,
      tpu.vector_store %arg5[%swap3A_20, %swap3A_21], %broadcast_in_dim3A_1 {strides = array<i32>} : memref<80x128xf32, #tpu.memory_space<vmem>>, vector<16xf32>,
      %swap3A_23 = arith.index_cast %scan3A_17 : i32 to index
      %swap3A_24 = arith.constant 32 : index
      %swap3A_25 = tpu.vector_load %arg5[%swap3A_23, %swap3A_24] {strides = array<i32>} : memref<80x128xf32, #tpu.memory_space<vmem>>, vector<16xf32>,
      tpu.vector_store %arg5[%swap3A_23, %swap3A_24], %broadcast_in_dim3A_1 {strides = array<i32>} : memref<80x128xf32, #tpu.memory_space<vmem>>, vector<16xf32>,
      %swap3A_26 = arith.index_cast %scan3A_17 : i32 to index
      %swap3A_27 = arith.constant 48 : index
      %swap3A_28 = tpu.vector_load %arg5[%swap3A_26, %swap3A_27] {strides = array<i32>} : memref<80x128xf32, #tpu.memory_space<vmem>>, vector<16xf32>,
      tpu.vector_store %arg5[%swap3A_26, %swap3A_27], %broadcast_in_dim3A_1 {strides = array<i32>} : memref<80x128xf32, #tpu.memory_space<vmem>>, vector<16xf32>,
      %swap3A_29 = arith.index_cast %scan3A_17 : i32 to index
      %swap3A_30 = arith.constant 64 : index
      %swap3A_31 = tpu.vector_load %arg5[%swap3A_29, %swap3A_30] {strides = array<i32>} : memref<80x128xf32, #tpu.memory_space<vmem>>, vector<16xf32>,
      tpu.vector_store %arg5[%swap3A_29, %swap3A_30], %broadcast_in_dim3A_1 {strides = array<i32>} : memref<80x128xf32, #tpu.memory_space<vmem>>, vector<16xf32>,
      %swap3A_32 = arith.index_cast %scan3A_17 : i32 to index
      %swap3A_33 = arith.constant 80 : index
      %swap3A_34 = tpu.vector_load %arg5[%swap3A_32, %swap3A_33] {strides = array<i32>} : memref<80x128xf32, #tpu.memory_space<vmem>>, vector<16xf32>,
      tpu.vector_store %arg5[%swap3A_32, %swap3A_33], %broadcast_in_dim3A_1 {strides = array<i32>} : memref<80x128xf32, #tpu.memory_space<vmem>>, vector<16xf32>,
      %swap3A_35 = arith.index_cast %scan3A_17 : i32 to index
      %swap3A_36 = arith.constant 96 : index
      %swap3A_37 = tpu.vector_load %arg5[%swap3A_35, %swap3A_36] {strides = array<i32>} : memref<80x128xf32, #tpu.memory_space<vmem>>, vector<16xf32>,
      tpu.vector_store %arg5[%swap3A_35, %swap3A_36], %broadcast_in_dim3A_1 {strides = array<i32>} : memref<80x128xf32, #tpu.memory_space<vmem>>, vector<16xf32>,
      %swap3A_38 = arith.index_cast %scan3A_17 : i32 to index
      %swap3A_39 = arith.constant 112 : index
      %swap3A_40 = tpu.vector_load %arg5[%swap3A_38, %swap3A_39] {strides = array<i32>} : memref<80x128xf32, #tpu.memory_space<vmem>>, vector<16xf32>,
      tpu.vector_store %arg5[%swap3A_38, %swap3A_39], %broadcast_in_dim3A_1 {strides = array<i32>} : memref<80x128xf32, #tpu.memory_space<vmem>>, vector<16xf32>,
    }
    %scan3A_6 = arith.constant 80 : i32
    %mul3A_7 = arith.constant 80 : i32
    %mul3A_8 = arith.muli %add3A, %mul3A_7 : i32
    "tpu.region"() ({
      %run_scoped3A = tpu.sem_alloc : memref<!tpu.dma_semaphore, #tpu.memory_space<semaphore_mem>>
      %dma_start3A = arith.constant 0 : i32
      %dma_start3A_17 = tpu.memref_slice %arg2[%mul3A_8, %dma_start3A] : memref<2560x128xi32, #tpu.memory_space<hbm>> -> memref<80x128xi32, #tpu.memory_space<hbm>>
      %dma_start3A_18 = arith.constant 0 : i32
      %dma_start3A_19 = tpu.memref_slice %arg2[%mul3A_8, %dma_start3A_18] : memref<2560x128xi32, #tpu.memory_space<hbm>> -> memref<80x128xi32, #tpu.memory_space<hbm>>
      tpu.enqueue_dma source(%dma_start3A_19 : memref<80x128xi32, #tpu.memory_space<hbm>>) target(%arg4 : memref<80x128xi32, #tpu.memory_space<vmem>>) target_semaphore(%run_scoped3A : memref<!tpu.dma_semaphore, #tpu.memory_space<semaphore_mem>>)
      %dma_wait3A = arith.constant 0 : i32
      %dma_wait3A_20 = tpu.memref_slice %arg2[%mul3A_8, %dma_wait3A] : memref<2560x128xi32, #tpu.memory_space<hbm>> -> memref<80x128xi32, #tpu.memory_space<hbm>>
      %dma_wait3A_21 = arith.constant 0 : i32
      %dma_wait3A_22 = tpu.memref_slice %arg2[%mul3A_8, %dma_wait3A_21] : memref<2560x128xi32, #tpu.memory_space<hbm>> -> memref<80x128xi32, #tpu.memory_space<hbm>>
      tpu.wait_dma2 semaphore(%run_scoped3A : memref<!tpu.dma_semaphore, #tpu.memory_space<semaphore_mem>>) src(%dma_wait3A_22 : memref<80x128xi32, #tpu.memory_space<hbm>>) dst(%arg4 : memref<80x128xi32, #tpu.memory_space<vmem>>)
      tpu.yield
    }) : () -> ()
    %broadcast_in_dim3A_9 = arith.constant 1.000000e+00 : f32
    %broadcast_in_dim3A_10 = vector.broadcast %broadcast_in_dim3A_9 : f32 to vector<16xf32>
    %scan3A_11 = arith.constant 0 : i32
    %scan3A_12 = arith.constant 0 : i32
    %scan3A_13 = arith.constant 80 : i32
    %scan3A_14 = arith.addi %scan3A_12, %scan3A_13 : i32
    %scan3A_15 = arith.constant 1 : i32
    scf.for %scan3A_17 = %scan3A_12 to %scan3A_14 step %scan3A_15  : i32 {
      %get3A = arith.index_cast %scan3A_17 : i32 to index
      %get3A_18 = arith.constant 0 : index
      %get3A_19 = tpu.vector_load %arg4[%get3A, %get3A_18] {strides = array<i32>} : memref<80x128xi32, #tpu.memory_space<vmem>>, vector<16xi32>,
      %shift_right_arithmetic3A = arith.constant 7 : i32
      %shift_right_arithmetic3A_20 = vector.broadcast %shift_right_arithmetic3A : i32 to vector<16xi32>
      %shift_right_arithmetic3A_21 = arith.shrsi %get3A_19, %shift_right_arithmetic3A_20 : vector<16xi32>
      %and3A = arith.constant 127 : i32
      %and3A_22 = vector.broadcast %and3A : i32 to vector<16xi32>
      %and3A_23 = arith.andi %get3A_19, %and3A_22 : vector<16xi32>
      tpu.vector_store_idx %arg5[%shift_right_arithmetic3A_21, %and3A_23], %broadcast_in_dim3A_10 {add = true} : memref<80x128xf32, #tpu.memory_space<vmem>>[vector<16xi32>, vector<16xi32>], vector<16xf32>,
      %get3A_24 = arith.index_cast %scan3A_17 : i32 to index
      %get3A_25 = arith.constant 16 : index
      %get3A_26 = tpu.vector_load %arg4[%get3A_24, %get3A_25] {strides = array<i32>} : memref<80x128xi32, #tpu.memory_space<vmem>>, vector<16xi32>,
      %shift_right_arithmetic3A_27 = arith.constant 7 : i32
      %shift_right_arithmetic3A_28 = vector.broadcast %shift_right_arithmetic3A_27 : i32 to vector<16xi32>
      %shift_right_arithmetic3A_29 = arith.shrsi %get3A_26, %shift_right_arithmetic3A_28 : vector<16xi32>
      %and3A_30 = arith.constant 127 : i32
      %and3A_31 = vector.broadcast %and3A_30 : i32 to vector<16xi32>
      %and3A_32 = arith.andi %get3A_26, %and3A_31 : vector<16xi32>
      tpu.vector_store_idx %arg5[%shift_right_arithmetic3A_29, %and3A_32], %broadcast_in_dim3A_10 {add = true} : memref<80x128xf32, #tpu.memory_space<vmem>>[vector<16xi32>, vector<16xi32>], vector<16xf32>,
      %get3A_33 = arith.index_cast %scan3A_17 : i32 to index
      %get3A_34 = arith.constant 32 : index
      %get3A_35 = tpu.vector_load %arg4[%get3A_33, %get3A_34] {strides = array<i32>} : memref<80x128xi32, #tpu.memory_space<vmem>>, vector<16xi32>,
      %shift_right_arithmetic3A_36 = arith.constant 7 : i32
      %shift_right_arithmetic3A_37 = vector.broadcast %shift_right_arithmetic3A_36 : i32 to vector<16xi32>
      %shift_right_arithmetic3A_38 = arith.shrsi %get3A_35, %shift_right_arithmetic3A_37 : vector<16xi32>
      %and3A_39 = arith.constant 127 : i32
      %and3A_40 = vector.broadcast %and3A_39 : i32 to vector<16xi32>
      %and3A_41 = arith.andi %get3A_35, %and3A_40 : vector<16xi32>
      tpu.vector_store_idx %arg5[%shift_right_arithmetic3A_38, %and3A_41], %broadcast_in_dim3A_10 {add = true} : memref<80x128xf32, #tpu.memory_space<vmem>>[vector<16xi32>, vector<16xi32>], vector<16xf32>,
      %get3A_42 = arith.index_cast %scan3A_17 : i32 to index
      %get3A_43 = arith.constant 48 : index
      %get3A_44 = tpu.vector_load %arg4[%get3A_42, %get3A_43] {strides = array<i32>} : memref<80x128xi32, #tpu.memory_space<vmem>>, vector<16xi32>,
      %shift_right_arithmetic3A_45 = arith.constant 7 : i32
      %shift_right_arithmetic3A_46 = vector.broadcast %shift_right_arithmetic3A_45 : i32 to vector<16xi32>
      %shift_right_arithmetic3A_47 = arith.shrsi %get3A_44, %shift_right_arithmetic3A_46 : vector<16xi32>
      %and3A_48 = arith.constant 127 : i32
      %and3A_49 = vector.broadcast %and3A_48 : i32 to vector<16xi32>
      %and3A_50 = arith.andi %get3A_44, %and3A_49 : vector<16xi32>
      tpu.vector_store_idx %arg5[%shift_right_arithmetic3A_47, %and3A_50], %broadcast_in_dim3A_10 {add = true} : memref<80x128xf32, #tpu.memory_space<vmem>>[vector<16xi32>, vector<16xi32>], vector<16xf32>,
      %get3A_51 = arith.index_cast %scan3A_17 : i32 to index
      %get3A_52 = arith.constant 64 : index
      %get3A_53 = tpu.vector_load %arg4[%get3A_51, %get3A_52] {strides = array<i32>} : memref<80x128xi32, #tpu.memory_space<vmem>>, vector<16xi32>,
      %shift_right_arithmetic3A_54 = arith.constant 7 : i32
      %shift_right_arithmetic3A_55 = vector.broadcast %shift_right_arithmetic3A_54 : i32 to vector<16xi32>
      %shift_right_arithmetic3A_56 = arith.shrsi %get3A_53, %shift_right_arithmetic3A_55 : vector<16xi32>
      %and3A_57 = arith.constant 127 : i32
      %and3A_58 = vector.broadcast %and3A_57 : i32 to vector<16xi32>
      %and3A_59 = arith.andi %get3A_53, %and3A_58 : vector<16xi32>
      tpu.vector_store_idx %arg5[%shift_right_arithmetic3A_56, %and3A_59], %broadcast_in_dim3A_10 {add = true} : memref<80x128xf32, #tpu.memory_space<vmem>>[vector<16xi32>, vector<16xi32>], vector<16xf32>,
      %get3A_60 = arith.index_cast %scan3A_17 : i32 to index
      %get3A_61 = arith.constant 80 : index
      %get3A_62 = tpu.vector_load %arg4[%get3A_60, %get3A_61] {strides = array<i32>} : memref<80x128xi32, #tpu.memory_space<vmem>>, vector<16xi32>,
      %shift_right_arithmetic3A_63 = arith.constant 7 : i32
      %shift_right_arithmetic3A_64 = vector.broadcast %shift_right_arithmetic3A_63 : i32 to vector<16xi32>
      %shift_right_arithmetic3A_65 = arith.shrsi %get3A_62, %shift_right_arithmetic3A_64 : vector<16xi32>
      %and3A_66 = arith.constant 127 : i32
      %and3A_67 = vector.broadcast %and3A_66 : i32 to vector<16xi32>
      %and3A_68 = arith.andi %get3A_62, %and3A_67 : vector<16xi32>
      tpu.vector_store_idx %arg5[%shift_right_arithmetic3A_65, %and3A_68], %broadcast_in_dim3A_10 {add = true} : memref<80x128xf32, #tpu.memory_space<vmem>>[vector<16xi32>, vector<16xi32>], vector<16xf32>,
      %get3A_69 = arith.index_cast %scan3A_17 : i32 to index
      %get3A_70 = arith.constant 96 : index
      %get3A_71 = tpu.vector_load %arg4[%get3A_69, %get3A_70] {strides = array<i32>} : memref<80x128xi32, #tpu.memory_space<vmem>>, vector<16xi32>,
      %shift_right_arithmetic3A_72 = arith.constant 7 : i32
      %shift_right_arithmetic3A_73 = vector.broadcast %shift_right_arithmetic3A_72 : i32 to vector<16xi32>
      %shift_right_arithmetic3A_74 = arith.shrsi %get3A_71, %shift_right_arithmetic3A_73 : vector<16xi32>
      %and3A_75 = arith.constant 127 : i32
      %and3A_76 = vector.broadcast %and3A_75 : i32 to vector<16xi32>
      %and3A_77 = arith.andi %get3A_71, %and3A_76 : vector<16xi32>
      tpu.vector_store_idx %arg5[%shift_right_arithmetic3A_74, %and3A_77], %broadcast_in_dim3A_10 {add = true} : memref<80x128xf32, #tpu.memory_space<vmem>>[vector<16xi32>, vector<16xi32>], vector<16xf32>,
      %get3A_78 = arith.index_cast %scan3A_17 : i32 to index
      %get3A_79 = arith.constant 112 : index
      %get3A_80 = tpu.vector_load %arg4[%get3A_78, %get3A_79] {strides = array<i32>} : memref<80x128xi32, #tpu.memory_space<vmem>>, vector<16xi32>,
      %shift_right_arithmetic3A_81 = arith.constant 7 : i32
      %shift_right_arithmetic3A_82 = vector.broadcast %shift_right_arithmetic3A_81 : i32 to vector<16xi32>
      %shift_right_arithmetic3A_83 = arith.shrsi %get3A_80, %shift_right_arithmetic3A_82 : vector<16xi32>
      %and3A_84 = arith.constant 127 : i32
      %and3A_85 = vector.broadcast %and3A_84 : i32 to vector<16xi32>
      %and3A_86 = arith.andi %get3A_80, %and3A_85 : vector<16xi32>
      tpu.vector_store_idx %arg5[%shift_right_arithmetic3A_83, %and3A_86], %broadcast_in_dim3A_10 {add = true} : memref<80x128xf32, #tpu.memory_space<vmem>>[vector<16xi32>, vector<16xi32>], vector<16xf32>,
    }
    %scan3A_16 = arith.constant 80 : i32
    "tpu.region"() ({
      %run_scoped3A = tpu.sem_alloc : memref<!tpu.dma_semaphore, #tpu.memory_space<semaphore_mem>>
      %dma_start3A = arith.constant 0 : i32
      %dma_start3A_17 = arith.constant 0 : i32
      %dma_start3A_18 = tpu.memref_slice %arg3[%add3A, %dma_start3A, %dma_start3A_17] : memref<32x80x128xf32, #tpu.memory_space<hbm>> -> memref<1x80x128xf32, #tpu.memory_space<hbm>>
      %dma_start3A_19 = tpu.memref_squeeze %dma_start3A_18 : memref<1x80x128xf32, #tpu.memory_space<hbm>> -> memref<80x128xf32, #tpu.memory_space<hbm>>
      %dma_start3A_20 = arith.constant 0 : i32
      %dma_start3A_21 = arith.constant 0 : i32
      %dma_start3A_22 = tpu.memref_slice %arg3[%add3A, %dma_start3A_20, %dma_start3A_21] : memref<32x80x128xf32, #tpu.memory_space<hbm>> -> memref<1x80x128xf32, #tpu.memory_space<hbm>>
      %dma_start3A_23 = tpu.memref_squeeze %dma_start3A_22 : memref<1x80x128xf32, #tpu.memory_space<hbm>> -> memref<80x128xf32, #tpu.memory_space<hbm>>
      tpu.enqueue_dma source(%arg5 : memref<80x128xf32, #tpu.memory_space<vmem>>) target(%dma_start3A_23 : memref<80x128xf32, #tpu.memory_space<hbm>>) target_semaphore(%run_scoped3A : memref<!tpu.dma_semaphore, #tpu.memory_space<semaphore_mem>>)
      %dma_wait3A = arith.constant 0 : i32
      %dma_wait3A_24 = arith.constant 0 : i32
      %dma_wait3A_25 = tpu.memref_slice %arg3[%add3A, %dma_wait3A, %dma_wait3A_24] : memref<32x80x128xf32, #tpu.memory_space<hbm>> -> memref<1x80x128xf32, #tpu.memory_space<hbm>>
      %dma_wait3A_26 = tpu.memref_squeeze %dma_wait3A_25 : memref<1x80x128xf32, #tpu.memory_space<hbm>> -> memref<80x128xf32, #tpu.memory_space<hbm>>
      %dma_wait3A_27 = arith.constant 0 : i32
      %dma_wait3A_28 = arith.constant 0 : i32
      %dma_wait3A_29 = tpu.memref_slice %arg3[%add3A, %dma_wait3A_27, %dma_wait3A_28] : memref<32x80x128xf32, #tpu.memory_space<hbm>> -> memref<1x80x128xf32, #tpu.memory_space<hbm>>
      %dma_wait3A_30 = tpu.memref_squeeze %dma_wait3A_29 : memref<1x80x128xf32, #tpu.memory_space<hbm>> -> memref<80x128xf32, #tpu.memory_space<hbm>>
      tpu.wait_dma2 semaphore(%run_scoped3A : memref<!tpu.dma_semaphore, #tpu.memory_space<semaphore_mem>>) src(%arg5 : memref<80x128xf32, #tpu.memory_space<vmem>>) dst(%dma_wait3A_30 : memref<80x128xf32, #tpu.memory_space<hbm>>)
      tpu.yield
    }) : () -> ()
    return
  }
}

#map = affine_map<(d0, d1) -> (0, 0)>
#map1 = affine_map<(d0, d1) -> (0, 0, 0, 0)>
module attributes {stable_mosaic.version = 14 : i64} {
  func.func @_agg_body(%arg0: i32, %arg1: i32, %arg2: memref<10240x128xbf16, #tpu.memory_space<hbm>>, %arg3: memref<2560x128xi32, #tpu.memory_space<hbm>>, %arg4: memref<2560x128xi32, #tpu.memory_space<hbm>>, %arg5: memref<1x2x10240x128xbf16, #tpu.memory_space<hbm>>, %arg6: memref<10240x128xbf16, #tpu.memory_space<vmem_shared>>, %arg7: memref<10240x128xbf16, #tpu.memory_space<vmem_shared>>, %arg8: memref<16x128xi32, #tpu.memory_space<vmem>>, %arg9: memref<16x128xi32, #tpu.memory_space<vmem>>, %arg10: memref<2x128x128xbf16, #tpu.memory_space<vmem>>, %arg11: memref<!tpu.dma_semaphore, #tpu.memory_space<semaphore_mem>>, %arg12: memref<!tpu.dma_semaphore, #tpu.memory_space<semaphore_mem>>, %arg13: memref<!tpu.dma_semaphore, #tpu.memory_space<semaphore_mem>>, %arg14: memref<!tpu.dma_semaphore, #tpu.memory_space<semaphore_mem>>) attributes {dimension_semantics = [#tpu.dimension_semantics<core_parallel>, #tpu.dimension_semantics<subcore_parallel>], iteration_bounds = array<i64: 2, 16>, scalar_prefetch = 0 : i64, scratch_operands = 9 : i64, tpu.core_type = #tpu.core_type<sc_vector_subcore>, window_params = [{transform_indices = #map}, {transform_indices = #map}, {transform_indices = #map}, {transform_indices = #map1}]} {
    %mul3A = arith.constant 2 : i32
    %mul3A_0 = arith.muli %arg1, %mul3A : i32
    %add3A = arith.addi %mul3A_0, %arg0 : i32
    %mul3A_1 = arith.constant 80 : i32
    %mul3A_2 = arith.muli %add3A, %mul3A_1 : i32
    %mul3A_3 = arith.constant 640 : i32
    %mul3A_4 = arith.muli %arg1, %mul3A_3 : i32
    %mul3A_5 = arith.constant 640 : i32
    %mul3A_6 = arith.muli %arg1, %mul3A_5 : i32
    "tpu.region"() ({
      %run_scoped3A_21 = tpu.sem_alloc : memref<!tpu.dma_semaphore, #tpu.memory_space<semaphore_mem>>
      %dma_start3A = arith.constant 0 : i32
      %dma_start3A_22 = tpu.memref_slice %arg6[%mul3A_6, %dma_start3A] : memref<10240x128xbf16, #tpu.memory_space<vmem_shared>> -> memref<640x128xbf16, #tpu.memory_space<vmem_shared>>
      %dma_start3A_23 = arith.constant 0 : i32
      %dma_start3A_24 = tpu.memref_slice %arg2[%mul3A_4, %dma_start3A_23] : memref<10240x128xbf16, #tpu.memory_space<hbm>> -> memref<640x128xbf16, #tpu.memory_space<hbm>>
      tpu.enqueue_dma source(%dma_start3A_24 : memref<640x128xbf16, #tpu.memory_space<hbm>>) target(%dma_start3A_22 : memref<640x128xbf16, #tpu.memory_space<vmem_shared>>) target_semaphore(%run_scoped3A_21 : memref<!tpu.dma_semaphore, #tpu.memory_space<semaphore_mem>>)
      %dma_wait3A = arith.constant 0 : i32
      %dma_wait3A_25 = tpu.memref_slice %arg6[%mul3A_6, %dma_wait3A] : memref<10240x128xbf16, #tpu.memory_space<vmem_shared>> -> memref<640x128xbf16, #tpu.memory_space<vmem_shared>>
      %dma_wait3A_26 = arith.constant 0 : i32
      %dma_wait3A_27 = tpu.memref_slice %arg2[%mul3A_4, %dma_wait3A_26] : memref<10240x128xbf16, #tpu.memory_space<hbm>> -> memref<640x128xbf16, #tpu.memory_space<hbm>>
      tpu.wait_dma2 semaphore(%run_scoped3A_21 : memref<!tpu.dma_semaphore, #tpu.memory_space<semaphore_mem>>) src(%dma_wait3A_27 : memref<640x128xbf16, #tpu.memory_space<hbm>>) dst(%dma_wait3A_25 : memref<640x128xbf16, #tpu.memory_space<vmem_shared>>)
      tpu.yield
    }) : () -> ()
    %mul3A_7 = arith.constant 640 : i32
    %mul3A_8 = arith.muli %arg1, %mul3A_7 : i32
    %mul3A_9 = arith.constant 640 : i32
    %mul3A_10 = arith.muli %arg1, %mul3A_9 : i32
    "tpu.region"() ({
      %run_scoped3A_21 = tpu.sem_alloc : memref<!tpu.dma_semaphore, #tpu.memory_space<semaphore_mem>>
      %dma_start3A = arith.constant 0 : i32
      %dma_start3A_22 = tpu.memref_slice %arg7[%mul3A_10, %dma_start3A] : memref<10240x128xbf16, #tpu.memory_space<vmem_shared>> -> memref<640x128xbf16, #tpu.memory_space<vmem_shared>>
      %dma_start3A_23 = arith.constant 0 : i32
      %dma_start3A_24 = tpu.memref_slice %arg2[%mul3A_8, %dma_start3A_23] : memref<10240x128xbf16, #tpu.memory_space<hbm>> -> memref<640x128xbf16, #tpu.memory_space<hbm>>
      tpu.enqueue_dma source(%dma_start3A_24 : memref<640x128xbf16, #tpu.memory_space<hbm>>) target(%dma_start3A_22 : memref<640x128xbf16, #tpu.memory_space<vmem_shared>>) target_semaphore(%run_scoped3A_21 : memref<!tpu.dma_semaphore, #tpu.memory_space<semaphore_mem>>)
      %dma_wait3A = arith.constant 0 : i32
      %dma_wait3A_25 = tpu.memref_slice %arg7[%mul3A_10, %dma_wait3A] : memref<10240x128xbf16, #tpu.memory_space<vmem_shared>> -> memref<640x128xbf16, #tpu.memory_space<vmem_shared>>
      %dma_wait3A_26 = arith.constant 0 : i32
      %dma_wait3A_27 = tpu.memref_slice %arg2[%mul3A_8, %dma_wait3A_26] : memref<10240x128xbf16, #tpu.memory_space<hbm>> -> memref<640x128xbf16, #tpu.memory_space<hbm>>
      tpu.wait_dma2 semaphore(%run_scoped3A_21 : memref<!tpu.dma_semaphore, #tpu.memory_space<semaphore_mem>>) src(%dma_wait3A_27 : memref<640x128xbf16, #tpu.memory_space<hbm>>) dst(%dma_wait3A_25 : memref<640x128xbf16, #tpu.memory_space<vmem_shared>>)
      tpu.yield
    }) : () -> ()
    %barrier3A = arith.constant 0 : index
    tpu.barrier barrier_id(%barrier3A)
    %scan3A = arith.constant 0 : i32
    %scan3A_11 = arith.constant 0 : i32
    %scan3A_12 = arith.constant 5 : i32
    %scan3A_13 = arith.addi %scan3A_11, %scan3A_12 : i32
    %scan3A_14 = arith.constant 1 : i32
    scf.for %scan3A_21 = %scan3A_11 to %scan3A_13 step %scan3A_14  : i32 {
      %mul3A_22 = arith.constant 16 : i32
      %mul3A_23 = arith.muli %scan3A_21, %mul3A_22 : i32
      %add3A_24 = arith.addi %mul3A_2, %mul3A_23 : i32
      "tpu.region"() ({
        %run_scoped3A_791 = tpu.sem_alloc : memref<!tpu.dma_semaphore, #tpu.memory_space<semaphore_mem>>
        %dma_start3A_792 = arith.constant 0 : i32
        %dma_start3A_793 = tpu.memref_slice %arg3[%add3A_24, %dma_start3A_792] : memref<2560x128xi32, #tpu.memory_space<hbm>> -> memref<16x128xi32, #tpu.memory_space<hbm>>
        %dma_start3A_794 = arith.constant 0 : i32
        %dma_start3A_795 = tpu.memref_slice %arg3[%add3A_24, %dma_start3A_794] : memref<2560x128xi32, #tpu.memory_space<hbm>> -> memref<16x128xi32, #tpu.memory_space<hbm>>
        tpu.enqueue_dma source(%dma_start3A_795 : memref<16x128xi32, #tpu.memory_space<hbm>>) target(%arg8 : memref<16x128xi32, #tpu.memory_space<vmem>>) target_semaphore(%run_scoped3A_791 : memref<!tpu.dma_semaphore, #tpu.memory_space<semaphore_mem>>)
        %dma_wait3A_796 = arith.constant 0 : i32
        %dma_wait3A_797 = tpu.memref_slice %arg3[%add3A_24, %dma_wait3A_796] : memref<2560x128xi32, #tpu.memory_space<hbm>> -> memref<16x128xi32, #tpu.memory_space<hbm>>
        %dma_wait3A_798 = arith.constant 0 : i32
        %dma_wait3A_799 = tpu.memref_slice %arg3[%add3A_24, %dma_wait3A_798] : memref<2560x128xi32, #tpu.memory_space<hbm>> -> memref<16x128xi32, #tpu.memory_space<hbm>>
        tpu.wait_dma2 semaphore(%run_scoped3A_791 : memref<!tpu.dma_semaphore, #tpu.memory_space<semaphore_mem>>) src(%dma_wait3A_799 : memref<16x128xi32, #tpu.memory_space<hbm>>) dst(%arg8 : memref<16x128xi32, #tpu.memory_space<vmem>>)
        tpu.yield
      }) : () -> ()
      "tpu.region"() ({
        %run_scoped3A_791 = tpu.sem_alloc : memref<!tpu.dma_semaphore, #tpu.memory_space<semaphore_mem>>
        %dma_start3A_792 = arith.constant 0 : i32
        %dma_start3A_793 = tpu.memref_slice %arg4[%add3A_24, %dma_start3A_792] : memref<2560x128xi32, #tpu.memory_space<hbm>> -> memref<16x128xi32, #tpu.memory_space<hbm>>
        %dma_start3A_794 = arith.constant 0 : i32
        %dma_start3A_795 = tpu.memref_slice %arg4[%add3A_24, %dma_start3A_794] : memref<2560x128xi32, #tpu.memory_space<hbm>> -> memref<16x128xi32, #tpu.memory_space<hbm>>
        tpu.enqueue_dma source(%dma_start3A_795 : memref<16x128xi32, #tpu.memory_space<hbm>>) target(%arg9 : memref<16x128xi32, #tpu.memory_space<vmem>>) target_semaphore(%run_scoped3A_791 : memref<!tpu.dma_semaphore, #tpu.memory_space<semaphore_mem>>)
        %dma_wait3A_796 = arith.constant 0 : i32
        %dma_wait3A_797 = tpu.memref_slice %arg4[%add3A_24, %dma_wait3A_796] : memref<2560x128xi32, #tpu.memory_space<hbm>> -> memref<16x128xi32, #tpu.memory_space<hbm>>
        %dma_wait3A_798 = arith.constant 0 : i32
        %dma_wait3A_799 = tpu.memref_slice %arg4[%add3A_24, %dma_wait3A_798] : memref<2560x128xi32, #tpu.memory_space<hbm>> -> memref<16x128xi32, #tpu.memory_space<hbm>>
        tpu.wait_dma2 semaphore(%run_scoped3A_791 : memref<!tpu.dma_semaphore, #tpu.memory_space<semaphore_mem>>) src(%dma_wait3A_799 : memref<16x128xi32, #tpu.memory_space<hbm>>) dst(%arg9 : memref<16x128xi32, #tpu.memory_space<vmem>>)
        tpu.yield
      }) : () -> ()
      %dma_start3A = arith.constant 0 : i32
      %dma_start3A_25 = arith.constant 0 : i32
      %dma_start3A_26 = arith.constant 0 : i32
      %dma_start3A_27 = arith.constant 0 : i32
      %dma_start3A_28 = tpu.memref_slice %arg10[%dma_start3A_25, %dma_start3A_26, %dma_start3A_27] : memref<2x128x128xbf16, #tpu.memory_space<vmem>> -> memref<1x128x128xbf16, #tpu.memory_space<vmem>>
      %dma_start3A_29 = tpu.memref_squeeze %dma_start3A_28 : memref<1x128x128xbf16, #tpu.memory_space<vmem>> -> memref<128x128xbf16, #tpu.memory_space<vmem>>
      %dma_start3A_30 = arith.constant 0 : i32
      %dma_start3A_31 = tpu.memref_slice %arg8[%dma_start3A, %dma_start3A_30] : memref<16x128xi32, #tpu.memory_space<vmem>> -> memref<1x128xi32, #tpu.memory_space<vmem>>
      %dma_start3A_32 = tpu.memref_squeeze %dma_start3A_31 : memref<1x128xi32, #tpu.memory_space<vmem>> -> memref<128xi32, #tpu.memory_space<vmem>>
      %dma_start3A_33 = arith.constant 0 : i32
      %dma_start3A_34 = arith.constant 0 : i32
      %dma_start3A_35 = tpu.memref_slice %arg6[%dma_start3A_33, %dma_start3A_34] : memref<10240x128xbf16, #tpu.memory_space<vmem_shared>> -> memref<10240x128xbf16, #tpu.memory_space<vmem_shared>>
      tpu.enqueue_indirect_dma source(%dma_start3A_35 : memref<10240x128xbf16, #tpu.memory_space<vmem_shared>>) target(%dma_start3A_29 : memref<128x128xbf16, #tpu.memory_space<vmem>>) offsets(%dma_start3A_32 : memref<128xi32, #tpu.memory_space<vmem>>) semaphore(%arg11 : memref<!tpu.dma_semaphore, #tpu.memory_space<semaphore_mem>>)
      %dma_wait3A = arith.constant 0 : i32
      %dma_wait3A_36 = arith.constant 0 : i32
      %dma_wait3A_37 = arith.constant 0 : i32
      %dma_wait3A_38 = arith.constant 0 : i32
      %dma_wait3A_39 = tpu.memref_slice %arg10[%dma_wait3A_36, %dma_wait3A_37, %dma_wait3A_38] : memref<2x128x128xbf16, #tpu.memory_space<vmem>> -> memref<1x128x128xbf16, #tpu.memory_space<vmem>>
      %dma_wait3A_40 = tpu.memref_squeeze %dma_wait3A_39 : memref<1x128x128xbf16, #tpu.memory_space<vmem>> -> memref<128x128xbf16, #tpu.memory_space<vmem>>
      %dma_wait3A_41 = arith.constant 0 : i32
      %dma_wait3A_42 = tpu.memref_slice %arg8[%dma_wait3A, %dma_wait3A_41] : memref<16x128xi32, #tpu.memory_space<vmem>> -> memref<1x128xi32, #tpu.memory_space<vmem>>
      %dma_wait3A_43 = tpu.memref_squeeze %dma_wait3A_42 : memref<1x128xi32, #tpu.memory_space<vmem>> -> memref<128xi32, #tpu.memory_space<vmem>>
      %dma_wait3A_44 = arith.constant 0 : i32
      %dma_wait3A_45 = arith.constant 0 : i32
      %dma_wait3A_46 = tpu.memref_slice %arg6[%dma_wait3A_44, %dma_wait3A_45] : memref<10240x128xbf16, #tpu.memory_space<vmem_shared>> -> memref<10240x128xbf16, #tpu.memory_space<vmem_shared>>
      tpu.wait_indirect_dma semaphore(%arg11 : memref<!tpu.dma_semaphore, #tpu.memory_space<semaphore_mem>>) src(%dma_wait3A_46 : memref<10240x128xbf16, #tpu.memory_space<vmem_shared>>) dst(%dma_wait3A_40 : memref<128x128xbf16, #tpu.memory_space<vmem>>)
      %dma_start3A_47 = arith.constant 0 : i32
      %dma_start3A_48 = arith.constant 0 : i32
      %dma_start3A_49 = arith.constant 0 : i32
      %dma_start3A_50 = arith.constant 0 : i32
      %dma_start3A_51 = tpu.memref_slice %arg10[%dma_start3A_47, %dma_start3A_49, %dma_start3A_50] : memref<2x128x128xbf16, #tpu.memory_space<vmem>> -> memref<1x128x128xbf16, #tpu.memory_space<vmem>>
      %dma_start3A_52 = tpu.memref_squeeze %dma_start3A_51 : memref<1x128x128xbf16, #tpu.memory_space<vmem>> -> memref<128x128xbf16, #tpu.memory_space<vmem>>
      %dma_start3A_53 = arith.constant 0 : i32
      %dma_start3A_54 = tpu.memref_slice %arg9[%dma_start3A_48, %dma_start3A_53] : memref<16x128xi32, #tpu.memory_space<vmem>> -> memref<1x128xi32, #tpu.memory_space<vmem>>
      %dma_start3A_55 = tpu.memref_squeeze %dma_start3A_54 : memref<1x128xi32, #tpu.memory_space<vmem>> -> memref<128xi32, #tpu.memory_space<vmem>>
      %dma_start3A_56 = arith.constant 0 : i32
      %dma_start3A_57 = arith.constant 0 : i32
      %dma_start3A_58 = tpu.memref_slice %arg7[%dma_start3A_56, %dma_start3A_57] : memref<10240x128xbf16, #tpu.memory_space<vmem_shared>> -> memref<10240x128xbf16, #tpu.memory_space<vmem_shared>>
      tpu.enqueue_indirect_dma source(%dma_start3A_52 : memref<128x128xbf16, #tpu.memory_space<vmem>>) target(%dma_start3A_58 : memref<10240x128xbf16, #tpu.memory_space<vmem_shared>>) offsets(%dma_start3A_55 : memref<128xi32, #tpu.memory_space<vmem>>) semaphore(%arg13 : memref<!tpu.dma_semaphore, #tpu.memory_space<semaphore_mem>>) {add = true}
      %dma_start3A_59 = arith.constant 1 : i32
      %dma_start3A_60 = arith.constant 1 : i32
      %dma_start3A_61 = arith.constant 0 : i32
      %dma_start3A_62 = arith.constant 0 : i32
      %dma_start3A_63 = tpu.memref_slice %arg10[%dma_start3A_60, %dma_start3A_61, %dma_start3A_62] : memref<2x128x128xbf16, #tpu.memory_space<vmem>> -> memref<1x128x128xbf16, #tpu.memory_space<vmem>>
      %dma_start3A_64 = tpu.memref_squeeze %dma_start3A_63 : memref<1x128x128xbf16, #tpu.memory_space<vmem>> -> memref<128x128xbf16, #tpu.memory_space<vmem>>
      %dma_start3A_65 = arith.constant 0 : i32
      %dma_start3A_66 = tpu.memref_slice %arg8[%dma_start3A_59, %dma_start3A_65] : memref<16x128xi32, #tpu.memory_space<vmem>> -> memref<1x128xi32, #tpu.memory_space<vmem>>
      %dma_start3A_67 = tpu.memref_squeeze %dma_start3A_66 : memref<1x128xi32, #tpu.memory_space<vmem>> -> memref<128xi32, #tpu.memory_space<vmem>>
      %dma_start3A_68 = arith.constant 0 : i32
      %dma_start3A_69 = arith.constant 0 : i32
      %dma_start3A_70 = tpu.memref_slice %arg6[%dma_start3A_68, %dma_start3A_69] : memref<10240x128xbf16, #tpu.memory_space<vmem_shared>> -> memref<10240x128xbf16, #tpu.memory_space<vmem_shared>>
      tpu.enqueue_indirect_dma source(%dma_start3A_70 : memref<10240x128xbf16, #tpu.memory_space<vmem_shared>>) target(%dma_start3A_64 : memref<128x128xbf16, #tpu.memory_space<vmem>>) offsets(%dma_start3A_67 : memref<128xi32, #tpu.memory_space<vmem>>) semaphore(%arg12 : memref<!tpu.dma_semaphore, #tpu.memory_space<semaphore_mem>>)
      %dma_wait3A_71 = arith.constant 1 : i32
      %dma_wait3A_72 = arith.constant 1 : i32
      %dma_wait3A_73 = arith.constant 0 : i32
      %dma_wait3A_74 = arith.constant 0 : i32
      %dma_wait3A_75 = tpu.memref_slice %arg10[%dma_wait3A_72, %dma_wait3A_73, %dma_wait3A_74] : memref<2x128x128xbf16, #tpu.memory_space<vmem>> -> memref<1x128x128xbf16, #tpu.memory_space<vmem>>
      %dma_wait3A_76 = tpu.memref_squeeze %dma_wait3A_75 : memref<1x128x128xbf16, #tpu.memory_space<vmem>> -> memref<128x128xbf16, #tpu.memory_space<vmem>>
      %dma_wait3A_77 = arith.constant 0 : i32
      %dma_wait3A_78 = tpu.memref_slice %arg8[%dma_wait3A_71, %dma_wait3A_77] : memref<16x128xi32, #tpu.memory_space<vmem>> -> memref<1x128xi32, #tpu.memory_space<vmem>>
      %dma_wait3A_79 = tpu.memref_squeeze %dma_wait3A_78 : memref<1x128xi32, #tpu.memory_space<vmem>> -> memref<128xi32, #tpu.memory_space<vmem>>
      %dma_wait3A_80 = arith.constant 0 : i32
      %dma_wait3A_81 = arith.constant 0 : i32
      %dma_wait3A_82 = tpu.memref_slice %arg6[%dma_wait3A_80, %dma_wait3A_81] : memref<10240x128xbf16, #tpu.memory_space<vmem_shared>> -> memref<10240x128xbf16, #tpu.memory_space<vmem_shared>>
      tpu.wait_indirect_dma semaphore(%arg12 : memref<!tpu.dma_semaphore, #tpu.memory_space<semaphore_mem>>) src(%dma_wait3A_82 : memref<10240x128xbf16, #tpu.memory_space<vmem_shared>>) dst(%dma_wait3A_76 : memref<128x128xbf16, #tpu.memory_space<vmem>>)
      %dma_start3A_83 = arith.constant 1 : i32
      %dma_start3A_84 = arith.constant 1 : i32
      %dma_start3A_85 = arith.constant 0 : i32
      %dma_start3A_86 = arith.constant 0 : i32
      %dma_start3A_87 = tpu.memref_slice %arg10[%dma_start3A_83, %dma_start3A_85, %dma_start3A_86] : memref<2x128x128xbf16, #tpu.memory_space<vmem>> -> memref<1x128x128xbf16, #tpu.memory_space<vmem>>
      %dma_start3A_88 = tpu.memref_squeeze %dma_start3A_87 : memref<1x128x128xbf16, #tpu.memory_space<vmem>> -> memref<128x128xbf16, #tpu.memory_space<vmem>>
      %dma_start3A_89 = arith.constant 0 : i32
      %dma_start3A_90 = tpu.memref_slice %arg9[%dma_start3A_84, %dma_start3A_89] : memref<16x128xi32, #tpu.memory_space<vmem>> -> memref<1x128xi32, #tpu.memory_space<vmem>>
      %dma_start3A_91 = tpu.memref_squeeze %dma_start3A_90 : memref<1x128xi32, #tpu.memory_space<vmem>> -> memref<128xi32, #tpu.memory_space<vmem>>
      %dma_start3A_92 = arith.constant 0 : i32
      %dma_start3A_93 = arith.constant 0 : i32
      %dma_start3A_94 = tpu.memref_slice %arg7[%dma_start3A_92, %dma_start3A_93] : memref<10240x128xbf16, #tpu.memory_space<vmem_shared>> -> memref<10240x128xbf16, #tpu.memory_space<vmem_shared>>
      tpu.enqueue_indirect_dma source(%dma_start3A_88 : memref<128x128xbf16, #tpu.memory_space<vmem>>) target(%dma_start3A_94 : memref<10240x128xbf16, #tpu.memory_space<vmem_shared>>) offsets(%dma_start3A_91 : memref<128xi32, #tpu.memory_space<vmem>>) semaphore(%arg14 : memref<!tpu.dma_semaphore, #tpu.memory_space<semaphore_mem>>) {add = true}
      %dma_wait3A_95 = arith.constant 0 : i32
      %dma_wait3A_96 = arith.constant 0 : i32
      %dma_wait3A_97 = arith.constant 0 : i32
      %dma_wait3A_98 = arith.constant 0 : i32
      %dma_wait3A_99 = tpu.memref_slice %arg10[%dma_wait3A_95, %dma_wait3A_97, %dma_wait3A_98] : memref<2x128x128xbf16, #tpu.memory_space<vmem>> -> memref<1x128x128xbf16, #tpu.memory_space<vmem>>
      %dma_wait3A_100 = tpu.memref_squeeze %dma_wait3A_99 : memref<1x128x128xbf16, #tpu.memory_space<vmem>> -> memref<128x128xbf16, #tpu.memory_space<vmem>>
      %dma_wait3A_101 = arith.constant 0 : i32
      %dma_wait3A_102 = tpu.memref_slice %arg9[%dma_wait3A_96, %dma_wait3A_101] : memref<16x128xi32, #tpu.memory_space<vmem>> -> memref<1x128xi32, #tpu.memory_space<vmem>>
      %dma_wait3A_103 = tpu.memref_squeeze %dma_wait3A_102 : memref<1x128xi32, #tpu.memory_space<vmem>> -> memref<128xi32, #tpu.memory_space<vmem>>
      %dma_wait3A_104 = arith.constant 0 : i32
      %dma_wait3A_105 = arith.constant 0 : i32
      %dma_wait3A_106 = tpu.memref_slice %arg7[%dma_wait3A_104, %dma_wait3A_105] : memref<10240x128xbf16, #tpu.memory_space<vmem_shared>> -> memref<10240x128xbf16, #tpu.memory_space<vmem_shared>>
      tpu.wait_indirect_dma semaphore(%arg13 : memref<!tpu.dma_semaphore, #tpu.memory_space<semaphore_mem>>) src(%dma_wait3A_100 : memref<128x128xbf16, #tpu.memory_space<vmem>>) dst(%dma_wait3A_106 : memref<10240x128xbf16, #tpu.memory_space<vmem_shared>>)
      %dma_start3A_107 = arith.constant 2 : i32
      %dma_start3A_108 = arith.constant 0 : i32
      %dma_start3A_109 = arith.constant 0 : i32
      %dma_start3A_110 = arith.constant 0 : i32
      %dma_start3A_111 = tpu.memref_slice %arg10[%dma_start3A_108, %dma_start3A_109, %dma_start3A_110] : memref<2x128x128xbf16, #tpu.memory_space<vmem>> -> memref<1x128x128xbf16, #tpu.memory_space<vmem>>
      %dma_start3A_112 = tpu.memref_squeeze %dma_start3A_111 : memref<1x128x128xbf16, #tpu.memory_space<vmem>> -> memref<128x128xbf16, #tpu.memory_space<vmem>>
      %dma_start3A_113 = arith.constant 0 : i32
      %dma_start3A_114 = tpu.memref_slice %arg8[%dma_start3A_107, %dma_start3A_113] : memref<16x128xi32, #tpu.memory_space<vmem>> -> memref<1x128xi32, #tpu.memory_space<vmem>>
      %dma_start3A_115 = tpu.memref_squeeze %dma_start3A_114 : memref<1x128xi32, #tpu.memory_space<vmem>> -> memref<128xi32, #tpu.memory_space<vmem>>
      %dma_start3A_116 = arith.constant 0 : i32
      %dma_start3A_117 = arith.constant 0 : i32
      %dma_start3A_118 = tpu.memref_slice %arg6[%dma_start3A_116, %dma_start3A_117] : memref<10240x128xbf16, #tpu.memory_space<vmem_shared>> -> memref<10240x128xbf16, #tpu.memory_space<vmem_shared>>
      tpu.enqueue_indirect_dma source(%dma_start3A_118 : memref<10240x128xbf16, #tpu.memory_space<vmem_shared>>) target(%dma_start3A_112 : memref<128x128xbf16, #tpu.memory_space<vmem>>) offsets(%dma_start3A_115 : memref<128xi32, #tpu.memory_space<vmem>>) semaphore(%arg11 : memref<!tpu.dma_semaphore, #tpu.memory_space<semaphore_mem>>)
      %dma_wait3A_119 = arith.constant 2 : i32
      %dma_wait3A_120 = arith.constant 0 : i32
      %dma_wait3A_121 = arith.constant 0 : i32
      %dma_wait3A_122 = arith.constant 0 : i32
      %dma_wait3A_123 = tpu.memref_slice %arg10[%dma_wait3A_120, %dma_wait3A_121, %dma_wait3A_122] : memref<2x128x128xbf16, #tpu.memory_space<vmem>> -> memref<1x128x128xbf16, #tpu.memory_space<vmem>>
      %dma_wait3A_124 = tpu.memref_squeeze %dma_wait3A_123 : memref<1x128x128xbf16, #tpu.memory_space<vmem>> -> memref<128x128xbf16, #tpu.memory_space<vmem>>
      %dma_wait3A_125 = arith.constant 0 : i32
      %dma_wait3A_126 = tpu.memref_slice %arg8[%dma_wait3A_119, %dma_wait3A_125] : memref<16x128xi32, #tpu.memory_space<vmem>> -> memref<1x128xi32, #tpu.memory_space<vmem>>
      %dma_wait3A_127 = tpu.memref_squeeze %dma_wait3A_126 : memref<1x128xi32, #tpu.memory_space<vmem>> -> memref<128xi32, #tpu.memory_space<vmem>>
      %dma_wait3A_128 = arith.constant 0 : i32
      %dma_wait3A_129 = arith.constant 0 : i32
      %dma_wait3A_130 = tpu.memref_slice %arg6[%dma_wait3A_128, %dma_wait3A_129] : memref<10240x128xbf16, #tpu.memory_space<vmem_shared>> -> memref<10240x128xbf16, #tpu.memory_space<vmem_shared>>
      tpu.wait_indirect_dma semaphore(%arg11 : memref<!tpu.dma_semaphore, #tpu.memory_space<semaphore_mem>>) src(%dma_wait3A_130 : memref<10240x128xbf16, #tpu.memory_space<vmem_shared>>) dst(%dma_wait3A_124 : memref<128x128xbf16, #tpu.memory_space<vmem>>)
      %dma_start3A_131 = arith.constant 0 : i32
      %dma_start3A_132 = arith.constant 2 : i32
      %dma_start3A_133 = arith.constant 0 : i32
      %dma_start3A_134 = arith.constant 0 : i32
      %dma_start3A_135 = tpu.memref_slice %arg10[%dma_start3A_131, %dma_start3A_133, %dma_start3A_134] : memref<2x128x128xbf16, #tpu.memory_space<vmem>> -> memref<1x128x128xbf16, #tpu.memory_space<vmem>>
      %dma_start3A_136 = tpu.memref_squeeze %dma_start3A_135 : memref<1x128x128xbf16, #tpu.memory_space<vmem>> -> memref<128x128xbf16, #tpu.memory_space<vmem>>
      %dma_start3A_137 = arith.constant 0 : i32
      %dma_start3A_138 = tpu.memref_slice %arg9[%dma_start3A_132, %dma_start3A_137] : memref<16x128xi32, #tpu.memory_space<vmem>> -> memref<1x128xi32, #tpu.memory_space<vmem>>
      %dma_start3A_139 = tpu.memref_squeeze %dma_start3A_138 : memref<1x128xi32, #tpu.memory_space<vmem>> -> memref<128xi32, #tpu.memory_space<vmem>>
      %dma_start3A_140 = arith.constant 0 : i32
      %dma_start3A_141 = arith.constant 0 : i32
      %dma_start3A_142 = tpu.memref_slice %arg7[%dma_start3A_140, %dma_start3A_141] : memref<10240x128xbf16, #tpu.memory_space<vmem_shared>> -> memref<10240x128xbf16, #tpu.memory_space<vmem_shared>>
      tpu.enqueue_indirect_dma source(%dma_start3A_136 : memref<128x128xbf16, #tpu.memory_space<vmem>>) target(%dma_start3A_142 : memref<10240x128xbf16, #tpu.memory_space<vmem_shared>>) offsets(%dma_start3A_139 : memref<128xi32, #tpu.memory_space<vmem>>) semaphore(%arg13 : memref<!tpu.dma_semaphore, #tpu.memory_space<semaphore_mem>>) {add = true}
      %dma_wait3A_143 = arith.constant 1 : i32
      %dma_wait3A_144 = arith.constant 1 : i32
      %dma_wait3A_145 = arith.constant 0 : i32
      %dma_wait3A_146 = arith.constant 0 : i32
      %dma_wait3A_147 = tpu.memref_slice %arg10[%dma_wait3A_143, %dma_wait3A_145, %dma_wait3A_146] : memref<2x128x128xbf16, #tpu.memory_space<vmem>> -> memref<1x128x128xbf16, #tpu.memory_space<vmem>>
      %dma_wait3A_148 = tpu.memref_squeeze %dma_wait3A_147 : memref<1x128x128xbf16, #tpu.memory_space<vmem>> -> memref<128x128xbf16, #tpu.memory_space<vmem>>
      %dma_wait3A_149 = arith.constant 0 : i32
      %dma_wait3A_150 = tpu.memref_slice %arg9[%dma_wait3A_144, %dma_wait3A_149] : memref<16x128xi32, #tpu.memory_space<vmem>> -> memref<1x128xi32, #tpu.memory_space<vmem>>
      %dma_wait3A_151 = tpu.memref_squeeze %dma_wait3A_150 : memref<1x128xi32, #tpu.memory_space<vmem>> -> memref<128xi32, #tpu.memory_space<vmem>>
      %dma_wait3A_152 = arith.constant 0 : i32
      %dma_wait3A_153 = arith.constant 0 : i32
      %dma_wait3A_154 = tpu.memref_slice %arg7[%dma_wait3A_152, %dma_wait3A_153] : memref<10240x128xbf16, #tpu.memory_space<vmem_shared>> -> memref<10240x128xbf16, #tpu.memory_space<vmem_shared>>
      tpu.wait_indirect_dma semaphore(%arg14 : memref<!tpu.dma_semaphore, #tpu.memory_space<semaphore_mem>>) src(%dma_wait3A_148 : memref<128x128xbf16, #tpu.memory_space<vmem>>) dst(%dma_wait3A_154 : memref<10240x128xbf16, #tpu.memory_space<vmem_shared>>)
      %dma_start3A_155 = arith.constant 3 : i32
      %dma_start3A_156 = arith.constant 1 : i32
      %dma_start3A_157 = arith.constant 0 : i32
      %dma_start3A_158 = arith.constant 0 : i32
      %dma_start3A_159 = tpu.memref_slice %arg10[%dma_start3A_156, %dma_start3A_157, %dma_start3A_158] : memref<2x128x128xbf16, #tpu.memory_space<vmem>> -> memref<1x128x128xbf16, #tpu.memory_space<vmem>>
      %dma_start3A_160 = tpu.memref_squeeze %dma_start3A_159 : memref<1x128x128xbf16, #tpu.memory_space<vmem>> -> memref<128x128xbf16, #tpu.memory_space<vmem>>
      %dma_start3A_161 = arith.constant 0 : i32
      %dma_start3A_162 = tpu.memref_slice %arg8[%dma_start3A_155, %dma_start3A_161] : memref<16x128xi32, #tpu.memory_space<vmem>> -> memref<1x128xi32, #tpu.memory_space<vmem>>
      %dma_start3A_163 = tpu.memref_squeeze %dma_start3A_162 : memref<1x128xi32, #tpu.memory_space<vmem>> -> memref<128xi32, #tpu.memory_space<vmem>>
      %dma_start3A_164 = arith.constant 0 : i32
      %dma_start3A_165 = arith.constant 0 : i32
      %dma_start3A_166 = tpu.memref_slice %arg6[%dma_start3A_164, %dma_start3A_165] : memref<10240x128xbf16, #tpu.memory_space<vmem_shared>> -> memref<10240x128xbf16, #tpu.memory_space<vmem_shared>>
      tpu.enqueue_indirect_dma source(%dma_start3A_166 : memref<10240x128xbf16, #tpu.memory_space<vmem_shared>>) target(%dma_start3A_160 : memref<128x128xbf16, #tpu.memory_space<vmem>>) offsets(%dma_start3A_163 : memref<128xi32, #tpu.memory_space<vmem>>) semaphore(%arg12 : memref<!tpu.dma_semaphore, #tpu.memory_space<semaphore_mem>>)
      %dma_wait3A_167 = arith.constant 3 : i32
      %dma_wait3A_168 = arith.constant 1 : i32
      %dma_wait3A_169 = arith.constant 0 : i32
      %dma_wait3A_170 = arith.constant 0 : i32
      %dma_wait3A_171 = tpu.memref_slice %arg10[%dma_wait3A_168, %dma_wait3A_169, %dma_wait3A_170] : memref<2x128x128xbf16, #tpu.memory_space<vmem>> -> memref<1x128x128xbf16, #tpu.memory_space<vmem>>
      %dma_wait3A_172 = tpu.memref_squeeze %dma_wait3A_171 : memref<1x128x128xbf16, #tpu.memory_space<vmem>> -> memref<128x128xbf16, #tpu.memory_space<vmem>>
      %dma_wait3A_173 = arith.constant 0 : i32
      %dma_wait3A_174 = tpu.memref_slice %arg8[%dma_wait3A_167, %dma_wait3A_173] : memref<16x128xi32, #tpu.memory_space<vmem>> -> memref<1x128xi32, #tpu.memory_space<vmem>>
      %dma_wait3A_175 = tpu.memref_squeeze %dma_wait3A_174 : memref<1x128xi32, #tpu.memory_space<vmem>> -> memref<128xi32, #tpu.memory_space<vmem>>
      %dma_wait3A_176 = arith.constant 0 : i32
      %dma_wait3A_177 = arith.constant 0 : i32
      %dma_wait3A_178 = tpu.memref_slice %arg6[%dma_wait3A_176, %dma_wait3A_177] : memref<10240x128xbf16, #tpu.memory_space<vmem_shared>> -> memref<10240x128xbf16, #tpu.memory_space<vmem_shared>>
      tpu.wait_indirect_dma semaphore(%arg12 : memref<!tpu.dma_semaphore, #tpu.memory_space<semaphore_mem>>) src(%dma_wait3A_178 : memref<10240x128xbf16, #tpu.memory_space<vmem_shared>>) dst(%dma_wait3A_172 : memref<128x128xbf16, #tpu.memory_space<vmem>>)
      %dma_start3A_179 = arith.constant 1 : i32
      %dma_start3A_180 = arith.constant 3 : i32
      %dma_start3A_181 = arith.constant 0 : i32
      %dma_start3A_182 = arith.constant 0 : i32
      %dma_start3A_183 = tpu.memref_slice %arg10[%dma_start3A_179, %dma_start3A_181, %dma_start3A_182] : memref<2x128x128xbf16, #tpu.memory_space<vmem>> -> memref<1x128x128xbf16, #tpu.memory_space<vmem>>
      %dma_start3A_184 = tpu.memref_squeeze %dma_start3A_183 : memref<1x128x128xbf16, #tpu.memory_space<vmem>> -> memref<128x128xbf16, #tpu.memory_space<vmem>>
      %dma_start3A_185 = arith.constant 0 : i32
      %dma_start3A_186 = tpu.memref_slice %arg9[%dma_start3A_180, %dma_start3A_185] : memref<16x128xi32, #tpu.memory_space<vmem>> -> memref<1x128xi32, #tpu.memory_space<vmem>>
      %dma_start3A_187 = tpu.memref_squeeze %dma_start3A_186 : memref<1x128xi32, #tpu.memory_space<vmem>> -> memref<128xi32, #tpu.memory_space<vmem>>
      %dma_start3A_188 = arith.constant 0 : i32
      %dma_start3A_189 = arith.constant 0 : i32
      %dma_start3A_190 = tpu.memref_slice %arg7[%dma_start3A_188, %dma_start3A_189] : memref<10240x128xbf16, #tpu.memory_space<vmem_shared>> -> memref<10240x128xbf16, #tpu.memory_space<vmem_shared>>
      tpu.enqueue_indirect_dma source(%dma_start3A_184 : memref<128x128xbf16, #tpu.memory_space<vmem>>) target(%dma_start3A_190 : memref<10240x128xbf16, #tpu.memory_space<vmem_shared>>) offsets(%dma_start3A_187 : memref<128xi32, #tpu.memory_space<vmem>>) semaphore(%arg14 : memref<!tpu.dma_semaphore, #tpu.memory_space<semaphore_mem>>) {add = true}
      %dma_wait3A_191 = arith.constant 0 : i32
      %dma_wait3A_192 = arith.constant 2 : i32
      %dma_wait3A_193 = arith.constant 0 : i32
      %dma_wait3A_194 = arith.constant 0 : i32
      %dma_wait3A_195 = tpu.memref_slice %arg10[%dma_wait3A_191, %dma_wait3A_193, %dma_wait3A_194] : memref<2x128x128xbf16, #tpu.memory_space<vmem>> -> memref<1x128x128xbf16, #tpu.memory_space<vmem>>
      %dma_wait3A_196 = tpu.memref_squeeze %dma_wait3A_195 : memref<1x128x128xbf16, #tpu.memory_space<vmem>> -> memref<128x128xbf16, #tpu.memory_space<vmem>>
      %dma_wait3A_197 = arith.constant 0 : i32
      %dma_wait3A_198 = tpu.memref_slice %arg9[%dma_wait3A_192, %dma_wait3A_197] : memref<16x128xi32, #tpu.memory_space<vmem>> -> memref<1x128xi32, #tpu.memory_space<vmem>>
      %dma_wait3A_199 = tpu.memref_squeeze %dma_wait3A_198 : memref<1x128xi32, #tpu.memory_space<vmem>> -> memref<128xi32, #tpu.memory_space<vmem>>
      %dma_wait3A_200 = arith.constant 0 : i32
      %dma_wait3A_201 = arith.constant 0 : i32
      %dma_wait3A_202 = tpu.memref_slice %arg7[%dma_wait3A_200, %dma_wait3A_201] : memref<10240x128xbf16, #tpu.memory_space<vmem_shared>> -> memref<10240x128xbf16, #tpu.memory_space<vmem_shared>>
      tpu.wait_indirect_dma semaphore(%arg13 : memref<!tpu.dma_semaphore, #tpu.memory_space<semaphore_mem>>) src(%dma_wait3A_196 : memref<128x128xbf16, #tpu.memory_space<vmem>>) dst(%dma_wait3A_202 : memref<10240x128xbf16, #tpu.memory_space<vmem_shared>>)
      %dma_start3A_203 = arith.constant 4 : i32
      %dma_start3A_204 = arith.constant 0 : i32
      %dma_start3A_205 = arith.constant 0 : i32
      %dma_start3A_206 = arith.constant 0 : i32
      %dma_start3A_207 = tpu.memref_slice %arg10[%dma_start3A_204, %dma_start3A_205, %dma_start3A_206] : memref<2x128x128xbf16, #tpu.memory_space<vmem>> -> memref<1x128x128xbf16, #tpu.memory_space<vmem>>
      %dma_start3A_208 = tpu.memref_squeeze %dma_start3A_207 : memref<1x128x128xbf16, #tpu.memory_space<vmem>> -> memref<128x128xbf16, #tpu.memory_space<vmem>>
      %dma_start3A_209 = arith.constant 0 : i32
      %dma_start3A_210 = tpu.memref_slice %arg8[%dma_start3A_203, %dma_start3A_209] : memref<16x128xi32, #tpu.memory_space<vmem>> -> memref<1x128xi32, #tpu.memory_space<vmem>>
      %dma_start3A_211 = tpu.memref_squeeze %dma_start3A_210 : memref<1x128xi32, #tpu.memory_space<vmem>> -> memref<128xi32, #tpu.memory_space<vmem>>
      %dma_start3A_212 = arith.constant 0 : i32
      %dma_start3A_213 = arith.constant 0 : i32
      %dma_start3A_214 = tpu.memref_slice %arg6[%dma_start3A_212, %dma_start3A_213] : memref<10240x128xbf16, #tpu.memory_space<vmem_shared>> -> memref<10240x128xbf16, #tpu.memory_space<vmem_shared>>
      tpu.enqueue_indirect_dma source(%dma_start3A_214 : memref<10240x128xbf16, #tpu.memory_space<vmem_shared>>) target(%dma_start3A_208 : memref<128x128xbf16, #tpu.memory_space<vmem>>) offsets(%dma_start3A_211 : memref<128xi32, #tpu.memory_space<vmem>>) semaphore(%arg11 : memref<!tpu.dma_semaphore, #tpu.memory_space<semaphore_mem>>)
      %dma_wait3A_215 = arith.constant 4 : i32
      %dma_wait3A_216 = arith.constant 0 : i32
      %dma_wait3A_217 = arith.constant 0 : i32
      %dma_wait3A_218 = arith.constant 0 : i32
      %dma_wait3A_219 = tpu.memref_slice %arg10[%dma_wait3A_216, %dma_wait3A_217, %dma_wait3A_218] : memref<2x128x128xbf16, #tpu.memory_space<vmem>> -> memref<1x128x128xbf16, #tpu.memory_space<vmem>>
      %dma_wait3A_220 = tpu.memref_squeeze %dma_wait3A_219 : memref<1x128x128xbf16, #tpu.memory_space<vmem>> -> memref<128x128xbf16, #tpu.memory_space<vmem>>
      %dma_wait3A_221 = arith.constant 0 : i32
      %dma_wait3A_222 = tpu.memref_slice %arg8[%dma_wait3A_215, %dma_wait3A_221] : memref<16x128xi32, #tpu.memory_space<vmem>> -> memref<1x128xi32, #tpu.memory_space<vmem>>
      %dma_wait3A_223 = tpu.memref_squeeze %dma_wait3A_222 : memref<1x128xi32, #tpu.memory_space<vmem>> -> memref<128xi32, #tpu.memory_space<vmem>>
      %dma_wait3A_224 = arith.constant 0 : i32
      %dma_wait3A_225 = arith.constant 0 : i32
      %dma_wait3A_226 = tpu.memref_slice %arg6[%dma_wait3A_224, %dma_wait3A_225] : memref<10240x128xbf16, #tpu.memory_space<vmem_shared>> -> memref<10240x128xbf16, #tpu.memory_space<vmem_shared>>
      tpu.wait_indirect_dma semaphore(%arg11 : memref<!tpu.dma_semaphore, #tpu.memory_space<semaphore_mem>>) src(%dma_wait3A_226 : memref<10240x128xbf16, #tpu.memory_space<vmem_shared>>) dst(%dma_wait3A_220 : memref<128x128xbf16, #tpu.memory_space<vmem>>)
      %dma_start3A_227 = arith.constant 0 : i32
      %dma_start3A_228 = arith.constant 4 : i32
      %dma_start3A_229 = arith.constant 0 : i32
      %dma_start3A_230 = arith.constant 0 : i32
      %dma_start3A_231 = tpu.memref_slice %arg10[%dma_start3A_227, %dma_start3A_229, %dma_start3A_230] : memref<2x128x128xbf16, #tpu.memory_space<vmem>> -> memref<1x128x128xbf16, #tpu.memory_space<vmem>>
      %dma_start3A_232 = tpu.memref_squeeze %dma_start3A_231 : memref<1x128x128xbf16, #tpu.memory_space<vmem>> -> memref<128x128xbf16, #tpu.memory_space<vmem>>
      %dma_start3A_233 = arith.constant 0 : i32
      %dma_start3A_234 = tpu.memref_slice %arg9[%dma_start3A_228, %dma_start3A_233] : memref<16x128xi32, #tpu.memory_space<vmem>> -> memref<1x128xi32, #tpu.memory_space<vmem>>
      %dma_start3A_235 = tpu.memref_squeeze %dma_start3A_234 : memref<1x128xi32, #tpu.memory_space<vmem>> -> memref<128xi32, #tpu.memory_space<vmem>>
      %dma_start3A_236 = arith.constant 0 : i32
      %dma_start3A_237 = arith.constant 0 : i32
      %dma_start3A_238 = tpu.memref_slice %arg7[%dma_start3A_236, %dma_start3A_237] : memref<10240x128xbf16, #tpu.memory_space<vmem_shared>> -> memref<10240x128xbf16, #tpu.memory_space<vmem_shared>>
      tpu.enqueue_indirect_dma source(%dma_start3A_232 : memref<128x128xbf16, #tpu.memory_space<vmem>>) target(%dma_start3A_238 : memref<10240x128xbf16, #tpu.memory_space<vmem_shared>>) offsets(%dma_start3A_235 : memref<128xi32, #tpu.memory_space<vmem>>) semaphore(%arg13 : memref<!tpu.dma_semaphore, #tpu.memory_space<semaphore_mem>>) {add = true}
      %dma_wait3A_239 = arith.constant 1 : i32
      %dma_wait3A_240 = arith.constant 3 : i32
      %dma_wait3A_241 = arith.constant 0 : i32
      %dma_wait3A_242 = arith.constant 0 : i32
      %dma_wait3A_243 = tpu.memref_slice %arg10[%dma_wait3A_239, %dma_wait3A_241, %dma_wait3A_242] : memref<2x128x128xbf16, #tpu.memory_space<vmem>> -> memref<1x128x128xbf16, #tpu.memory_space<vmem>>
      %dma_wait3A_244 = tpu.memref_squeeze %dma_wait3A_243 : memref<1x128x128xbf16, #tpu.memory_space<vmem>> -> memref<128x128xbf16, #tpu.memory_space<vmem>>
      %dma_wait3A_245 = arith.constant 0 : i32
      %dma_wait3A_246 = tpu.memref_slice %arg9[%dma_wait3A_240, %dma_wait3A_245] : memref<16x128xi32, #tpu.memory_space<vmem>> -> memref<1x128xi32, #tpu.memory_space<vmem>>
      %dma_wait3A_247 = tpu.memref_squeeze %dma_wait3A_246 : memref<1x128xi32, #tpu.memory_space<vmem>> -> memref<128xi32, #tpu.memory_space<vmem>>
      %dma_wait3A_248 = arith.constant 0 : i32
      %dma_wait3A_249 = arith.constant 0 : i32
      %dma_wait3A_250 = tpu.memref_slice %arg7[%dma_wait3A_248, %dma_wait3A_249] : memref<10240x128xbf16, #tpu.memory_space<vmem_shared>> -> memref<10240x128xbf16, #tpu.memory_space<vmem_shared>>
      tpu.wait_indirect_dma semaphore(%arg14 : memref<!tpu.dma_semaphore, #tpu.memory_space<semaphore_mem>>) src(%dma_wait3A_244 : memref<128x128xbf16, #tpu.memory_space<vmem>>) dst(%dma_wait3A_250 : memref<10240x128xbf16, #tpu.memory_space<vmem_shared>>)
      %dma_start3A_251 = arith.constant 5 : i32
      %dma_start3A_252 = arith.constant 1 : i32
      %dma_start3A_253 = arith.constant 0 : i32
      %dma_start3A_254 = arith.constant 0 : i32
      %dma_start3A_255 = tpu.memref_slice %arg10[%dma_start3A_252, %dma_start3A_253, %dma_start3A_254] : memref<2x128x128xbf16, #tpu.memory_space<vmem>> -> memref<1x128x128xbf16, #tpu.memory_space<vmem>>
      %dma_start3A_256 = tpu.memref_squeeze %dma_start3A_255 : memref<1x128x128xbf16, #tpu.memory_space<vmem>> -> memref<128x128xbf16, #tpu.memory_space<vmem>>
      %dma_start3A_257 = arith.constant 0 : i32
      %dma_start3A_258 = tpu.memref_slice %arg8[%dma_start3A_251, %dma_start3A_257] : memref<16x128xi32, #tpu.memory_space<vmem>> -> memref<1x128xi32, #tpu.memory_space<vmem>>
      %dma_start3A_259 = tpu.memref_squeeze %dma_start3A_258 : memref<1x128xi32, #tpu.memory_space<vmem>> -> memref<128xi32, #tpu.memory_space<vmem>>
      %dma_start3A_260 = arith.constant 0 : i32
      %dma_start3A_261 = arith.constant 0 : i32
      %dma_start3A_262 = tpu.memref_slice %arg6[%dma_start3A_260, %dma_start3A_261] : memref<10240x128xbf16, #tpu.memory_space<vmem_shared>> -> memref<10240x128xbf16, #tpu.memory_space<vmem_shared>>
      tpu.enqueue_indirect_dma source(%dma_start3A_262 : memref<10240x128xbf16, #tpu.memory_space<vmem_shared>>) target(%dma_start3A_256 : memref<128x128xbf16, #tpu.memory_space<vmem>>) offsets(%dma_start3A_259 : memref<128xi32, #tpu.memory_space<vmem>>) semaphore(%arg12 : memref<!tpu.dma_semaphore, #tpu.memory_space<semaphore_mem>>)
      %dma_wait3A_263 = arith.constant 5 : i32
      %dma_wait3A_264 = arith.constant 1 : i32
      %dma_wait3A_265 = arith.constant 0 : i32
      %dma_wait3A_266 = arith.constant 0 : i32
      %dma_wait3A_267 = tpu.memref_slice %arg10[%dma_wait3A_264, %dma_wait3A_265, %dma_wait3A_266] : memref<2x128x128xbf16, #tpu.memory_space<vmem>> -> memref<1x128x128xbf16, #tpu.memory_space<vmem>>
      %dma_wait3A_268 = tpu.memref_squeeze %dma_wait3A_267 : memref<1x128x128xbf16, #tpu.memory_space<vmem>> -> memref<128x128xbf16, #tpu.memory_space<vmem>>
      %dma_wait3A_269 = arith.constant 0 : i32
      %dma_wait3A_270 = tpu.memref_slice %arg8[%dma_wait3A_263, %dma_wait3A_269] : memref<16x128xi32, #tpu.memory_space<vmem>> -> memref<1x128xi32, #tpu.memory_space<vmem>>
      %dma_wait3A_271 = tpu.memref_squeeze %dma_wait3A_270 : memref<1x128xi32, #tpu.memory_space<vmem>> -> memref<128xi32, #tpu.memory_space<vmem>>
      %dma_wait3A_272 = arith.constant 0 : i32
      %dma_wait3A_273 = arith.constant 0 : i32
      %dma_wait3A_274 = tpu.memref_slice %arg6[%dma_wait3A_272, %dma_wait3A_273] : memref<10240x128xbf16, #tpu.memory_space<vmem_shared>> -> memref<10240x128xbf16, #tpu.memory_space<vmem_shared>>
      tpu.wait_indirect_dma semaphore(%arg12 : memref<!tpu.dma_semaphore, #tpu.memory_space<semaphore_mem>>) src(%dma_wait3A_274 : memref<10240x128xbf16, #tpu.memory_space<vmem_shared>>) dst(%dma_wait3A_268 : memref<128x128xbf16, #tpu.memory_space<vmem>>)
      %dma_start3A_275 = arith.constant 1 : i32
      %dma_start3A_276 = arith.constant 5 : i32
      %dma_start3A_277 = arith.constant 0 : i32
      %dma_start3A_278 = arith.constant 0 : i32
      %dma_start3A_279 = tpu.memref_slice %arg10[%dma_start3A_275, %dma_start3A_277, %dma_start3A_278] : memref<2x128x128xbf16, #tpu.memory_space<vmem>> -> memref<1x128x128xbf16, #tpu.memory_space<vmem>>
      %dma_start3A_280 = tpu.memref_squeeze %dma_start3A_279 : memref<1x128x128xbf16, #tpu.memory_space<vmem>> -> memref<128x128xbf16, #tpu.memory_space<vmem>>
      %dma_start3A_281 = arith.constant 0 : i32
      %dma_start3A_282 = tpu.memref_slice %arg9[%dma_start3A_276, %dma_start3A_281] : memref<16x128xi32, #tpu.memory_space<vmem>> -> memref<1x128xi32, #tpu.memory_space<vmem>>
      %dma_start3A_283 = tpu.memref_squeeze %dma_start3A_282 : memref<1x128xi32, #tpu.memory_space<vmem>> -> memref<128xi32, #tpu.memory_space<vmem>>
      %dma_start3A_284 = arith.constant 0 : i32
      %dma_start3A_285 = arith.constant 0 : i32
      %dma_start3A_286 = tpu.memref_slice %arg7[%dma_start3A_284, %dma_start3A_285] : memref<10240x128xbf16, #tpu.memory_space<vmem_shared>> -> memref<10240x128xbf16, #tpu.memory_space<vmem_shared>>
      tpu.enqueue_indirect_dma source(%dma_start3A_280 : memref<128x128xbf16, #tpu.memory_space<vmem>>) target(%dma_start3A_286 : memref<10240x128xbf16, #tpu.memory_space<vmem_shared>>) offsets(%dma_start3A_283 : memref<128xi32, #tpu.memory_space<vmem>>) semaphore(%arg14 : memref<!tpu.dma_semaphore, #tpu.memory_space<semaphore_mem>>) {add = true}
      %dma_wait3A_287 = arith.constant 0 : i32
      %dma_wait3A_288 = arith.constant 4 : i32
      %dma_wait3A_289 = arith.constant 0 : i32
      %dma_wait3A_290 = arith.constant 0 : i32
      %dma_wait3A_291 = tpu.memref_slice %arg10[%dma_wait3A_287, %dma_wait3A_289, %dma_wait3A_290] : memref<2x128x128xbf16, #tpu.memory_space<vmem>> -> memref<1x128x128xbf16, #tpu.memory_space<vmem>>
      %dma_wait3A_292 = tpu.memref_squeeze %dma_wait3A_291 : memref<1x128x128xbf16, #tpu.memory_space<vmem>> -> memref<128x128xbf16, #tpu.memory_space<vmem>>
      %dma_wait3A_293 = arith.constant 0 : i32
      %dma_wait3A_294 = tpu.memref_slice %arg9[%dma_wait3A_288, %dma_wait3A_293] : memref<16x128xi32, #tpu.memory_space<vmem>> -> memref<1x128xi32, #tpu.memory_space<vmem>>
      %dma_wait3A_295 = tpu.memref_squeeze %dma_wait3A_294 : memref<1x128xi32, #tpu.memory_space<vmem>> -> memref<128xi32, #tpu.memory_space<vmem>>
      %dma_wait3A_296 = arith.constant 0 : i32
      %dma_wait3A_297 = arith.constant 0 : i32
      %dma_wait3A_298 = tpu.memref_slice %arg7[%dma_wait3A_296, %dma_wait3A_297] : memref<10240x128xbf16, #tpu.memory_space<vmem_shared>> -> memref<10240x128xbf16, #tpu.memory_space<vmem_shared>>
      tpu.wait_indirect_dma semaphore(%arg13 : memref<!tpu.dma_semaphore, #tpu.memory_space<semaphore_mem>>) src(%dma_wait3A_292 : memref<128x128xbf16, #tpu.memory_space<vmem>>) dst(%dma_wait3A_298 : memref<10240x128xbf16, #tpu.memory_space<vmem_shared>>)
      %dma_start3A_299 = arith.constant 6 : i32
      %dma_start3A_300 = arith.constant 0 : i32
      %dma_start3A_301 = arith.constant 0 : i32
      %dma_start3A_302 = arith.constant 0 : i32
      %dma_start3A_303 = tpu.memref_slice %arg10[%dma_start3A_300, %dma_start3A_301, %dma_start3A_302] : memref<2x128x128xbf16, #tpu.memory_space<vmem>> -> memref<1x128x128xbf16, #tpu.memory_space<vmem>>
      %dma_start3A_304 = tpu.memref_squeeze %dma_start3A_303 : memref<1x128x128xbf16, #tpu.memory_space<vmem>> -> memref<128x128xbf16, #tpu.memory_space<vmem>>
      %dma_start3A_305 = arith.constant 0 : i32
      %dma_start3A_306 = tpu.memref_slice %arg8[%dma_start3A_299, %dma_start3A_305] : memref<16x128xi32, #tpu.memory_space<vmem>> -> memref<1x128xi32, #tpu.memory_space<vmem>>
      %dma_start3A_307 = tpu.memref_squeeze %dma_start3A_306 : memref<1x128xi32, #tpu.memory_space<vmem>> -> memref<128xi32, #tpu.memory_space<vmem>>
      %dma_start3A_308 = arith.constant 0 : i32
      %dma_start3A_309 = arith.constant 0 : i32
      %dma_start3A_310 = tpu.memref_slice %arg6[%dma_start3A_308, %dma_start3A_309] : memref<10240x128xbf16, #tpu.memory_space<vmem_shared>> -> memref<10240x128xbf16, #tpu.memory_space<vmem_shared>>
      tpu.enqueue_indirect_dma source(%dma_start3A_310 : memref<10240x128xbf16, #tpu.memory_space<vmem_shared>>) target(%dma_start3A_304 : memref<128x128xbf16, #tpu.memory_space<vmem>>) offsets(%dma_start3A_307 : memref<128xi32, #tpu.memory_space<vmem>>) semaphore(%arg11 : memref<!tpu.dma_semaphore, #tpu.memory_space<semaphore_mem>>)
      %dma_wait3A_311 = arith.constant 6 : i32
      %dma_wait3A_312 = arith.constant 0 : i32
      %dma_wait3A_313 = arith.constant 0 : i32
      %dma_wait3A_314 = arith.constant 0 : i32
      %dma_wait3A_315 = tpu.memref_slice %arg10[%dma_wait3A_312, %dma_wait3A_313, %dma_wait3A_314] : memref<2x128x128xbf16, #tpu.memory_space<vmem>> -> memref<1x128x128xbf16, #tpu.memory_space<vmem>>
      %dma_wait3A_316 = tpu.memref_squeeze %dma_wait3A_315 : memref<1x128x128xbf16, #tpu.memory_space<vmem>> -> memref<128x128xbf16, #tpu.memory_space<vmem>>
      %dma_wait3A_317 = arith.constant 0 : i32
      %dma_wait3A_318 = tpu.memref_slice %arg8[%dma_wait3A_311, %dma_wait3A_317] : memref<16x128xi32, #tpu.memory_space<vmem>> -> memref<1x128xi32, #tpu.memory_space<vmem>>
      %dma_wait3A_319 = tpu.memref_squeeze %dma_wait3A_318 : memref<1x128xi32, #tpu.memory_space<vmem>> -> memref<128xi32, #tpu.memory_space<vmem>>
      %dma_wait3A_320 = arith.constant 0 : i32
      %dma_wait3A_321 = arith.constant 0 : i32
      %dma_wait3A_322 = tpu.memref_slice %arg6[%dma_wait3A_320, %dma_wait3A_321] : memref<10240x128xbf16, #tpu.memory_space<vmem_shared>> -> memref<10240x128xbf16, #tpu.memory_space<vmem_shared>>
      tpu.wait_indirect_dma semaphore(%arg11 : memref<!tpu.dma_semaphore, #tpu.memory_space<semaphore_mem>>) src(%dma_wait3A_322 : memref<10240x128xbf16, #tpu.memory_space<vmem_shared>>) dst(%dma_wait3A_316 : memref<128x128xbf16, #tpu.memory_space<vmem>>)
      %dma_start3A_323 = arith.constant 0 : i32
      %dma_start3A_324 = arith.constant 6 : i32
      %dma_start3A_325 = arith.constant 0 : i32
      %dma_start3A_326 = arith.constant 0 : i32
      %dma_start3A_327 = tpu.memref_slice %arg10[%dma_start3A_323, %dma_start3A_325, %dma_start3A_326] : memref<2x128x128xbf16, #tpu.memory_space<vmem>> -> memref<1x128x128xbf16, #tpu.memory_space<vmem>>
      %dma_start3A_328 = tpu.memref_squeeze %dma_start3A_327 : memref<1x128x128xbf16, #tpu.memory_space<vmem>> -> memref<128x128xbf16, #tpu.memory_space<vmem>>
      %dma_start3A_329 = arith.constant 0 : i32
      %dma_start3A_330 = tpu.memref_slice %arg9[%dma_start3A_324, %dma_start3A_329] : memref<16x128xi32, #tpu.memory_space<vmem>> -> memref<1x128xi32, #tpu.memory_space<vmem>>
      %dma_start3A_331 = tpu.memref_squeeze %dma_start3A_330 : memref<1x128xi32, #tpu.memory_space<vmem>> -> memref<128xi32, #tpu.memory_space<vmem>>
      %dma_start3A_332 = arith.constant 0 : i32
      %dma_start3A_333 = arith.constant 0 : i32
      %dma_start3A_334 = tpu.memref_slice %arg7[%dma_start3A_332, %dma_start3A_333] : memref<10240x128xbf16, #tpu.memory_space<vmem_shared>> -> memref<10240x128xbf16, #tpu.memory_space<vmem_shared>>
      tpu.enqueue_indirect_dma source(%dma_start3A_328 : memref<128x128xbf16, #tpu.memory_space<vmem>>) target(%dma_start3A_334 : memref<10240x128xbf16, #tpu.memory_space<vmem_shared>>) offsets(%dma_start3A_331 : memref<128xi32, #tpu.memory_space<vmem>>) semaphore(%arg13 : memref<!tpu.dma_semaphore, #tpu.memory_space<semaphore_mem>>) {add = true}
      %dma_wait3A_335 = arith.constant 1 : i32
      %dma_wait3A_336 = arith.constant 5 : i32
      %dma_wait3A_337 = arith.constant 0 : i32
      %dma_wait3A_338 = arith.constant 0 : i32
      %dma_wait3A_339 = tpu.memref_slice %arg10[%dma_wait3A_335, %dma_wait3A_337, %dma_wait3A_338] : memref<2x128x128xbf16, #tpu.memory_space<vmem>> -> memref<1x128x128xbf16, #tpu.memory_space<vmem>>
      %dma_wait3A_340 = tpu.memref_squeeze %dma_wait3A_339 : memref<1x128x128xbf16, #tpu.memory_space<vmem>> -> memref<128x128xbf16, #tpu.memory_space<vmem>>
      %dma_wait3A_341 = arith.constant 0 : i32
      %dma_wait3A_342 = tpu.memref_slice %arg9[%dma_wait3A_336, %dma_wait3A_341] : memref<16x128xi32, #tpu.memory_space<vmem>> -> memref<1x128xi32, #tpu.memory_space<vmem>>
      %dma_wait3A_343 = tpu.memref_squeeze %dma_wait3A_342 : memref<1x128xi32, #tpu.memory_space<vmem>> -> memref<128xi32, #tpu.memory_space<vmem>>
      %dma_wait3A_344 = arith.constant 0 : i32
      %dma_wait3A_345 = arith.constant 0 : i32
      %dma_wait3A_346 = tpu.memref_slice %arg7[%dma_wait3A_344, %dma_wait3A_345] : memref<10240x128xbf16, #tpu.memory_space<vmem_shared>> -> memref<10240x128xbf16, #tpu.memory_space<vmem_shared>>
      tpu.wait_indirect_dma semaphore(%arg14 : memref<!tpu.dma_semaphore, #tpu.memory_space<semaphore_mem>>) src(%dma_wait3A_340 : memref<128x128xbf16, #tpu.memory_space<vmem>>) dst(%dma_wait3A_346 : memref<10240x128xbf16, #tpu.memory_space<vmem_shared>>)
      %dma_start3A_347 = arith.constant 7 : i32
      %dma_start3A_348 = arith.constant 1 : i32
      %dma_start3A_349 = arith.constant 0 : i32
      %dma_start3A_350 = arith.constant 0 : i32
      %dma_start3A_351 = tpu.memref_slice %arg10[%dma_start3A_348, %dma_start3A_349, %dma_start3A_350] : memref<2x128x128xbf16, #tpu.memory_space<vmem>> -> memref<1x128x128xbf16, #tpu.memory_space<vmem>>
      %dma_start3A_352 = tpu.memref_squeeze %dma_start3A_351 : memref<1x128x128xbf16, #tpu.memory_space<vmem>> -> memref<128x128xbf16, #tpu.memory_space<vmem>>
      %dma_start3A_353 = arith.constant 0 : i32
      %dma_start3A_354 = tpu.memref_slice %arg8[%dma_start3A_347, %dma_start3A_353] : memref<16x128xi32, #tpu.memory_space<vmem>> -> memref<1x128xi32, #tpu.memory_space<vmem>>
      %dma_start3A_355 = tpu.memref_squeeze %dma_start3A_354 : memref<1x128xi32, #tpu.memory_space<vmem>> -> memref<128xi32, #tpu.memory_space<vmem>>
      %dma_start3A_356 = arith.constant 0 : i32
      %dma_start3A_357 = arith.constant 0 : i32
      %dma_start3A_358 = tpu.memref_slice %arg6[%dma_start3A_356, %dma_start3A_357] : memref<10240x128xbf16, #tpu.memory_space<vmem_shared>> -> memref<10240x128xbf16, #tpu.memory_space<vmem_shared>>
      tpu.enqueue_indirect_dma source(%dma_start3A_358 : memref<10240x128xbf16, #tpu.memory_space<vmem_shared>>) target(%dma_start3A_352 : memref<128x128xbf16, #tpu.memory_space<vmem>>) offsets(%dma_start3A_355 : memref<128xi32, #tpu.memory_space<vmem>>) semaphore(%arg12 : memref<!tpu.dma_semaphore, #tpu.memory_space<semaphore_mem>>)
      %dma_wait3A_359 = arith.constant 7 : i32
      %dma_wait3A_360 = arith.constant 1 : i32
      %dma_wait3A_361 = arith.constant 0 : i32
      %dma_wait3A_362 = arith.constant 0 : i32
      %dma_wait3A_363 = tpu.memref_slice %arg10[%dma_wait3A_360, %dma_wait3A_361, %dma_wait3A_362] : memref<2x128x128xbf16, #tpu.memory_space<vmem>> -> memref<1x128x128xbf16, #tpu.memory_space<vmem>>
      %dma_wait3A_364 = tpu.memref_squeeze %dma_wait3A_363 : memref<1x128x128xbf16, #tpu.memory_space<vmem>> -> memref<128x128xbf16, #tpu.memory_space<vmem>>
      %dma_wait3A_365 = arith.constant 0 : i32
      %dma_wait3A_366 = tpu.memref_slice %arg8[%dma_wait3A_359, %dma_wait3A_365] : memref<16x128xi32, #tpu.memory_space<vmem>> -> memref<1x128xi32, #tpu.memory_space<vmem>>
      %dma_wait3A_367 = tpu.memref_squeeze %dma_wait3A_366 : memref<1x128xi32, #tpu.memory_space<vmem>> -> memref<128xi32, #tpu.memory_space<vmem>>
      %dma_wait3A_368 = arith.constant 0 : i32
      %dma_wait3A_369 = arith.constant 0 : i32
      %dma_wait3A_370 = tpu.memref_slice %arg6[%dma_wait3A_368, %dma_wait3A_369] : memref<10240x128xbf16, #tpu.memory_space<vmem_shared>> -> memref<10240x128xbf16, #tpu.memory_space<vmem_shared>>
      tpu.wait_indirect_dma semaphore(%arg12 : memref<!tpu.dma_semaphore, #tpu.memory_space<semaphore_mem>>) src(%dma_wait3A_370 : memref<10240x128xbf16, #tpu.memory_space<vmem_shared>>) dst(%dma_wait3A_364 : memref<128x128xbf16, #tpu.memory_space<vmem>>)
      %dma_start3A_371 = arith.constant 1 : i32
      %dma_start3A_372 = arith.constant 7 : i32
      %dma_start3A_373 = arith.constant 0 : i32
      %dma_start3A_374 = arith.constant 0 : i32
      %dma_start3A_375 = tpu.memref_slice %arg10[%dma_start3A_371, %dma_start3A_373, %dma_start3A_374] : memref<2x128x128xbf16, #tpu.memory_space<vmem>> -> memref<1x128x128xbf16, #tpu.memory_space<vmem>>
      %dma_start3A_376 = tpu.memref_squeeze %dma_start3A_375 : memref<1x128x128xbf16, #tpu.memory_space<vmem>> -> memref<128x128xbf16, #tpu.memory_space<vmem>>
      %dma_start3A_377 = arith.constant 0 : i32
      %dma_start3A_378 = tpu.memref_slice %arg9[%dma_start3A_372, %dma_start3A_377] : memref<16x128xi32, #tpu.memory_space<vmem>> -> memref<1x128xi32, #tpu.memory_space<vmem>>
      %dma_start3A_379 = tpu.memref_squeeze %dma_start3A_378 : memref<1x128xi32, #tpu.memory_space<vmem>> -> memref<128xi32, #tpu.memory_space<vmem>>
      %dma_start3A_380 = arith.constant 0 : i32
      %dma_start3A_381 = arith.constant 0 : i32
      %dma_start3A_382 = tpu.memref_slice %arg7[%dma_start3A_380, %dma_start3A_381] : memref<10240x128xbf16, #tpu.memory_space<vmem_shared>> -> memref<10240x128xbf16, #tpu.memory_space<vmem_shared>>
      tpu.enqueue_indirect_dma source(%dma_start3A_376 : memref<128x128xbf16, #tpu.memory_space<vmem>>) target(%dma_start3A_382 : memref<10240x128xbf16, #tpu.memory_space<vmem_shared>>) offsets(%dma_start3A_379 : memref<128xi32, #tpu.memory_space<vmem>>) semaphore(%arg14 : memref<!tpu.dma_semaphore, #tpu.memory_space<semaphore_mem>>) {add = true}
      %dma_wait3A_383 = arith.constant 0 : i32
      %dma_wait3A_384 = arith.constant 6 : i32
      %dma_wait3A_385 = arith.constant 0 : i32
      %dma_wait3A_386 = arith.constant 0 : i32
      %dma_wait3A_387 = tpu.memref_slice %arg10[%dma_wait3A_383, %dma_wait3A_385, %dma_wait3A_386] : memref<2x128x128xbf16, #tpu.memory_space<vmem>> -> memref<1x128x128xbf16, #tpu.memory_space<vmem>>
      %dma_wait3A_388 = tpu.memref_squeeze %dma_wait3A_387 : memref<1x128x128xbf16, #tpu.memory_space<vmem>> -> memref<128x128xbf16, #tpu.memory_space<vmem>>
      %dma_wait3A_389 = arith.constant 0 : i32
      %dma_wait3A_390 = tpu.memref_slice %arg9[%dma_wait3A_384, %dma_wait3A_389] : memref<16x128xi32, #tpu.memory_space<vmem>> -> memref<1x128xi32, #tpu.memory_space<vmem>>
      %dma_wait3A_391 = tpu.memref_squeeze %dma_wait3A_390 : memref<1x128xi32, #tpu.memory_space<vmem>> -> memref<128xi32, #tpu.memory_space<vmem>>
      %dma_wait3A_392 = arith.constant 0 : i32
      %dma_wait3A_393 = arith.constant 0 : i32
      %dma_wait3A_394 = tpu.memref_slice %arg7[%dma_wait3A_392, %dma_wait3A_393] : memref<10240x128xbf16, #tpu.memory_space<vmem_shared>> -> memref<10240x128xbf16, #tpu.memory_space<vmem_shared>>
      tpu.wait_indirect_dma semaphore(%arg13 : memref<!tpu.dma_semaphore, #tpu.memory_space<semaphore_mem>>) src(%dma_wait3A_388 : memref<128x128xbf16, #tpu.memory_space<vmem>>) dst(%dma_wait3A_394 : memref<10240x128xbf16, #tpu.memory_space<vmem_shared>>)
      %dma_start3A_395 = arith.constant 8 : i32
      %dma_start3A_396 = arith.constant 0 : i32
      %dma_start3A_397 = arith.constant 0 : i32
      %dma_start3A_398 = arith.constant 0 : i32
      %dma_start3A_399 = tpu.memref_slice %arg10[%dma_start3A_396, %dma_start3A_397, %dma_start3A_398] : memref<2x128x128xbf16, #tpu.memory_space<vmem>> -> memref<1x128x128xbf16, #tpu.memory_space<vmem>>
      %dma_start3A_400 = tpu.memref_squeeze %dma_start3A_399 : memref<1x128x128xbf16, #tpu.memory_space<vmem>> -> memref<128x128xbf16, #tpu.memory_space<vmem>>
      %dma_start3A_401 = arith.constant 0 : i32
      %dma_start3A_402 = tpu.memref_slice %arg8[%dma_start3A_395, %dma_start3A_401] : memref<16x128xi32, #tpu.memory_space<vmem>> -> memref<1x128xi32, #tpu.memory_space<vmem>>
      %dma_start3A_403 = tpu.memref_squeeze %dma_start3A_402 : memref<1x128xi32, #tpu.memory_space<vmem>> -> memref<128xi32, #tpu.memory_space<vmem>>
      %dma_start3A_404 = arith.constant 0 : i32
      %dma_start3A_405 = arith.constant 0 : i32
      %dma_start3A_406 = tpu.memref_slice %arg6[%dma_start3A_404, %dma_start3A_405] : memref<10240x128xbf16, #tpu.memory_space<vmem_shared>> -> memref<10240x128xbf16, #tpu.memory_space<vmem_shared>>
      tpu.enqueue_indirect_dma source(%dma_start3A_406 : memref<10240x128xbf16, #tpu.memory_space<vmem_shared>>) target(%dma_start3A_400 : memref<128x128xbf16, #tpu.memory_space<vmem>>) offsets(%dma_start3A_403 : memref<128xi32, #tpu.memory_space<vmem>>) semaphore(%arg11 : memref<!tpu.dma_semaphore, #tpu.memory_space<semaphore_mem>>)
      %dma_wait3A_407 = arith.constant 8 : i32
      %dma_wait3A_408 = arith.constant 0 : i32
      %dma_wait3A_409 = arith.constant 0 : i32
      %dma_wait3A_410 = arith.constant 0 : i32
      %dma_wait3A_411 = tpu.memref_slice %arg10[%dma_wait3A_408, %dma_wait3A_409, %dma_wait3A_410] : memref<2x128x128xbf16, #tpu.memory_space<vmem>> -> memref<1x128x128xbf16, #tpu.memory_space<vmem>>
      %dma_wait3A_412 = tpu.memref_squeeze %dma_wait3A_411 : memref<1x128x128xbf16, #tpu.memory_space<vmem>> -> memref<128x128xbf16, #tpu.memory_space<vmem>>
      %dma_wait3A_413 = arith.constant 0 : i32
      %dma_wait3A_414 = tpu.memref_slice %arg8[%dma_wait3A_407, %dma_wait3A_413] : memref<16x128xi32, #tpu.memory_space<vmem>> -> memref<1x128xi32, #tpu.memory_space<vmem>>
      %dma_wait3A_415 = tpu.memref_squeeze %dma_wait3A_414 : memref<1x128xi32, #tpu.memory_space<vmem>> -> memref<128xi32, #tpu.memory_space<vmem>>
      %dma_wait3A_416 = arith.constant 0 : i32
      %dma_wait3A_417 = arith.constant 0 : i32
      %dma_wait3A_418 = tpu.memref_slice %arg6[%dma_wait3A_416, %dma_wait3A_417] : memref<10240x128xbf16, #tpu.memory_space<vmem_shared>> -> memref<10240x128xbf16, #tpu.memory_space<vmem_shared>>
      tpu.wait_indirect_dma semaphore(%arg11 : memref<!tpu.dma_semaphore, #tpu.memory_space<semaphore_mem>>) src(%dma_wait3A_418 : memref<10240x128xbf16, #tpu.memory_space<vmem_shared>>) dst(%dma_wait3A_412 : memref<128x128xbf16, #tpu.memory_space<vmem>>)
      %dma_start3A_419 = arith.constant 0 : i32
      %dma_start3A_420 = arith.constant 8 : i32
      %dma_start3A_421 = arith.constant 0 : i32
      %dma_start3A_422 = arith.constant 0 : i32
      %dma_start3A_423 = tpu.memref_slice %arg10[%dma_start3A_419, %dma_start3A_421, %dma_start3A_422] : memref<2x128x128xbf16, #tpu.memory_space<vmem>> -> memref<1x128x128xbf16, #tpu.memory_space<vmem>>
      %dma_start3A_424 = tpu.memref_squeeze %dma_start3A_423 : memref<1x128x128xbf16, #tpu.memory_space<vmem>> -> memref<128x128xbf16, #tpu.memory_space<vmem>>
      %dma_start3A_425 = arith.constant 0 : i32
      %dma_start3A_426 = tpu.memref_slice %arg9[%dma_start3A_420, %dma_start3A_425] : memref<16x128xi32, #tpu.memory_space<vmem>> -> memref<1x128xi32, #tpu.memory_space<vmem>>
      %dma_start3A_427 = tpu.memref_squeeze %dma_start3A_426 : memref<1x128xi32, #tpu.memory_space<vmem>> -> memref<128xi32, #tpu.memory_space<vmem>>
      %dma_start3A_428 = arith.constant 0 : i32
      %dma_start3A_429 = arith.constant 0 : i32
      %dma_start3A_430 = tpu.memref_slice %arg7[%dma_start3A_428, %dma_start3A_429] : memref<10240x128xbf16, #tpu.memory_space<vmem_shared>> -> memref<10240x128xbf16, #tpu.memory_space<vmem_shared>>
      tpu.enqueue_indirect_dma source(%dma_start3A_424 : memref<128x128xbf16, #tpu.memory_space<vmem>>) target(%dma_start3A_430 : memref<10240x128xbf16, #tpu.memory_space<vmem_shared>>) offsets(%dma_start3A_427 : memref<128xi32, #tpu.memory_space<vmem>>) semaphore(%arg13 : memref<!tpu.dma_semaphore, #tpu.memory_space<semaphore_mem>>) {add = true}
      %dma_wait3A_431 = arith.constant 1 : i32
      %dma_wait3A_432 = arith.constant 7 : i32
      %dma_wait3A_433 = arith.constant 0 : i32
      %dma_wait3A_434 = arith.constant 0 : i32
      %dma_wait3A_435 = tpu.memref_slice %arg10[%dma_wait3A_431, %dma_wait3A_433, %dma_wait3A_434] : memref<2x128x128xbf16, #tpu.memory_space<vmem>> -> memref<1x128x128xbf16, #tpu.memory_space<vmem>>
      %dma_wait3A_436 = tpu.memref_squeeze %dma_wait3A_435 : memref<1x128x128xbf16, #tpu.memory_space<vmem>> -> memref<128x128xbf16, #tpu.memory_space<vmem>>
      %dma_wait3A_437 = arith.constant 0 : i32
      %dma_wait3A_438 = tpu.memref_slice %arg9[%dma_wait3A_432, %dma_wait3A_437] : memref<16x128xi32, #tpu.memory_space<vmem>> -> memref<1x128xi32, #tpu.memory_space<vmem>>
      %dma_wait3A_439 = tpu.memref_squeeze %dma_wait3A_438 : memref<1x128xi32, #tpu.memory_space<vmem>> -> memref<128xi32, #tpu.memory_space<vmem>>
      %dma_wait3A_440 = arith.constant 0 : i32
      %dma_wait3A_441 = arith.constant 0 : i32
      %dma_wait3A_442 = tpu.memref_slice %arg7[%dma_wait3A_440, %dma_wait3A_441] : memref<10240x128xbf16, #tpu.memory_space<vmem_shared>> -> memref<10240x128xbf16, #tpu.memory_space<vmem_shared>>
      tpu.wait_indirect_dma semaphore(%arg14 : memref<!tpu.dma_semaphore, #tpu.memory_space<semaphore_mem>>) src(%dma_wait3A_436 : memref<128x128xbf16, #tpu.memory_space<vmem>>) dst(%dma_wait3A_442 : memref<10240x128xbf16, #tpu.memory_space<vmem_shared>>)
      %dma_start3A_443 = arith.constant 9 : i32
      %dma_start3A_444 = arith.constant 1 : i32
      %dma_start3A_445 = arith.constant 0 : i32
      %dma_start3A_446 = arith.constant 0 : i32
      %dma_start3A_447 = tpu.memref_slice %arg10[%dma_start3A_444, %dma_start3A_445, %dma_start3A_446] : memref<2x128x128xbf16, #tpu.memory_space<vmem>> -> memref<1x128x128xbf16, #tpu.memory_space<vmem>>
      %dma_start3A_448 = tpu.memref_squeeze %dma_start3A_447 : memref<1x128x128xbf16, #tpu.memory_space<vmem>> -> memref<128x128xbf16, #tpu.memory_space<vmem>>
      %dma_start3A_449 = arith.constant 0 : i32
      %dma_start3A_450 = tpu.memref_slice %arg8[%dma_start3A_443, %dma_start3A_449] : memref<16x128xi32, #tpu.memory_space<vmem>> -> memref<1x128xi32, #tpu.memory_space<vmem>>
      %dma_start3A_451 = tpu.memref_squeeze %dma_start3A_450 : memref<1x128xi32, #tpu.memory_space<vmem>> -> memref<128xi32, #tpu.memory_space<vmem>>
      %dma_start3A_452 = arith.constant 0 : i32
      %dma_start3A_453 = arith.constant 0 : i32
      %dma_start3A_454 = tpu.memref_slice %arg6[%dma_start3A_452, %dma_start3A_453] : memref<10240x128xbf16, #tpu.memory_space<vmem_shared>> -> memref<10240x128xbf16, #tpu.memory_space<vmem_shared>>
      tpu.enqueue_indirect_dma source(%dma_start3A_454 : memref<10240x128xbf16, #tpu.memory_space<vmem_shared>>) target(%dma_start3A_448 : memref<128x128xbf16, #tpu.memory_space<vmem>>) offsets(%dma_start3A_451 : memref<128xi32, #tpu.memory_space<vmem>>) semaphore(%arg12 : memref<!tpu.dma_semaphore, #tpu.memory_space<semaphore_mem>>)
      %dma_wait3A_455 = arith.constant 9 : i32
      %dma_wait3A_456 = arith.constant 1 : i32
      %dma_wait3A_457 = arith.constant 0 : i32
      %dma_wait3A_458 = arith.constant 0 : i32
      %dma_wait3A_459 = tpu.memref_slice %arg10[%dma_wait3A_456, %dma_wait3A_457, %dma_wait3A_458] : memref<2x128x128xbf16, #tpu.memory_space<vmem>> -> memref<1x128x128xbf16, #tpu.memory_space<vmem>>
      %dma_wait3A_460 = tpu.memref_squeeze %dma_wait3A_459 : memref<1x128x128xbf16, #tpu.memory_space<vmem>> -> memref<128x128xbf16, #tpu.memory_space<vmem>>
      %dma_wait3A_461 = arith.constant 0 : i32
      %dma_wait3A_462 = tpu.memref_slice %arg8[%dma_wait3A_455, %dma_wait3A_461] : memref<16x128xi32, #tpu.memory_space<vmem>> -> memref<1x128xi32, #tpu.memory_space<vmem>>
      %dma_wait3A_463 = tpu.memref_squeeze %dma_wait3A_462 : memref<1x128xi32, #tpu.memory_space<vmem>> -> memref<128xi32, #tpu.memory_space<vmem>>
      %dma_wait3A_464 = arith.constant 0 : i32
      %dma_wait3A_465 = arith.constant 0 : i32
      %dma_wait3A_466 = tpu.memref_slice %arg6[%dma_wait3A_464, %dma_wait3A_465] : memref<10240x128xbf16, #tpu.memory_space<vmem_shared>> -> memref<10240x128xbf16, #tpu.memory_space<vmem_shared>>
      tpu.wait_indirect_dma semaphore(%arg12 : memref<!tpu.dma_semaphore, #tpu.memory_space<semaphore_mem>>) src(%dma_wait3A_466 : memref<10240x128xbf16, #tpu.memory_space<vmem_shared>>) dst(%dma_wait3A_460 : memref<128x128xbf16, #tpu.memory_space<vmem>>)
      %dma_start3A_467 = arith.constant 1 : i32
      %dma_start3A_468 = arith.constant 9 : i32
      %dma_start3A_469 = arith.constant 0 : i32
      %dma_start3A_470 = arith.constant 0 : i32
      %dma_start3A_471 = tpu.memref_slice %arg10[%dma_start3A_467, %dma_start3A_469, %dma_start3A_470] : memref<2x128x128xbf16, #tpu.memory_space<vmem>> -> memref<1x128x128xbf16, #tpu.memory_space<vmem>>
      %dma_start3A_472 = tpu.memref_squeeze %dma_start3A_471 : memref<1x128x128xbf16, #tpu.memory_space<vmem>> -> memref<128x128xbf16, #tpu.memory_space<vmem>>
      %dma_start3A_473 = arith.constant 0 : i32
      %dma_start3A_474 = tpu.memref_slice %arg9[%dma_start3A_468, %dma_start3A_473] : memref<16x128xi32, #tpu.memory_space<vmem>> -> memref<1x128xi32, #tpu.memory_space<vmem>>
      %dma_start3A_475 = tpu.memref_squeeze %dma_start3A_474 : memref<1x128xi32, #tpu.memory_space<vmem>> -> memref<128xi32, #tpu.memory_space<vmem>>
      %dma_start3A_476 = arith.constant 0 : i32
      %dma_start3A_477 = arith.constant 0 : i32
      %dma_start3A_478 = tpu.memref_slice %arg7[%dma_start3A_476, %dma_start3A_477] : memref<10240x128xbf16, #tpu.memory_space<vmem_shared>> -> memref<10240x128xbf16, #tpu.memory_space<vmem_shared>>
      tpu.enqueue_indirect_dma source(%dma_start3A_472 : memref<128x128xbf16, #tpu.memory_space<vmem>>) target(%dma_start3A_478 : memref<10240x128xbf16, #tpu.memory_space<vmem_shared>>) offsets(%dma_start3A_475 : memref<128xi32, #tpu.memory_space<vmem>>) semaphore(%arg14 : memref<!tpu.dma_semaphore, #tpu.memory_space<semaphore_mem>>) {add = true}
      %dma_wait3A_479 = arith.constant 0 : i32
      %dma_wait3A_480 = arith.constant 8 : i32
      %dma_wait3A_481 = arith.constant 0 : i32
      %dma_wait3A_482 = arith.constant 0 : i32
      %dma_wait3A_483 = tpu.memref_slice %arg10[%dma_wait3A_479, %dma_wait3A_481, %dma_wait3A_482] : memref<2x128x128xbf16, #tpu.memory_space<vmem>> -> memref<1x128x128xbf16, #tpu.memory_space<vmem>>
      %dma_wait3A_484 = tpu.memref_squeeze %dma_wait3A_483 : memref<1x128x128xbf16, #tpu.memory_space<vmem>> -> memref<128x128xbf16, #tpu.memory_space<vmem>>
      %dma_wait3A_485 = arith.constant 0 : i32
      %dma_wait3A_486 = tpu.memref_slice %arg9[%dma_wait3A_480, %dma_wait3A_485] : memref<16x128xi32, #tpu.memory_space<vmem>> -> memref<1x128xi32, #tpu.memory_space<vmem>>
      %dma_wait3A_487 = tpu.memref_squeeze %dma_wait3A_486 : memref<1x128xi32, #tpu.memory_space<vmem>> -> memref<128xi32, #tpu.memory_space<vmem>>
      %dma_wait3A_488 = arith.constant 0 : i32
      %dma_wait3A_489 = arith.constant 0 : i32
      %dma_wait3A_490 = tpu.memref_slice %arg7[%dma_wait3A_488, %dma_wait3A_489] : memref<10240x128xbf16, #tpu.memory_space<vmem_shared>> -> memref<10240x128xbf16, #tpu.memory_space<vmem_shared>>
      tpu.wait_indirect_dma semaphore(%arg13 : memref<!tpu.dma_semaphore, #tpu.memory_space<semaphore_mem>>) src(%dma_wait3A_484 : memref<128x128xbf16, #tpu.memory_space<vmem>>) dst(%dma_wait3A_490 : memref<10240x128xbf16, #tpu.memory_space<vmem_shared>>)
      %dma_start3A_491 = arith.constant 10 : i32
      %dma_start3A_492 = arith.constant 0 : i32
      %dma_start3A_493 = arith.constant 0 : i32
      %dma_start3A_494 = arith.constant 0 : i32
      %dma_start3A_495 = tpu.memref_slice %arg10[%dma_start3A_492, %dma_start3A_493, %dma_start3A_494] : memref<2x128x128xbf16, #tpu.memory_space<vmem>> -> memref<1x128x128xbf16, #tpu.memory_space<vmem>>
      %dma_start3A_496 = tpu.memref_squeeze %dma_start3A_495 : memref<1x128x128xbf16, #tpu.memory_space<vmem>> -> memref<128x128xbf16, #tpu.memory_space<vmem>>
      %dma_start3A_497 = arith.constant 0 : i32
      %dma_start3A_498 = tpu.memref_slice %arg8[%dma_start3A_491, %dma_start3A_497] : memref<16x128xi32, #tpu.memory_space<vmem>> -> memref<1x128xi32, #tpu.memory_space<vmem>>
      %dma_start3A_499 = tpu.memref_squeeze %dma_start3A_498 : memref<1x128xi32, #tpu.memory_space<vmem>> -> memref<128xi32, #tpu.memory_space<vmem>>
      %dma_start3A_500 = arith.constant 0 : i32
      %dma_start3A_501 = arith.constant 0 : i32
      %dma_start3A_502 = tpu.memref_slice %arg6[%dma_start3A_500, %dma_start3A_501] : memref<10240x128xbf16, #tpu.memory_space<vmem_shared>> -> memref<10240x128xbf16, #tpu.memory_space<vmem_shared>>
      tpu.enqueue_indirect_dma source(%dma_start3A_502 : memref<10240x128xbf16, #tpu.memory_space<vmem_shared>>) target(%dma_start3A_496 : memref<128x128xbf16, #tpu.memory_space<vmem>>) offsets(%dma_start3A_499 : memref<128xi32, #tpu.memory_space<vmem>>) semaphore(%arg11 : memref<!tpu.dma_semaphore, #tpu.memory_space<semaphore_mem>>)
      %dma_wait3A_503 = arith.constant 10 : i32
      %dma_wait3A_504 = arith.constant 0 : i32
      %dma_wait3A_505 = arith.constant 0 : i32
      %dma_wait3A_506 = arith.constant 0 : i32
      %dma_wait3A_507 = tpu.memref_slice %arg10[%dma_wait3A_504, %dma_wait3A_505, %dma_wait3A_506] : memref<2x128x128xbf16, #tpu.memory_space<vmem>> -> memref<1x128x128xbf16, #tpu.memory_space<vmem>>
      %dma_wait3A_508 = tpu.memref_squeeze %dma_wait3A_507 : memref<1x128x128xbf16, #tpu.memory_space<vmem>> -> memref<128x128xbf16, #tpu.memory_space<vmem>>
      %dma_wait3A_509 = arith.constant 0 : i32
      %dma_wait3A_510 = tpu.memref_slice %arg8[%dma_wait3A_503, %dma_wait3A_509] : memref<16x128xi32, #tpu.memory_space<vmem>> -> memref<1x128xi32, #tpu.memory_space<vmem>>
      %dma_wait3A_511 = tpu.memref_squeeze %dma_wait3A_510 : memref<1x128xi32, #tpu.memory_space<vmem>> -> memref<128xi32, #tpu.memory_space<vmem>>
      %dma_wait3A_512 = arith.constant 0 : i32
      %dma_wait3A_513 = arith.constant 0 : i32
      %dma_wait3A_514 = tpu.memref_slice %arg6[%dma_wait3A_512, %dma_wait3A_513] : memref<10240x128xbf16, #tpu.memory_space<vmem_shared>> -> memref<10240x128xbf16, #tpu.memory_space<vmem_shared>>
      tpu.wait_indirect_dma semaphore(%arg11 : memref<!tpu.dma_semaphore, #tpu.memory_space<semaphore_mem>>) src(%dma_wait3A_514 : memref<10240x128xbf16, #tpu.memory_space<vmem_shared>>) dst(%dma_wait3A_508 : memref<128x128xbf16, #tpu.memory_space<vmem>>)
      %dma_start3A_515 = arith.constant 0 : i32
      %dma_start3A_516 = arith.constant 10 : i32
      %dma_start3A_517 = arith.constant 0 : i32
      %dma_start3A_518 = arith.constant 0 : i32
      %dma_start3A_519 = tpu.memref_slice %arg10[%dma_start3A_515, %dma_start3A_517, %dma_start3A_518] : memref<2x128x128xbf16, #tpu.memory_space<vmem>> -> memref<1x128x128xbf16, #tpu.memory_space<vmem>>
      %dma_start3A_520 = tpu.memref_squeeze %dma_start3A_519 : memref<1x128x128xbf16, #tpu.memory_space<vmem>> -> memref<128x128xbf16, #tpu.memory_space<vmem>>
      %dma_start3A_521 = arith.constant 0 : i32
      %dma_start3A_522 = tpu.memref_slice %arg9[%dma_start3A_516, %dma_start3A_521] : memref<16x128xi32, #tpu.memory_space<vmem>> -> memref<1x128xi32, #tpu.memory_space<vmem>>
      %dma_start3A_523 = tpu.memref_squeeze %dma_start3A_522 : memref<1x128xi32, #tpu.memory_space<vmem>> -> memref<128xi32, #tpu.memory_space<vmem>>
      %dma_start3A_524 = arith.constant 0 : i32
      %dma_start3A_525 = arith.constant 0 : i32
      %dma_start3A_526 = tpu.memref_slice %arg7[%dma_start3A_524, %dma_start3A_525] : memref<10240x128xbf16, #tpu.memory_space<vmem_shared>> -> memref<10240x128xbf16, #tpu.memory_space<vmem_shared>>
      tpu.enqueue_indirect_dma source(%dma_start3A_520 : memref<128x128xbf16, #tpu.memory_space<vmem>>) target(%dma_start3A_526 : memref<10240x128xbf16, #tpu.memory_space<vmem_shared>>) offsets(%dma_start3A_523 : memref<128xi32, #tpu.memory_space<vmem>>) semaphore(%arg13 : memref<!tpu.dma_semaphore, #tpu.memory_space<semaphore_mem>>) {add = true}
      %dma_wait3A_527 = arith.constant 1 : i32
      %dma_wait3A_528 = arith.constant 9 : i32
      %dma_wait3A_529 = arith.constant 0 : i32
      %dma_wait3A_530 = arith.constant 0 : i32
      %dma_wait3A_531 = tpu.memref_slice %arg10[%dma_wait3A_527, %dma_wait3A_529, %dma_wait3A_530] : memref<2x128x128xbf16, #tpu.memory_space<vmem>> -> memref<1x128x128xbf16, #tpu.memory_space<vmem>>
      %dma_wait3A_532 = tpu.memref_squeeze %dma_wait3A_531 : memref<1x128x128xbf16, #tpu.memory_space<vmem>> -> memref<128x128xbf16, #tpu.memory_space<vmem>>
      %dma_wait3A_533 = arith.constant 0 : i32
      %dma_wait3A_534 = tpu.memref_slice %arg9[%dma_wait3A_528, %dma_wait3A_533] : memref<16x128xi32, #tpu.memory_space<vmem>> -> memref<1x128xi32, #tpu.memory_space<vmem>>
      %dma_wait3A_535 = tpu.memref_squeeze %dma_wait3A_534 : memref<1x128xi32, #tpu.memory_space<vmem>> -> memref<128xi32, #tpu.memory_space<vmem>>
      %dma_wait3A_536 = arith.constant 0 : i32
      %dma_wait3A_537 = arith.constant 0 : i32
      %dma_wait3A_538 = tpu.memref_slice %arg7[%dma_wait3A_536, %dma_wait3A_537] : memref<10240x128xbf16, #tpu.memory_space<vmem_shared>> -> memref<10240x128xbf16, #tpu.memory_space<vmem_shared>>
      tpu.wait_indirect_dma semaphore(%arg14 : memref<!tpu.dma_semaphore, #tpu.memory_space<semaphore_mem>>) src(%dma_wait3A_532 : memref<128x128xbf16, #tpu.memory_space<vmem>>) dst(%dma_wait3A_538 : memref<10240x128xbf16, #tpu.memory_space<vmem_shared>>)
      %dma_start3A_539 = arith.constant 11 : i32
      %dma_start3A_540 = arith.constant 1 : i32
      %dma_start3A_541 = arith.constant 0 : i32
      %dma_start3A_542 = arith.constant 0 : i32
      %dma_start3A_543 = tpu.memref_slice %arg10[%dma_start3A_540, %dma_start3A_541, %dma_start3A_542] : memref<2x128x128xbf16, #tpu.memory_space<vmem>> -> memref<1x128x128xbf16, #tpu.memory_space<vmem>>
      %dma_start3A_544 = tpu.memref_squeeze %dma_start3A_543 : memref<1x128x128xbf16, #tpu.memory_space<vmem>> -> memref<128x128xbf16, #tpu.memory_space<vmem>>
      %dma_start3A_545 = arith.constant 0 : i32
      %dma_start3A_546 = tpu.memref_slice %arg8[%dma_start3A_539, %dma_start3A_545] : memref<16x128xi32, #tpu.memory_space<vmem>> -> memref<1x128xi32, #tpu.memory_space<vmem>>
      %dma_start3A_547 = tpu.memref_squeeze %dma_start3A_546 : memref<1x128xi32, #tpu.memory_space<vmem>> -> memref<128xi32, #tpu.memory_space<vmem>>
      %dma_start3A_548 = arith.constant 0 : i32
      %dma_start3A_549 = arith.constant 0 : i32
      %dma_start3A_550 = tpu.memref_slice %arg6[%dma_start3A_548, %dma_start3A_549] : memref<10240x128xbf16, #tpu.memory_space<vmem_shared>> -> memref<10240x128xbf16, #tpu.memory_space<vmem_shared>>
      tpu.enqueue_indirect_dma source(%dma_start3A_550 : memref<10240x128xbf16, #tpu.memory_space<vmem_shared>>) target(%dma_start3A_544 : memref<128x128xbf16, #tpu.memory_space<vmem>>) offsets(%dma_start3A_547 : memref<128xi32, #tpu.memory_space<vmem>>) semaphore(%arg12 : memref<!tpu.dma_semaphore, #tpu.memory_space<semaphore_mem>>)
      %dma_wait3A_551 = arith.constant 11 : i32
      %dma_wait3A_552 = arith.constant 1 : i32
      %dma_wait3A_553 = arith.constant 0 : i32
      %dma_wait3A_554 = arith.constant 0 : i32
      %dma_wait3A_555 = tpu.memref_slice %arg10[%dma_wait3A_552, %dma_wait3A_553, %dma_wait3A_554] : memref<2x128x128xbf16, #tpu.memory_space<vmem>> -> memref<1x128x128xbf16, #tpu.memory_space<vmem>>
      %dma_wait3A_556 = tpu.memref_squeeze %dma_wait3A_555 : memref<1x128x128xbf16, #tpu.memory_space<vmem>> -> memref<128x128xbf16, #tpu.memory_space<vmem>>
      %dma_wait3A_557 = arith.constant 0 : i32
      %dma_wait3A_558 = tpu.memref_slice %arg8[%dma_wait3A_551, %dma_wait3A_557] : memref<16x128xi32, #tpu.memory_space<vmem>> -> memref<1x128xi32, #tpu.memory_space<vmem>>
      %dma_wait3A_559 = tpu.memref_squeeze %dma_wait3A_558 : memref<1x128xi32, #tpu.memory_space<vmem>> -> memref<128xi32, #tpu.memory_space<vmem>>
      %dma_wait3A_560 = arith.constant 0 : i32
      %dma_wait3A_561 = arith.constant 0 : i32
      %dma_wait3A_562 = tpu.memref_slice %arg6[%dma_wait3A_560, %dma_wait3A_561] : memref<10240x128xbf16, #tpu.memory_space<vmem_shared>> -> memref<10240x128xbf16, #tpu.memory_space<vmem_shared>>
      tpu.wait_indirect_dma semaphore(%arg12 : memref<!tpu.dma_semaphore, #tpu.memory_space<semaphore_mem>>) src(%dma_wait3A_562 : memref<10240x128xbf16, #tpu.memory_space<vmem_shared>>) dst(%dma_wait3A_556 : memref<128x128xbf16, #tpu.memory_space<vmem>>)
      %dma_start3A_563 = arith.constant 1 : i32
      %dma_start3A_564 = arith.constant 11 : i32
      %dma_start3A_565 = arith.constant 0 : i32
      %dma_start3A_566 = arith.constant 0 : i32
      %dma_start3A_567 = tpu.memref_slice %arg10[%dma_start3A_563, %dma_start3A_565, %dma_start3A_566] : memref<2x128x128xbf16, #tpu.memory_space<vmem>> -> memref<1x128x128xbf16, #tpu.memory_space<vmem>>
      %dma_start3A_568 = tpu.memref_squeeze %dma_start3A_567 : memref<1x128x128xbf16, #tpu.memory_space<vmem>> -> memref<128x128xbf16, #tpu.memory_space<vmem>>
      %dma_start3A_569 = arith.constant 0 : i32
      %dma_start3A_570 = tpu.memref_slice %arg9[%dma_start3A_564, %dma_start3A_569] : memref<16x128xi32, #tpu.memory_space<vmem>> -> memref<1x128xi32, #tpu.memory_space<vmem>>
      %dma_start3A_571 = tpu.memref_squeeze %dma_start3A_570 : memref<1x128xi32, #tpu.memory_space<vmem>> -> memref<128xi32, #tpu.memory_space<vmem>>
      %dma_start3A_572 = arith.constant 0 : i32
      %dma_start3A_573 = arith.constant 0 : i32
      %dma_start3A_574 = tpu.memref_slice %arg7[%dma_start3A_572, %dma_start3A_573] : memref<10240x128xbf16, #tpu.memory_space<vmem_shared>> -> memref<10240x128xbf16, #tpu.memory_space<vmem_shared>>
      tpu.enqueue_indirect_dma source(%dma_start3A_568 : memref<128x128xbf16, #tpu.memory_space<vmem>>) target(%dma_start3A_574 : memref<10240x128xbf16, #tpu.memory_space<vmem_shared>>) offsets(%dma_start3A_571 : memref<128xi32, #tpu.memory_space<vmem>>) semaphore(%arg14 : memref<!tpu.dma_semaphore, #tpu.memory_space<semaphore_mem>>) {add = true}
      %dma_wait3A_575 = arith.constant 0 : i32
      %dma_wait3A_576 = arith.constant 10 : i32
      %dma_wait3A_577 = arith.constant 0 : i32
      %dma_wait3A_578 = arith.constant 0 : i32
      %dma_wait3A_579 = tpu.memref_slice %arg10[%dma_wait3A_575, %dma_wait3A_577, %dma_wait3A_578] : memref<2x128x128xbf16, #tpu.memory_space<vmem>> -> memref<1x128x128xbf16, #tpu.memory_space<vmem>>
      %dma_wait3A_580 = tpu.memref_squeeze %dma_wait3A_579 : memref<1x128x128xbf16, #tpu.memory_space<vmem>> -> memref<128x128xbf16, #tpu.memory_space<vmem>>
      %dma_wait3A_581 = arith.constant 0 : i32
      %dma_wait3A_582 = tpu.memref_slice %arg9[%dma_wait3A_576, %dma_wait3A_581] : memref<16x128xi32, #tpu.memory_space<vmem>> -> memref<1x128xi32, #tpu.memory_space<vmem>>
      %dma_wait3A_583 = tpu.memref_squeeze %dma_wait3A_582 : memref<1x128xi32, #tpu.memory_space<vmem>> -> memref<128xi32, #tpu.memory_space<vmem>>
      %dma_wait3A_584 = arith.constant 0 : i32
      %dma_wait3A_585 = arith.constant 0 : i32
      %dma_wait3A_586 = tpu.memref_slice %arg7[%dma_wait3A_584, %dma_wait3A_585] : memref<10240x128xbf16, #tpu.memory_space<vmem_shared>> -> memref<10240x128xbf16, #tpu.memory_space<vmem_shared>>
      tpu.wait_indirect_dma semaphore(%arg13 : memref<!tpu.dma_semaphore, #tpu.memory_space<semaphore_mem>>) src(%dma_wait3A_580 : memref<128x128xbf16, #tpu.memory_space<vmem>>) dst(%dma_wait3A_586 : memref<10240x128xbf16, #tpu.memory_space<vmem_shared>>)
      %dma_start3A_587 = arith.constant 12 : i32
      %dma_start3A_588 = arith.constant 0 : i32
      %dma_start3A_589 = arith.constant 0 : i32
      %dma_start3A_590 = arith.constant 0 : i32
      %dma_start3A_591 = tpu.memref_slice %arg10[%dma_start3A_588, %dma_start3A_589, %dma_start3A_590] : memref<2x128x128xbf16, #tpu.memory_space<vmem>> -> memref<1x128x128xbf16, #tpu.memory_space<vmem>>
      %dma_start3A_592 = tpu.memref_squeeze %dma_start3A_591 : memref<1x128x128xbf16, #tpu.memory_space<vmem>> -> memref<128x128xbf16, #tpu.memory_space<vmem>>
      %dma_start3A_593 = arith.constant 0 : i32
      %dma_start3A_594 = tpu.memref_slice %arg8[%dma_start3A_587, %dma_start3A_593] : memref<16x128xi32, #tpu.memory_space<vmem>> -> memref<1x128xi32, #tpu.memory_space<vmem>>
      %dma_start3A_595 = tpu.memref_squeeze %dma_start3A_594 : memref<1x128xi32, #tpu.memory_space<vmem>> -> memref<128xi32, #tpu.memory_space<vmem>>
      %dma_start3A_596 = arith.constant 0 : i32
      %dma_start3A_597 = arith.constant 0 : i32
      %dma_start3A_598 = tpu.memref_slice %arg6[%dma_start3A_596, %dma_start3A_597] : memref<10240x128xbf16, #tpu.memory_space<vmem_shared>> -> memref<10240x128xbf16, #tpu.memory_space<vmem_shared>>
      tpu.enqueue_indirect_dma source(%dma_start3A_598 : memref<10240x128xbf16, #tpu.memory_space<vmem_shared>>) target(%dma_start3A_592 : memref<128x128xbf16, #tpu.memory_space<vmem>>) offsets(%dma_start3A_595 : memref<128xi32, #tpu.memory_space<vmem>>) semaphore(%arg11 : memref<!tpu.dma_semaphore, #tpu.memory_space<semaphore_mem>>)
      %dma_wait3A_599 = arith.constant 12 : i32
      %dma_wait3A_600 = arith.constant 0 : i32
      %dma_wait3A_601 = arith.constant 0 : i32
      %dma_wait3A_602 = arith.constant 0 : i32
      %dma_wait3A_603 = tpu.memref_slice %arg10[%dma_wait3A_600, %dma_wait3A_601, %dma_wait3A_602] : memref<2x128x128xbf16, #tpu.memory_space<vmem>> -> memref<1x128x128xbf16, #tpu.memory_space<vmem>>
      %dma_wait3A_604 = tpu.memref_squeeze %dma_wait3A_603 : memref<1x128x128xbf16, #tpu.memory_space<vmem>> -> memref<128x128xbf16, #tpu.memory_space<vmem>>
      %dma_wait3A_605 = arith.constant 0 : i32
      %dma_wait3A_606 = tpu.memref_slice %arg8[%dma_wait3A_599, %dma_wait3A_605] : memref<16x128xi32, #tpu.memory_space<vmem>> -> memref<1x128xi32, #tpu.memory_space<vmem>>
      %dma_wait3A_607 = tpu.memref_squeeze %dma_wait3A_606 : memref<1x128xi32, #tpu.memory_space<vmem>> -> memref<128xi32, #tpu.memory_space<vmem>>
      %dma_wait3A_608 = arith.constant 0 : i32
      %dma_wait3A_609 = arith.constant 0 : i32
      %dma_wait3A_610 = tpu.memref_slice %arg6[%dma_wait3A_608, %dma_wait3A_609] : memref<10240x128xbf16, #tpu.memory_space<vmem_shared>> -> memref<10240x128xbf16, #tpu.memory_space<vmem_shared>>
      tpu.wait_indirect_dma semaphore(%arg11 : memref<!tpu.dma_semaphore, #tpu.memory_space<semaphore_mem>>) src(%dma_wait3A_610 : memref<10240x128xbf16, #tpu.memory_space<vmem_shared>>) dst(%dma_wait3A_604 : memref<128x128xbf16, #tpu.memory_space<vmem>>)
      %dma_start3A_611 = arith.constant 0 : i32
      %dma_start3A_612 = arith.constant 12 : i32
      %dma_start3A_613 = arith.constant 0 : i32
      %dma_start3A_614 = arith.constant 0 : i32
      %dma_start3A_615 = tpu.memref_slice %arg10[%dma_start3A_611, %dma_start3A_613, %dma_start3A_614] : memref<2x128x128xbf16, #tpu.memory_space<vmem>> -> memref<1x128x128xbf16, #tpu.memory_space<vmem>>
      %dma_start3A_616 = tpu.memref_squeeze %dma_start3A_615 : memref<1x128x128xbf16, #tpu.memory_space<vmem>> -> memref<128x128xbf16, #tpu.memory_space<vmem>>
      %dma_start3A_617 = arith.constant 0 : i32
      %dma_start3A_618 = tpu.memref_slice %arg9[%dma_start3A_612, %dma_start3A_617] : memref<16x128xi32, #tpu.memory_space<vmem>> -> memref<1x128xi32, #tpu.memory_space<vmem>>
      %dma_start3A_619 = tpu.memref_squeeze %dma_start3A_618 : memref<1x128xi32, #tpu.memory_space<vmem>> -> memref<128xi32, #tpu.memory_space<vmem>>
      %dma_start3A_620 = arith.constant 0 : i32
      %dma_start3A_621 = arith.constant 0 : i32
      %dma_start3A_622 = tpu.memref_slice %arg7[%dma_start3A_620, %dma_start3A_621] : memref<10240x128xbf16, #tpu.memory_space<vmem_shared>> -> memref<10240x128xbf16, #tpu.memory_space<vmem_shared>>
      tpu.enqueue_indirect_dma source(%dma_start3A_616 : memref<128x128xbf16, #tpu.memory_space<vmem>>) target(%dma_start3A_622 : memref<10240x128xbf16, #tpu.memory_space<vmem_shared>>) offsets(%dma_start3A_619 : memref<128xi32, #tpu.memory_space<vmem>>) semaphore(%arg13 : memref<!tpu.dma_semaphore, #tpu.memory_space<semaphore_mem>>) {add = true}
      %dma_wait3A_623 = arith.constant 1 : i32
      %dma_wait3A_624 = arith.constant 11 : i32
      %dma_wait3A_625 = arith.constant 0 : i32
      %dma_wait3A_626 = arith.constant 0 : i32
      %dma_wait3A_627 = tpu.memref_slice %arg10[%dma_wait3A_623, %dma_wait3A_625, %dma_wait3A_626] : memref<2x128x128xbf16, #tpu.memory_space<vmem>> -> memref<1x128x128xbf16, #tpu.memory_space<vmem>>
      %dma_wait3A_628 = tpu.memref_squeeze %dma_wait3A_627 : memref<1x128x128xbf16, #tpu.memory_space<vmem>> -> memref<128x128xbf16, #tpu.memory_space<vmem>>
      %dma_wait3A_629 = arith.constant 0 : i32
      %dma_wait3A_630 = tpu.memref_slice %arg9[%dma_wait3A_624, %dma_wait3A_629] : memref<16x128xi32, #tpu.memory_space<vmem>> -> memref<1x128xi32, #tpu.memory_space<vmem>>
      %dma_wait3A_631 = tpu.memref_squeeze %dma_wait3A_630 : memref<1x128xi32, #tpu.memory_space<vmem>> -> memref<128xi32, #tpu.memory_space<vmem>>
      %dma_wait3A_632 = arith.constant 0 : i32
      %dma_wait3A_633 = arith.constant 0 : i32
      %dma_wait3A_634 = tpu.memref_slice %arg7[%dma_wait3A_632, %dma_wait3A_633] : memref<10240x128xbf16, #tpu.memory_space<vmem_shared>> -> memref<10240x128xbf16, #tpu.memory_space<vmem_shared>>
      tpu.wait_indirect_dma semaphore(%arg14 : memref<!tpu.dma_semaphore, #tpu.memory_space<semaphore_mem>>) src(%dma_wait3A_628 : memref<128x128xbf16, #tpu.memory_space<vmem>>) dst(%dma_wait3A_634 : memref<10240x128xbf16, #tpu.memory_space<vmem_shared>>)
      %dma_start3A_635 = arith.constant 13 : i32
      %dma_start3A_636 = arith.constant 1 : i32
      %dma_start3A_637 = arith.constant 0 : i32
      %dma_start3A_638 = arith.constant 0 : i32
      %dma_start3A_639 = tpu.memref_slice %arg10[%dma_start3A_636, %dma_start3A_637, %dma_start3A_638] : memref<2x128x128xbf16, #tpu.memory_space<vmem>> -> memref<1x128x128xbf16, #tpu.memory_space<vmem>>
      %dma_start3A_640 = tpu.memref_squeeze %dma_start3A_639 : memref<1x128x128xbf16, #tpu.memory_space<vmem>> -> memref<128x128xbf16, #tpu.memory_space<vmem>>
      %dma_start3A_641 = arith.constant 0 : i32
      %dma_start3A_642 = tpu.memref_slice %arg8[%dma_start3A_635, %dma_start3A_641] : memref<16x128xi32, #tpu.memory_space<vmem>> -> memref<1x128xi32, #tpu.memory_space<vmem>>
      %dma_start3A_643 = tpu.memref_squeeze %dma_start3A_642 : memref<1x128xi32, #tpu.memory_space<vmem>> -> memref<128xi32, #tpu.memory_space<vmem>>
      %dma_start3A_644 = arith.constant 0 : i32
      %dma_start3A_645 = arith.constant 0 : i32
      %dma_start3A_646 = tpu.memref_slice %arg6[%dma_start3A_644, %dma_start3A_645] : memref<10240x128xbf16, #tpu.memory_space<vmem_shared>> -> memref<10240x128xbf16, #tpu.memory_space<vmem_shared>>
      tpu.enqueue_indirect_dma source(%dma_start3A_646 : memref<10240x128xbf16, #tpu.memory_space<vmem_shared>>) target(%dma_start3A_640 : memref<128x128xbf16, #tpu.memory_space<vmem>>) offsets(%dma_start3A_643 : memref<128xi32, #tpu.memory_space<vmem>>) semaphore(%arg12 : memref<!tpu.dma_semaphore, #tpu.memory_space<semaphore_mem>>)
      %dma_wait3A_647 = arith.constant 13 : i32
      %dma_wait3A_648 = arith.constant 1 : i32
      %dma_wait3A_649 = arith.constant 0 : i32
      %dma_wait3A_650 = arith.constant 0 : i32
      %dma_wait3A_651 = tpu.memref_slice %arg10[%dma_wait3A_648, %dma_wait3A_649, %dma_wait3A_650] : memref<2x128x128xbf16, #tpu.memory_space<vmem>> -> memref<1x128x128xbf16, #tpu.memory_space<vmem>>
      %dma_wait3A_652 = tpu.memref_squeeze %dma_wait3A_651 : memref<1x128x128xbf16, #tpu.memory_space<vmem>> -> memref<128x128xbf16, #tpu.memory_space<vmem>>
      %dma_wait3A_653 = arith.constant 0 : i32
      %dma_wait3A_654 = tpu.memref_slice %arg8[%dma_wait3A_647, %dma_wait3A_653] : memref<16x128xi32, #tpu.memory_space<vmem>> -> memref<1x128xi32, #tpu.memory_space<vmem>>
      %dma_wait3A_655 = tpu.memref_squeeze %dma_wait3A_654 : memref<1x128xi32, #tpu.memory_space<vmem>> -> memref<128xi32, #tpu.memory_space<vmem>>
      %dma_wait3A_656 = arith.constant 0 : i32
      %dma_wait3A_657 = arith.constant 0 : i32
      %dma_wait3A_658 = tpu.memref_slice %arg6[%dma_wait3A_656, %dma_wait3A_657] : memref<10240x128xbf16, #tpu.memory_space<vmem_shared>> -> memref<10240x128xbf16, #tpu.memory_space<vmem_shared>>
      tpu.wait_indirect_dma semaphore(%arg12 : memref<!tpu.dma_semaphore, #tpu.memory_space<semaphore_mem>>) src(%dma_wait3A_658 : memref<10240x128xbf16, #tpu.memory_space<vmem_shared>>) dst(%dma_wait3A_652 : memref<128x128xbf16, #tpu.memory_space<vmem>>)
      %dma_start3A_659 = arith.constant 1 : i32
      %dma_start3A_660 = arith.constant 13 : i32
      %dma_start3A_661 = arith.constant 0 : i32
      %dma_start3A_662 = arith.constant 0 : i32
      %dma_start3A_663 = tpu.memref_slice %arg10[%dma_start3A_659, %dma_start3A_661, %dma_start3A_662] : memref<2x128x128xbf16, #tpu.memory_space<vmem>> -> memref<1x128x128xbf16, #tpu.memory_space<vmem>>
      %dma_start3A_664 = tpu.memref_squeeze %dma_start3A_663 : memref<1x128x128xbf16, #tpu.memory_space<vmem>> -> memref<128x128xbf16, #tpu.memory_space<vmem>>
      %dma_start3A_665 = arith.constant 0 : i32
      %dma_start3A_666 = tpu.memref_slice %arg9[%dma_start3A_660, %dma_start3A_665] : memref<16x128xi32, #tpu.memory_space<vmem>> -> memref<1x128xi32, #tpu.memory_space<vmem>>
      %dma_start3A_667 = tpu.memref_squeeze %dma_start3A_666 : memref<1x128xi32, #tpu.memory_space<vmem>> -> memref<128xi32, #tpu.memory_space<vmem>>
      %dma_start3A_668 = arith.constant 0 : i32
      %dma_start3A_669 = arith.constant 0 : i32
      %dma_start3A_670 = tpu.memref_slice %arg7[%dma_start3A_668, %dma_start3A_669] : memref<10240x128xbf16, #tpu.memory_space<vmem_shared>> -> memref<10240x128xbf16, #tpu.memory_space<vmem_shared>>
      tpu.enqueue_indirect_dma source(%dma_start3A_664 : memref<128x128xbf16, #tpu.memory_space<vmem>>) target(%dma_start3A_670 : memref<10240x128xbf16, #tpu.memory_space<vmem_shared>>) offsets(%dma_start3A_667 : memref<128xi32, #tpu.memory_space<vmem>>) semaphore(%arg14 : memref<!tpu.dma_semaphore, #tpu.memory_space<semaphore_mem>>) {add = true}
      %dma_wait3A_671 = arith.constant 0 : i32
      %dma_wait3A_672 = arith.constant 12 : i32
      %dma_wait3A_673 = arith.constant 0 : i32
      %dma_wait3A_674 = arith.constant 0 : i32
      %dma_wait3A_675 = tpu.memref_slice %arg10[%dma_wait3A_671, %dma_wait3A_673, %dma_wait3A_674] : memref<2x128x128xbf16, #tpu.memory_space<vmem>> -> memref<1x128x128xbf16, #tpu.memory_space<vmem>>
      %dma_wait3A_676 = tpu.memref_squeeze %dma_wait3A_675 : memref<1x128x128xbf16, #tpu.memory_space<vmem>> -> memref<128x128xbf16, #tpu.memory_space<vmem>>
      %dma_wait3A_677 = arith.constant 0 : i32
      %dma_wait3A_678 = tpu.memref_slice %arg9[%dma_wait3A_672, %dma_wait3A_677] : memref<16x128xi32, #tpu.memory_space<vmem>> -> memref<1x128xi32, #tpu.memory_space<vmem>>
      %dma_wait3A_679 = tpu.memref_squeeze %dma_wait3A_678 : memref<1x128xi32, #tpu.memory_space<vmem>> -> memref<128xi32, #tpu.memory_space<vmem>>
      %dma_wait3A_680 = arith.constant 0 : i32
      %dma_wait3A_681 = arith.constant 0 : i32
      %dma_wait3A_682 = tpu.memref_slice %arg7[%dma_wait3A_680, %dma_wait3A_681] : memref<10240x128xbf16, #tpu.memory_space<vmem_shared>> -> memref<10240x128xbf16, #tpu.memory_space<vmem_shared>>
      tpu.wait_indirect_dma semaphore(%arg13 : memref<!tpu.dma_semaphore, #tpu.memory_space<semaphore_mem>>) src(%dma_wait3A_676 : memref<128x128xbf16, #tpu.memory_space<vmem>>) dst(%dma_wait3A_682 : memref<10240x128xbf16, #tpu.memory_space<vmem_shared>>)
      %dma_start3A_683 = arith.constant 14 : i32
      %dma_start3A_684 = arith.constant 0 : i32
      %dma_start3A_685 = arith.constant 0 : i32
      %dma_start3A_686 = arith.constant 0 : i32
      %dma_start3A_687 = tpu.memref_slice %arg10[%dma_start3A_684, %dma_start3A_685, %dma_start3A_686] : memref<2x128x128xbf16, #tpu.memory_space<vmem>> -> memref<1x128x128xbf16, #tpu.memory_space<vmem>>
      %dma_start3A_688 = tpu.memref_squeeze %dma_start3A_687 : memref<1x128x128xbf16, #tpu.memory_space<vmem>> -> memref<128x128xbf16, #tpu.memory_space<vmem>>
      %dma_start3A_689 = arith.constant 0 : i32
      %dma_start3A_690 = tpu.memref_slice %arg8[%dma_start3A_683, %dma_start3A_689] : memref<16x128xi32, #tpu.memory_space<vmem>> -> memref<1x128xi32, #tpu.memory_space<vmem>>
      %dma_start3A_691 = tpu.memref_squeeze %dma_start3A_690 : memref<1x128xi32, #tpu.memory_space<vmem>> -> memref<128xi32, #tpu.memory_space<vmem>>
      %dma_start3A_692 = arith.constant 0 : i32
      %dma_start3A_693 = arith.constant 0 : i32
      %dma_start3A_694 = tpu.memref_slice %arg6[%dma_start3A_692, %dma_start3A_693] : memref<10240x128xbf16, #tpu.memory_space<vmem_shared>> -> memref<10240x128xbf16, #tpu.memory_space<vmem_shared>>
      tpu.enqueue_indirect_dma source(%dma_start3A_694 : memref<10240x128xbf16, #tpu.memory_space<vmem_shared>>) target(%dma_start3A_688 : memref<128x128xbf16, #tpu.memory_space<vmem>>) offsets(%dma_start3A_691 : memref<128xi32, #tpu.memory_space<vmem>>) semaphore(%arg11 : memref<!tpu.dma_semaphore, #tpu.memory_space<semaphore_mem>>)
      %dma_wait3A_695 = arith.constant 14 : i32
      %dma_wait3A_696 = arith.constant 0 : i32
      %dma_wait3A_697 = arith.constant 0 : i32
      %dma_wait3A_698 = arith.constant 0 : i32
      %dma_wait3A_699 = tpu.memref_slice %arg10[%dma_wait3A_696, %dma_wait3A_697, %dma_wait3A_698] : memref<2x128x128xbf16, #tpu.memory_space<vmem>> -> memref<1x128x128xbf16, #tpu.memory_space<vmem>>
      %dma_wait3A_700 = tpu.memref_squeeze %dma_wait3A_699 : memref<1x128x128xbf16, #tpu.memory_space<vmem>> -> memref<128x128xbf16, #tpu.memory_space<vmem>>
      %dma_wait3A_701 = arith.constant 0 : i32
      %dma_wait3A_702 = tpu.memref_slice %arg8[%dma_wait3A_695, %dma_wait3A_701] : memref<16x128xi32, #tpu.memory_space<vmem>> -> memref<1x128xi32, #tpu.memory_space<vmem>>
      %dma_wait3A_703 = tpu.memref_squeeze %dma_wait3A_702 : memref<1x128xi32, #tpu.memory_space<vmem>> -> memref<128xi32, #tpu.memory_space<vmem>>
      %dma_wait3A_704 = arith.constant 0 : i32
      %dma_wait3A_705 = arith.constant 0 : i32
      %dma_wait3A_706 = tpu.memref_slice %arg6[%dma_wait3A_704, %dma_wait3A_705] : memref<10240x128xbf16, #tpu.memory_space<vmem_shared>> -> memref<10240x128xbf16, #tpu.memory_space<vmem_shared>>
      tpu.wait_indirect_dma semaphore(%arg11 : memref<!tpu.dma_semaphore, #tpu.memory_space<semaphore_mem>>) src(%dma_wait3A_706 : memref<10240x128xbf16, #tpu.memory_space<vmem_shared>>) dst(%dma_wait3A_700 : memref<128x128xbf16, #tpu.memory_space<vmem>>)
      %dma_start3A_707 = arith.constant 0 : i32
      %dma_start3A_708 = arith.constant 14 : i32
      %dma_start3A_709 = arith.constant 0 : i32
      %dma_start3A_710 = arith.constant 0 : i32
      %dma_start3A_711 = tpu.memref_slice %arg10[%dma_start3A_707, %dma_start3A_709, %dma_start3A_710] : memref<2x128x128xbf16, #tpu.memory_space<vmem>> -> memref<1x128x128xbf16, #tpu.memory_space<vmem>>
      %dma_start3A_712 = tpu.memref_squeeze %dma_start3A_711 : memref<1x128x128xbf16, #tpu.memory_space<vmem>> -> memref<128x128xbf16, #tpu.memory_space<vmem>>
      %dma_start3A_713 = arith.constant 0 : i32
      %dma_start3A_714 = tpu.memref_slice %arg9[%dma_start3A_708, %dma_start3A_713] : memref<16x128xi32, #tpu.memory_space<vmem>> -> memref<1x128xi32, #tpu.memory_space<vmem>>
      %dma_start3A_715 = tpu.memref_squeeze %dma_start3A_714 : memref<1x128xi32, #tpu.memory_space<vmem>> -> memref<128xi32, #tpu.memory_space<vmem>>
      %dma_start3A_716 = arith.constant 0 : i32
      %dma_start3A_717 = arith.constant 0 : i32
      %dma_start3A_718 = tpu.memref_slice %arg7[%dma_start3A_716, %dma_start3A_717] : memref<10240x128xbf16, #tpu.memory_space<vmem_shared>> -> memref<10240x128xbf16, #tpu.memory_space<vmem_shared>>
      tpu.enqueue_indirect_dma source(%dma_start3A_712 : memref<128x128xbf16, #tpu.memory_space<vmem>>) target(%dma_start3A_718 : memref<10240x128xbf16, #tpu.memory_space<vmem_shared>>) offsets(%dma_start3A_715 : memref<128xi32, #tpu.memory_space<vmem>>) semaphore(%arg13 : memref<!tpu.dma_semaphore, #tpu.memory_space<semaphore_mem>>) {add = true}
      %dma_wait3A_719 = arith.constant 1 : i32
      %dma_wait3A_720 = arith.constant 13 : i32
      %dma_wait3A_721 = arith.constant 0 : i32
      %dma_wait3A_722 = arith.constant 0 : i32
      %dma_wait3A_723 = tpu.memref_slice %arg10[%dma_wait3A_719, %dma_wait3A_721, %dma_wait3A_722] : memref<2x128x128xbf16, #tpu.memory_space<vmem>> -> memref<1x128x128xbf16, #tpu.memory_space<vmem>>
      %dma_wait3A_724 = tpu.memref_squeeze %dma_wait3A_723 : memref<1x128x128xbf16, #tpu.memory_space<vmem>> -> memref<128x128xbf16, #tpu.memory_space<vmem>>
      %dma_wait3A_725 = arith.constant 0 : i32
      %dma_wait3A_726 = tpu.memref_slice %arg9[%dma_wait3A_720, %dma_wait3A_725] : memref<16x128xi32, #tpu.memory_space<vmem>> -> memref<1x128xi32, #tpu.memory_space<vmem>>
      %dma_wait3A_727 = tpu.memref_squeeze %dma_wait3A_726 : memref<1x128xi32, #tpu.memory_space<vmem>> -> memref<128xi32, #tpu.memory_space<vmem>>
      %dma_wait3A_728 = arith.constant 0 : i32
      %dma_wait3A_729 = arith.constant 0 : i32
      %dma_wait3A_730 = tpu.memref_slice %arg7[%dma_wait3A_728, %dma_wait3A_729] : memref<10240x128xbf16, #tpu.memory_space<vmem_shared>> -> memref<10240x128xbf16, #tpu.memory_space<vmem_shared>>
      tpu.wait_indirect_dma semaphore(%arg14 : memref<!tpu.dma_semaphore, #tpu.memory_space<semaphore_mem>>) src(%dma_wait3A_724 : memref<128x128xbf16, #tpu.memory_space<vmem>>) dst(%dma_wait3A_730 : memref<10240x128xbf16, #tpu.memory_space<vmem_shared>>)
      %dma_start3A_731 = arith.constant 15 : i32
      %dma_start3A_732 = arith.constant 1 : i32
      %dma_start3A_733 = arith.constant 0 : i32
      %dma_start3A_734 = arith.constant 0 : i32
      %dma_start3A_735 = tpu.memref_slice %arg10[%dma_start3A_732, %dma_start3A_733, %dma_start3A_734] : memref<2x128x128xbf16, #tpu.memory_space<vmem>> -> memref<1x128x128xbf16, #tpu.memory_space<vmem>>
      %dma_start3A_736 = tpu.memref_squeeze %dma_start3A_735 : memref<1x128x128xbf16, #tpu.memory_space<vmem>> -> memref<128x128xbf16, #tpu.memory_space<vmem>>
      %dma_start3A_737 = arith.constant 0 : i32
      %dma_start3A_738 = tpu.memref_slice %arg8[%dma_start3A_731, %dma_start3A_737] : memref<16x128xi32, #tpu.memory_space<vmem>> -> memref<1x128xi32, #tpu.memory_space<vmem>>
      %dma_start3A_739 = tpu.memref_squeeze %dma_start3A_738 : memref<1x128xi32, #tpu.memory_space<vmem>> -> memref<128xi32, #tpu.memory_space<vmem>>
      %dma_start3A_740 = arith.constant 0 : i32
      %dma_start3A_741 = arith.constant 0 : i32
      %dma_start3A_742 = tpu.memref_slice %arg6[%dma_start3A_740, %dma_start3A_741] : memref<10240x128xbf16, #tpu.memory_space<vmem_shared>> -> memref<10240x128xbf16, #tpu.memory_space<vmem_shared>>
      tpu.enqueue_indirect_dma source(%dma_start3A_742 : memref<10240x128xbf16, #tpu.memory_space<vmem_shared>>) target(%dma_start3A_736 : memref<128x128xbf16, #tpu.memory_space<vmem>>) offsets(%dma_start3A_739 : memref<128xi32, #tpu.memory_space<vmem>>) semaphore(%arg12 : memref<!tpu.dma_semaphore, #tpu.memory_space<semaphore_mem>>)
      %dma_wait3A_743 = arith.constant 15 : i32
      %dma_wait3A_744 = arith.constant 1 : i32
      %dma_wait3A_745 = arith.constant 0 : i32
      %dma_wait3A_746 = arith.constant 0 : i32
      %dma_wait3A_747 = tpu.memref_slice %arg10[%dma_wait3A_744, %dma_wait3A_745, %dma_wait3A_746] : memref<2x128x128xbf16, #tpu.memory_space<vmem>> -> memref<1x128x128xbf16, #tpu.memory_space<vmem>>
      %dma_wait3A_748 = tpu.memref_squeeze %dma_wait3A_747 : memref<1x128x128xbf16, #tpu.memory_space<vmem>> -> memref<128x128xbf16, #tpu.memory_space<vmem>>
      %dma_wait3A_749 = arith.constant 0 : i32
      %dma_wait3A_750 = tpu.memref_slice %arg8[%dma_wait3A_743, %dma_wait3A_749] : memref<16x128xi32, #tpu.memory_space<vmem>> -> memref<1x128xi32, #tpu.memory_space<vmem>>
      %dma_wait3A_751 = tpu.memref_squeeze %dma_wait3A_750 : memref<1x128xi32, #tpu.memory_space<vmem>> -> memref<128xi32, #tpu.memory_space<vmem>>
      %dma_wait3A_752 = arith.constant 0 : i32
      %dma_wait3A_753 = arith.constant 0 : i32
      %dma_wait3A_754 = tpu.memref_slice %arg6[%dma_wait3A_752, %dma_wait3A_753] : memref<10240x128xbf16, #tpu.memory_space<vmem_shared>> -> memref<10240x128xbf16, #tpu.memory_space<vmem_shared>>
      tpu.wait_indirect_dma semaphore(%arg12 : memref<!tpu.dma_semaphore, #tpu.memory_space<semaphore_mem>>) src(%dma_wait3A_754 : memref<10240x128xbf16, #tpu.memory_space<vmem_shared>>) dst(%dma_wait3A_748 : memref<128x128xbf16, #tpu.memory_space<vmem>>)
      %dma_start3A_755 = arith.constant 1 : i32
      %dma_start3A_756 = arith.constant 15 : i32
      %dma_start3A_757 = arith.constant 0 : i32
      %dma_start3A_758 = arith.constant 0 : i32
      %dma_start3A_759 = tpu.memref_slice %arg10[%dma_start3A_755, %dma_start3A_757, %dma_start3A_758] : memref<2x128x128xbf16, #tpu.memory_space<vmem>> -> memref<1x128x128xbf16, #tpu.memory_space<vmem>>
      %dma_start3A_760 = tpu.memref_squeeze %dma_start3A_759 : memref<1x128x128xbf16, #tpu.memory_space<vmem>> -> memref<128x128xbf16, #tpu.memory_space<vmem>>
      %dma_start3A_761 = arith.constant 0 : i32
      %dma_start3A_762 = tpu.memref_slice %arg9[%dma_start3A_756, %dma_start3A_761] : memref<16x128xi32, #tpu.memory_space<vmem>> -> memref<1x128xi32, #tpu.memory_space<vmem>>
      %dma_start3A_763 = tpu.memref_squeeze %dma_start3A_762 : memref<1x128xi32, #tpu.memory_space<vmem>> -> memref<128xi32, #tpu.memory_space<vmem>>
      %dma_start3A_764 = arith.constant 0 : i32
      %dma_start3A_765 = arith.constant 0 : i32
      %dma_start3A_766 = tpu.memref_slice %arg7[%dma_start3A_764, %dma_start3A_765] : memref<10240x128xbf16, #tpu.memory_space<vmem_shared>> -> memref<10240x128xbf16, #tpu.memory_space<vmem_shared>>
      tpu.enqueue_indirect_dma source(%dma_start3A_760 : memref<128x128xbf16, #tpu.memory_space<vmem>>) target(%dma_start3A_766 : memref<10240x128xbf16, #tpu.memory_space<vmem_shared>>) offsets(%dma_start3A_763 : memref<128xi32, #tpu.memory_space<vmem>>) semaphore(%arg14 : memref<!tpu.dma_semaphore, #tpu.memory_space<semaphore_mem>>) {add = true}
      %dma_wait3A_767 = arith.constant 0 : i32
      %dma_wait3A_768 = arith.constant 14 : i32
      %dma_wait3A_769 = arith.constant 0 : i32
      %dma_wait3A_770 = arith.constant 0 : i32
      %dma_wait3A_771 = tpu.memref_slice %arg10[%dma_wait3A_767, %dma_wait3A_769, %dma_wait3A_770] : memref<2x128x128xbf16, #tpu.memory_space<vmem>> -> memref<1x128x128xbf16, #tpu.memory_space<vmem>>
      %dma_wait3A_772 = tpu.memref_squeeze %dma_wait3A_771 : memref<1x128x128xbf16, #tpu.memory_space<vmem>> -> memref<128x128xbf16, #tpu.memory_space<vmem>>
      %dma_wait3A_773 = arith.constant 0 : i32
      %dma_wait3A_774 = tpu.memref_slice %arg9[%dma_wait3A_768, %dma_wait3A_773] : memref<16x128xi32, #tpu.memory_space<vmem>> -> memref<1x128xi32, #tpu.memory_space<vmem>>
      %dma_wait3A_775 = tpu.memref_squeeze %dma_wait3A_774 : memref<1x128xi32, #tpu.memory_space<vmem>> -> memref<128xi32, #tpu.memory_space<vmem>>
      %dma_wait3A_776 = arith.constant 0 : i32
      %dma_wait3A_777 = arith.constant 0 : i32
      %dma_wait3A_778 = tpu.memref_slice %arg7[%dma_wait3A_776, %dma_wait3A_777] : memref<10240x128xbf16, #tpu.memory_space<vmem_shared>> -> memref<10240x128xbf16, #tpu.memory_space<vmem_shared>>
      tpu.wait_indirect_dma semaphore(%arg13 : memref<!tpu.dma_semaphore, #tpu.memory_space<semaphore_mem>>) src(%dma_wait3A_772 : memref<128x128xbf16, #tpu.memory_space<vmem>>) dst(%dma_wait3A_778 : memref<10240x128xbf16, #tpu.memory_space<vmem_shared>>)
      %dma_wait3A_779 = arith.constant 1 : i32
      %dma_wait3A_780 = arith.constant 15 : i32
      %dma_wait3A_781 = arith.constant 0 : i32
      %dma_wait3A_782 = arith.constant 0 : i32
      %dma_wait3A_783 = tpu.memref_slice %arg10[%dma_wait3A_779, %dma_wait3A_781, %dma_wait3A_782] : memref<2x128x128xbf16, #tpu.memory_space<vmem>> -> memref<1x128x128xbf16, #tpu.memory_space<vmem>>
      %dma_wait3A_784 = tpu.memref_squeeze %dma_wait3A_783 : memref<1x128x128xbf16, #tpu.memory_space<vmem>> -> memref<128x128xbf16, #tpu.memory_space<vmem>>
      %dma_wait3A_785 = arith.constant 0 : i32
      %dma_wait3A_786 = tpu.memref_slice %arg9[%dma_wait3A_780, %dma_wait3A_785] : memref<16x128xi32, #tpu.memory_space<vmem>> -> memref<1x128xi32, #tpu.memory_space<vmem>>
      %dma_wait3A_787 = tpu.memref_squeeze %dma_wait3A_786 : memref<1x128xi32, #tpu.memory_space<vmem>> -> memref<128xi32, #tpu.memory_space<vmem>>
      %dma_wait3A_788 = arith.constant 0 : i32
      %dma_wait3A_789 = arith.constant 0 : i32
      %dma_wait3A_790 = tpu.memref_slice %arg7[%dma_wait3A_788, %dma_wait3A_789] : memref<10240x128xbf16, #tpu.memory_space<vmem_shared>> -> memref<10240x128xbf16, #tpu.memory_space<vmem_shared>>
      tpu.wait_indirect_dma semaphore(%arg14 : memref<!tpu.dma_semaphore, #tpu.memory_space<semaphore_mem>>) src(%dma_wait3A_784 : memref<128x128xbf16, #tpu.memory_space<vmem>>) dst(%dma_wait3A_790 : memref<10240x128xbf16, #tpu.memory_space<vmem_shared>>)
    }
    %scan3A_15 = arith.constant 5 : i32
    %barrier3A_16 = arith.constant 0 : index
    tpu.barrier barrier_id(%barrier3A_16)
    %mul3A_17 = arith.constant 640 : i32
    %mul3A_18 = arith.muli %arg1, %mul3A_17 : i32
    %mul3A_19 = arith.constant 640 : i32
    %mul3A_20 = arith.muli %arg1, %mul3A_19 : i32
    %run_scoped3A = arith.constant 0 : i32
    "tpu.region"() ({
      %run_scoped3A_21 = tpu.sem_alloc : memref<!tpu.dma_semaphore, #tpu.memory_space<semaphore_mem>>
      %dma_start3A = arith.constant 0 : i32
      %dma_start3A_22 = tpu.memref_slice %arg5[%run_scoped3A, %arg0, %mul3A_20, %dma_start3A] : memref<1x2x10240x128xbf16, #tpu.memory_space<hbm>> -> memref<1x1x640x128xbf16, #tpu.memory_space<hbm>>
      %dma_start3A_23 = tpu.memref_squeeze %dma_start3A_22 : memref<1x1x640x128xbf16, #tpu.memory_space<hbm>> -> memref<640x128xbf16, #tpu.memory_space<hbm>>
      %dma_start3A_24 = arith.constant 0 : i32
      %dma_start3A_25 = tpu.memref_slice %arg7[%mul3A_18, %dma_start3A_24] : memref<10240x128xbf16, #tpu.memory_space<vmem_shared>> -> memref<640x128xbf16, #tpu.memory_space<vmem_shared>>
      tpu.enqueue_dma source(%dma_start3A_25 : memref<640x128xbf16, #tpu.memory_space<vmem_shared>>) target(%dma_start3A_23 : memref<640x128xbf16, #tpu.memory_space<hbm>>) target_semaphore(%run_scoped3A_21 : memref<!tpu.dma_semaphore, #tpu.memory_space<semaphore_mem>>)
      %dma_wait3A = arith.constant 0 : i32
      %dma_wait3A_26 = tpu.memref_slice %arg5[%run_scoped3A, %arg0, %mul3A_20, %dma_wait3A] : memref<1x2x10240x128xbf16, #tpu.memory_space<hbm>> -> memref<1x1x640x128xbf16, #tpu.memory_space<hbm>>
      %dma_wait3A_27 = tpu.memref_squeeze %dma_wait3A_26 : memref<1x1x640x128xbf16, #tpu.memory_space<hbm>> -> memref<640x128xbf16, #tpu.memory_space<hbm>>
      %dma_wait3A_28 = arith.constant 0 : i32
      %dma_wait3A_29 = tpu.memref_slice %arg7[%mul3A_18, %dma_wait3A_28] : memref<10240x128xbf16, #tpu.memory_space<vmem_shared>> -> memref<640x128xbf16, #tpu.memory_space<vmem_shared>>
      tpu.wait_dma2 semaphore(%run_scoped3A_21 : memref<!tpu.dma_semaphore, #tpu.memory_space<semaphore_mem>>) src(%dma_wait3A_29 : memref<640x128xbf16, #tpu.memory_space<vmem_shared>>) dst(%dma_wait3A_27 : memref<640x128xbf16, #tpu.memory_space<hbm>>)
      tpu.yield
    }) : () -> ()
    return
  }
}

#map = affine_map<(d0, d1) -> (0, 0)>
#map1 = affine_map<(d0, d1) -> (0, 0, 0, 0)>
module attributes {stable_mosaic.version = 14 : i64} {
  func.func @_agg_body(%arg0: i32, %arg1: i32, %arg2: memref<10240x16xf32, #tpu.memory_space<hbm>>, %arg3: memref<2560x128xi32, #tpu.memory_space<hbm>>, %arg4: memref<2560x128xi32, #tpu.memory_space<hbm>>, %arg5: memref<1x2x10240x16xf32, #tpu.memory_space<hbm>>, %arg6: memref<10240x16xf32, #tpu.memory_space<vmem_shared>>, %arg7: memref<10240x16xf32, #tpu.memory_space<vmem_shared>>, %arg8: memref<16x128xi32, #tpu.memory_space<vmem>>, %arg9: memref<16x128xi32, #tpu.memory_space<vmem>>, %arg10: memref<2x128x16xf32, #tpu.memory_space<vmem>>, %arg11: memref<!tpu.dma_semaphore, #tpu.memory_space<semaphore_mem>>, %arg12: memref<!tpu.dma_semaphore, #tpu.memory_space<semaphore_mem>>, %arg13: memref<!tpu.dma_semaphore, #tpu.memory_space<semaphore_mem>>, %arg14: memref<!tpu.dma_semaphore, #tpu.memory_space<semaphore_mem>>) attributes {dimension_semantics = [#tpu.dimension_semantics<core_parallel>, #tpu.dimension_semantics<subcore_parallel>], iteration_bounds = array<i64: 2, 16>, scalar_prefetch = 0 : i64, scratch_operands = 9 : i64, tpu.core_type = #tpu.core_type<sc_vector_subcore>, window_params = [{transform_indices = #map}, {transform_indices = #map}, {transform_indices = #map}, {transform_indices = #map1}]} {
    %mul3A = arith.constant 2 : i32
    %mul3A_0 = arith.muli %arg1, %mul3A : i32
    %add3A = arith.addi %mul3A_0, %arg0 : i32
    %mul3A_1 = arith.constant 80 : i32
    %mul3A_2 = arith.muli %add3A, %mul3A_1 : i32
    %mul3A_3 = arith.constant 640 : i32
    %mul3A_4 = arith.muli %arg1, %mul3A_3 : i32
    %mul3A_5 = arith.constant 640 : i32
    %mul3A_6 = arith.muli %arg1, %mul3A_5 : i32
    "tpu.region"() ({
      %run_scoped3A_21 = tpu.sem_alloc : memref<!tpu.dma_semaphore, #tpu.memory_space<semaphore_mem>>
      %dma_start3A = arith.constant 0 : i32
      %dma_start3A_22 = tpu.memref_slice %arg6[%mul3A_6, %dma_start3A] : memref<10240x16xf32, #tpu.memory_space<vmem_shared>> -> memref<640x16xf32, #tpu.memory_space<vmem_shared>>
      %dma_start3A_23 = arith.constant 0 : i32
      %dma_start3A_24 = tpu.memref_slice %arg2[%mul3A_4, %dma_start3A_23] : memref<10240x16xf32, #tpu.memory_space<hbm>> -> memref<640x16xf32, #tpu.memory_space<hbm>>
      tpu.enqueue_dma source(%dma_start3A_24 : memref<640x16xf32, #tpu.memory_space<hbm>>) target(%dma_start3A_22 : memref<640x16xf32, #tpu.memory_space<vmem_shared>>) target_semaphore(%run_scoped3A_21 : memref<!tpu.dma_semaphore, #tpu.memory_space<semaphore_mem>>)
      %dma_wait3A = arith.constant 0 : i32
      %dma_wait3A_25 = tpu.memref_slice %arg6[%mul3A_6, %dma_wait3A] : memref<10240x16xf32, #tpu.memory_space<vmem_shared>> -> memref<640x16xf32, #tpu.memory_space<vmem_shared>>
      %dma_wait3A_26 = arith.constant 0 : i32
      %dma_wait3A_27 = tpu.memref_slice %arg2[%mul3A_4, %dma_wait3A_26] : memref<10240x16xf32, #tpu.memory_space<hbm>> -> memref<640x16xf32, #tpu.memory_space<hbm>>
      tpu.wait_dma2 semaphore(%run_scoped3A_21 : memref<!tpu.dma_semaphore, #tpu.memory_space<semaphore_mem>>) src(%dma_wait3A_27 : memref<640x16xf32, #tpu.memory_space<hbm>>) dst(%dma_wait3A_25 : memref<640x16xf32, #tpu.memory_space<vmem_shared>>)
      tpu.yield
    }) : () -> ()
    %mul3A_7 = arith.constant 640 : i32
    %mul3A_8 = arith.muli %arg1, %mul3A_7 : i32
    %mul3A_9 = arith.constant 640 : i32
    %mul3A_10 = arith.muli %arg1, %mul3A_9 : i32
    "tpu.region"() ({
      %run_scoped3A_21 = tpu.sem_alloc : memref<!tpu.dma_semaphore, #tpu.memory_space<semaphore_mem>>
      %dma_start3A = arith.constant 0 : i32
      %dma_start3A_22 = tpu.memref_slice %arg7[%mul3A_10, %dma_start3A] : memref<10240x16xf32, #tpu.memory_space<vmem_shared>> -> memref<640x16xf32, #tpu.memory_space<vmem_shared>>
      %dma_start3A_23 = arith.constant 0 : i32
      %dma_start3A_24 = tpu.memref_slice %arg2[%mul3A_8, %dma_start3A_23] : memref<10240x16xf32, #tpu.memory_space<hbm>> -> memref<640x16xf32, #tpu.memory_space<hbm>>
      tpu.enqueue_dma source(%dma_start3A_24 : memref<640x16xf32, #tpu.memory_space<hbm>>) target(%dma_start3A_22 : memref<640x16xf32, #tpu.memory_space<vmem_shared>>) target_semaphore(%run_scoped3A_21 : memref<!tpu.dma_semaphore, #tpu.memory_space<semaphore_mem>>)
      %dma_wait3A = arith.constant 0 : i32
      %dma_wait3A_25 = tpu.memref_slice %arg7[%mul3A_10, %dma_wait3A] : memref<10240x16xf32, #tpu.memory_space<vmem_shared>> -> memref<640x16xf32, #tpu.memory_space<vmem_shared>>
      %dma_wait3A_26 = arith.constant 0 : i32
      %dma_wait3A_27 = tpu.memref_slice %arg2[%mul3A_8, %dma_wait3A_26] : memref<10240x16xf32, #tpu.memory_space<hbm>> -> memref<640x16xf32, #tpu.memory_space<hbm>>
      tpu.wait_dma2 semaphore(%run_scoped3A_21 : memref<!tpu.dma_semaphore, #tpu.memory_space<semaphore_mem>>) src(%dma_wait3A_27 : memref<640x16xf32, #tpu.memory_space<hbm>>) dst(%dma_wait3A_25 : memref<640x16xf32, #tpu.memory_space<vmem_shared>>)
      tpu.yield
    }) : () -> ()
    %barrier3A = arith.constant 0 : index
    tpu.barrier barrier_id(%barrier3A)
    %scan3A = arith.constant 0 : i32
    %scan3A_11 = arith.constant 0 : i32
    %scan3A_12 = arith.constant 5 : i32
    %scan3A_13 = arith.addi %scan3A_11, %scan3A_12 : i32
    %scan3A_14 = arith.constant 1 : i32
    scf.for %scan3A_21 = %scan3A_11 to %scan3A_13 step %scan3A_14  : i32 {
      %mul3A_22 = arith.constant 16 : i32
      %mul3A_23 = arith.muli %scan3A_21, %mul3A_22 : i32
      %add3A_24 = arith.addi %mul3A_2, %mul3A_23 : i32
      "tpu.region"() ({
        %run_scoped3A_791 = tpu.sem_alloc : memref<!tpu.dma_semaphore, #tpu.memory_space<semaphore_mem>>
        %dma_start3A_792 = arith.constant 0 : i32
        %dma_start3A_793 = tpu.memref_slice %arg3[%add3A_24, %dma_start3A_792] : memref<2560x128xi32, #tpu.memory_space<hbm>> -> memref<16x128xi32, #tpu.memory_space<hbm>>
        %dma_start3A_794 = arith.constant 0 : i32
        %dma_start3A_795 = tpu.memref_slice %arg3[%add3A_24, %dma_start3A_794] : memref<2560x128xi32, #tpu.memory_space<hbm>> -> memref<16x128xi32, #tpu.memory_space<hbm>>
        tpu.enqueue_dma source(%dma_start3A_795 : memref<16x128xi32, #tpu.memory_space<hbm>>) target(%arg8 : memref<16x128xi32, #tpu.memory_space<vmem>>) target_semaphore(%run_scoped3A_791 : memref<!tpu.dma_semaphore, #tpu.memory_space<semaphore_mem>>)
        %dma_wait3A_796 = arith.constant 0 : i32
        %dma_wait3A_797 = tpu.memref_slice %arg3[%add3A_24, %dma_wait3A_796] : memref<2560x128xi32, #tpu.memory_space<hbm>> -> memref<16x128xi32, #tpu.memory_space<hbm>>
        %dma_wait3A_798 = arith.constant 0 : i32
        %dma_wait3A_799 = tpu.memref_slice %arg3[%add3A_24, %dma_wait3A_798] : memref<2560x128xi32, #tpu.memory_space<hbm>> -> memref<16x128xi32, #tpu.memory_space<hbm>>
        tpu.wait_dma2 semaphore(%run_scoped3A_791 : memref<!tpu.dma_semaphore, #tpu.memory_space<semaphore_mem>>) src(%dma_wait3A_799 : memref<16x128xi32, #tpu.memory_space<hbm>>) dst(%arg8 : memref<16x128xi32, #tpu.memory_space<vmem>>)
        tpu.yield
      }) : () -> ()
      "tpu.region"() ({
        %run_scoped3A_791 = tpu.sem_alloc : memref<!tpu.dma_semaphore, #tpu.memory_space<semaphore_mem>>
        %dma_start3A_792 = arith.constant 0 : i32
        %dma_start3A_793 = tpu.memref_slice %arg4[%add3A_24, %dma_start3A_792] : memref<2560x128xi32, #tpu.memory_space<hbm>> -> memref<16x128xi32, #tpu.memory_space<hbm>>
        %dma_start3A_794 = arith.constant 0 : i32
        %dma_start3A_795 = tpu.memref_slice %arg4[%add3A_24, %dma_start3A_794] : memref<2560x128xi32, #tpu.memory_space<hbm>> -> memref<16x128xi32, #tpu.memory_space<hbm>>
        tpu.enqueue_dma source(%dma_start3A_795 : memref<16x128xi32, #tpu.memory_space<hbm>>) target(%arg9 : memref<16x128xi32, #tpu.memory_space<vmem>>) target_semaphore(%run_scoped3A_791 : memref<!tpu.dma_semaphore, #tpu.memory_space<semaphore_mem>>)
        %dma_wait3A_796 = arith.constant 0 : i32
        %dma_wait3A_797 = tpu.memref_slice %arg4[%add3A_24, %dma_wait3A_796] : memref<2560x128xi32, #tpu.memory_space<hbm>> -> memref<16x128xi32, #tpu.memory_space<hbm>>
        %dma_wait3A_798 = arith.constant 0 : i32
        %dma_wait3A_799 = tpu.memref_slice %arg4[%add3A_24, %dma_wait3A_798] : memref<2560x128xi32, #tpu.memory_space<hbm>> -> memref<16x128xi32, #tpu.memory_space<hbm>>
        tpu.wait_dma2 semaphore(%run_scoped3A_791 : memref<!tpu.dma_semaphore, #tpu.memory_space<semaphore_mem>>) src(%dma_wait3A_799 : memref<16x128xi32, #tpu.memory_space<hbm>>) dst(%arg9 : memref<16x128xi32, #tpu.memory_space<vmem>>)
        tpu.yield
      }) : () -> ()
      %dma_start3A = arith.constant 0 : i32
      %dma_start3A_25 = arith.constant 0 : i32
      %dma_start3A_26 = arith.constant 0 : i32
      %dma_start3A_27 = arith.constant 0 : i32
      %dma_start3A_28 = tpu.memref_slice %arg10[%dma_start3A_25, %dma_start3A_26, %dma_start3A_27] : memref<2x128x16xf32, #tpu.memory_space<vmem>> -> memref<1x128x16xf32, #tpu.memory_space<vmem>>
      %dma_start3A_29 = tpu.memref_squeeze %dma_start3A_28 : memref<1x128x16xf32, #tpu.memory_space<vmem>> -> memref<128x16xf32, #tpu.memory_space<vmem>>
      %dma_start3A_30 = arith.constant 0 : i32
      %dma_start3A_31 = tpu.memref_slice %arg8[%dma_start3A, %dma_start3A_30] : memref<16x128xi32, #tpu.memory_space<vmem>> -> memref<1x128xi32, #tpu.memory_space<vmem>>
      %dma_start3A_32 = tpu.memref_squeeze %dma_start3A_31 : memref<1x128xi32, #tpu.memory_space<vmem>> -> memref<128xi32, #tpu.memory_space<vmem>>
      %dma_start3A_33 = arith.constant 0 : i32
      %dma_start3A_34 = arith.constant 0 : i32
      %dma_start3A_35 = tpu.memref_slice %arg6[%dma_start3A_33, %dma_start3A_34] : memref<10240x16xf32, #tpu.memory_space<vmem_shared>> -> memref<10240x16xf32, #tpu.memory_space<vmem_shared>>
      tpu.enqueue_indirect_dma source(%dma_start3A_35 : memref<10240x16xf32, #tpu.memory_space<vmem_shared>>) target(%dma_start3A_29 : memref<128x16xf32, #tpu.memory_space<vmem>>) offsets(%dma_start3A_32 : memref<128xi32, #tpu.memory_space<vmem>>) semaphore(%arg11 : memref<!tpu.dma_semaphore, #tpu.memory_space<semaphore_mem>>)
      %dma_wait3A = arith.constant 0 : i32
      %dma_wait3A_36 = arith.constant 0 : i32
      %dma_wait3A_37 = arith.constant 0 : i32
      %dma_wait3A_38 = arith.constant 0 : i32
      %dma_wait3A_39 = tpu.memref_slice %arg10[%dma_wait3A_36, %dma_wait3A_37, %dma_wait3A_38] : memref<2x128x16xf32, #tpu.memory_space<vmem>> -> memref<1x128x16xf32, #tpu.memory_space<vmem>>
      %dma_wait3A_40 = tpu.memref_squeeze %dma_wait3A_39 : memref<1x128x16xf32, #tpu.memory_space<vmem>> -> memref<128x16xf32, #tpu.memory_space<vmem>>
      %dma_wait3A_41 = arith.constant 0 : i32
      %dma_wait3A_42 = tpu.memref_slice %arg8[%dma_wait3A, %dma_wait3A_41] : memref<16x128xi32, #tpu.memory_space<vmem>> -> memref<1x128xi32, #tpu.memory_space<vmem>>
      %dma_wait3A_43 = tpu.memref_squeeze %dma_wait3A_42 : memref<1x128xi32, #tpu.memory_space<vmem>> -> memref<128xi32, #tpu.memory_space<vmem>>
      %dma_wait3A_44 = arith.constant 0 : i32
      %dma_wait3A_45 = arith.constant 0 : i32
      %dma_wait3A_46 = tpu.memref_slice %arg6[%dma_wait3A_44, %dma_wait3A_45] : memref<10240x16xf32, #tpu.memory_space<vmem_shared>> -> memref<10240x16xf32, #tpu.memory_space<vmem_shared>>
      tpu.wait_indirect_dma semaphore(%arg11 : memref<!tpu.dma_semaphore, #tpu.memory_space<semaphore_mem>>) src(%dma_wait3A_46 : memref<10240x16xf32, #tpu.memory_space<vmem_shared>>) dst(%dma_wait3A_40 : memref<128x16xf32, #tpu.memory_space<vmem>>)
      %dma_start3A_47 = arith.constant 0 : i32
      %dma_start3A_48 = arith.constant 0 : i32
      %dma_start3A_49 = arith.constant 0 : i32
      %dma_start3A_50 = arith.constant 0 : i32
      %dma_start3A_51 = tpu.memref_slice %arg10[%dma_start3A_47, %dma_start3A_49, %dma_start3A_50] : memref<2x128x16xf32, #tpu.memory_space<vmem>> -> memref<1x128x16xf32, #tpu.memory_space<vmem>>
      %dma_start3A_52 = tpu.memref_squeeze %dma_start3A_51 : memref<1x128x16xf32, #tpu.memory_space<vmem>> -> memref<128x16xf32, #tpu.memory_space<vmem>>
      %dma_start3A_53 = arith.constant 0 : i32
      %dma_start3A_54 = tpu.memref_slice %arg9[%dma_start3A_48, %dma_start3A_53] : memref<16x128xi32, #tpu.memory_space<vmem>> -> memref<1x128xi32, #tpu.memory_space<vmem>>
      %dma_start3A_55 = tpu.memref_squeeze %dma_start3A_54 : memref<1x128xi32, #tpu.memory_space<vmem>> -> memref<128xi32, #tpu.memory_space<vmem>>
      %dma_start3A_56 = arith.constant 0 : i32
      %dma_start3A_57 = arith.constant 0 : i32
      %dma_start3A_58 = tpu.memref_slice %arg7[%dma_start3A_56, %dma_start3A_57] : memref<10240x16xf32, #tpu.memory_space<vmem_shared>> -> memref<10240x16xf32, #tpu.memory_space<vmem_shared>>
      tpu.enqueue_indirect_dma source(%dma_start3A_52 : memref<128x16xf32, #tpu.memory_space<vmem>>) target(%dma_start3A_58 : memref<10240x16xf32, #tpu.memory_space<vmem_shared>>) offsets(%dma_start3A_55 : memref<128xi32, #tpu.memory_space<vmem>>) semaphore(%arg13 : memref<!tpu.dma_semaphore, #tpu.memory_space<semaphore_mem>>) {add = true}
      %dma_start3A_59 = arith.constant 1 : i32
      %dma_start3A_60 = arith.constant 1 : i32
      %dma_start3A_61 = arith.constant 0 : i32
      %dma_start3A_62 = arith.constant 0 : i32
      %dma_start3A_63 = tpu.memref_slice %arg10[%dma_start3A_60, %dma_start3A_61, %dma_start3A_62] : memref<2x128x16xf32, #tpu.memory_space<vmem>> -> memref<1x128x16xf32, #tpu.memory_space<vmem>>
      %dma_start3A_64 = tpu.memref_squeeze %dma_start3A_63 : memref<1x128x16xf32, #tpu.memory_space<vmem>> -> memref<128x16xf32, #tpu.memory_space<vmem>>
      %dma_start3A_65 = arith.constant 0 : i32
      %dma_start3A_66 = tpu.memref_slice %arg8[%dma_start3A_59, %dma_start3A_65] : memref<16x128xi32, #tpu.memory_space<vmem>> -> memref<1x128xi32, #tpu.memory_space<vmem>>
      %dma_start3A_67 = tpu.memref_squeeze %dma_start3A_66 : memref<1x128xi32, #tpu.memory_space<vmem>> -> memref<128xi32, #tpu.memory_space<vmem>>
      %dma_start3A_68 = arith.constant 0 : i32
      %dma_start3A_69 = arith.constant 0 : i32
      %dma_start3A_70 = tpu.memref_slice %arg6[%dma_start3A_68, %dma_start3A_69] : memref<10240x16xf32, #tpu.memory_space<vmem_shared>> -> memref<10240x16xf32, #tpu.memory_space<vmem_shared>>
      tpu.enqueue_indirect_dma source(%dma_start3A_70 : memref<10240x16xf32, #tpu.memory_space<vmem_shared>>) target(%dma_start3A_64 : memref<128x16xf32, #tpu.memory_space<vmem>>) offsets(%dma_start3A_67 : memref<128xi32, #tpu.memory_space<vmem>>) semaphore(%arg12 : memref<!tpu.dma_semaphore, #tpu.memory_space<semaphore_mem>>)
      %dma_wait3A_71 = arith.constant 1 : i32
      %dma_wait3A_72 = arith.constant 1 : i32
      %dma_wait3A_73 = arith.constant 0 : i32
      %dma_wait3A_74 = arith.constant 0 : i32
      %dma_wait3A_75 = tpu.memref_slice %arg10[%dma_wait3A_72, %dma_wait3A_73, %dma_wait3A_74] : memref<2x128x16xf32, #tpu.memory_space<vmem>> -> memref<1x128x16xf32, #tpu.memory_space<vmem>>
      %dma_wait3A_76 = tpu.memref_squeeze %dma_wait3A_75 : memref<1x128x16xf32, #tpu.memory_space<vmem>> -> memref<128x16xf32, #tpu.memory_space<vmem>>
      %dma_wait3A_77 = arith.constant 0 : i32
      %dma_wait3A_78 = tpu.memref_slice %arg8[%dma_wait3A_71, %dma_wait3A_77] : memref<16x128xi32, #tpu.memory_space<vmem>> -> memref<1x128xi32, #tpu.memory_space<vmem>>
      %dma_wait3A_79 = tpu.memref_squeeze %dma_wait3A_78 : memref<1x128xi32, #tpu.memory_space<vmem>> -> memref<128xi32, #tpu.memory_space<vmem>>
      %dma_wait3A_80 = arith.constant 0 : i32
      %dma_wait3A_81 = arith.constant 0 : i32
      %dma_wait3A_82 = tpu.memref_slice %arg6[%dma_wait3A_80, %dma_wait3A_81] : memref<10240x16xf32, #tpu.memory_space<vmem_shared>> -> memref<10240x16xf32, #tpu.memory_space<vmem_shared>>
      tpu.wait_indirect_dma semaphore(%arg12 : memref<!tpu.dma_semaphore, #tpu.memory_space<semaphore_mem>>) src(%dma_wait3A_82 : memref<10240x16xf32, #tpu.memory_space<vmem_shared>>) dst(%dma_wait3A_76 : memref<128x16xf32, #tpu.memory_space<vmem>>)
      %dma_start3A_83 = arith.constant 1 : i32
      %dma_start3A_84 = arith.constant 1 : i32
      %dma_start3A_85 = arith.constant 0 : i32
      %dma_start3A_86 = arith.constant 0 : i32
      %dma_start3A_87 = tpu.memref_slice %arg10[%dma_start3A_83, %dma_start3A_85, %dma_start3A_86] : memref<2x128x16xf32, #tpu.memory_space<vmem>> -> memref<1x128x16xf32, #tpu.memory_space<vmem>>
      %dma_start3A_88 = tpu.memref_squeeze %dma_start3A_87 : memref<1x128x16xf32, #tpu.memory_space<vmem>> -> memref<128x16xf32, #tpu.memory_space<vmem>>
      %dma_start3A_89 = arith.constant 0 : i32
      %dma_start3A_90 = tpu.memref_slice %arg9[%dma_start3A_84, %dma_start3A_89] : memref<16x128xi32, #tpu.memory_space<vmem>> -> memref<1x128xi32, #tpu.memory_space<vmem>>
      %dma_start3A_91 = tpu.memref_squeeze %dma_start3A_90 : memref<1x128xi32, #tpu.memory_space<vmem>> -> memref<128xi32, #tpu.memory_space<vmem>>
      %dma_start3A_92 = arith.constant 0 : i32
      %dma_start3A_93 = arith.constant 0 : i32
      %dma_start3A_94 = tpu.memref_slice %arg7[%dma_start3A_92, %dma_start3A_93] : memref<10240x16xf32, #tpu.memory_space<vmem_shared>> -> memref<10240x16xf32, #tpu.memory_space<vmem_shared>>
      tpu.enqueue_indirect_dma source(%dma_start3A_88 : memref<128x16xf32, #tpu.memory_space<vmem>>) target(%dma_start3A_94 : memref<10240x16xf32, #tpu.memory_space<vmem_shared>>) offsets(%dma_start3A_91 : memref<128xi32, #tpu.memory_space<vmem>>) semaphore(%arg14 : memref<!tpu.dma_semaphore, #tpu.memory_space<semaphore_mem>>) {add = true}
      %dma_wait3A_95 = arith.constant 0 : i32
      %dma_wait3A_96 = arith.constant 0 : i32
      %dma_wait3A_97 = arith.constant 0 : i32
      %dma_wait3A_98 = arith.constant 0 : i32
      %dma_wait3A_99 = tpu.memref_slice %arg10[%dma_wait3A_95, %dma_wait3A_97, %dma_wait3A_98] : memref<2x128x16xf32, #tpu.memory_space<vmem>> -> memref<1x128x16xf32, #tpu.memory_space<vmem>>
      %dma_wait3A_100 = tpu.memref_squeeze %dma_wait3A_99 : memref<1x128x16xf32, #tpu.memory_space<vmem>> -> memref<128x16xf32, #tpu.memory_space<vmem>>
      %dma_wait3A_101 = arith.constant 0 : i32
      %dma_wait3A_102 = tpu.memref_slice %arg9[%dma_wait3A_96, %dma_wait3A_101] : memref<16x128xi32, #tpu.memory_space<vmem>> -> memref<1x128xi32, #tpu.memory_space<vmem>>
      %dma_wait3A_103 = tpu.memref_squeeze %dma_wait3A_102 : memref<1x128xi32, #tpu.memory_space<vmem>> -> memref<128xi32, #tpu.memory_space<vmem>>
      %dma_wait3A_104 = arith.constant 0 : i32
      %dma_wait3A_105 = arith.constant 0 : i32
      %dma_wait3A_106 = tpu.memref_slice %arg7[%dma_wait3A_104, %dma_wait3A_105] : memref<10240x16xf32, #tpu.memory_space<vmem_shared>> -> memref<10240x16xf32, #tpu.memory_space<vmem_shared>>
      tpu.wait_indirect_dma semaphore(%arg13 : memref<!tpu.dma_semaphore, #tpu.memory_space<semaphore_mem>>) src(%dma_wait3A_100 : memref<128x16xf32, #tpu.memory_space<vmem>>) dst(%dma_wait3A_106 : memref<10240x16xf32, #tpu.memory_space<vmem_shared>>)
      %dma_start3A_107 = arith.constant 2 : i32
      %dma_start3A_108 = arith.constant 0 : i32
      %dma_start3A_109 = arith.constant 0 : i32
      %dma_start3A_110 = arith.constant 0 : i32
      %dma_start3A_111 = tpu.memref_slice %arg10[%dma_start3A_108, %dma_start3A_109, %dma_start3A_110] : memref<2x128x16xf32, #tpu.memory_space<vmem>> -> memref<1x128x16xf32, #tpu.memory_space<vmem>>
      %dma_start3A_112 = tpu.memref_squeeze %dma_start3A_111 : memref<1x128x16xf32, #tpu.memory_space<vmem>> -> memref<128x16xf32, #tpu.memory_space<vmem>>
      %dma_start3A_113 = arith.constant 0 : i32
      %dma_start3A_114 = tpu.memref_slice %arg8[%dma_start3A_107, %dma_start3A_113] : memref<16x128xi32, #tpu.memory_space<vmem>> -> memref<1x128xi32, #tpu.memory_space<vmem>>
      %dma_start3A_115 = tpu.memref_squeeze %dma_start3A_114 : memref<1x128xi32, #tpu.memory_space<vmem>> -> memref<128xi32, #tpu.memory_space<vmem>>
      %dma_start3A_116 = arith.constant 0 : i32
      %dma_start3A_117 = arith.constant 0 : i32
      %dma_start3A_118 = tpu.memref_slice %arg6[%dma_start3A_116, %dma_start3A_117] : memref<10240x16xf32, #tpu.memory_space<vmem_shared>> -> memref<10240x16xf32, #tpu.memory_space<vmem_shared>>
      tpu.enqueue_indirect_dma source(%dma_start3A_118 : memref<10240x16xf32, #tpu.memory_space<vmem_shared>>) target(%dma_start3A_112 : memref<128x16xf32, #tpu.memory_space<vmem>>) offsets(%dma_start3A_115 : memref<128xi32, #tpu.memory_space<vmem>>) semaphore(%arg11 : memref<!tpu.dma_semaphore, #tpu.memory_space<semaphore_mem>>)
      %dma_wait3A_119 = arith.constant 2 : i32
      %dma_wait3A_120 = arith.constant 0 : i32
      %dma_wait3A_121 = arith.constant 0 : i32
      %dma_wait3A_122 = arith.constant 0 : i32
      %dma_wait3A_123 = tpu.memref_slice %arg10[%dma_wait3A_120, %dma_wait3A_121, %dma_wait3A_122] : memref<2x128x16xf32, #tpu.memory_space<vmem>> -> memref<1x128x16xf32, #tpu.memory_space<vmem>>
      %dma_wait3A_124 = tpu.memref_squeeze %dma_wait3A_123 : memref<1x128x16xf32, #tpu.memory_space<vmem>> -> memref<128x16xf32, #tpu.memory_space<vmem>>
      %dma_wait3A_125 = arith.constant 0 : i32
      %dma_wait3A_126 = tpu.memref_slice %arg8[%dma_wait3A_119, %dma_wait3A_125] : memref<16x128xi32, #tpu.memory_space<vmem>> -> memref<1x128xi32, #tpu.memory_space<vmem>>
      %dma_wait3A_127 = tpu.memref_squeeze %dma_wait3A_126 : memref<1x128xi32, #tpu.memory_space<vmem>> -> memref<128xi32, #tpu.memory_space<vmem>>
      %dma_wait3A_128 = arith.constant 0 : i32
      %dma_wait3A_129 = arith.constant 0 : i32
      %dma_wait3A_130 = tpu.memref_slice %arg6[%dma_wait3A_128, %dma_wait3A_129] : memref<10240x16xf32, #tpu.memory_space<vmem_shared>> -> memref<10240x16xf32, #tpu.memory_space<vmem_shared>>
      tpu.wait_indirect_dma semaphore(%arg11 : memref<!tpu.dma_semaphore, #tpu.memory_space<semaphore_mem>>) src(%dma_wait3A_130 : memref<10240x16xf32, #tpu.memory_space<vmem_shared>>) dst(%dma_wait3A_124 : memref<128x16xf32, #tpu.memory_space<vmem>>)
      %dma_start3A_131 = arith.constant 0 : i32
      %dma_start3A_132 = arith.constant 2 : i32
      %dma_start3A_133 = arith.constant 0 : i32
      %dma_start3A_134 = arith.constant 0 : i32
      %dma_start3A_135 = tpu.memref_slice %arg10[%dma_start3A_131, %dma_start3A_133, %dma_start3A_134] : memref<2x128x16xf32, #tpu.memory_space<vmem>> -> memref<1x128x16xf32, #tpu.memory_space<vmem>>
      %dma_start3A_136 = tpu.memref_squeeze %dma_start3A_135 : memref<1x128x16xf32, #tpu.memory_space<vmem>> -> memref<128x16xf32, #tpu.memory_space<vmem>>
      %dma_start3A_137 = arith.constant 0 : i32
      %dma_start3A_138 = tpu.memref_slice %arg9[%dma_start3A_132, %dma_start3A_137] : memref<16x128xi32, #tpu.memory_space<vmem>> -> memref<1x128xi32, #tpu.memory_space<vmem>>
      %dma_start3A_139 = tpu.memref_squeeze %dma_start3A_138 : memref<1x128xi32, #tpu.memory_space<vmem>> -> memref<128xi32, #tpu.memory_space<vmem>>
      %dma_start3A_140 = arith.constant 0 : i32
      %dma_start3A_141 = arith.constant 0 : i32
      %dma_start3A_142 = tpu.memref_slice %arg7[%dma_start3A_140, %dma_start3A_141] : memref<10240x16xf32, #tpu.memory_space<vmem_shared>> -> memref<10240x16xf32, #tpu.memory_space<vmem_shared>>
      tpu.enqueue_indirect_dma source(%dma_start3A_136 : memref<128x16xf32, #tpu.memory_space<vmem>>) target(%dma_start3A_142 : memref<10240x16xf32, #tpu.memory_space<vmem_shared>>) offsets(%dma_start3A_139 : memref<128xi32, #tpu.memory_space<vmem>>) semaphore(%arg13 : memref<!tpu.dma_semaphore, #tpu.memory_space<semaphore_mem>>) {add = true}
      %dma_wait3A_143 = arith.constant 1 : i32
      %dma_wait3A_144 = arith.constant 1 : i32
      %dma_wait3A_145 = arith.constant 0 : i32
      %dma_wait3A_146 = arith.constant 0 : i32
      %dma_wait3A_147 = tpu.memref_slice %arg10[%dma_wait3A_143, %dma_wait3A_145, %dma_wait3A_146] : memref<2x128x16xf32, #tpu.memory_space<vmem>> -> memref<1x128x16xf32, #tpu.memory_space<vmem>>
      %dma_wait3A_148 = tpu.memref_squeeze %dma_wait3A_147 : memref<1x128x16xf32, #tpu.memory_space<vmem>> -> memref<128x16xf32, #tpu.memory_space<vmem>>
      %dma_wait3A_149 = arith.constant 0 : i32
      %dma_wait3A_150 = tpu.memref_slice %arg9[%dma_wait3A_144, %dma_wait3A_149] : memref<16x128xi32, #tpu.memory_space<vmem>> -> memref<1x128xi32, #tpu.memory_space<vmem>>
      %dma_wait3A_151 = tpu.memref_squeeze %dma_wait3A_150 : memref<1x128xi32, #tpu.memory_space<vmem>> -> memref<128xi32, #tpu.memory_space<vmem>>
      %dma_wait3A_152 = arith.constant 0 : i32
      %dma_wait3A_153 = arith.constant 0 : i32
      %dma_wait3A_154 = tpu.memref_slice %arg7[%dma_wait3A_152, %dma_wait3A_153] : memref<10240x16xf32, #tpu.memory_space<vmem_shared>> -> memref<10240x16xf32, #tpu.memory_space<vmem_shared>>
      tpu.wait_indirect_dma semaphore(%arg14 : memref<!tpu.dma_semaphore, #tpu.memory_space<semaphore_mem>>) src(%dma_wait3A_148 : memref<128x16xf32, #tpu.memory_space<vmem>>) dst(%dma_wait3A_154 : memref<10240x16xf32, #tpu.memory_space<vmem_shared>>)
      %dma_start3A_155 = arith.constant 3 : i32
      %dma_start3A_156 = arith.constant 1 : i32
      %dma_start3A_157 = arith.constant 0 : i32
      %dma_start3A_158 = arith.constant 0 : i32
      %dma_start3A_159 = tpu.memref_slice %arg10[%dma_start3A_156, %dma_start3A_157, %dma_start3A_158] : memref<2x128x16xf32, #tpu.memory_space<vmem>> -> memref<1x128x16xf32, #tpu.memory_space<vmem>>
      %dma_start3A_160 = tpu.memref_squeeze %dma_start3A_159 : memref<1x128x16xf32, #tpu.memory_space<vmem>> -> memref<128x16xf32, #tpu.memory_space<vmem>>
      %dma_start3A_161 = arith.constant 0 : i32
      %dma_start3A_162 = tpu.memref_slice %arg8[%dma_start3A_155, %dma_start3A_161] : memref<16x128xi32, #tpu.memory_space<vmem>> -> memref<1x128xi32, #tpu.memory_space<vmem>>
      %dma_start3A_163 = tpu.memref_squeeze %dma_start3A_162 : memref<1x128xi32, #tpu.memory_space<vmem>> -> memref<128xi32, #tpu.memory_space<vmem>>
      %dma_start3A_164 = arith.constant 0 : i32
      %dma_start3A_165 = arith.constant 0 : i32
      %dma_start3A_166 = tpu.memref_slice %arg6[%dma_start3A_164, %dma_start3A_165] : memref<10240x16xf32, #tpu.memory_space<vmem_shared>> -> memref<10240x16xf32, #tpu.memory_space<vmem_shared>>
      tpu.enqueue_indirect_dma source(%dma_start3A_166 : memref<10240x16xf32, #tpu.memory_space<vmem_shared>>) target(%dma_start3A_160 : memref<128x16xf32, #tpu.memory_space<vmem>>) offsets(%dma_start3A_163 : memref<128xi32, #tpu.memory_space<vmem>>) semaphore(%arg12 : memref<!tpu.dma_semaphore, #tpu.memory_space<semaphore_mem>>)
      %dma_wait3A_167 = arith.constant 3 : i32
      %dma_wait3A_168 = arith.constant 1 : i32
      %dma_wait3A_169 = arith.constant 0 : i32
      %dma_wait3A_170 = arith.constant 0 : i32
      %dma_wait3A_171 = tpu.memref_slice %arg10[%dma_wait3A_168, %dma_wait3A_169, %dma_wait3A_170] : memref<2x128x16xf32, #tpu.memory_space<vmem>> -> memref<1x128x16xf32, #tpu.memory_space<vmem>>
      %dma_wait3A_172 = tpu.memref_squeeze %dma_wait3A_171 : memref<1x128x16xf32, #tpu.memory_space<vmem>> -> memref<128x16xf32, #tpu.memory_space<vmem>>
      %dma_wait3A_173 = arith.constant 0 : i32
      %dma_wait3A_174 = tpu.memref_slice %arg8[%dma_wait3A_167, %dma_wait3A_173] : memref<16x128xi32, #tpu.memory_space<vmem>> -> memref<1x128xi32, #tpu.memory_space<vmem>>
      %dma_wait3A_175 = tpu.memref_squeeze %dma_wait3A_174 : memref<1x128xi32, #tpu.memory_space<vmem>> -> memref<128xi32, #tpu.memory_space<vmem>>
      %dma_wait3A_176 = arith.constant 0 : i32
      %dma_wait3A_177 = arith.constant 0 : i32
      %dma_wait3A_178 = tpu.memref_slice %arg6[%dma_wait3A_176, %dma_wait3A_177] : memref<10240x16xf32, #tpu.memory_space<vmem_shared>> -> memref<10240x16xf32, #tpu.memory_space<vmem_shared>>
      tpu.wait_indirect_dma semaphore(%arg12 : memref<!tpu.dma_semaphore, #tpu.memory_space<semaphore_mem>>) src(%dma_wait3A_178 : memref<10240x16xf32, #tpu.memory_space<vmem_shared>>) dst(%dma_wait3A_172 : memref<128x16xf32, #tpu.memory_space<vmem>>)
      %dma_start3A_179 = arith.constant 1 : i32
      %dma_start3A_180 = arith.constant 3 : i32
      %dma_start3A_181 = arith.constant 0 : i32
      %dma_start3A_182 = arith.constant 0 : i32
      %dma_start3A_183 = tpu.memref_slice %arg10[%dma_start3A_179, %dma_start3A_181, %dma_start3A_182] : memref<2x128x16xf32, #tpu.memory_space<vmem>> -> memref<1x128x16xf32, #tpu.memory_space<vmem>>
      %dma_start3A_184 = tpu.memref_squeeze %dma_start3A_183 : memref<1x128x16xf32, #tpu.memory_space<vmem>> -> memref<128x16xf32, #tpu.memory_space<vmem>>
      %dma_start3A_185 = arith.constant 0 : i32
      %dma_start3A_186 = tpu.memref_slice %arg9[%dma_start3A_180, %dma_start3A_185] : memref<16x128xi32, #tpu.memory_space<vmem>> -> memref<1x128xi32, #tpu.memory_space<vmem>>
      %dma_start3A_187 = tpu.memref_squeeze %dma_start3A_186 : memref<1x128xi32, #tpu.memory_space<vmem>> -> memref<128xi32, #tpu.memory_space<vmem>>
      %dma_start3A_188 = arith.constant 0 : i32
      %dma_start3A_189 = arith.constant 0 : i32
      %dma_start3A_190 = tpu.memref_slice %arg7[%dma_start3A_188, %dma_start3A_189] : memref<10240x16xf32, #tpu.memory_space<vmem_shared>> -> memref<10240x16xf32, #tpu.memory_space<vmem_shared>>
      tpu.enqueue_indirect_dma source(%dma_start3A_184 : memref<128x16xf32, #tpu.memory_space<vmem>>) target(%dma_start3A_190 : memref<10240x16xf32, #tpu.memory_space<vmem_shared>>) offsets(%dma_start3A_187 : memref<128xi32, #tpu.memory_space<vmem>>) semaphore(%arg14 : memref<!tpu.dma_semaphore, #tpu.memory_space<semaphore_mem>>) {add = true}
      %dma_wait3A_191 = arith.constant 0 : i32
      %dma_wait3A_192 = arith.constant 2 : i32
      %dma_wait3A_193 = arith.constant 0 : i32
      %dma_wait3A_194 = arith.constant 0 : i32
      %dma_wait3A_195 = tpu.memref_slice %arg10[%dma_wait3A_191, %dma_wait3A_193, %dma_wait3A_194] : memref<2x128x16xf32, #tpu.memory_space<vmem>> -> memref<1x128x16xf32, #tpu.memory_space<vmem>>
      %dma_wait3A_196 = tpu.memref_squeeze %dma_wait3A_195 : memref<1x128x16xf32, #tpu.memory_space<vmem>> -> memref<128x16xf32, #tpu.memory_space<vmem>>
      %dma_wait3A_197 = arith.constant 0 : i32
      %dma_wait3A_198 = tpu.memref_slice %arg9[%dma_wait3A_192, %dma_wait3A_197] : memref<16x128xi32, #tpu.memory_space<vmem>> -> memref<1x128xi32, #tpu.memory_space<vmem>>
      %dma_wait3A_199 = tpu.memref_squeeze %dma_wait3A_198 : memref<1x128xi32, #tpu.memory_space<vmem>> -> memref<128xi32, #tpu.memory_space<vmem>>
      %dma_wait3A_200 = arith.constant 0 : i32
      %dma_wait3A_201 = arith.constant 0 : i32
      %dma_wait3A_202 = tpu.memref_slice %arg7[%dma_wait3A_200, %dma_wait3A_201] : memref<10240x16xf32, #tpu.memory_space<vmem_shared>> -> memref<10240x16xf32, #tpu.memory_space<vmem_shared>>
      tpu.wait_indirect_dma semaphore(%arg13 : memref<!tpu.dma_semaphore, #tpu.memory_space<semaphore_mem>>) src(%dma_wait3A_196 : memref<128x16xf32, #tpu.memory_space<vmem>>) dst(%dma_wait3A_202 : memref<10240x16xf32, #tpu.memory_space<vmem_shared>>)
      %dma_start3A_203 = arith.constant 4 : i32
      %dma_start3A_204 = arith.constant 0 : i32
      %dma_start3A_205 = arith.constant 0 : i32
      %dma_start3A_206 = arith.constant 0 : i32
      %dma_start3A_207 = tpu.memref_slice %arg10[%dma_start3A_204, %dma_start3A_205, %dma_start3A_206] : memref<2x128x16xf32, #tpu.memory_space<vmem>> -> memref<1x128x16xf32, #tpu.memory_space<vmem>>
      %dma_start3A_208 = tpu.memref_squeeze %dma_start3A_207 : memref<1x128x16xf32, #tpu.memory_space<vmem>> -> memref<128x16xf32, #tpu.memory_space<vmem>>
      %dma_start3A_209 = arith.constant 0 : i32
      %dma_start3A_210 = tpu.memref_slice %arg8[%dma_start3A_203, %dma_start3A_209] : memref<16x128xi32, #tpu.memory_space<vmem>> -> memref<1x128xi32, #tpu.memory_space<vmem>>
      %dma_start3A_211 = tpu.memref_squeeze %dma_start3A_210 : memref<1x128xi32, #tpu.memory_space<vmem>> -> memref<128xi32, #tpu.memory_space<vmem>>
      %dma_start3A_212 = arith.constant 0 : i32
      %dma_start3A_213 = arith.constant 0 : i32
      %dma_start3A_214 = tpu.memref_slice %arg6[%dma_start3A_212, %dma_start3A_213] : memref<10240x16xf32, #tpu.memory_space<vmem_shared>> -> memref<10240x16xf32, #tpu.memory_space<vmem_shared>>
      tpu.enqueue_indirect_dma source(%dma_start3A_214 : memref<10240x16xf32, #tpu.memory_space<vmem_shared>>) target(%dma_start3A_208 : memref<128x16xf32, #tpu.memory_space<vmem>>) offsets(%dma_start3A_211 : memref<128xi32, #tpu.memory_space<vmem>>) semaphore(%arg11 : memref<!tpu.dma_semaphore, #tpu.memory_space<semaphore_mem>>)
      %dma_wait3A_215 = arith.constant 4 : i32
      %dma_wait3A_216 = arith.constant 0 : i32
      %dma_wait3A_217 = arith.constant 0 : i32
      %dma_wait3A_218 = arith.constant 0 : i32
      %dma_wait3A_219 = tpu.memref_slice %arg10[%dma_wait3A_216, %dma_wait3A_217, %dma_wait3A_218] : memref<2x128x16xf32, #tpu.memory_space<vmem>> -> memref<1x128x16xf32, #tpu.memory_space<vmem>>
      %dma_wait3A_220 = tpu.memref_squeeze %dma_wait3A_219 : memref<1x128x16xf32, #tpu.memory_space<vmem>> -> memref<128x16xf32, #tpu.memory_space<vmem>>
      %dma_wait3A_221 = arith.constant 0 : i32
      %dma_wait3A_222 = tpu.memref_slice %arg8[%dma_wait3A_215, %dma_wait3A_221] : memref<16x128xi32, #tpu.memory_space<vmem>> -> memref<1x128xi32, #tpu.memory_space<vmem>>
      %dma_wait3A_223 = tpu.memref_squeeze %dma_wait3A_222 : memref<1x128xi32, #tpu.memory_space<vmem>> -> memref<128xi32, #tpu.memory_space<vmem>>
      %dma_wait3A_224 = arith.constant 0 : i32
      %dma_wait3A_225 = arith.constant 0 : i32
      %dma_wait3A_226 = tpu.memref_slice %arg6[%dma_wait3A_224, %dma_wait3A_225] : memref<10240x16xf32, #tpu.memory_space<vmem_shared>> -> memref<10240x16xf32, #tpu.memory_space<vmem_shared>>
      tpu.wait_indirect_dma semaphore(%arg11 : memref<!tpu.dma_semaphore, #tpu.memory_space<semaphore_mem>>) src(%dma_wait3A_226 : memref<10240x16xf32, #tpu.memory_space<vmem_shared>>) dst(%dma_wait3A_220 : memref<128x16xf32, #tpu.memory_space<vmem>>)
      %dma_start3A_227 = arith.constant 0 : i32
      %dma_start3A_228 = arith.constant 4 : i32
      %dma_start3A_229 = arith.constant 0 : i32
      %dma_start3A_230 = arith.constant 0 : i32
      %dma_start3A_231 = tpu.memref_slice %arg10[%dma_start3A_227, %dma_start3A_229, %dma_start3A_230] : memref<2x128x16xf32, #tpu.memory_space<vmem>> -> memref<1x128x16xf32, #tpu.memory_space<vmem>>
      %dma_start3A_232 = tpu.memref_squeeze %dma_start3A_231 : memref<1x128x16xf32, #tpu.memory_space<vmem>> -> memref<128x16xf32, #tpu.memory_space<vmem>>
      %dma_start3A_233 = arith.constant 0 : i32
      %dma_start3A_234 = tpu.memref_slice %arg9[%dma_start3A_228, %dma_start3A_233] : memref<16x128xi32, #tpu.memory_space<vmem>> -> memref<1x128xi32, #tpu.memory_space<vmem>>
      %dma_start3A_235 = tpu.memref_squeeze %dma_start3A_234 : memref<1x128xi32, #tpu.memory_space<vmem>> -> memref<128xi32, #tpu.memory_space<vmem>>
      %dma_start3A_236 = arith.constant 0 : i32
      %dma_start3A_237 = arith.constant 0 : i32
      %dma_start3A_238 = tpu.memref_slice %arg7[%dma_start3A_236, %dma_start3A_237] : memref<10240x16xf32, #tpu.memory_space<vmem_shared>> -> memref<10240x16xf32, #tpu.memory_space<vmem_shared>>
      tpu.enqueue_indirect_dma source(%dma_start3A_232 : memref<128x16xf32, #tpu.memory_space<vmem>>) target(%dma_start3A_238 : memref<10240x16xf32, #tpu.memory_space<vmem_shared>>) offsets(%dma_start3A_235 : memref<128xi32, #tpu.memory_space<vmem>>) semaphore(%arg13 : memref<!tpu.dma_semaphore, #tpu.memory_space<semaphore_mem>>) {add = true}
      %dma_wait3A_239 = arith.constant 1 : i32
      %dma_wait3A_240 = arith.constant 3 : i32
      %dma_wait3A_241 = arith.constant 0 : i32
      %dma_wait3A_242 = arith.constant 0 : i32
      %dma_wait3A_243 = tpu.memref_slice %arg10[%dma_wait3A_239, %dma_wait3A_241, %dma_wait3A_242] : memref<2x128x16xf32, #tpu.memory_space<vmem>> -> memref<1x128x16xf32, #tpu.memory_space<vmem>>
      %dma_wait3A_244 = tpu.memref_squeeze %dma_wait3A_243 : memref<1x128x16xf32, #tpu.memory_space<vmem>> -> memref<128x16xf32, #tpu.memory_space<vmem>>
      %dma_wait3A_245 = arith.constant 0 : i32
      %dma_wait3A_246 = tpu.memref_slice %arg9[%dma_wait3A_240, %dma_wait3A_245] : memref<16x128xi32, #tpu.memory_space<vmem>> -> memref<1x128xi32, #tpu.memory_space<vmem>>
      %dma_wait3A_247 = tpu.memref_squeeze %dma_wait3A_246 : memref<1x128xi32, #tpu.memory_space<vmem>> -> memref<128xi32, #tpu.memory_space<vmem>>
      %dma_wait3A_248 = arith.constant 0 : i32
      %dma_wait3A_249 = arith.constant 0 : i32
      %dma_wait3A_250 = tpu.memref_slice %arg7[%dma_wait3A_248, %dma_wait3A_249] : memref<10240x16xf32, #tpu.memory_space<vmem_shared>> -> memref<10240x16xf32, #tpu.memory_space<vmem_shared>>
      tpu.wait_indirect_dma semaphore(%arg14 : memref<!tpu.dma_semaphore, #tpu.memory_space<semaphore_mem>>) src(%dma_wait3A_244 : memref<128x16xf32, #tpu.memory_space<vmem>>) dst(%dma_wait3A_250 : memref<10240x16xf32, #tpu.memory_space<vmem_shared>>)
      %dma_start3A_251 = arith.constant 5 : i32
      %dma_start3A_252 = arith.constant 1 : i32
      %dma_start3A_253 = arith.constant 0 : i32
      %dma_start3A_254 = arith.constant 0 : i32
      %dma_start3A_255 = tpu.memref_slice %arg10[%dma_start3A_252, %dma_start3A_253, %dma_start3A_254] : memref<2x128x16xf32, #tpu.memory_space<vmem>> -> memref<1x128x16xf32, #tpu.memory_space<vmem>>
      %dma_start3A_256 = tpu.memref_squeeze %dma_start3A_255 : memref<1x128x16xf32, #tpu.memory_space<vmem>> -> memref<128x16xf32, #tpu.memory_space<vmem>>
      %dma_start3A_257 = arith.constant 0 : i32
      %dma_start3A_258 = tpu.memref_slice %arg8[%dma_start3A_251, %dma_start3A_257] : memref<16x128xi32, #tpu.memory_space<vmem>> -> memref<1x128xi32, #tpu.memory_space<vmem>>
      %dma_start3A_259 = tpu.memref_squeeze %dma_start3A_258 : memref<1x128xi32, #tpu.memory_space<vmem>> -> memref<128xi32, #tpu.memory_space<vmem>>
      %dma_start3A_260 = arith.constant 0 : i32
      %dma_start3A_261 = arith.constant 0 : i32
      %dma_start3A_262 = tpu.memref_slice %arg6[%dma_start3A_260, %dma_start3A_261] : memref<10240x16xf32, #tpu.memory_space<vmem_shared>> -> memref<10240x16xf32, #tpu.memory_space<vmem_shared>>
      tpu.enqueue_indirect_dma source(%dma_start3A_262 : memref<10240x16xf32, #tpu.memory_space<vmem_shared>>) target(%dma_start3A_256 : memref<128x16xf32, #tpu.memory_space<vmem>>) offsets(%dma_start3A_259 : memref<128xi32, #tpu.memory_space<vmem>>) semaphore(%arg12 : memref<!tpu.dma_semaphore, #tpu.memory_space<semaphore_mem>>)
      %dma_wait3A_263 = arith.constant 5 : i32
      %dma_wait3A_264 = arith.constant 1 : i32
      %dma_wait3A_265 = arith.constant 0 : i32
      %dma_wait3A_266 = arith.constant 0 : i32
      %dma_wait3A_267 = tpu.memref_slice %arg10[%dma_wait3A_264, %dma_wait3A_265, %dma_wait3A_266] : memref<2x128x16xf32, #tpu.memory_space<vmem>> -> memref<1x128x16xf32, #tpu.memory_space<vmem>>
      %dma_wait3A_268 = tpu.memref_squeeze %dma_wait3A_267 : memref<1x128x16xf32, #tpu.memory_space<vmem>> -> memref<128x16xf32, #tpu.memory_space<vmem>>
      %dma_wait3A_269 = arith.constant 0 : i32
      %dma_wait3A_270 = tpu.memref_slice %arg8[%dma_wait3A_263, %dma_wait3A_269] : memref<16x128xi32, #tpu.memory_space<vmem>> -> memref<1x128xi32, #tpu.memory_space<vmem>>
      %dma_wait3A_271 = tpu.memref_squeeze %dma_wait3A_270 : memref<1x128xi32, #tpu.memory_space<vmem>> -> memref<128xi32, #tpu.memory_space<vmem>>
      %dma_wait3A_272 = arith.constant 0 : i32
      %dma_wait3A_273 = arith.constant 0 : i32
      %dma_wait3A_274 = tpu.memref_slice %arg6[%dma_wait3A_272, %dma_wait3A_273] : memref<10240x16xf32, #tpu.memory_space<vmem_shared>> -> memref<10240x16xf32, #tpu.memory_space<vmem_shared>>
      tpu.wait_indirect_dma semaphore(%arg12 : memref<!tpu.dma_semaphore, #tpu.memory_space<semaphore_mem>>) src(%dma_wait3A_274 : memref<10240x16xf32, #tpu.memory_space<vmem_shared>>) dst(%dma_wait3A_268 : memref<128x16xf32, #tpu.memory_space<vmem>>)
      %dma_start3A_275 = arith.constant 1 : i32
      %dma_start3A_276 = arith.constant 5 : i32
      %dma_start3A_277 = arith.constant 0 : i32
      %dma_start3A_278 = arith.constant 0 : i32
      %dma_start3A_279 = tpu.memref_slice %arg10[%dma_start3A_275, %dma_start3A_277, %dma_start3A_278] : memref<2x128x16xf32, #tpu.memory_space<vmem>> -> memref<1x128x16xf32, #tpu.memory_space<vmem>>
      %dma_start3A_280 = tpu.memref_squeeze %dma_start3A_279 : memref<1x128x16xf32, #tpu.memory_space<vmem>> -> memref<128x16xf32, #tpu.memory_space<vmem>>
      %dma_start3A_281 = arith.constant 0 : i32
      %dma_start3A_282 = tpu.memref_slice %arg9[%dma_start3A_276, %dma_start3A_281] : memref<16x128xi32, #tpu.memory_space<vmem>> -> memref<1x128xi32, #tpu.memory_space<vmem>>
      %dma_start3A_283 = tpu.memref_squeeze %dma_start3A_282 : memref<1x128xi32, #tpu.memory_space<vmem>> -> memref<128xi32, #tpu.memory_space<vmem>>
      %dma_start3A_284 = arith.constant 0 : i32
      %dma_start3A_285 = arith.constant 0 : i32
      %dma_start3A_286 = tpu.memref_slice %arg7[%dma_start3A_284, %dma_start3A_285] : memref<10240x16xf32, #tpu.memory_space<vmem_shared>> -> memref<10240x16xf32, #tpu.memory_space<vmem_shared>>
      tpu.enqueue_indirect_dma source(%dma_start3A_280 : memref<128x16xf32, #tpu.memory_space<vmem>>) target(%dma_start3A_286 : memref<10240x16xf32, #tpu.memory_space<vmem_shared>>) offsets(%dma_start3A_283 : memref<128xi32, #tpu.memory_space<vmem>>) semaphore(%arg14 : memref<!tpu.dma_semaphore, #tpu.memory_space<semaphore_mem>>) {add = true}
      %dma_wait3A_287 = arith.constant 0 : i32
      %dma_wait3A_288 = arith.constant 4 : i32
      %dma_wait3A_289 = arith.constant 0 : i32
      %dma_wait3A_290 = arith.constant 0 : i32
      %dma_wait3A_291 = tpu.memref_slice %arg10[%dma_wait3A_287, %dma_wait3A_289, %dma_wait3A_290] : memref<2x128x16xf32, #tpu.memory_space<vmem>> -> memref<1x128x16xf32, #tpu.memory_space<vmem>>
      %dma_wait3A_292 = tpu.memref_squeeze %dma_wait3A_291 : memref<1x128x16xf32, #tpu.memory_space<vmem>> -> memref<128x16xf32, #tpu.memory_space<vmem>>
      %dma_wait3A_293 = arith.constant 0 : i32
      %dma_wait3A_294 = tpu.memref_slice %arg9[%dma_wait3A_288, %dma_wait3A_293] : memref<16x128xi32, #tpu.memory_space<vmem>> -> memref<1x128xi32, #tpu.memory_space<vmem>>
      %dma_wait3A_295 = tpu.memref_squeeze %dma_wait3A_294 : memref<1x128xi32, #tpu.memory_space<vmem>> -> memref<128xi32, #tpu.memory_space<vmem>>
      %dma_wait3A_296 = arith.constant 0 : i32
      %dma_wait3A_297 = arith.constant 0 : i32
      %dma_wait3A_298 = tpu.memref_slice %arg7[%dma_wait3A_296, %dma_wait3A_297] : memref<10240x16xf32, #tpu.memory_space<vmem_shared>> -> memref<10240x16xf32, #tpu.memory_space<vmem_shared>>
      tpu.wait_indirect_dma semaphore(%arg13 : memref<!tpu.dma_semaphore, #tpu.memory_space<semaphore_mem>>) src(%dma_wait3A_292 : memref<128x16xf32, #tpu.memory_space<vmem>>) dst(%dma_wait3A_298 : memref<10240x16xf32, #tpu.memory_space<vmem_shared>>)
      %dma_start3A_299 = arith.constant 6 : i32
      %dma_start3A_300 = arith.constant 0 : i32
      %dma_start3A_301 = arith.constant 0 : i32
      %dma_start3A_302 = arith.constant 0 : i32
      %dma_start3A_303 = tpu.memref_slice %arg10[%dma_start3A_300, %dma_start3A_301, %dma_start3A_302] : memref<2x128x16xf32, #tpu.memory_space<vmem>> -> memref<1x128x16xf32, #tpu.memory_space<vmem>>
      %dma_start3A_304 = tpu.memref_squeeze %dma_start3A_303 : memref<1x128x16xf32, #tpu.memory_space<vmem>> -> memref<128x16xf32, #tpu.memory_space<vmem>>
      %dma_start3A_305 = arith.constant 0 : i32
      %dma_start3A_306 = tpu.memref_slice %arg8[%dma_start3A_299, %dma_start3A_305] : memref<16x128xi32, #tpu.memory_space<vmem>> -> memref<1x128xi32, #tpu.memory_space<vmem>>
      %dma_start3A_307 = tpu.memref_squeeze %dma_start3A_306 : memref<1x128xi32, #tpu.memory_space<vmem>> -> memref<128xi32, #tpu.memory_space<vmem>>
      %dma_start3A_308 = arith.constant 0 : i32
      %dma_start3A_309 = arith.constant 0 : i32
      %dma_start3A_310 = tpu.memref_slice %arg6[%dma_start3A_308, %dma_start3A_309] : memref<10240x16xf32, #tpu.memory_space<vmem_shared>> -> memref<10240x16xf32, #tpu.memory_space<vmem_shared>>
      tpu.enqueue_indirect_dma source(%dma_start3A_310 : memref<10240x16xf32, #tpu.memory_space<vmem_shared>>) target(%dma_start3A_304 : memref<128x16xf32, #tpu.memory_space<vmem>>) offsets(%dma_start3A_307 : memref<128xi32, #tpu.memory_space<vmem>>) semaphore(%arg11 : memref<!tpu.dma_semaphore, #tpu.memory_space<semaphore_mem>>)
      %dma_wait3A_311 = arith.constant 6 : i32
      %dma_wait3A_312 = arith.constant 0 : i32
      %dma_wait3A_313 = arith.constant 0 : i32
      %dma_wait3A_314 = arith.constant 0 : i32
      %dma_wait3A_315 = tpu.memref_slice %arg10[%dma_wait3A_312, %dma_wait3A_313, %dma_wait3A_314] : memref<2x128x16xf32, #tpu.memory_space<vmem>> -> memref<1x128x16xf32, #tpu.memory_space<vmem>>
      %dma_wait3A_316 = tpu.memref_squeeze %dma_wait3A_315 : memref<1x128x16xf32, #tpu.memory_space<vmem>> -> memref<128x16xf32, #tpu.memory_space<vmem>>
      %dma_wait3A_317 = arith.constant 0 : i32
      %dma_wait3A_318 = tpu.memref_slice %arg8[%dma_wait3A_311, %dma_wait3A_317] : memref<16x128xi32, #tpu.memory_space<vmem>> -> memref<1x128xi32, #tpu.memory_space<vmem>>
      %dma_wait3A_319 = tpu.memref_squeeze %dma_wait3A_318 : memref<1x128xi32, #tpu.memory_space<vmem>> -> memref<128xi32, #tpu.memory_space<vmem>>
      %dma_wait3A_320 = arith.constant 0 : i32
      %dma_wait3A_321 = arith.constant 0 : i32
      %dma_wait3A_322 = tpu.memref_slice %arg6[%dma_wait3A_320, %dma_wait3A_321] : memref<10240x16xf32, #tpu.memory_space<vmem_shared>> -> memref<10240x16xf32, #tpu.memory_space<vmem_shared>>
      tpu.wait_indirect_dma semaphore(%arg11 : memref<!tpu.dma_semaphore, #tpu.memory_space<semaphore_mem>>) src(%dma_wait3A_322 : memref<10240x16xf32, #tpu.memory_space<vmem_shared>>) dst(%dma_wait3A_316 : memref<128x16xf32, #tpu.memory_space<vmem>>)
      %dma_start3A_323 = arith.constant 0 : i32
      %dma_start3A_324 = arith.constant 6 : i32
      %dma_start3A_325 = arith.constant 0 : i32
      %dma_start3A_326 = arith.constant 0 : i32
      %dma_start3A_327 = tpu.memref_slice %arg10[%dma_start3A_323, %dma_start3A_325, %dma_start3A_326] : memref<2x128x16xf32, #tpu.memory_space<vmem>> -> memref<1x128x16xf32, #tpu.memory_space<vmem>>
      %dma_start3A_328 = tpu.memref_squeeze %dma_start3A_327 : memref<1x128x16xf32, #tpu.memory_space<vmem>> -> memref<128x16xf32, #tpu.memory_space<vmem>>
      %dma_start3A_329 = arith.constant 0 : i32
      %dma_start3A_330 = tpu.memref_slice %arg9[%dma_start3A_324, %dma_start3A_329] : memref<16x128xi32, #tpu.memory_space<vmem>> -> memref<1x128xi32, #tpu.memory_space<vmem>>
      %dma_start3A_331 = tpu.memref_squeeze %dma_start3A_330 : memref<1x128xi32, #tpu.memory_space<vmem>> -> memref<128xi32, #tpu.memory_space<vmem>>
      %dma_start3A_332 = arith.constant 0 : i32
      %dma_start3A_333 = arith.constant 0 : i32
      %dma_start3A_334 = tpu.memref_slice %arg7[%dma_start3A_332, %dma_start3A_333] : memref<10240x16xf32, #tpu.memory_space<vmem_shared>> -> memref<10240x16xf32, #tpu.memory_space<vmem_shared>>
      tpu.enqueue_indirect_dma source(%dma_start3A_328 : memref<128x16xf32, #tpu.memory_space<vmem>>) target(%dma_start3A_334 : memref<10240x16xf32, #tpu.memory_space<vmem_shared>>) offsets(%dma_start3A_331 : memref<128xi32, #tpu.memory_space<vmem>>) semaphore(%arg13 : memref<!tpu.dma_semaphore, #tpu.memory_space<semaphore_mem>>) {add = true}
      %dma_wait3A_335 = arith.constant 1 : i32
      %dma_wait3A_336 = arith.constant 5 : i32
      %dma_wait3A_337 = arith.constant 0 : i32
      %dma_wait3A_338 = arith.constant 0 : i32
      %dma_wait3A_339 = tpu.memref_slice %arg10[%dma_wait3A_335, %dma_wait3A_337, %dma_wait3A_338] : memref<2x128x16xf32, #tpu.memory_space<vmem>> -> memref<1x128x16xf32, #tpu.memory_space<vmem>>
      %dma_wait3A_340 = tpu.memref_squeeze %dma_wait3A_339 : memref<1x128x16xf32, #tpu.memory_space<vmem>> -> memref<128x16xf32, #tpu.memory_space<vmem>>
      %dma_wait3A_341 = arith.constant 0 : i32
      %dma_wait3A_342 = tpu.memref_slice %arg9[%dma_wait3A_336, %dma_wait3A_341] : memref<16x128xi32, #tpu.memory_space<vmem>> -> memref<1x128xi32, #tpu.memory_space<vmem>>
      %dma_wait3A_343 = tpu.memref_squeeze %dma_wait3A_342 : memref<1x128xi32, #tpu.memory_space<vmem>> -> memref<128xi32, #tpu.memory_space<vmem>>
      %dma_wait3A_344 = arith.constant 0 : i32
      %dma_wait3A_345 = arith.constant 0 : i32
      %dma_wait3A_346 = tpu.memref_slice %arg7[%dma_wait3A_344, %dma_wait3A_345] : memref<10240x16xf32, #tpu.memory_space<vmem_shared>> -> memref<10240x16xf32, #tpu.memory_space<vmem_shared>>
      tpu.wait_indirect_dma semaphore(%arg14 : memref<!tpu.dma_semaphore, #tpu.memory_space<semaphore_mem>>) src(%dma_wait3A_340 : memref<128x16xf32, #tpu.memory_space<vmem>>) dst(%dma_wait3A_346 : memref<10240x16xf32, #tpu.memory_space<vmem_shared>>)
      %dma_start3A_347 = arith.constant 7 : i32
      %dma_start3A_348 = arith.constant 1 : i32
      %dma_start3A_349 = arith.constant 0 : i32
      %dma_start3A_350 = arith.constant 0 : i32
      %dma_start3A_351 = tpu.memref_slice %arg10[%dma_start3A_348, %dma_start3A_349, %dma_start3A_350] : memref<2x128x16xf32, #tpu.memory_space<vmem>> -> memref<1x128x16xf32, #tpu.memory_space<vmem>>
      %dma_start3A_352 = tpu.memref_squeeze %dma_start3A_351 : memref<1x128x16xf32, #tpu.memory_space<vmem>> -> memref<128x16xf32, #tpu.memory_space<vmem>>
      %dma_start3A_353 = arith.constant 0 : i32
      %dma_start3A_354 = tpu.memref_slice %arg8[%dma_start3A_347, %dma_start3A_353] : memref<16x128xi32, #tpu.memory_space<vmem>> -> memref<1x128xi32, #tpu.memory_space<vmem>>
      %dma_start3A_355 = tpu.memref_squeeze %dma_start3A_354 : memref<1x128xi32, #tpu.memory_space<vmem>> -> memref<128xi32, #tpu.memory_space<vmem>>
      %dma_start3A_356 = arith.constant 0 : i32
      %dma_start3A_357 = arith.constant 0 : i32
      %dma_start3A_358 = tpu.memref_slice %arg6[%dma_start3A_356, %dma_start3A_357] : memref<10240x16xf32, #tpu.memory_space<vmem_shared>> -> memref<10240x16xf32, #tpu.memory_space<vmem_shared>>
      tpu.enqueue_indirect_dma source(%dma_start3A_358 : memref<10240x16xf32, #tpu.memory_space<vmem_shared>>) target(%dma_start3A_352 : memref<128x16xf32, #tpu.memory_space<vmem>>) offsets(%dma_start3A_355 : memref<128xi32, #tpu.memory_space<vmem>>) semaphore(%arg12 : memref<!tpu.dma_semaphore, #tpu.memory_space<semaphore_mem>>)
      %dma_wait3A_359 = arith.constant 7 : i32
      %dma_wait3A_360 = arith.constant 1 : i32
      %dma_wait3A_361 = arith.constant 0 : i32
      %dma_wait3A_362 = arith.constant 0 : i32
      %dma_wait3A_363 = tpu.memref_slice %arg10[%dma_wait3A_360, %dma_wait3A_361, %dma_wait3A_362] : memref<2x128x16xf32, #tpu.memory_space<vmem>> -> memref<1x128x16xf32, #tpu.memory_space<vmem>>
      %dma_wait3A_364 = tpu.memref_squeeze %dma_wait3A_363 : memref<1x128x16xf32, #tpu.memory_space<vmem>> -> memref<128x16xf32, #tpu.memory_space<vmem>>
      %dma_wait3A_365 = arith.constant 0 : i32
      %dma_wait3A_366 = tpu.memref_slice %arg8[%dma_wait3A_359, %dma_wait3A_365] : memref<16x128xi32, #tpu.memory_space<vmem>> -> memref<1x128xi32, #tpu.memory_space<vmem>>
      %dma_wait3A_367 = tpu.memref_squeeze %dma_wait3A_366 : memref<1x128xi32, #tpu.memory_space<vmem>> -> memref<128xi32, #tpu.memory_space<vmem>>
      %dma_wait3A_368 = arith.constant 0 : i32
      %dma_wait3A_369 = arith.constant 0 : i32
      %dma_wait3A_370 = tpu.memref_slice %arg6[%dma_wait3A_368, %dma_wait3A_369] : memref<10240x16xf32, #tpu.memory_space<vmem_shared>> -> memref<10240x16xf32, #tpu.memory_space<vmem_shared>>
      tpu.wait_indirect_dma semaphore(%arg12 : memref<!tpu.dma_semaphore, #tpu.memory_space<semaphore_mem>>) src(%dma_wait3A_370 : memref<10240x16xf32, #tpu.memory_space<vmem_shared>>) dst(%dma_wait3A_364 : memref<128x16xf32, #tpu.memory_space<vmem>>)
      %dma_start3A_371 = arith.constant 1 : i32
      %dma_start3A_372 = arith.constant 7 : i32
      %dma_start3A_373 = arith.constant 0 : i32
      %dma_start3A_374 = arith.constant 0 : i32
      %dma_start3A_375 = tpu.memref_slice %arg10[%dma_start3A_371, %dma_start3A_373, %dma_start3A_374] : memref<2x128x16xf32, #tpu.memory_space<vmem>> -> memref<1x128x16xf32, #tpu.memory_space<vmem>>
      %dma_start3A_376 = tpu.memref_squeeze %dma_start3A_375 : memref<1x128x16xf32, #tpu.memory_space<vmem>> -> memref<128x16xf32, #tpu.memory_space<vmem>>
      %dma_start3A_377 = arith.constant 0 : i32
      %dma_start3A_378 = tpu.memref_slice %arg9[%dma_start3A_372, %dma_start3A_377] : memref<16x128xi32, #tpu.memory_space<vmem>> -> memref<1x128xi32, #tpu.memory_space<vmem>>
      %dma_start3A_379 = tpu.memref_squeeze %dma_start3A_378 : memref<1x128xi32, #tpu.memory_space<vmem>> -> memref<128xi32, #tpu.memory_space<vmem>>
      %dma_start3A_380 = arith.constant 0 : i32
      %dma_start3A_381 = arith.constant 0 : i32
      %dma_start3A_382 = tpu.memref_slice %arg7[%dma_start3A_380, %dma_start3A_381] : memref<10240x16xf32, #tpu.memory_space<vmem_shared>> -> memref<10240x16xf32, #tpu.memory_space<vmem_shared>>
      tpu.enqueue_indirect_dma source(%dma_start3A_376 : memref<128x16xf32, #tpu.memory_space<vmem>>) target(%dma_start3A_382 : memref<10240x16xf32, #tpu.memory_space<vmem_shared>>) offsets(%dma_start3A_379 : memref<128xi32, #tpu.memory_space<vmem>>) semaphore(%arg14 : memref<!tpu.dma_semaphore, #tpu.memory_space<semaphore_mem>>) {add = true}
      %dma_wait3A_383 = arith.constant 0 : i32
      %dma_wait3A_384 = arith.constant 6 : i32
      %dma_wait3A_385 = arith.constant 0 : i32
      %dma_wait3A_386 = arith.constant 0 : i32
      %dma_wait3A_387 = tpu.memref_slice %arg10[%dma_wait3A_383, %dma_wait3A_385, %dma_wait3A_386] : memref<2x128x16xf32, #tpu.memory_space<vmem>> -> memref<1x128x16xf32, #tpu.memory_space<vmem>>
      %dma_wait3A_388 = tpu.memref_squeeze %dma_wait3A_387 : memref<1x128x16xf32, #tpu.memory_space<vmem>> -> memref<128x16xf32, #tpu.memory_space<vmem>>
      %dma_wait3A_389 = arith.constant 0 : i32
      %dma_wait3A_390 = tpu.memref_slice %arg9[%dma_wait3A_384, %dma_wait3A_389] : memref<16x128xi32, #tpu.memory_space<vmem>> -> memref<1x128xi32, #tpu.memory_space<vmem>>
      %dma_wait3A_391 = tpu.memref_squeeze %dma_wait3A_390 : memref<1x128xi32, #tpu.memory_space<vmem>> -> memref<128xi32, #tpu.memory_space<vmem>>
      %dma_wait3A_392 = arith.constant 0 : i32
      %dma_wait3A_393 = arith.constant 0 : i32
      %dma_wait3A_394 = tpu.memref_slice %arg7[%dma_wait3A_392, %dma_wait3A_393] : memref<10240x16xf32, #tpu.memory_space<vmem_shared>> -> memref<10240x16xf32, #tpu.memory_space<vmem_shared>>
      tpu.wait_indirect_dma semaphore(%arg13 : memref<!tpu.dma_semaphore, #tpu.memory_space<semaphore_mem>>) src(%dma_wait3A_388 : memref<128x16xf32, #tpu.memory_space<vmem>>) dst(%dma_wait3A_394 : memref<10240x16xf32, #tpu.memory_space<vmem_shared>>)
      %dma_start3A_395 = arith.constant 8 : i32
      %dma_start3A_396 = arith.constant 0 : i32
      %dma_start3A_397 = arith.constant 0 : i32
      %dma_start3A_398 = arith.constant 0 : i32
      %dma_start3A_399 = tpu.memref_slice %arg10[%dma_start3A_396, %dma_start3A_397, %dma_start3A_398] : memref<2x128x16xf32, #tpu.memory_space<vmem>> -> memref<1x128x16xf32, #tpu.memory_space<vmem>>
      %dma_start3A_400 = tpu.memref_squeeze %dma_start3A_399 : memref<1x128x16xf32, #tpu.memory_space<vmem>> -> memref<128x16xf32, #tpu.memory_space<vmem>>
      %dma_start3A_401 = arith.constant 0 : i32
      %dma_start3A_402 = tpu.memref_slice %arg8[%dma_start3A_395, %dma_start3A_401] : memref<16x128xi32, #tpu.memory_space<vmem>> -> memref<1x128xi32, #tpu.memory_space<vmem>>
      %dma_start3A_403 = tpu.memref_squeeze %dma_start3A_402 : memref<1x128xi32, #tpu.memory_space<vmem>> -> memref<128xi32, #tpu.memory_space<vmem>>
      %dma_start3A_404 = arith.constant 0 : i32
      %dma_start3A_405 = arith.constant 0 : i32
      %dma_start3A_406 = tpu.memref_slice %arg6[%dma_start3A_404, %dma_start3A_405] : memref<10240x16xf32, #tpu.memory_space<vmem_shared>> -> memref<10240x16xf32, #tpu.memory_space<vmem_shared>>
      tpu.enqueue_indirect_dma source(%dma_start3A_406 : memref<10240x16xf32, #tpu.memory_space<vmem_shared>>) target(%dma_start3A_400 : memref<128x16xf32, #tpu.memory_space<vmem>>) offsets(%dma_start3A_403 : memref<128xi32, #tpu.memory_space<vmem>>) semaphore(%arg11 : memref<!tpu.dma_semaphore, #tpu.memory_space<semaphore_mem>>)
      %dma_wait3A_407 = arith.constant 8 : i32
      %dma_wait3A_408 = arith.constant 0 : i32
      %dma_wait3A_409 = arith.constant 0 : i32
      %dma_wait3A_410 = arith.constant 0 : i32
      %dma_wait3A_411 = tpu.memref_slice %arg10[%dma_wait3A_408, %dma_wait3A_409, %dma_wait3A_410] : memref<2x128x16xf32, #tpu.memory_space<vmem>> -> memref<1x128x16xf32, #tpu.memory_space<vmem>>
      %dma_wait3A_412 = tpu.memref_squeeze %dma_wait3A_411 : memref<1x128x16xf32, #tpu.memory_space<vmem>> -> memref<128x16xf32, #tpu.memory_space<vmem>>
      %dma_wait3A_413 = arith.constant 0 : i32
      %dma_wait3A_414 = tpu.memref_slice %arg8[%dma_wait3A_407, %dma_wait3A_413] : memref<16x128xi32, #tpu.memory_space<vmem>> -> memref<1x128xi32, #tpu.memory_space<vmem>>
      %dma_wait3A_415 = tpu.memref_squeeze %dma_wait3A_414 : memref<1x128xi32, #tpu.memory_space<vmem>> -> memref<128xi32, #tpu.memory_space<vmem>>
      %dma_wait3A_416 = arith.constant 0 : i32
      %dma_wait3A_417 = arith.constant 0 : i32
      %dma_wait3A_418 = tpu.memref_slice %arg6[%dma_wait3A_416, %dma_wait3A_417] : memref<10240x16xf32, #tpu.memory_space<vmem_shared>> -> memref<10240x16xf32, #tpu.memory_space<vmem_shared>>
      tpu.wait_indirect_dma semaphore(%arg11 : memref<!tpu.dma_semaphore, #tpu.memory_space<semaphore_mem>>) src(%dma_wait3A_418 : memref<10240x16xf32, #tpu.memory_space<vmem_shared>>) dst(%dma_wait3A_412 : memref<128x16xf32, #tpu.memory_space<vmem>>)
      %dma_start3A_419 = arith.constant 0 : i32
      %dma_start3A_420 = arith.constant 8 : i32
      %dma_start3A_421 = arith.constant 0 : i32
      %dma_start3A_422 = arith.constant 0 : i32
      %dma_start3A_423 = tpu.memref_slice %arg10[%dma_start3A_419, %dma_start3A_421, %dma_start3A_422] : memref<2x128x16xf32, #tpu.memory_space<vmem>> -> memref<1x128x16xf32, #tpu.memory_space<vmem>>
      %dma_start3A_424 = tpu.memref_squeeze %dma_start3A_423 : memref<1x128x16xf32, #tpu.memory_space<vmem>> -> memref<128x16xf32, #tpu.memory_space<vmem>>
      %dma_start3A_425 = arith.constant 0 : i32
      %dma_start3A_426 = tpu.memref_slice %arg9[%dma_start3A_420, %dma_start3A_425] : memref<16x128xi32, #tpu.memory_space<vmem>> -> memref<1x128xi32, #tpu.memory_space<vmem>>
      %dma_start3A_427 = tpu.memref_squeeze %dma_start3A_426 : memref<1x128xi32, #tpu.memory_space<vmem>> -> memref<128xi32, #tpu.memory_space<vmem>>
      %dma_start3A_428 = arith.constant 0 : i32
      %dma_start3A_429 = arith.constant 0 : i32
      %dma_start3A_430 = tpu.memref_slice %arg7[%dma_start3A_428, %dma_start3A_429] : memref<10240x16xf32, #tpu.memory_space<vmem_shared>> -> memref<10240x16xf32, #tpu.memory_space<vmem_shared>>
      tpu.enqueue_indirect_dma source(%dma_start3A_424 : memref<128x16xf32, #tpu.memory_space<vmem>>) target(%dma_start3A_430 : memref<10240x16xf32, #tpu.memory_space<vmem_shared>>) offsets(%dma_start3A_427 : memref<128xi32, #tpu.memory_space<vmem>>) semaphore(%arg13 : memref<!tpu.dma_semaphore, #tpu.memory_space<semaphore_mem>>) {add = true}
      %dma_wait3A_431 = arith.constant 1 : i32
      %dma_wait3A_432 = arith.constant 7 : i32
      %dma_wait3A_433 = arith.constant 0 : i32
      %dma_wait3A_434 = arith.constant 0 : i32
      %dma_wait3A_435 = tpu.memref_slice %arg10[%dma_wait3A_431, %dma_wait3A_433, %dma_wait3A_434] : memref<2x128x16xf32, #tpu.memory_space<vmem>> -> memref<1x128x16xf32, #tpu.memory_space<vmem>>
      %dma_wait3A_436 = tpu.memref_squeeze %dma_wait3A_435 : memref<1x128x16xf32, #tpu.memory_space<vmem>> -> memref<128x16xf32, #tpu.memory_space<vmem>>
      %dma_wait3A_437 = arith.constant 0 : i32
      %dma_wait3A_438 = tpu.memref_slice %arg9[%dma_wait3A_432, %dma_wait3A_437] : memref<16x128xi32, #tpu.memory_space<vmem>> -> memref<1x128xi32, #tpu.memory_space<vmem>>
      %dma_wait3A_439 = tpu.memref_squeeze %dma_wait3A_438 : memref<1x128xi32, #tpu.memory_space<vmem>> -> memref<128xi32, #tpu.memory_space<vmem>>
      %dma_wait3A_440 = arith.constant 0 : i32
      %dma_wait3A_441 = arith.constant 0 : i32
      %dma_wait3A_442 = tpu.memref_slice %arg7[%dma_wait3A_440, %dma_wait3A_441] : memref<10240x16xf32, #tpu.memory_space<vmem_shared>> -> memref<10240x16xf32, #tpu.memory_space<vmem_shared>>
      tpu.wait_indirect_dma semaphore(%arg14 : memref<!tpu.dma_semaphore, #tpu.memory_space<semaphore_mem>>) src(%dma_wait3A_436 : memref<128x16xf32, #tpu.memory_space<vmem>>) dst(%dma_wait3A_442 : memref<10240x16xf32, #tpu.memory_space<vmem_shared>>)
      %dma_start3A_443 = arith.constant 9 : i32
      %dma_start3A_444 = arith.constant 1 : i32
      %dma_start3A_445 = arith.constant 0 : i32
      %dma_start3A_446 = arith.constant 0 : i32
      %dma_start3A_447 = tpu.memref_slice %arg10[%dma_start3A_444, %dma_start3A_445, %dma_start3A_446] : memref<2x128x16xf32, #tpu.memory_space<vmem>> -> memref<1x128x16xf32, #tpu.memory_space<vmem>>
      %dma_start3A_448 = tpu.memref_squeeze %dma_start3A_447 : memref<1x128x16xf32, #tpu.memory_space<vmem>> -> memref<128x16xf32, #tpu.memory_space<vmem>>
      %dma_start3A_449 = arith.constant 0 : i32
      %dma_start3A_450 = tpu.memref_slice %arg8[%dma_start3A_443, %dma_start3A_449] : memref<16x128xi32, #tpu.memory_space<vmem>> -> memref<1x128xi32, #tpu.memory_space<vmem>>
      %dma_start3A_451 = tpu.memref_squeeze %dma_start3A_450 : memref<1x128xi32, #tpu.memory_space<vmem>> -> memref<128xi32, #tpu.memory_space<vmem>>
      %dma_start3A_452 = arith.constant 0 : i32
      %dma_start3A_453 = arith.constant 0 : i32
      %dma_start3A_454 = tpu.memref_slice %arg6[%dma_start3A_452, %dma_start3A_453] : memref<10240x16xf32, #tpu.memory_space<vmem_shared>> -> memref<10240x16xf32, #tpu.memory_space<vmem_shared>>
      tpu.enqueue_indirect_dma source(%dma_start3A_454 : memref<10240x16xf32, #tpu.memory_space<vmem_shared>>) target(%dma_start3A_448 : memref<128x16xf32, #tpu.memory_space<vmem>>) offsets(%dma_start3A_451 : memref<128xi32, #tpu.memory_space<vmem>>) semaphore(%arg12 : memref<!tpu.dma_semaphore, #tpu.memory_space<semaphore_mem>>)
      %dma_wait3A_455 = arith.constant 9 : i32
      %dma_wait3A_456 = arith.constant 1 : i32
      %dma_wait3A_457 = arith.constant 0 : i32
      %dma_wait3A_458 = arith.constant 0 : i32
      %dma_wait3A_459 = tpu.memref_slice %arg10[%dma_wait3A_456, %dma_wait3A_457, %dma_wait3A_458] : memref<2x128x16xf32, #tpu.memory_space<vmem>> -> memref<1x128x16xf32, #tpu.memory_space<vmem>>
      %dma_wait3A_460 = tpu.memref_squeeze %dma_wait3A_459 : memref<1x128x16xf32, #tpu.memory_space<vmem>> -> memref<128x16xf32, #tpu.memory_space<vmem>>
      %dma_wait3A_461 = arith.constant 0 : i32
      %dma_wait3A_462 = tpu.memref_slice %arg8[%dma_wait3A_455, %dma_wait3A_461] : memref<16x128xi32, #tpu.memory_space<vmem>> -> memref<1x128xi32, #tpu.memory_space<vmem>>
      %dma_wait3A_463 = tpu.memref_squeeze %dma_wait3A_462 : memref<1x128xi32, #tpu.memory_space<vmem>> -> memref<128xi32, #tpu.memory_space<vmem>>
      %dma_wait3A_464 = arith.constant 0 : i32
      %dma_wait3A_465 = arith.constant 0 : i32
      %dma_wait3A_466 = tpu.memref_slice %arg6[%dma_wait3A_464, %dma_wait3A_465] : memref<10240x16xf32, #tpu.memory_space<vmem_shared>> -> memref<10240x16xf32, #tpu.memory_space<vmem_shared>>
      tpu.wait_indirect_dma semaphore(%arg12 : memref<!tpu.dma_semaphore, #tpu.memory_space<semaphore_mem>>) src(%dma_wait3A_466 : memref<10240x16xf32, #tpu.memory_space<vmem_shared>>) dst(%dma_wait3A_460 : memref<128x16xf32, #tpu.memory_space<vmem>>)
      %dma_start3A_467 = arith.constant 1 : i32
      %dma_start3A_468 = arith.constant 9 : i32
      %dma_start3A_469 = arith.constant 0 : i32
      %dma_start3A_470 = arith.constant 0 : i32
      %dma_start3A_471 = tpu.memref_slice %arg10[%dma_start3A_467, %dma_start3A_469, %dma_start3A_470] : memref<2x128x16xf32, #tpu.memory_space<vmem>> -> memref<1x128x16xf32, #tpu.memory_space<vmem>>
      %dma_start3A_472 = tpu.memref_squeeze %dma_start3A_471 : memref<1x128x16xf32, #tpu.memory_space<vmem>> -> memref<128x16xf32, #tpu.memory_space<vmem>>
      %dma_start3A_473 = arith.constant 0 : i32
      %dma_start3A_474 = tpu.memref_slice %arg9[%dma_start3A_468, %dma_start3A_473] : memref<16x128xi32, #tpu.memory_space<vmem>> -> memref<1x128xi32, #tpu.memory_space<vmem>>
      %dma_start3A_475 = tpu.memref_squeeze %dma_start3A_474 : memref<1x128xi32, #tpu.memory_space<vmem>> -> memref<128xi32, #tpu.memory_space<vmem>>
      %dma_start3A_476 = arith.constant 0 : i32
      %dma_start3A_477 = arith.constant 0 : i32
      %dma_start3A_478 = tpu.memref_slice %arg7[%dma_start3A_476, %dma_start3A_477] : memref<10240x16xf32, #tpu.memory_space<vmem_shared>> -> memref<10240x16xf32, #tpu.memory_space<vmem_shared>>
      tpu.enqueue_indirect_dma source(%dma_start3A_472 : memref<128x16xf32, #tpu.memory_space<vmem>>) target(%dma_start3A_478 : memref<10240x16xf32, #tpu.memory_space<vmem_shared>>) offsets(%dma_start3A_475 : memref<128xi32, #tpu.memory_space<vmem>>) semaphore(%arg14 : memref<!tpu.dma_semaphore, #tpu.memory_space<semaphore_mem>>) {add = true}
      %dma_wait3A_479 = arith.constant 0 : i32
      %dma_wait3A_480 = arith.constant 8 : i32
      %dma_wait3A_481 = arith.constant 0 : i32
      %dma_wait3A_482 = arith.constant 0 : i32
      %dma_wait3A_483 = tpu.memref_slice %arg10[%dma_wait3A_479, %dma_wait3A_481, %dma_wait3A_482] : memref<2x128x16xf32, #tpu.memory_space<vmem>> -> memref<1x128x16xf32, #tpu.memory_space<vmem>>
      %dma_wait3A_484 = tpu.memref_squeeze %dma_wait3A_483 : memref<1x128x16xf32, #tpu.memory_space<vmem>> -> memref<128x16xf32, #tpu.memory_space<vmem>>
      %dma_wait3A_485 = arith.constant 0 : i32
      %dma_wait3A_486 = tpu.memref_slice %arg9[%dma_wait3A_480, %dma_wait3A_485] : memref<16x128xi32, #tpu.memory_space<vmem>> -> memref<1x128xi32, #tpu.memory_space<vmem>>
      %dma_wait3A_487 = tpu.memref_squeeze %dma_wait3A_486 : memref<1x128xi32, #tpu.memory_space<vmem>> -> memref<128xi32, #tpu.memory_space<vmem>>
      %dma_wait3A_488 = arith.constant 0 : i32
      %dma_wait3A_489 = arith.constant 0 : i32
      %dma_wait3A_490 = tpu.memref_slice %arg7[%dma_wait3A_488, %dma_wait3A_489] : memref<10240x16xf32, #tpu.memory_space<vmem_shared>> -> memref<10240x16xf32, #tpu.memory_space<vmem_shared>>
      tpu.wait_indirect_dma semaphore(%arg13 : memref<!tpu.dma_semaphore, #tpu.memory_space<semaphore_mem>>) src(%dma_wait3A_484 : memref<128x16xf32, #tpu.memory_space<vmem>>) dst(%dma_wait3A_490 : memref<10240x16xf32, #tpu.memory_space<vmem_shared>>)
      %dma_start3A_491 = arith.constant 10 : i32
      %dma_start3A_492 = arith.constant 0 : i32
      %dma_start3A_493 = arith.constant 0 : i32
      %dma_start3A_494 = arith.constant 0 : i32
      %dma_start3A_495 = tpu.memref_slice %arg10[%dma_start3A_492, %dma_start3A_493, %dma_start3A_494] : memref<2x128x16xf32, #tpu.memory_space<vmem>> -> memref<1x128x16xf32, #tpu.memory_space<vmem>>
      %dma_start3A_496 = tpu.memref_squeeze %dma_start3A_495 : memref<1x128x16xf32, #tpu.memory_space<vmem>> -> memref<128x16xf32, #tpu.memory_space<vmem>>
      %dma_start3A_497 = arith.constant 0 : i32
      %dma_start3A_498 = tpu.memref_slice %arg8[%dma_start3A_491, %dma_start3A_497] : memref<16x128xi32, #tpu.memory_space<vmem>> -> memref<1x128xi32, #tpu.memory_space<vmem>>
      %dma_start3A_499 = tpu.memref_squeeze %dma_start3A_498 : memref<1x128xi32, #tpu.memory_space<vmem>> -> memref<128xi32, #tpu.memory_space<vmem>>
      %dma_start3A_500 = arith.constant 0 : i32
      %dma_start3A_501 = arith.constant 0 : i32
      %dma_start3A_502 = tpu.memref_slice %arg6[%dma_start3A_500, %dma_start3A_501] : memref<10240x16xf32, #tpu.memory_space<vmem_shared>> -> memref<10240x16xf32, #tpu.memory_space<vmem_shared>>
      tpu.enqueue_indirect_dma source(%dma_start3A_502 : memref<10240x16xf32, #tpu.memory_space<vmem_shared>>) target(%dma_start3A_496 : memref<128x16xf32, #tpu.memory_space<vmem>>) offsets(%dma_start3A_499 : memref<128xi32, #tpu.memory_space<vmem>>) semaphore(%arg11 : memref<!tpu.dma_semaphore, #tpu.memory_space<semaphore_mem>>)
      %dma_wait3A_503 = arith.constant 10 : i32
      %dma_wait3A_504 = arith.constant 0 : i32
      %dma_wait3A_505 = arith.constant 0 : i32
      %dma_wait3A_506 = arith.constant 0 : i32
      %dma_wait3A_507 = tpu.memref_slice %arg10[%dma_wait3A_504, %dma_wait3A_505, %dma_wait3A_506] : memref<2x128x16xf32, #tpu.memory_space<vmem>> -> memref<1x128x16xf32, #tpu.memory_space<vmem>>
      %dma_wait3A_508 = tpu.memref_squeeze %dma_wait3A_507 : memref<1x128x16xf32, #tpu.memory_space<vmem>> -> memref<128x16xf32, #tpu.memory_space<vmem>>
      %dma_wait3A_509 = arith.constant 0 : i32
      %dma_wait3A_510 = tpu.memref_slice %arg8[%dma_wait3A_503, %dma_wait3A_509] : memref<16x128xi32, #tpu.memory_space<vmem>> -> memref<1x128xi32, #tpu.memory_space<vmem>>
      %dma_wait3A_511 = tpu.memref_squeeze %dma_wait3A_510 : memref<1x128xi32, #tpu.memory_space<vmem>> -> memref<128xi32, #tpu.memory_space<vmem>>
      %dma_wait3A_512 = arith.constant 0 : i32
      %dma_wait3A_513 = arith.constant 0 : i32
      %dma_wait3A_514 = tpu.memref_slice %arg6[%dma_wait3A_512, %dma_wait3A_513] : memref<10240x16xf32, #tpu.memory_space<vmem_shared>> -> memref<10240x16xf32, #tpu.memory_space<vmem_shared>>
      tpu.wait_indirect_dma semaphore(%arg11 : memref<!tpu.dma_semaphore, #tpu.memory_space<semaphore_mem>>) src(%dma_wait3A_514 : memref<10240x16xf32, #tpu.memory_space<vmem_shared>>) dst(%dma_wait3A_508 : memref<128x16xf32, #tpu.memory_space<vmem>>)
      %dma_start3A_515 = arith.constant 0 : i32
      %dma_start3A_516 = arith.constant 10 : i32
      %dma_start3A_517 = arith.constant 0 : i32
      %dma_start3A_518 = arith.constant 0 : i32
      %dma_start3A_519 = tpu.memref_slice %arg10[%dma_start3A_515, %dma_start3A_517, %dma_start3A_518] : memref<2x128x16xf32, #tpu.memory_space<vmem>> -> memref<1x128x16xf32, #tpu.memory_space<vmem>>
      %dma_start3A_520 = tpu.memref_squeeze %dma_start3A_519 : memref<1x128x16xf32, #tpu.memory_space<vmem>> -> memref<128x16xf32, #tpu.memory_space<vmem>>
      %dma_start3A_521 = arith.constant 0 : i32
      %dma_start3A_522 = tpu.memref_slice %arg9[%dma_start3A_516, %dma_start3A_521] : memref<16x128xi32, #tpu.memory_space<vmem>> -> memref<1x128xi32, #tpu.memory_space<vmem>>
      %dma_start3A_523 = tpu.memref_squeeze %dma_start3A_522 : memref<1x128xi32, #tpu.memory_space<vmem>> -> memref<128xi32, #tpu.memory_space<vmem>>
      %dma_start3A_524 = arith.constant 0 : i32
      %dma_start3A_525 = arith.constant 0 : i32
      %dma_start3A_526 = tpu.memref_slice %arg7[%dma_start3A_524, %dma_start3A_525] : memref<10240x16xf32, #tpu.memory_space<vmem_shared>> -> memref<10240x16xf32, #tpu.memory_space<vmem_shared>>
      tpu.enqueue_indirect_dma source(%dma_start3A_520 : memref<128x16xf32, #tpu.memory_space<vmem>>) target(%dma_start3A_526 : memref<10240x16xf32, #tpu.memory_space<vmem_shared>>) offsets(%dma_start3A_523 : memref<128xi32, #tpu.memory_space<vmem>>) semaphore(%arg13 : memref<!tpu.dma_semaphore, #tpu.memory_space<semaphore_mem>>) {add = true}
      %dma_wait3A_527 = arith.constant 1 : i32
      %dma_wait3A_528 = arith.constant 9 : i32
      %dma_wait3A_529 = arith.constant 0 : i32
      %dma_wait3A_530 = arith.constant 0 : i32
      %dma_wait3A_531 = tpu.memref_slice %arg10[%dma_wait3A_527, %dma_wait3A_529, %dma_wait3A_530] : memref<2x128x16xf32, #tpu.memory_space<vmem>> -> memref<1x128x16xf32, #tpu.memory_space<vmem>>
      %dma_wait3A_532 = tpu.memref_squeeze %dma_wait3A_531 : memref<1x128x16xf32, #tpu.memory_space<vmem>> -> memref<128x16xf32, #tpu.memory_space<vmem>>
      %dma_wait3A_533 = arith.constant 0 : i32
      %dma_wait3A_534 = tpu.memref_slice %arg9[%dma_wait3A_528, %dma_wait3A_533] : memref<16x128xi32, #tpu.memory_space<vmem>> -> memref<1x128xi32, #tpu.memory_space<vmem>>
      %dma_wait3A_535 = tpu.memref_squeeze %dma_wait3A_534 : memref<1x128xi32, #tpu.memory_space<vmem>> -> memref<128xi32, #tpu.memory_space<vmem>>
      %dma_wait3A_536 = arith.constant 0 : i32
      %dma_wait3A_537 = arith.constant 0 : i32
      %dma_wait3A_538 = tpu.memref_slice %arg7[%dma_wait3A_536, %dma_wait3A_537] : memref<10240x16xf32, #tpu.memory_space<vmem_shared>> -> memref<10240x16xf32, #tpu.memory_space<vmem_shared>>
      tpu.wait_indirect_dma semaphore(%arg14 : memref<!tpu.dma_semaphore, #tpu.memory_space<semaphore_mem>>) src(%dma_wait3A_532 : memref<128x16xf32, #tpu.memory_space<vmem>>) dst(%dma_wait3A_538 : memref<10240x16xf32, #tpu.memory_space<vmem_shared>>)
      %dma_start3A_539 = arith.constant 11 : i32
      %dma_start3A_540 = arith.constant 1 : i32
      %dma_start3A_541 = arith.constant 0 : i32
      %dma_start3A_542 = arith.constant 0 : i32
      %dma_start3A_543 = tpu.memref_slice %arg10[%dma_start3A_540, %dma_start3A_541, %dma_start3A_542] : memref<2x128x16xf32, #tpu.memory_space<vmem>> -> memref<1x128x16xf32, #tpu.memory_space<vmem>>
      %dma_start3A_544 = tpu.memref_squeeze %dma_start3A_543 : memref<1x128x16xf32, #tpu.memory_space<vmem>> -> memref<128x16xf32, #tpu.memory_space<vmem>>
      %dma_start3A_545 = arith.constant 0 : i32
      %dma_start3A_546 = tpu.memref_slice %arg8[%dma_start3A_539, %dma_start3A_545] : memref<16x128xi32, #tpu.memory_space<vmem>> -> memref<1x128xi32, #tpu.memory_space<vmem>>
      %dma_start3A_547 = tpu.memref_squeeze %dma_start3A_546 : memref<1x128xi32, #tpu.memory_space<vmem>> -> memref<128xi32, #tpu.memory_space<vmem>>
      %dma_start3A_548 = arith.constant 0 : i32
      %dma_start3A_549 = arith.constant 0 : i32
      %dma_start3A_550 = tpu.memref_slice %arg6[%dma_start3A_548, %dma_start3A_549] : memref<10240x16xf32, #tpu.memory_space<vmem_shared>> -> memref<10240x16xf32, #tpu.memory_space<vmem_shared>>
      tpu.enqueue_indirect_dma source(%dma_start3A_550 : memref<10240x16xf32, #tpu.memory_space<vmem_shared>>) target(%dma_start3A_544 : memref<128x16xf32, #tpu.memory_space<vmem>>) offsets(%dma_start3A_547 : memref<128xi32, #tpu.memory_space<vmem>>) semaphore(%arg12 : memref<!tpu.dma_semaphore, #tpu.memory_space<semaphore_mem>>)
      %dma_wait3A_551 = arith.constant 11 : i32
      %dma_wait3A_552 = arith.constant 1 : i32
      %dma_wait3A_553 = arith.constant 0 : i32
      %dma_wait3A_554 = arith.constant 0 : i32
      %dma_wait3A_555 = tpu.memref_slice %arg10[%dma_wait3A_552, %dma_wait3A_553, %dma_wait3A_554] : memref<2x128x16xf32, #tpu.memory_space<vmem>> -> memref<1x128x16xf32, #tpu.memory_space<vmem>>
      %dma_wait3A_556 = tpu.memref_squeeze %dma_wait3A_555 : memref<1x128x16xf32, #tpu.memory_space<vmem>> -> memref<128x16xf32, #tpu.memory_space<vmem>>
      %dma_wait3A_557 = arith.constant 0 : i32
      %dma_wait3A_558 = tpu.memref_slice %arg8[%dma_wait3A_551, %dma_wait3A_557] : memref<16x128xi32, #tpu.memory_space<vmem>> -> memref<1x128xi32, #tpu.memory_space<vmem>>
      %dma_wait3A_559 = tpu.memref_squeeze %dma_wait3A_558 : memref<1x128xi32, #tpu.memory_space<vmem>> -> memref<128xi32, #tpu.memory_space<vmem>>
      %dma_wait3A_560 = arith.constant 0 : i32
      %dma_wait3A_561 = arith.constant 0 : i32
      %dma_wait3A_562 = tpu.memref_slice %arg6[%dma_wait3A_560, %dma_wait3A_561] : memref<10240x16xf32, #tpu.memory_space<vmem_shared>> -> memref<10240x16xf32, #tpu.memory_space<vmem_shared>>
      tpu.wait_indirect_dma semaphore(%arg12 : memref<!tpu.dma_semaphore, #tpu.memory_space<semaphore_mem>>) src(%dma_wait3A_562 : memref<10240x16xf32, #tpu.memory_space<vmem_shared>>) dst(%dma_wait3A_556 : memref<128x16xf32, #tpu.memory_space<vmem>>)
      %dma_start3A_563 = arith.constant 1 : i32
      %dma_start3A_564 = arith.constant 11 : i32
      %dma_start3A_565 = arith.constant 0 : i32
      %dma_start3A_566 = arith.constant 0 : i32
      %dma_start3A_567 = tpu.memref_slice %arg10[%dma_start3A_563, %dma_start3A_565, %dma_start3A_566] : memref<2x128x16xf32, #tpu.memory_space<vmem>> -> memref<1x128x16xf32, #tpu.memory_space<vmem>>
      %dma_start3A_568 = tpu.memref_squeeze %dma_start3A_567 : memref<1x128x16xf32, #tpu.memory_space<vmem>> -> memref<128x16xf32, #tpu.memory_space<vmem>>
      %dma_start3A_569 = arith.constant 0 : i32
      %dma_start3A_570 = tpu.memref_slice %arg9[%dma_start3A_564, %dma_start3A_569] : memref<16x128xi32, #tpu.memory_space<vmem>> -> memref<1x128xi32, #tpu.memory_space<vmem>>
      %dma_start3A_571 = tpu.memref_squeeze %dma_start3A_570 : memref<1x128xi32, #tpu.memory_space<vmem>> -> memref<128xi32, #tpu.memory_space<vmem>>
      %dma_start3A_572 = arith.constant 0 : i32
      %dma_start3A_573 = arith.constant 0 : i32
      %dma_start3A_574 = tpu.memref_slice %arg7[%dma_start3A_572, %dma_start3A_573] : memref<10240x16xf32, #tpu.memory_space<vmem_shared>> -> memref<10240x16xf32, #tpu.memory_space<vmem_shared>>
      tpu.enqueue_indirect_dma source(%dma_start3A_568 : memref<128x16xf32, #tpu.memory_space<vmem>>) target(%dma_start3A_574 : memref<10240x16xf32, #tpu.memory_space<vmem_shared>>) offsets(%dma_start3A_571 : memref<128xi32, #tpu.memory_space<vmem>>) semaphore(%arg14 : memref<!tpu.dma_semaphore, #tpu.memory_space<semaphore_mem>>) {add = true}
      %dma_wait3A_575 = arith.constant 0 : i32
      %dma_wait3A_576 = arith.constant 10 : i32
      %dma_wait3A_577 = arith.constant 0 : i32
      %dma_wait3A_578 = arith.constant 0 : i32
      %dma_wait3A_579 = tpu.memref_slice %arg10[%dma_wait3A_575, %dma_wait3A_577, %dma_wait3A_578] : memref<2x128x16xf32, #tpu.memory_space<vmem>> -> memref<1x128x16xf32, #tpu.memory_space<vmem>>
      %dma_wait3A_580 = tpu.memref_squeeze %dma_wait3A_579 : memref<1x128x16xf32, #tpu.memory_space<vmem>> -> memref<128x16xf32, #tpu.memory_space<vmem>>
      %dma_wait3A_581 = arith.constant 0 : i32
      %dma_wait3A_582 = tpu.memref_slice %arg9[%dma_wait3A_576, %dma_wait3A_581] : memref<16x128xi32, #tpu.memory_space<vmem>> -> memref<1x128xi32, #tpu.memory_space<vmem>>
      %dma_wait3A_583 = tpu.memref_squeeze %dma_wait3A_582 : memref<1x128xi32, #tpu.memory_space<vmem>> -> memref<128xi32, #tpu.memory_space<vmem>>
      %dma_wait3A_584 = arith.constant 0 : i32
      %dma_wait3A_585 = arith.constant 0 : i32
      %dma_wait3A_586 = tpu.memref_slice %arg7[%dma_wait3A_584, %dma_wait3A_585] : memref<10240x16xf32, #tpu.memory_space<vmem_shared>> -> memref<10240x16xf32, #tpu.memory_space<vmem_shared>>
      tpu.wait_indirect_dma semaphore(%arg13 : memref<!tpu.dma_semaphore, #tpu.memory_space<semaphore_mem>>) src(%dma_wait3A_580 : memref<128x16xf32, #tpu.memory_space<vmem>>) dst(%dma_wait3A_586 : memref<10240x16xf32, #tpu.memory_space<vmem_shared>>)
      %dma_start3A_587 = arith.constant 12 : i32
      %dma_start3A_588 = arith.constant 0 : i32
      %dma_start3A_589 = arith.constant 0 : i32
      %dma_start3A_590 = arith.constant 0 : i32
      %dma_start3A_591 = tpu.memref_slice %arg10[%dma_start3A_588, %dma_start3A_589, %dma_start3A_590] : memref<2x128x16xf32, #tpu.memory_space<vmem>> -> memref<1x128x16xf32, #tpu.memory_space<vmem>>
      %dma_start3A_592 = tpu.memref_squeeze %dma_start3A_591 : memref<1x128x16xf32, #tpu.memory_space<vmem>> -> memref<128x16xf32, #tpu.memory_space<vmem>>
      %dma_start3A_593 = arith.constant 0 : i32
      %dma_start3A_594 = tpu.memref_slice %arg8[%dma_start3A_587, %dma_start3A_593] : memref<16x128xi32, #tpu.memory_space<vmem>> -> memref<1x128xi32, #tpu.memory_space<vmem>>
      %dma_start3A_595 = tpu.memref_squeeze %dma_start3A_594 : memref<1x128xi32, #tpu.memory_space<vmem>> -> memref<128xi32, #tpu.memory_space<vmem>>
      %dma_start3A_596 = arith.constant 0 : i32
      %dma_start3A_597 = arith.constant 0 : i32
      %dma_start3A_598 = tpu.memref_slice %arg6[%dma_start3A_596, %dma_start3A_597] : memref<10240x16xf32, #tpu.memory_space<vmem_shared>> -> memref<10240x16xf32, #tpu.memory_space<vmem_shared>>
      tpu.enqueue_indirect_dma source(%dma_start3A_598 : memref<10240x16xf32, #tpu.memory_space<vmem_shared>>) target(%dma_start3A_592 : memref<128x16xf32, #tpu.memory_space<vmem>>) offsets(%dma_start3A_595 : memref<128xi32, #tpu.memory_space<vmem>>) semaphore(%arg11 : memref<!tpu.dma_semaphore, #tpu.memory_space<semaphore_mem>>)
      %dma_wait3A_599 = arith.constant 12 : i32
      %dma_wait3A_600 = arith.constant 0 : i32
      %dma_wait3A_601 = arith.constant 0 : i32
      %dma_wait3A_602 = arith.constant 0 : i32
      %dma_wait3A_603 = tpu.memref_slice %arg10[%dma_wait3A_600, %dma_wait3A_601, %dma_wait3A_602] : memref<2x128x16xf32, #tpu.memory_space<vmem>> -> memref<1x128x16xf32, #tpu.memory_space<vmem>>
      %dma_wait3A_604 = tpu.memref_squeeze %dma_wait3A_603 : memref<1x128x16xf32, #tpu.memory_space<vmem>> -> memref<128x16xf32, #tpu.memory_space<vmem>>
      %dma_wait3A_605 = arith.constant 0 : i32
      %dma_wait3A_606 = tpu.memref_slice %arg8[%dma_wait3A_599, %dma_wait3A_605] : memref<16x128xi32, #tpu.memory_space<vmem>> -> memref<1x128xi32, #tpu.memory_space<vmem>>
      %dma_wait3A_607 = tpu.memref_squeeze %dma_wait3A_606 : memref<1x128xi32, #tpu.memory_space<vmem>> -> memref<128xi32, #tpu.memory_space<vmem>>
      %dma_wait3A_608 = arith.constant 0 : i32
      %dma_wait3A_609 = arith.constant 0 : i32
      %dma_wait3A_610 = tpu.memref_slice %arg6[%dma_wait3A_608, %dma_wait3A_609] : memref<10240x16xf32, #tpu.memory_space<vmem_shared>> -> memref<10240x16xf32, #tpu.memory_space<vmem_shared>>
      tpu.wait_indirect_dma semaphore(%arg11 : memref<!tpu.dma_semaphore, #tpu.memory_space<semaphore_mem>>) src(%dma_wait3A_610 : memref<10240x16xf32, #tpu.memory_space<vmem_shared>>) dst(%dma_wait3A_604 : memref<128x16xf32, #tpu.memory_space<vmem>>)
      %dma_start3A_611 = arith.constant 0 : i32
      %dma_start3A_612 = arith.constant 12 : i32
      %dma_start3A_613 = arith.constant 0 : i32
      %dma_start3A_614 = arith.constant 0 : i32
      %dma_start3A_615 = tpu.memref_slice %arg10[%dma_start3A_611, %dma_start3A_613, %dma_start3A_614] : memref<2x128x16xf32, #tpu.memory_space<vmem>> -> memref<1x128x16xf32, #tpu.memory_space<vmem>>
      %dma_start3A_616 = tpu.memref_squeeze %dma_start3A_615 : memref<1x128x16xf32, #tpu.memory_space<vmem>> -> memref<128x16xf32, #tpu.memory_space<vmem>>
      %dma_start3A_617 = arith.constant 0 : i32
      %dma_start3A_618 = tpu.memref_slice %arg9[%dma_start3A_612, %dma_start3A_617] : memref<16x128xi32, #tpu.memory_space<vmem>> -> memref<1x128xi32, #tpu.memory_space<vmem>>
      %dma_start3A_619 = tpu.memref_squeeze %dma_start3A_618 : memref<1x128xi32, #tpu.memory_space<vmem>> -> memref<128xi32, #tpu.memory_space<vmem>>
      %dma_start3A_620 = arith.constant 0 : i32
      %dma_start3A_621 = arith.constant 0 : i32
      %dma_start3A_622 = tpu.memref_slice %arg7[%dma_start3A_620, %dma_start3A_621] : memref<10240x16xf32, #tpu.memory_space<vmem_shared>> -> memref<10240x16xf32, #tpu.memory_space<vmem_shared>>
      tpu.enqueue_indirect_dma source(%dma_start3A_616 : memref<128x16xf32, #tpu.memory_space<vmem>>) target(%dma_start3A_622 : memref<10240x16xf32, #tpu.memory_space<vmem_shared>>) offsets(%dma_start3A_619 : memref<128xi32, #tpu.memory_space<vmem>>) semaphore(%arg13 : memref<!tpu.dma_semaphore, #tpu.memory_space<semaphore_mem>>) {add = true}
      %dma_wait3A_623 = arith.constant 1 : i32
      %dma_wait3A_624 = arith.constant 11 : i32
      %dma_wait3A_625 = arith.constant 0 : i32
      %dma_wait3A_626 = arith.constant 0 : i32
      %dma_wait3A_627 = tpu.memref_slice %arg10[%dma_wait3A_623, %dma_wait3A_625, %dma_wait3A_626] : memref<2x128x16xf32, #tpu.memory_space<vmem>> -> memref<1x128x16xf32, #tpu.memory_space<vmem>>
      %dma_wait3A_628 = tpu.memref_squeeze %dma_wait3A_627 : memref<1x128x16xf32, #tpu.memory_space<vmem>> -> memref<128x16xf32, #tpu.memory_space<vmem>>
      %dma_wait3A_629 = arith.constant 0 : i32
      %dma_wait3A_630 = tpu.memref_slice %arg9[%dma_wait3A_624, %dma_wait3A_629] : memref<16x128xi32, #tpu.memory_space<vmem>> -> memref<1x128xi32, #tpu.memory_space<vmem>>
      %dma_wait3A_631 = tpu.memref_squeeze %dma_wait3A_630 : memref<1x128xi32, #tpu.memory_space<vmem>> -> memref<128xi32, #tpu.memory_space<vmem>>
      %dma_wait3A_632 = arith.constant 0 : i32
      %dma_wait3A_633 = arith.constant 0 : i32
      %dma_wait3A_634 = tpu.memref_slice %arg7[%dma_wait3A_632, %dma_wait3A_633] : memref<10240x16xf32, #tpu.memory_space<vmem_shared>> -> memref<10240x16xf32, #tpu.memory_space<vmem_shared>>
      tpu.wait_indirect_dma semaphore(%arg14 : memref<!tpu.dma_semaphore, #tpu.memory_space<semaphore_mem>>) src(%dma_wait3A_628 : memref<128x16xf32, #tpu.memory_space<vmem>>) dst(%dma_wait3A_634 : memref<10240x16xf32, #tpu.memory_space<vmem_shared>>)
      %dma_start3A_635 = arith.constant 13 : i32
      %dma_start3A_636 = arith.constant 1 : i32
      %dma_start3A_637 = arith.constant 0 : i32
      %dma_start3A_638 = arith.constant 0 : i32
      %dma_start3A_639 = tpu.memref_slice %arg10[%dma_start3A_636, %dma_start3A_637, %dma_start3A_638] : memref<2x128x16xf32, #tpu.memory_space<vmem>> -> memref<1x128x16xf32, #tpu.memory_space<vmem>>
      %dma_start3A_640 = tpu.memref_squeeze %dma_start3A_639 : memref<1x128x16xf32, #tpu.memory_space<vmem>> -> memref<128x16xf32, #tpu.memory_space<vmem>>
      %dma_start3A_641 = arith.constant 0 : i32
      %dma_start3A_642 = tpu.memref_slice %arg8[%dma_start3A_635, %dma_start3A_641] : memref<16x128xi32, #tpu.memory_space<vmem>> -> memref<1x128xi32, #tpu.memory_space<vmem>>
      %dma_start3A_643 = tpu.memref_squeeze %dma_start3A_642 : memref<1x128xi32, #tpu.memory_space<vmem>> -> memref<128xi32, #tpu.memory_space<vmem>>
      %dma_start3A_644 = arith.constant 0 : i32
      %dma_start3A_645 = arith.constant 0 : i32
      %dma_start3A_646 = tpu.memref_slice %arg6[%dma_start3A_644, %dma_start3A_645] : memref<10240x16xf32, #tpu.memory_space<vmem_shared>> -> memref<10240x16xf32, #tpu.memory_space<vmem_shared>>
      tpu.enqueue_indirect_dma source(%dma_start3A_646 : memref<10240x16xf32, #tpu.memory_space<vmem_shared>>) target(%dma_start3A_640 : memref<128x16xf32, #tpu.memory_space<vmem>>) offsets(%dma_start3A_643 : memref<128xi32, #tpu.memory_space<vmem>>) semaphore(%arg12 : memref<!tpu.dma_semaphore, #tpu.memory_space<semaphore_mem>>)
      %dma_wait3A_647 = arith.constant 13 : i32
      %dma_wait3A_648 = arith.constant 1 : i32
      %dma_wait3A_649 = arith.constant 0 : i32
      %dma_wait3A_650 = arith.constant 0 : i32
      %dma_wait3A_651 = tpu.memref_slice %arg10[%dma_wait3A_648, %dma_wait3A_649, %dma_wait3A_650] : memref<2x128x16xf32, #tpu.memory_space<vmem>> -> memref<1x128x16xf32, #tpu.memory_space<vmem>>
      %dma_wait3A_652 = tpu.memref_squeeze %dma_wait3A_651 : memref<1x128x16xf32, #tpu.memory_space<vmem>> -> memref<128x16xf32, #tpu.memory_space<vmem>>
      %dma_wait3A_653 = arith.constant 0 : i32
      %dma_wait3A_654 = tpu.memref_slice %arg8[%dma_wait3A_647, %dma_wait3A_653] : memref<16x128xi32, #tpu.memory_space<vmem>> -> memref<1x128xi32, #tpu.memory_space<vmem>>
      %dma_wait3A_655 = tpu.memref_squeeze %dma_wait3A_654 : memref<1x128xi32, #tpu.memory_space<vmem>> -> memref<128xi32, #tpu.memory_space<vmem>>
      %dma_wait3A_656 = arith.constant 0 : i32
      %dma_wait3A_657 = arith.constant 0 : i32
      %dma_wait3A_658 = tpu.memref_slice %arg6[%dma_wait3A_656, %dma_wait3A_657] : memref<10240x16xf32, #tpu.memory_space<vmem_shared>> -> memref<10240x16xf32, #tpu.memory_space<vmem_shared>>
      tpu.wait_indirect_dma semaphore(%arg12 : memref<!tpu.dma_semaphore, #tpu.memory_space<semaphore_mem>>) src(%dma_wait3A_658 : memref<10240x16xf32, #tpu.memory_space<vmem_shared>>) dst(%dma_wait3A_652 : memref<128x16xf32, #tpu.memory_space<vmem>>)
      %dma_start3A_659 = arith.constant 1 : i32
      %dma_start3A_660 = arith.constant 13 : i32
      %dma_start3A_661 = arith.constant 0 : i32
      %dma_start3A_662 = arith.constant 0 : i32
      %dma_start3A_663 = tpu.memref_slice %arg10[%dma_start3A_659, %dma_start3A_661, %dma_start3A_662] : memref<2x128x16xf32, #tpu.memory_space<vmem>> -> memref<1x128x16xf32, #tpu.memory_space<vmem>>
      %dma_start3A_664 = tpu.memref_squeeze %dma_start3A_663 : memref<1x128x16xf32, #tpu.memory_space<vmem>> -> memref<128x16xf32, #tpu.memory_space<vmem>>
      %dma_start3A_665 = arith.constant 0 : i32
      %dma_start3A_666 = tpu.memref_slice %arg9[%dma_start3A_660, %dma_start3A_665] : memref<16x128xi32, #tpu.memory_space<vmem>> -> memref<1x128xi32, #tpu.memory_space<vmem>>
      %dma_start3A_667 = tpu.memref_squeeze %dma_start3A_666 : memref<1x128xi32, #tpu.memory_space<vmem>> -> memref<128xi32, #tpu.memory_space<vmem>>
      %dma_start3A_668 = arith.constant 0 : i32
      %dma_start3A_669 = arith.constant 0 : i32
      %dma_start3A_670 = tpu.memref_slice %arg7[%dma_start3A_668, %dma_start3A_669] : memref<10240x16xf32, #tpu.memory_space<vmem_shared>> -> memref<10240x16xf32, #tpu.memory_space<vmem_shared>>
      tpu.enqueue_indirect_dma source(%dma_start3A_664 : memref<128x16xf32, #tpu.memory_space<vmem>>) target(%dma_start3A_670 : memref<10240x16xf32, #tpu.memory_space<vmem_shared>>) offsets(%dma_start3A_667 : memref<128xi32, #tpu.memory_space<vmem>>) semaphore(%arg14 : memref<!tpu.dma_semaphore, #tpu.memory_space<semaphore_mem>>) {add = true}
      %dma_wait3A_671 = arith.constant 0 : i32
      %dma_wait3A_672 = arith.constant 12 : i32
      %dma_wait3A_673 = arith.constant 0 : i32
      %dma_wait3A_674 = arith.constant 0 : i32
      %dma_wait3A_675 = tpu.memref_slice %arg10[%dma_wait3A_671, %dma_wait3A_673, %dma_wait3A_674] : memref<2x128x16xf32, #tpu.memory_space<vmem>> -> memref<1x128x16xf32, #tpu.memory_space<vmem>>
      %dma_wait3A_676 = tpu.memref_squeeze %dma_wait3A_675 : memref<1x128x16xf32, #tpu.memory_space<vmem>> -> memref<128x16xf32, #tpu.memory_space<vmem>>
      %dma_wait3A_677 = arith.constant 0 : i32
      %dma_wait3A_678 = tpu.memref_slice %arg9[%dma_wait3A_672, %dma_wait3A_677] : memref<16x128xi32, #tpu.memory_space<vmem>> -> memref<1x128xi32, #tpu.memory_space<vmem>>
      %dma_wait3A_679 = tpu.memref_squeeze %dma_wait3A_678 : memref<1x128xi32, #tpu.memory_space<vmem>> -> memref<128xi32, #tpu.memory_space<vmem>>
      %dma_wait3A_680 = arith.constant 0 : i32
      %dma_wait3A_681 = arith.constant 0 : i32
      %dma_wait3A_682 = tpu.memref_slice %arg7[%dma_wait3A_680, %dma_wait3A_681] : memref<10240x16xf32, #tpu.memory_space<vmem_shared>> -> memref<10240x16xf32, #tpu.memory_space<vmem_shared>>
      tpu.wait_indirect_dma semaphore(%arg13 : memref<!tpu.dma_semaphore, #tpu.memory_space<semaphore_mem>>) src(%dma_wait3A_676 : memref<128x16xf32, #tpu.memory_space<vmem>>) dst(%dma_wait3A_682 : memref<10240x16xf32, #tpu.memory_space<vmem_shared>>)
      %dma_start3A_683 = arith.constant 14 : i32
      %dma_start3A_684 = arith.constant 0 : i32
      %dma_start3A_685 = arith.constant 0 : i32
      %dma_start3A_686 = arith.constant 0 : i32
      %dma_start3A_687 = tpu.memref_slice %arg10[%dma_start3A_684, %dma_start3A_685, %dma_start3A_686] : memref<2x128x16xf32, #tpu.memory_space<vmem>> -> memref<1x128x16xf32, #tpu.memory_space<vmem>>
      %dma_start3A_688 = tpu.memref_squeeze %dma_start3A_687 : memref<1x128x16xf32, #tpu.memory_space<vmem>> -> memref<128x16xf32, #tpu.memory_space<vmem>>
      %dma_start3A_689 = arith.constant 0 : i32
      %dma_start3A_690 = tpu.memref_slice %arg8[%dma_start3A_683, %dma_start3A_689] : memref<16x128xi32, #tpu.memory_space<vmem>> -> memref<1x128xi32, #tpu.memory_space<vmem>>
      %dma_start3A_691 = tpu.memref_squeeze %dma_start3A_690 : memref<1x128xi32, #tpu.memory_space<vmem>> -> memref<128xi32, #tpu.memory_space<vmem>>
      %dma_start3A_692 = arith.constant 0 : i32
      %dma_start3A_693 = arith.constant 0 : i32
      %dma_start3A_694 = tpu.memref_slice %arg6[%dma_start3A_692, %dma_start3A_693] : memref<10240x16xf32, #tpu.memory_space<vmem_shared>> -> memref<10240x16xf32, #tpu.memory_space<vmem_shared>>
      tpu.enqueue_indirect_dma source(%dma_start3A_694 : memref<10240x16xf32, #tpu.memory_space<vmem_shared>>) target(%dma_start3A_688 : memref<128x16xf32, #tpu.memory_space<vmem>>) offsets(%dma_start3A_691 : memref<128xi32, #tpu.memory_space<vmem>>) semaphore(%arg11 : memref<!tpu.dma_semaphore, #tpu.memory_space<semaphore_mem>>)
      %dma_wait3A_695 = arith.constant 14 : i32
      %dma_wait3A_696 = arith.constant 0 : i32
      %dma_wait3A_697 = arith.constant 0 : i32
      %dma_wait3A_698 = arith.constant 0 : i32
      %dma_wait3A_699 = tpu.memref_slice %arg10[%dma_wait3A_696, %dma_wait3A_697, %dma_wait3A_698] : memref<2x128x16xf32, #tpu.memory_space<vmem>> -> memref<1x128x16xf32, #tpu.memory_space<vmem>>
      %dma_wait3A_700 = tpu.memref_squeeze %dma_wait3A_699 : memref<1x128x16xf32, #tpu.memory_space<vmem>> -> memref<128x16xf32, #tpu.memory_space<vmem>>
      %dma_wait3A_701 = arith.constant 0 : i32
      %dma_wait3A_702 = tpu.memref_slice %arg8[%dma_wait3A_695, %dma_wait3A_701] : memref<16x128xi32, #tpu.memory_space<vmem>> -> memref<1x128xi32, #tpu.memory_space<vmem>>
      %dma_wait3A_703 = tpu.memref_squeeze %dma_wait3A_702 : memref<1x128xi32, #tpu.memory_space<vmem>> -> memref<128xi32, #tpu.memory_space<vmem>>
      %dma_wait3A_704 = arith.constant 0 : i32
      %dma_wait3A_705 = arith.constant 0 : i32
      %dma_wait3A_706 = tpu.memref_slice %arg6[%dma_wait3A_704, %dma_wait3A_705] : memref<10240x16xf32, #tpu.memory_space<vmem_shared>> -> memref<10240x16xf32, #tpu.memory_space<vmem_shared>>
      tpu.wait_indirect_dma semaphore(%arg11 : memref<!tpu.dma_semaphore, #tpu.memory_space<semaphore_mem>>) src(%dma_wait3A_706 : memref<10240x16xf32, #tpu.memory_space<vmem_shared>>) dst(%dma_wait3A_700 : memref<128x16xf32, #tpu.memory_space<vmem>>)
      %dma_start3A_707 = arith.constant 0 : i32
      %dma_start3A_708 = arith.constant 14 : i32
      %dma_start3A_709 = arith.constant 0 : i32
      %dma_start3A_710 = arith.constant 0 : i32
      %dma_start3A_711 = tpu.memref_slice %arg10[%dma_start3A_707, %dma_start3A_709, %dma_start3A_710] : memref<2x128x16xf32, #tpu.memory_space<vmem>> -> memref<1x128x16xf32, #tpu.memory_space<vmem>>
      %dma_start3A_712 = tpu.memref_squeeze %dma_start3A_711 : memref<1x128x16xf32, #tpu.memory_space<vmem>> -> memref<128x16xf32, #tpu.memory_space<vmem>>
      %dma_start3A_713 = arith.constant 0 : i32
      %dma_start3A_714 = tpu.memref_slice %arg9[%dma_start3A_708, %dma_start3A_713] : memref<16x128xi32, #tpu.memory_space<vmem>> -> memref<1x128xi32, #tpu.memory_space<vmem>>
      %dma_start3A_715 = tpu.memref_squeeze %dma_start3A_714 : memref<1x128xi32, #tpu.memory_space<vmem>> -> memref<128xi32, #tpu.memory_space<vmem>>
      %dma_start3A_716 = arith.constant 0 : i32
      %dma_start3A_717 = arith.constant 0 : i32
      %dma_start3A_718 = tpu.memref_slice %arg7[%dma_start3A_716, %dma_start3A_717] : memref<10240x16xf32, #tpu.memory_space<vmem_shared>> -> memref<10240x16xf32, #tpu.memory_space<vmem_shared>>
      tpu.enqueue_indirect_dma source(%dma_start3A_712 : memref<128x16xf32, #tpu.memory_space<vmem>>) target(%dma_start3A_718 : memref<10240x16xf32, #tpu.memory_space<vmem_shared>>) offsets(%dma_start3A_715 : memref<128xi32, #tpu.memory_space<vmem>>) semaphore(%arg13 : memref<!tpu.dma_semaphore, #tpu.memory_space<semaphore_mem>>) {add = true}
      %dma_wait3A_719 = arith.constant 1 : i32
      %dma_wait3A_720 = arith.constant 13 : i32
      %dma_wait3A_721 = arith.constant 0 : i32
      %dma_wait3A_722 = arith.constant 0 : i32
      %dma_wait3A_723 = tpu.memref_slice %arg10[%dma_wait3A_719, %dma_wait3A_721, %dma_wait3A_722] : memref<2x128x16xf32, #tpu.memory_space<vmem>> -> memref<1x128x16xf32, #tpu.memory_space<vmem>>
      %dma_wait3A_724 = tpu.memref_squeeze %dma_wait3A_723 : memref<1x128x16xf32, #tpu.memory_space<vmem>> -> memref<128x16xf32, #tpu.memory_space<vmem>>
      %dma_wait3A_725 = arith.constant 0 : i32
      %dma_wait3A_726 = tpu.memref_slice %arg9[%dma_wait3A_720, %dma_wait3A_725] : memref<16x128xi32, #tpu.memory_space<vmem>> -> memref<1x128xi32, #tpu.memory_space<vmem>>
      %dma_wait3A_727 = tpu.memref_squeeze %dma_wait3A_726 : memref<1x128xi32, #tpu.memory_space<vmem>> -> memref<128xi32, #tpu.memory_space<vmem>>
      %dma_wait3A_728 = arith.constant 0 : i32
      %dma_wait3A_729 = arith.constant 0 : i32
      %dma_wait3A_730 = tpu.memref_slice %arg7[%dma_wait3A_728, %dma_wait3A_729] : memref<10240x16xf32, #tpu.memory_space<vmem_shared>> -> memref<10240x16xf32, #tpu.memory_space<vmem_shared>>
      tpu.wait_indirect_dma semaphore(%arg14 : memref<!tpu.dma_semaphore, #tpu.memory_space<semaphore_mem>>) src(%dma_wait3A_724 : memref<128x16xf32, #tpu.memory_space<vmem>>) dst(%dma_wait3A_730 : memref<10240x16xf32, #tpu.memory_space<vmem_shared>>)
      %dma_start3A_731 = arith.constant 15 : i32
      %dma_start3A_732 = arith.constant 1 : i32
      %dma_start3A_733 = arith.constant 0 : i32
      %dma_start3A_734 = arith.constant 0 : i32
      %dma_start3A_735 = tpu.memref_slice %arg10[%dma_start3A_732, %dma_start3A_733, %dma_start3A_734] : memref<2x128x16xf32, #tpu.memory_space<vmem>> -> memref<1x128x16xf32, #tpu.memory_space<vmem>>
      %dma_start3A_736 = tpu.memref_squeeze %dma_start3A_735 : memref<1x128x16xf32, #tpu.memory_space<vmem>> -> memref<128x16xf32, #tpu.memory_space<vmem>>
      %dma_start3A_737 = arith.constant 0 : i32
      %dma_start3A_738 = tpu.memref_slice %arg8[%dma_start3A_731, %dma_start3A_737] : memref<16x128xi32, #tpu.memory_space<vmem>> -> memref<1x128xi32, #tpu.memory_space<vmem>>
      %dma_start3A_739 = tpu.memref_squeeze %dma_start3A_738 : memref<1x128xi32, #tpu.memory_space<vmem>> -> memref<128xi32, #tpu.memory_space<vmem>>
      %dma_start3A_740 = arith.constant 0 : i32
      %dma_start3A_741 = arith.constant 0 : i32
      %dma_start3A_742 = tpu.memref_slice %arg6[%dma_start3A_740, %dma_start3A_741] : memref<10240x16xf32, #tpu.memory_space<vmem_shared>> -> memref<10240x16xf32, #tpu.memory_space<vmem_shared>>
      tpu.enqueue_indirect_dma source(%dma_start3A_742 : memref<10240x16xf32, #tpu.memory_space<vmem_shared>>) target(%dma_start3A_736 : memref<128x16xf32, #tpu.memory_space<vmem>>) offsets(%dma_start3A_739 : memref<128xi32, #tpu.memory_space<vmem>>) semaphore(%arg12 : memref<!tpu.dma_semaphore, #tpu.memory_space<semaphore_mem>>)
      %dma_wait3A_743 = arith.constant 15 : i32
      %dma_wait3A_744 = arith.constant 1 : i32
      %dma_wait3A_745 = arith.constant 0 : i32
      %dma_wait3A_746 = arith.constant 0 : i32
      %dma_wait3A_747 = tpu.memref_slice %arg10[%dma_wait3A_744, %dma_wait3A_745, %dma_wait3A_746] : memref<2x128x16xf32, #tpu.memory_space<vmem>> -> memref<1x128x16xf32, #tpu.memory_space<vmem>>
      %dma_wait3A_748 = tpu.memref_squeeze %dma_wait3A_747 : memref<1x128x16xf32, #tpu.memory_space<vmem>> -> memref<128x16xf32, #tpu.memory_space<vmem>>
      %dma_wait3A_749 = arith.constant 0 : i32
      %dma_wait3A_750 = tpu.memref_slice %arg8[%dma_wait3A_743, %dma_wait3A_749] : memref<16x128xi32, #tpu.memory_space<vmem>> -> memref<1x128xi32, #tpu.memory_space<vmem>>
      %dma_wait3A_751 = tpu.memref_squeeze %dma_wait3A_750 : memref<1x128xi32, #tpu.memory_space<vmem>> -> memref<128xi32, #tpu.memory_space<vmem>>
      %dma_wait3A_752 = arith.constant 0 : i32
      %dma_wait3A_753 = arith.constant 0 : i32
      %dma_wait3A_754 = tpu.memref_slice %arg6[%dma_wait3A_752, %dma_wait3A_753] : memref<10240x16xf32, #tpu.memory_space<vmem_shared>> -> memref<10240x16xf32, #tpu.memory_space<vmem_shared>>
      tpu.wait_indirect_dma semaphore(%arg12 : memref<!tpu.dma_semaphore, #tpu.memory_space<semaphore_mem>>) src(%dma_wait3A_754 : memref<10240x16xf32, #tpu.memory_space<vmem_shared>>) dst(%dma_wait3A_748 : memref<128x16xf32, #tpu.memory_space<vmem>>)
      %dma_start3A_755 = arith.constant 1 : i32
      %dma_start3A_756 = arith.constant 15 : i32
      %dma_start3A_757 = arith.constant 0 : i32
      %dma_start3A_758 = arith.constant 0 : i32
      %dma_start3A_759 = tpu.memref_slice %arg10[%dma_start3A_755, %dma_start3A_757, %dma_start3A_758] : memref<2x128x16xf32, #tpu.memory_space<vmem>> -> memref<1x128x16xf32, #tpu.memory_space<vmem>>
      %dma_start3A_760 = tpu.memref_squeeze %dma_start3A_759 : memref<1x128x16xf32, #tpu.memory_space<vmem>> -> memref<128x16xf32, #tpu.memory_space<vmem>>
      %dma_start3A_761 = arith.constant 0 : i32
      %dma_start3A_762 = tpu.memref_slice %arg9[%dma_start3A_756, %dma_start3A_761] : memref<16x128xi32, #tpu.memory_space<vmem>> -> memref<1x128xi32, #tpu.memory_space<vmem>>
      %dma_start3A_763 = tpu.memref_squeeze %dma_start3A_762 : memref<1x128xi32, #tpu.memory_space<vmem>> -> memref<128xi32, #tpu.memory_space<vmem>>
      %dma_start3A_764 = arith.constant 0 : i32
      %dma_start3A_765 = arith.constant 0 : i32
      %dma_start3A_766 = tpu.memref_slice %arg7[%dma_start3A_764, %dma_start3A_765] : memref<10240x16xf32, #tpu.memory_space<vmem_shared>> -> memref<10240x16xf32, #tpu.memory_space<vmem_shared>>
      tpu.enqueue_indirect_dma source(%dma_start3A_760 : memref<128x16xf32, #tpu.memory_space<vmem>>) target(%dma_start3A_766 : memref<10240x16xf32, #tpu.memory_space<vmem_shared>>) offsets(%dma_start3A_763 : memref<128xi32, #tpu.memory_space<vmem>>) semaphore(%arg14 : memref<!tpu.dma_semaphore, #tpu.memory_space<semaphore_mem>>) {add = true}
      %dma_wait3A_767 = arith.constant 0 : i32
      %dma_wait3A_768 = arith.constant 14 : i32
      %dma_wait3A_769 = arith.constant 0 : i32
      %dma_wait3A_770 = arith.constant 0 : i32
      %dma_wait3A_771 = tpu.memref_slice %arg10[%dma_wait3A_767, %dma_wait3A_769, %dma_wait3A_770] : memref<2x128x16xf32, #tpu.memory_space<vmem>> -> memref<1x128x16xf32, #tpu.memory_space<vmem>>
      %dma_wait3A_772 = tpu.memref_squeeze %dma_wait3A_771 : memref<1x128x16xf32, #tpu.memory_space<vmem>> -> memref<128x16xf32, #tpu.memory_space<vmem>>
      %dma_wait3A_773 = arith.constant 0 : i32
      %dma_wait3A_774 = tpu.memref_slice %arg9[%dma_wait3A_768, %dma_wait3A_773] : memref<16x128xi32, #tpu.memory_space<vmem>> -> memref<1x128xi32, #tpu.memory_space<vmem>>
      %dma_wait3A_775 = tpu.memref_squeeze %dma_wait3A_774 : memref<1x128xi32, #tpu.memory_space<vmem>> -> memref<128xi32, #tpu.memory_space<vmem>>
      %dma_wait3A_776 = arith.constant 0 : i32
      %dma_wait3A_777 = arith.constant 0 : i32
      %dma_wait3A_778 = tpu.memref_slice %arg7[%dma_wait3A_776, %dma_wait3A_777] : memref<10240x16xf32, #tpu.memory_space<vmem_shared>> -> memref<10240x16xf32, #tpu.memory_space<vmem_shared>>
      tpu.wait_indirect_dma semaphore(%arg13 : memref<!tpu.dma_semaphore, #tpu.memory_space<semaphore_mem>>) src(%dma_wait3A_772 : memref<128x16xf32, #tpu.memory_space<vmem>>) dst(%dma_wait3A_778 : memref<10240x16xf32, #tpu.memory_space<vmem_shared>>)
      %dma_wait3A_779 = arith.constant 1 : i32
      %dma_wait3A_780 = arith.constant 15 : i32
      %dma_wait3A_781 = arith.constant 0 : i32
      %dma_wait3A_782 = arith.constant 0 : i32
      %dma_wait3A_783 = tpu.memref_slice %arg10[%dma_wait3A_779, %dma_wait3A_781, %dma_wait3A_782] : memref<2x128x16xf32, #tpu.memory_space<vmem>> -> memref<1x128x16xf32, #tpu.memory_space<vmem>>
      %dma_wait3A_784 = tpu.memref_squeeze %dma_wait3A_783 : memref<1x128x16xf32, #tpu.memory_space<vmem>> -> memref<128x16xf32, #tpu.memory_space<vmem>>
      %dma_wait3A_785 = arith.constant 0 : i32
      %dma_wait3A_786 = tpu.memref_slice %arg9[%dma_wait3A_780, %dma_wait3A_785] : memref<16x128xi32, #tpu.memory_space<vmem>> -> memref<1x128xi32, #tpu.memory_space<vmem>>
      %dma_wait3A_787 = tpu.memref_squeeze %dma_wait3A_786 : memref<1x128xi32, #tpu.memory_space<vmem>> -> memref<128xi32, #tpu.memory_space<vmem>>
      %dma_wait3A_788 = arith.constant 0 : i32
      %dma_wait3A_789 = arith.constant 0 : i32
      %dma_wait3A_790 = tpu.memref_slice %arg7[%dma_wait3A_788, %dma_wait3A_789] : memref<10240x16xf32, #tpu.memory_space<vmem_shared>> -> memref<10240x16xf32, #tpu.memory_space<vmem_shared>>
      tpu.wait_indirect_dma semaphore(%arg14 : memref<!tpu.dma_semaphore, #tpu.memory_space<semaphore_mem>>) src(%dma_wait3A_784 : memref<128x16xf32, #tpu.memory_space<vmem>>) dst(%dma_wait3A_790 : memref<10240x16xf32, #tpu.memory_space<vmem_shared>>)
    }
    %scan3A_15 = arith.constant 5 : i32
    %barrier3A_16 = arith.constant 0 : index
    tpu.barrier barrier_id(%barrier3A_16)
    %mul3A_17 = arith.constant 640 : i32
    %mul3A_18 = arith.muli %arg1, %mul3A_17 : i32
    %mul3A_19 = arith.constant 640 : i32
    %mul3A_20 = arith.muli %arg1, %mul3A_19 : i32
    %run_scoped3A = arith.constant 0 : i32
    "tpu.region"() ({
      %run_scoped3A_21 = tpu.sem_alloc : memref<!tpu.dma_semaphore, #tpu.memory_space<semaphore_mem>>
      %dma_start3A = arith.constant 0 : i32
      %dma_start3A_22 = tpu.memref_slice %arg5[%run_scoped3A, %arg0, %mul3A_20, %dma_start3A] : memref<1x2x10240x16xf32, #tpu.memory_space<hbm>> -> memref<1x1x640x16xf32, #tpu.memory_space<hbm>>
      %dma_start3A_23 = tpu.memref_squeeze %dma_start3A_22 : memref<1x1x640x16xf32, #tpu.memory_space<hbm>> -> memref<640x16xf32, #tpu.memory_space<hbm>>
      %dma_start3A_24 = arith.constant 0 : i32
      %dma_start3A_25 = tpu.memref_slice %arg7[%mul3A_18, %dma_start3A_24] : memref<10240x16xf32, #tpu.memory_space<vmem_shared>> -> memref<640x16xf32, #tpu.memory_space<vmem_shared>>
      tpu.enqueue_dma source(%dma_start3A_25 : memref<640x16xf32, #tpu.memory_space<vmem_shared>>) target(%dma_start3A_23 : memref<640x16xf32, #tpu.memory_space<hbm>>) target_semaphore(%run_scoped3A_21 : memref<!tpu.dma_semaphore, #tpu.memory_space<semaphore_mem>>)
      %dma_wait3A = arith.constant 0 : i32
      %dma_wait3A_26 = tpu.memref_slice %arg5[%run_scoped3A, %arg0, %mul3A_20, %dma_wait3A] : memref<1x2x10240x16xf32, #tpu.memory_space<hbm>> -> memref<1x1x640x16xf32, #tpu.memory_space<hbm>>
      %dma_wait3A_27 = tpu.memref_squeeze %dma_wait3A_26 : memref<1x1x640x16xf32, #tpu.memory_space<hbm>> -> memref<640x16xf32, #tpu.memory_space<hbm>>
      %dma_wait3A_28 = arith.constant 0 : i32
      %dma_wait3A_29 = tpu.memref_slice %arg7[%mul3A_18, %dma_wait3A_28] : memref<10240x16xf32, #tpu.memory_space<vmem_shared>> -> memref<640x16xf32, #tpu.memory_space<vmem_shared>>
      tpu.wait_dma2 semaphore(%run_scoped3A_21 : memref<!tpu.dma_semaphore, #tpu.memory_space<semaphore_mem>>) src(%dma_wait3A_29 : memref<640x16xf32, #tpu.memory_space<vmem_shared>>) dst(%dma_wait3A_27 : memref<640x16xf32, #tpu.memory_space<hbm>>)
      tpu.yield
    }) : () -> ()
    return
  }
}

module attributes {stable_mosaic.version = 14 : i64} {
  func.func @_tca_body(%arg0: memref<10240x32xf32, #tpu.memory_space<vmem>>, %arg1: memref<10000x128xf32, #tpu.memory_space<vmem>>, %arg2: memref<10240x1xf32, #tpu.memory_space<vmem>>, %arg3: memref<10240x128xbf16, #tpu.memory_space<vmem>>) attributes {dimension_semantics = [], scalar_prefetch = 0 : i64, scratch_operands = 0 : i64, tpu.core_type = #tpu.core_type<tc>} {
    %get3A = arith.constant 0 : index
    %get3A_0 = arith.constant 0 : index
    %get3A_1 = vector.load %arg0[%get3A, %get3A_0] : memref<10240x32xf32, #tpu.memory_space<vmem>>, vector<10240x32xf32>
    %reduce_sum3A = arith.constant dense<0.000000e+00> : vector<10240xf32>
    %reduce_sum3A_2 = vector.multi_reduction <add>, %get3A_1, %reduce_sum3A [1] : vector<10240x32xf32> to vector<10240xf32>
    %broadcast_in_dim3A = vector.shape_cast %reduce_sum3A_2 : vector<10240xf32> to vector<10240x1xf32>
    %add3A = arith.constant 1.000000e+00 : f32
    %add3A_3 = vector.broadcast %add3A : f32 to vector<10240x1xf32>
    %add3A_4 = arith.addf %broadcast_in_dim3A, %add3A_3 : vector<10240x1xf32>
    %rsqrt3A = math.rsqrt %add3A_4 : vector<10240x1xf32>
    %swap3A = arith.constant 0 : index
    %swap3A_5 = arith.constant 0 : index
    %swap3A_6 = vector.load %arg2[%swap3A, %swap3A_5] : memref<10240x1xf32, #tpu.memory_space<vmem>>, vector<10240x1xf32>
    tpu.vector_store %arg2[%swap3A, %swap3A_5], %rsqrt3A {strides = array<i32>} : memref<10240x1xf32, #tpu.memory_space<vmem>>, vector<10240x1xf32>,
    %get3A_7 = arith.constant 0 : index
    %get3A_8 = arith.constant 0 : index
    %get3A_9 = vector.load %arg1[%get3A_7, %get3A_8] : memref<10000x128xf32, #tpu.memory_space<vmem>>, vector<10000x128xf32>
    %slice3A = vector.extract_strided_slice %rsqrt3A {offsets = [0, 0], sizes = [10000, 1], strides = [1, 1]} : vector<10240x1xf32> to vector<10000x1xf32>
    %mul3A = vector.broadcast %slice3A : vector<10000x1xf32> to vector<10000x128xf32>
    %mul3A_10 = arith.mulf %get3A_9, %mul3A : vector<10000x128xf32>
    %convert_element_type3A = arith.truncf %mul3A_10 : vector<10000x128xf32> to vector<10000x128xbf16>
    %broadcast_in_dim3A_11 = arith.constant 0.000000e+00 : bf16
    %broadcast_in_dim3A_12 = vector.broadcast %broadcast_in_dim3A_11 : bf16 to vector<240x128xbf16>
    %concatenate3A = tpu.concatenate %convert_element_type3A, %broadcast_in_dim3A_12 in 0 : vector<10000x128xbf16>, vector<240x128xbf16> -> vector<10240x128xbf16>
    %swap3A_13 = arith.constant 0 : index
    %swap3A_14 = arith.constant 0 : index
    %swap3A_15 = vector.load %arg3[%swap3A_13, %swap3A_14] : memref<10240x128xbf16, #tpu.memory_space<vmem>>, vector<10240x128xbf16>
    tpu.vector_store %arg3[%swap3A_13, %swap3A_14], %concatenate3A {strides = array<i32>} : memref<10240x128xbf16, #tpu.memory_space<vmem>>, vector<10240x128xbf16>,
    return
  }
}

module attributes {stable_mosaic.version = 14 : i64} {
  func.func @_tcb_body(%arg0: i32, %arg1: memref<1x2x2000x128xbf16, #tpu.memory_space<vmem>>, %arg2: memref<2000x1xf32, #tpu.memory_space<vmem>>, %arg3: memref<128x256xf32, #tpu.memory_space<vmem>>, %arg4: memref<1x256xf32, #tpu.memory_space<vmem>>, %arg5: memref<256x16xf32, #tpu.memory_space<vmem>>, %arg6: memref<2000x16xf32, #tpu.memory_space<vmem>>) attributes {dimension_semantics = [#tpu.dimension_semantics<arbitrary>], iteration_bounds = array<i64: 5>, scalar_prefetch = 0 : i64, scratch_operands = 0 : i64, tpu.core_type = #tpu.core_type<tc>, window_params = [{transform_indices = @transform_0, window_bounds = array<i64: 1, 2, 2000, 128>}, {transform_indices = @transform_1, window_bounds = array<i64: 2000, 1>}, {pipeline_mode = #tpu.pipeline_mode<synchronous>, transform_indices = @transform_2, window_bounds = array<i64: 128, 256>}, {pipeline_mode = #tpu.pipeline_mode<synchronous>, transform_indices = @transform_3, window_bounds = array<i64: 1, 256>}, {pipeline_mode = #tpu.pipeline_mode<synchronous>, transform_indices = @transform_4, window_bounds = array<i64: 256, 16>}, {transform_indices = @transform_5, window_bounds = array<i64: 2000, 16>}]} {
    %get3A = arith.constant 0 : index
    %get3A_0 = arith.constant 0 : index
    %get3A_1 = vector.load %arg2[%get3A, %get3A_0] : memref<2000x1xf32, #tpu.memory_space<vmem>>, vector<2000x1xf32>
    %get3A_2 = arith.constant 0 : index
    %get3A_3 = arith.constant 0 : index
    %get3A_4 = arith.constant 0 : index
    %get3A_5 = arith.constant 0 : index
    %get3A_6 = vector.load %arg1[%get3A_2, %get3A_3, %get3A_4, %get3A_5] : memref<1x2x2000x128xbf16, #tpu.memory_space<vmem>>, vector<1x2x2000x128xbf16>
    %convert_element_type3A = arith.extf %get3A_6 : vector<1x2x2000x128xbf16> to vector<1x2x2000x128xf32>
    %slice3A = vector.extract_strided_slice %convert_element_type3A {offsets = [0, 0, 0, 0], sizes = [1, 1, 2000, 128], strides = [1, 1, 1, 1]} : vector<1x2x2000x128xf32> to vector<1x1x2000x128xf32>
    %squeeze3A = vector.shape_cast %slice3A : vector<1x1x2000x128xf32> to vector<2000x128xf32>
    %slice3A_7 = vector.extract_strided_slice %convert_element_type3A {offsets = [0, 1, 0, 0], sizes = [1, 1, 2000, 128], strides = [1, 1, 1, 1]} : vector<1x2x2000x128xf32> to vector<1x1x2000x128xf32>
    %squeeze3A_8 = vector.shape_cast %slice3A_7 : vector<1x1x2000x128xf32> to vector<2000x128xf32>
    %add3A = arith.addf %squeeze3A, %squeeze3A_8 : vector<2000x128xf32>
    %mul3A = vector.broadcast %get3A_1 : vector<2000x1xf32> to vector<2000x128xf32>
    %mul3A_9 = arith.mulf %add3A, %mul3A : vector<2000x128xf32>
    %get3A_10 = arith.constant 0 : index
    %get3A_11 = arith.constant 0 : index
    %get3A_12 = vector.load %arg3[%get3A_10, %get3A_11] : memref<128x256xf32, #tpu.memory_space<vmem>>, vector<128x256xf32>
    %dot_general3A = arith.constant dense<0.000000e+00> : vector<2000x256xf32>
    %dot_general3A_13 = tpu.matmul %mul3A_9, %get3A_12, %dot_general3A {dimension_numbers = #tpu.dot_dimension_numbers<[1], [0], [0], [1], [0, 0, 1, 1], [], []>, transpose_lhs_hint = false} : vector<2000x128xf32>, vector<128x256xf32>, vector<2000x256xf32> -> vector<2000x256xf32>
    %get3A_14 = arith.constant 0 : index
    %get3A_15 = arith.constant 0 : index
    %get3A_16 = vector.load %arg4[%get3A_14, %get3A_15] : memref<1x256xf32, #tpu.memory_space<vmem>>, vector<1x256xf32>
    %add3A_17 = vector.broadcast %get3A_16 : vector<1x256xf32> to vector<2000x256xf32>
    %add3A_18 = arith.addf %dot_general3A_13, %add3A_17 : vector<2000x256xf32>
    %tanh3A = math.tanh %add3A_18 : vector<2000x256xf32>
    %get3A_19 = arith.constant 0 : index
    %get3A_20 = arith.constant 0 : index
    %get3A_21 = vector.load %arg5[%get3A_19, %get3A_20] : memref<256x16xf32, #tpu.memory_space<vmem>>, vector<256x16xf32>
    %dot_general3A_22 = arith.constant dense<0.000000e+00> : vector<2000x16xf32>
    %dot_general3A_23 = tpu.matmul %tanh3A, %get3A_21, %dot_general3A_22 {dimension_numbers = #tpu.dot_dimension_numbers<[1], [0], [0], [1], [0, 0, 1, 1], [], []>, transpose_lhs_hint = false} : vector<2000x256xf32>, vector<256x16xf32>, vector<2000x16xf32> -> vector<2000x16xf32>
    %mul3A_24 = vector.broadcast %get3A_1 : vector<2000x1xf32> to vector<2000x16xf32>
    %mul3A_25 = arith.mulf %dot_general3A_23, %mul3A_24 : vector<2000x16xf32>
    %swap3A = arith.constant 0 : index
    %swap3A_26 = arith.constant 0 : index
    %swap3A_27 = vector.load %arg6[%swap3A, %swap3A_26] : memref<2000x16xf32, #tpu.memory_space<vmem>>, vector<2000x16xf32>
    tpu.vector_store %arg6[%swap3A, %swap3A_26], %mul3A_25 {strides = array<i32>} : memref<2000x16xf32, #tpu.memory_space<vmem>>, vector<2000x16xf32>,
    return
  }
  func.func @transform_0(%arg0: i32) -> (i32, i32, i32, i32) {
    %c0_i32 = arith.constant 0 : i32
    %c0_i32_0 = arith.constant 0 : i32
    %c0_i32_1 = arith.constant 0 : i32
    %c0_i32_2 = arith.constant 0 : i32
    return %c0_i32, %c0_i32_0, %arg0, %c0_i32_1 : i32, i32, i32, i32
  }
  func.func @transform_1(%arg0: i32) -> (i32, i32) {
    %c0_i32 = arith.constant 0 : i32
    %c0_i32_0 = arith.constant 0 : i32
    return %arg0, %c0_i32 : i32, i32
  }
  func.func @transform_2(%arg0: i32) -> (i32, i32) {
    %c0_i32 = arith.constant 0 : i32
    %c0_i32_0 = arith.constant 0 : i32
    %c0_i32_1 = arith.constant 0 : i32
    return %c0_i32, %c0_i32_0 : i32, i32
  }
  func.func @transform_3(%arg0: i32) -> (i32, i32) {
    %c0_i32 = arith.constant 0 : i32
    %c0_i32_0 = arith.constant 0 : i32
    %c0_i32_1 = arith.constant 0 : i32
    return %c0_i32, %c0_i32_0 : i32, i32
  }
  func.func @transform_4(%arg0: i32) -> (i32, i32) {
    %c0_i32 = arith.constant 0 : i32
    %c0_i32_0 = arith.constant 0 : i32
    %c0_i32_1 = arith.constant 0 : i32
    return %c0_i32, %c0_i32_0 : i32, i32
  }
  func.func @transform_5(%arg0: i32) -> (i32, i32) {
    %c0_i32 = arith.constant 0 : i32
    %c0_i32_0 = arith.constant 0 : i32
    return %arg0, %c0_i32 : i32, i32
  }
}

module attributes {stable_mosaic.version = 14 : i64} {
  func.func @_tcc_body(%arg0: i32, %arg1: memref<1x2x2000x16xf32, #tpu.memory_space<vmem>>, %arg2: memref<2000x1xf32, #tpu.memory_space<vmem>>, %arg3: memref<1x16xf32, #tpu.memory_space<vmem>>, %arg4: memref<16x40xf32, #tpu.memory_space<vmem>>, %arg5: memref<1x40xf32, #tpu.memory_space<vmem>>, %arg6: memref<2000x40xf32, #tpu.memory_space<vmem>>) attributes {dimension_semantics = [#tpu.dimension_semantics<arbitrary>], iteration_bounds = array<i64: 5>, scalar_prefetch = 0 : i64, scratch_operands = 0 : i64, tpu.core_type = #tpu.core_type<tc>, window_params = [{transform_indices = @transform_0, window_bounds = array<i64: 1, 2, 2000, 16>}, {transform_indices = @transform_1, window_bounds = array<i64: 2000, 1>}, {pipeline_mode = #tpu.pipeline_mode<synchronous>, transform_indices = @transform_2, window_bounds = array<i64: 1, 16>}, {pipeline_mode = #tpu.pipeline_mode<synchronous>, transform_indices = @transform_3, window_bounds = array<i64: 16, 40>}, {pipeline_mode = #tpu.pipeline_mode<synchronous>, transform_indices = @transform_4, window_bounds = array<i64: 1, 40>}, {transform_indices = @transform_5, window_bounds = array<i64: 2000, 40>}]} {
    %get3A = arith.constant 0 : index
    %get3A_0 = arith.constant 0 : index
    %get3A_1 = arith.constant 0 : index
    %get3A_2 = arith.constant 0 : index
    %get3A_3 = vector.load %arg1[%get3A, %get3A_0, %get3A_1, %get3A_2] : memref<1x2x2000x16xf32, #tpu.memory_space<vmem>>, vector<1x2x2000x16xf32>
    %slice3A = vector.extract_strided_slice %get3A_3 {offsets = [0, 0, 0, 0], sizes = [1, 1, 2000, 16], strides = [1, 1, 1, 1]} : vector<1x2x2000x16xf32> to vector<1x1x2000x16xf32>
    %squeeze3A = vector.shape_cast %slice3A : vector<1x1x2000x16xf32> to vector<2000x16xf32>
    %slice3A_4 = vector.extract_strided_slice %get3A_3 {offsets = [0, 1, 0, 0], sizes = [1, 1, 2000, 16], strides = [1, 1, 1, 1]} : vector<1x2x2000x16xf32> to vector<1x1x2000x16xf32>
    %squeeze3A_5 = vector.shape_cast %slice3A_4 : vector<1x1x2000x16xf32> to vector<2000x16xf32>
    %add3A = arith.addf %squeeze3A, %squeeze3A_5 : vector<2000x16xf32>
    %get3A_6 = arith.constant 0 : index
    %get3A_7 = arith.constant 0 : index
    %get3A_8 = vector.load %arg2[%get3A_6, %get3A_7] : memref<2000x1xf32, #tpu.memory_space<vmem>>, vector<2000x1xf32>
    %mul3A = vector.broadcast %get3A_8 : vector<2000x1xf32> to vector<2000x16xf32>
    %mul3A_9 = arith.mulf %add3A, %mul3A : vector<2000x16xf32>
    %get3A_10 = arith.constant 0 : index
    %get3A_11 = arith.constant 0 : index
    %get3A_12 = vector.load %arg3[%get3A_10, %get3A_11] : memref<1x16xf32, #tpu.memory_space<vmem>>, vector<1x16xf32>
    %add3A_13 = vector.broadcast %get3A_12 : vector<1x16xf32> to vector<2000x16xf32>
    %add3A_14 = arith.addf %mul3A_9, %add3A_13 : vector<2000x16xf32>
    %tanh3A = math.tanh %add3A_14 : vector<2000x16xf32>
    %get3A_15 = arith.constant 0 : index
    %get3A_16 = arith.constant 0 : index
    %get3A_17 = vector.load %arg4[%get3A_15, %get3A_16] : memref<16x40xf32, #tpu.memory_space<vmem>>, vector<16x40xf32>
    %dot_general3A = arith.constant dense<0.000000e+00> : vector<2000x40xf32>
    %dot_general3A_18 = tpu.matmul %tanh3A, %get3A_17, %dot_general3A {dimension_numbers = #tpu.dot_dimension_numbers<[1], [0], [0], [1], [0, 0, 1, 1], [], []>, transpose_lhs_hint = false} : vector<2000x16xf32>, vector<16x40xf32>, vector<2000x40xf32> -> vector<2000x40xf32>
    %get3A_19 = arith.constant 0 : index
    %get3A_20 = arith.constant 0 : index
    %get3A_21 = vector.load %arg5[%get3A_19, %get3A_20] : memref<1x40xf32, #tpu.memory_space<vmem>>, vector<1x40xf32>
    %add3A_22 = vector.broadcast %get3A_21 : vector<1x40xf32> to vector<2000x40xf32>
    %add3A_23 = arith.addf %dot_general3A_18, %add3A_22 : vector<2000x40xf32>
    %reduce_max3A = arith.constant dense<0xFF800000> : vector<2000xf32>
    %reduce_max3A_24 = vector.multi_reduction <maximumf>, %add3A_23, %reduce_max3A [1] : vector<2000x40xf32> to vector<2000xf32>
    %broadcast_in_dim3A = vector.shape_cast %reduce_max3A_24 : vector<2000xf32> to vector<2000x1xf32>
    %sub3A = vector.broadcast %broadcast_in_dim3A : vector<2000x1xf32> to vector<2000x40xf32>
    %sub3A_25 = arith.subf %add3A_23, %sub3A : vector<2000x40xf32>
    %exp3A = math.exp %sub3A_25 : vector<2000x40xf32>
    %reduce_sum3A = arith.constant dense<0.000000e+00> : vector<2000xf32>
    %reduce_sum3A_26 = vector.multi_reduction <add>, %exp3A, %reduce_sum3A [1] : vector<2000x40xf32> to vector<2000xf32>
    %broadcast_in_dim3A_27 = vector.shape_cast %reduce_sum3A_26 : vector<2000xf32> to vector<2000x1xf32>
    %div3A = vector.broadcast %broadcast_in_dim3A_27 : vector<2000x1xf32> to vector<2000x40xf32>
    %div3A_28 = arith.divf %exp3A, %div3A : vector<2000x40xf32>
    %swap3A = arith.constant 0 : index
    %swap3A_29 = arith.constant 0 : index
    %swap3A_30 = vector.load %arg6[%swap3A, %swap3A_29] : memref<2000x40xf32, #tpu.memory_space<vmem>>, vector<2000x40xf32>
    tpu.vector_store %arg6[%swap3A, %swap3A_29], %div3A_28 {strides = array<i32>} : memref<2000x40xf32, #tpu.memory_space<vmem>>, vector<2000x40xf32>,
    return
  }
  func.func @transform_0(%arg0: i32) -> (i32, i32, i32, i32) {
    %c0_i32 = arith.constant 0 : i32
    %c0_i32_0 = arith.constant 0 : i32
    %c0_i32_1 = arith.constant 0 : i32
    %c0_i32_2 = arith.constant 0 : i32
    return %c0_i32, %c0_i32_0, %arg0, %c0_i32_1 : i32, i32, i32, i32
  }
  func.func @transform_1(%arg0: i32) -> (i32, i32) {
    %c0_i32 = arith.constant 0 : i32
    %c0_i32_0 = arith.constant 0 : i32
    return %arg0, %c0_i32 : i32, i32
  }
  func.func @transform_2(%arg0: i32) -> (i32, i32) {
    %c0_i32 = arith.constant 0 : i32
    %c0_i32_0 = arith.constant 0 : i32
    %c0_i32_1 = arith.constant 0 : i32
    return %c0_i32, %c0_i32_0 : i32, i32
  }
  func.func @transform_3(%arg0: i32) -> (i32, i32) {
    %c0_i32 = arith.constant 0 : i32
    %c0_i32_0 = arith.constant 0 : i32
    %c0_i32_1 = arith.constant 0 : i32
    return %c0_i32, %c0_i32_0 : i32, i32
  }
  func.func @transform_4(%arg0: i32) -> (i32, i32) {
    %c0_i32 = arith.constant 0 : i32
    %c0_i32_0 = arith.constant 0 : i32
    %c0_i32_1 = arith.constant 0 : i32
    return %c0_i32, %c0_i32_0 : i32, i32
  }
  func.func @transform_5(%arg0: i32) -> (i32, i32) {
    %c0_i32 = arith.constant 0 : i32
    %c0_i32_0 = arith.constant 0 : i32
    return %arg0, %c0_i32 : i32, i32
  }
}

</mosaic_0001>

<sc_bundles>
// kernel: kernel.11.cloned.1.call-start
scs
__scs_entry_jumppad:
0x0: {  	(pc) =	sbr.rel $0x88, $3  }
0x1: {  	(tag) =	ssettag $0x0;
	lr =	simm.s32 $0x1  }
0x2: {  	[smem:$0x3F99] =	sst lr;
	_ =	strace $0xD0000000  }
0x3: {  	_ = 	snop  }
0x4: {  	_ = 	snop  }
0x5: {  	_ = 	snop  }
0x6: {  	_ = 	snop  }
0x7: {  	_ = 	snop  }
__scs_overlays_trampoline_lowered:
0x8: {  	[smem:$0x3FA8] =	sst s0  }
0x9: {  	[smem:$0x3FA9] =	sst s1  }
0xa: {  	[smem:$0x3FAA] =	sst s2  }
0xb: {  	[smem:$0x3FAB] =	sst s3  }
0xc: {  	[smem:$0x3FAC] =	sst s4  }
0xd: {  	[smem:$0x3FAD] =	sst s5  }
0xe: {  	[smem:$0x3FAE] =	sst s6  }
0xf: {  	[smem:$0x3FAF] =	sst s7  }
0x10: {  	[smem:$0x3FB0] =	sst s8  }
0x11: {  	[smem:$0x3FB1] =	sst s9;
	s0 =	simm.s32 @!p0 $0x0  }
0x12: {  	s1 =	sld [smem:$0x3F97];
	s0 =	simm.s32 @p0 $0x1  }
0x13: {  	[smem:$0x3FB2] =	sst s0;
	s0 =	simm.s32 @!p1 $0x0  }
0x14: {  	s2 =	sld [smem:$0x3F96];
	s0 =	simm.s32 @p1 $0x1  }
0x15: {  	[smem:$0x3FB3] =	sst s0;
	s0 =	simm.s32 @!p2 $0x0  }
0x16: {  	s3 =	sld [smem:$0x3FDB];
	s0 =	simm.s32 @p2 $0x1  }
0x17: {  	s4 =	simm.s32 $0x1BF5;
	[smem:$0x3FB5] =	sst s0  }
0x18: {  	s0 =	sld [smem:$0x3F98];
	_ =	swait.ge [sflag:s4], $0x0  }
0x19: {  	s7 =	sld [smem:$0x3F99]  }
0x1a: {  	s8 =	sadd.s32 $0xFFFFE003, lr  }
0x1b: {  	s9 =	sadd.s32 $0xFFFFFEF7, lr;
	s5 =	simm.s32 $0xFFFFFFFF;
	p2 =	slt.u32 s8, $0xFFFFF086  }
0x1c: {  	p1 =	slt.u32 s9, $0xF7A;
	s5 =	simm.s32 @!p2 $0x0  }
0x1d: {  	s5 =	simm.s32 @p1 $0x1;
	p0 =	seq.s32 s7, s2  }
0x1e: {  	s7 =	smul.u32 @!p0 $0xF7A, s2;
	p2 =	seq.s32 @!p0 s5, $0x0  }
0x1f: {  	s9 =	smul.u32 $0xF7A, s1;
	s8 =	simm.s32 @!p0 $0x1BF5;
	p2 =	por !p2, p0  }
0x20: {  	[sflag:s8] =	ssyncset.s32 @!p0 $0xFFFFF086;
	s6 =	sadd.s32 @!p0 s3, s7;
	s7 =	simm.s32 @!p0 $0x108  }
0x21: {  	s3 =	sadd.s32 s3, s9;
	s6 =	sadd.s32 @!p0 $0x88, s6;
	s7 =	simm.s32 @p2 $0x1082  }
0x22: {  	[simem:s7], [sflag:s8] =	dma.local @!p0 [hbm:s6], $0xF7A  }
0x23: {  	s9 =	sor.u32 $0xD0000000, s2;
	s6 =	simm.s32 $0x108;
	_ =	swait.ge @!p0 [sflag:s8], $0x0  }
0x24: {  	s3 =	sadd.s32 $0x88, s3;
	s6 =	simm.s32 @!p1 $0x1082;
	[sflag:s4] =	ssyncset.s32 $0xFFFFF086  }
0x25: {  	[simem:s6], [sflag:s4] =	dma.local [hbm:s3], $0xF7A  }
0x26: {  	[smem:$0x3F99] =	sst s1;
	(tag) =	ssettag s2;
	_ =	strace s9  }
0x27: {  	s1 =	sld [smem:$0x3FA9]  }
0x28: {  	s2 =	sld [smem:$0x3FAA]  }
0x29: {  	s4 =	sld [smem:$0x3FAC]  }
0x2a: {  	p0 =	seq.s32 s5, $0x0;
	s5 =	sld [smem:$0x3FAD]  }
0x2b: {  	s6 =	sld [smem:$0x3FAE]  }
0x2c: {  	s7 =	sld [smem:$0x3FAF]  }
0x2d: {  	s3 =	simm.s32 $0x108;
	s8 =	sld [smem:$0x3FB0]  }
0x2e: {  	s3 =	simm.s32 @!p0 $0x1082;
	s9 =	sld [smem:$0x3FB1]  }
0x2f: {  	lr =	sadd.s32 s0, s3;
	s0 =	sld [smem:$0x3FA8]  }
0x30: {  	s3 =	sld [smem:$0x3FAB]  }
0x31: {  	[smem:$0x3FB4] =	sst s10  }
0x32: {  	s10 =	sld [smem:$0x3FB2];
	_ =	sdelay $0x3  }
0x33: {  	p0 =	seq.s32 s10, $0x1;
	s10 =	sld [smem:$0x3FB4];
	_ =	sdelay $0x3  }
0x34: {  	[smem:$0x3FB4] =	sst s10  }
0x35: {  	s10 =	sld [smem:$0x3FB3];
	_ =	sdelay $0x3  }
0x36: {  	p1 =	seq.s32 s10, $0x1;
	s10 =	sld [smem:$0x3FB4];
	_ =	sdelay $0x3  }
0x37: {  	[smem:$0x3FB4] =	sst s10  }
0x38: {  	s10 =	sld [smem:$0x3FB5]  }
0x39: {  	_ = 	snop;
	(pc) =	sbr.ind lr, $3  }
0x3a: {  	_ = 	snop  }
0x3b: {  	_ = 	snop  }
0x3c: {  	p2 =	seq.s32 s10, $0x1;
	s10 =	sld [smem:$0x3FB4]  }
0x3d: {  	_ =	shalt  }
0x3e: {  	_ =	shalt  }
0x3f: {  	_ =	shalt  }
0x40: {  	_ =	shalt  }
0x41: {  	_ =	shalt  }
0x42: {  	_ =	shalt  }
0x43: {  	_ =	shalt  }
0x44: {  	_ =	shalt  }
0x45: {  	_ =	shalt  }
0x46: {  	_ =	shalt  }
0x47: {  	_ =	shalt  }
0x48: {  	_ =	shalt  }
0x49: {  	_ =	shalt  }
0x4a: {  	_ =	shalt  }
0x4b: {  	_ =	shalt  }
0x4c: {  	_ =	shalt  }
0x4d: {  	_ =	shalt  }
0x4e: {  	_ =	shalt  }
0x4f: {  	_ =	shalt  }
0x50: {  	_ =	shalt  }
0x51: {  	_ =	shalt  }
0x52: {  	_ =	shalt  }
0x53: {  	_ =	shalt  }
0x54: {  	_ =	shalt  }
0x55: {  	_ =	shalt  }
0x56: {  	_ =	shalt  }
0x57: {  	_ =	shalt  }
0x58: {  	_ =	shalt  }
0x59: {  	_ =	shalt  }
0x5a: {  	_ =	shalt  }
0x5b: {  	_ =	shalt  }
0x5c: {  	_ =	shalt  }
0x5d: {  	_ =	shalt  }
0x5e: {  	_ =	shalt  }
0x5f: {  	_ =	shalt  }
0x60: {  	_ =	shalt  }
0x61: {  	_ =	shalt  }
0x62: {  	_ =	shalt  }
0x63: {  	_ =	shalt  }
0x64: {  	_ =	shalt  }
0x65: {  	_ =	shalt  }
0x66: {  	_ =	shalt  }
0x67: {  	_ =	shalt  }
0x68: {  	_ =	shalt  }
0x69: {  	_ =	shalt  }
0x6a: {  	_ =	shalt  }
0x6b: {  	_ =	shalt  }
0x6c: {  	_ =	shalt  }
0x6d: {  	_ =	shalt  }
0x6e: {  	_ =	shalt  }
0x6f: {  	_ =	shalt  }
0x70: {  	_ =	shalt  }
0x71: {  	_ =	shalt  }
0x72: {  	_ =	shalt  }
0x73: {  	_ =	shalt  }
0x74: {  	_ =	shalt  }
0x75: {  	_ =	shalt  }
0x76: {  	_ =	shalt  }
0x77: {  	_ =	shalt  }
0x78: {  	_ =	shalt  }
0x79: {  	_ =	shalt  }
0x7a: {  	_ =	shalt  }
0x7b: {  	_ =	shalt  }
0x7c: {  	_ =	shalt  }
0x7d: {  	_ =	shalt  }
0x7e: {  	_ =	shalt  }
0x7f: {  	_ =	shalt  }
0x80: {  	_ =	shalt  }
0x81: {  	_ =	shalt  }
0x82: {  	_ =	shalt  }
0x83: {  	_ =	shalt  }
0x84: {  	_ =	shalt  }
0x85: {  	_ =	shalt  }
0x86: {  	_ =	shalt  }
0x87: {  	_ =	shalt  }
.Lfunc_end0:
.L_simem_size_0:
called_computation.1_lowered:
.L_overlay_start_0:
0x88: {  	s2 =	sld [smem:$0x3FD9]  }
0x89: {  	s3 =	sld [smem:$0x3FFE];
	_ =	sdelay $0x1  }
0x8a: {  	s1 =	srdreg.scid  }
0x8b: {  	s0 =	sand.u32 $0x1, s1  }
0x8c: {  	s17 =	sshll.u32 s0, $0xA;
	s2 =	sadd.s32 s3, s2  }
0x8d: {  	s2 =	sadd.s32 s2, s17  }
0x8e: {  	[smem:$0x3FC0] =	sst s2  }
0x8f: {  	_ = 	snop  }
0x90: {  	s2 =	sld [smem:$0x3FD0];
	(tm) =	ssettm $0x1  }
0x91: {  	s18 =	sld [smem:$0x3FFB];
	_ =	sdelay $0x3  }
0x92: {  	_ =	strace s18  }
0x93: {  	s3 =	sld [smem:$0x3FFC];
	_ =	sdelay $0x3  }
0x94: {  	_ =	strace s3  }
0x95: {  	s3 =	sld [smem:$0x3FFD];
	_ =	sdelay $0x3  }
0x96: {  	_ =	strace s3  }
0x97: {  	_ =	strace $0x8FFFFFFF  }
0x98: {  	s19 =	sld [smem:$0x3FDB];
	_ =	sdelay $0x1  }
0x99: {  	s4 =	simm.s32 $_scs_section_size  }
0x9a: {  	s5 =	simm.s32 $_size__tile_overlayer_lowered;
	s6 =	simm.s32 $_tile_overlayer_lowered  }
0x9b: {  	s22 =	simm.s32 $0x1BFF;
	s21 =	sshll.u32 s6, $0x1;
	s3 =	sadd.s32 s4, s19  }
0x9c: {  	s7 =	simm.s32 $0x0;
	s20 =	sshll.u32 s5, $0x1;
	s5 =	sadd.s32 s21, s3  }
0x9d: {  	[timem:s7], [sflag:s22] =	dma.local [hbm:s5], s20  }
0x9e: {  	_ =	swait.ge [sflag:s22], s20  }
0x9f: {  	s4 =	ssub.s32 $0x0, s20;
	[sflag:s22] =	ssyncset.done $0x0  }
0xa0: {  	[sflag:s22] =	ssyncadd.s32 s4;
	_ =	sdelay $0x1  }
0xa1: {  	s23 =	simm.s32 $0x1B8B  }
0xa2: {  	_ =	swait.ge [sflag:s23], $0x1  }
0xa3: {  	[sflag:s23] =	ssyncset.done $0x0  }
0xa4: {  	s25 =	simm.s32 $0x1B8E;
	s24 =	sld [smem:$0x3FFE];
	[sflag:s23] =	ssyncadd.s32 $0xFFFFFFFF  }
0xa5: {  	s26 =	simm.s32 $execute0_lowered;
	[smem:$0x3FD2] =	sst s25  }
0xa6: {  	s5 =	sshll.u32 s26, $0x1;
	_ =	strace $0x80000049;
	[dreg:$0x1] =	wrdreg $0xFFFFFFFF  }
0xa7: {  	s28 =	simm.s32 $_size_execute0_lowered;
	s3 =	sadd.s32 s3, s5;
	[dreg:$0x0] =	wrdreg $0x0  }
0xa8: {  	s5 =	sshll.u32 s28, $0x1;
	[dreg:$0x2] =	wrdreg s3  }
0xa9: {  	[dreg:$0x3] =	wrdreg s5  }
0xaa: {  	[dreg:$0x4] =	wrdreg $0xC0  }
0xab: {  	_ =	task [dreg:s7], $0x5FFFF  }
0xac: {  	[dreg:$0x1] =	wrdreg $0xFFFFFFFF  }
0xad: {  	[dreg:$0x0] =	wrdreg $0x60  }
0xae: {  	[dreg:$0x2] =	wrdreg s24  }
0xaf: {  	[dreg:$0x3] =	wrdreg s2  }
0xb0: {  	[dreg:$0x4] =	wrdreg $0x0  }
0xb1: {  	[dreg:$0x5] =	wrdreg $0xA0000  }
0xb2: {  	[dreg:$0x6] =	wrdreg $0x9  }
0xb3: {  	_ =	task.clear_ibuf [dreg:s7], $0x7FFFF;
	_ =	strace $0x90000049  }
0xb4: {  	s29 =	simm.s32 $0x9;
	_ =	strace $0x8000004B  }
0xb5: {  	_ =	swait.ge [sflag:s29], $0x1  }
0xb6: {  	[sflag:s29] =	ssyncadd.s32 $0xFFFFFFFF  }
0xb7: {  	_ =	strace $0x9000004B  }
0xb8: {  	_ =	sfence  }
0xb9: {  	s30 =	sld [smem:$0x0];
	_ =	sdelay $0x2  }
0xba: {  	s31 =	sshll.u32 s1, $0xD;
	s1 =	sshrl.u32 s1, $0x2  }
0xbb: {  	s3 =	sand.u32 $0x4000, s31;
	s1 =	sadd.s32 s1, s30  }
0xbc: {  	s0 =	sor.u32 s3, s0;
	s1 =	sshll.u32 s1, $0x11  }
0xbd: {  	s0 =	sor.u32 s1, s0  }
0xbe: {  	s0 =	sadd.s32 $0x8F2B, s0  }
0xbf: {  	[sflag:s0] =	ssyncadd.remote.s32 $0x1  }
0xc0: {  	_ =	sfence.sel $0xFFFF  }
0xc1: {  	[dreg:$0x0] =	wrdreg $0xFFFFFFFF;
	(pc) =	sbr.abs _section_cstart, $3  }
0xc2: {  	[dreg:$0x1] =	wrdreg $0xFFFFFFFF  }
0xc3: {  	_ =	task.clear_ibuf [dreg:s7], $0x2FFFF;
	_ =	strace $0x9FFFFFFF  }
0xc4: {  	(tm) =	ssettm $0x7FFFFFFF  }
0xc5: {  	_ =	shalt  }
tec
execute0_lowered:
.L_overlay_start_1:
0x0: {  	(tag) =	ssettag $0x1  }
0x1: {  	s0 =	rddreg [dreg:$0x0]  }
0x2: {  	s2 =	rddreg [dreg:$0x1]  }
0x3: {  	s1 =	rddreg [dreg:$0x2];
	s11 =	stileid.u32  }
0x4: {  	s4 =	srdreg.scid;
	s3 =	rddreg [dreg:$0x3]  }
0x5: {  	s12 =	simm.s32 $0x14900;
	s13 =	simm.s32 $0x14180;
	s15 =	simm.s32 $0x14980  }
0x6: {  	s17 =	simm.s32 $0x14200;
	s18 =	simm.s32 $0x14A00;
	s19 =	simm.s32 $0x14280  }
0x7: {  	s20 =	simm.s32 $0x14A80;
	s6 =	sand.u32 $0x1, s4;
	s4 =	simm.s32 $0x0  }
0x8: {  	s28 =	simm.s32 $0x14600;
	s29 =	simm.s32 $0x14E00;
	[smem:$0x7FF] =	sst s4  }
0x9: {  	s5 =	smul.u32 $0x14000, s11;
	_ =	strace $0x8000004A;
	[dreg:$0xa] =	wrdreg s12  }
0xa: {  	s30 =	simm.s32 $0x14680;
	s7 =	smul.u32 $0x5000, s11;
	[dreg:$0xb] =	wrdreg s13  }
0xb: {  	s31 =	simm.s32 $0x14E80;
	s8 =	smul.u32 $0x2800, s6;
	[dreg:$0xc] =	wrdreg s15  }
0xc: {  	s9 =	smul.u32 $0x140000, s6;
	s6 =	ssub.s32 $0x2, s6;
	[dreg:$0xd] =	wrdreg s17  }
0xd: {  	s10 =	sshrl.u32 s5, $0x4;
	s23 =	sshrl.u32 s6, $0x1;
	[dreg:$0xe] =	wrdreg s18  }
0xe: {  	s12 =	simm.s32 $0x14000;
	[dreg:$0xf] =	wrdreg s19;
	s13 =	simm.s32 $0x14800  }
0xf: {  	[dreg:$0x10] =	wrdreg s20;
	s15 =	simm.s32 $0x15000;
	s17 =	simm.s32 $0x17000  }
0x10: {  	s18 =	simm.s32 $0x2;
	s19 =	simm.s32 $0x3;
	s20 =	simm.s32 $0x4  }
0x11: {  	s10 =	sadd.s32 s10, s0;
	s7 =	sadd.s32 s8, s7;
	s21 =	sadd.s32 s5, s9  }
0x12: {  	s6 =	ssub.s32 s6, s23;
	s5 =	sshrl.u32 s5, $0x1;
	s9 =	sshll.u32 s11, $0x6  }
0x13: {  	s11 =	simm.s32 $0x14100;
	s23 =	simm.s32 $0x14380;
	s7 =	sshrl.u32 s7, $0x3  }
0x14: {  	s8 =	sshrl.u32 s21, $0x4;
	s24 =	sadd.s32 s5, s1;
	[dreg:$0x9] =	wrdreg s11  }
0x15: {  	s26 =	sadd.s32 $0x15A00, s10;
	s10 =	simm.s32 $0x14880;
	[dreg:$0x13] =	wrdreg s23  }
0x16: {  	s9 =	sor.u32 $0x1C05, s9;
	s5 =	sadd.s32 s5, s3;
	[dreg:$0x17] =	wrdreg s26  }
0x17: {  	s14 =	smax.u32 s6, $0x1;
	s21 =	simm.s32 $0x14300;
	[dreg:$0x8] =	wrdreg s10  }
0x18: {  	s23 =	simm.s32 $0x14500;
	s6 =	simm.s32 $0x0;
	[dreg:$0x1a] =	wrdreg s14  }
0x19: {  	s22 =	sadd.s32 s7, s0;
	s0 =	sadd.s32 s8, s0;
	[dreg:$0x11] =	wrdreg s21  }
0x1a: {  	s2 =	sadd.s32 s7, s2;
	s8 =	simm.s32 $0x14080;
	[dreg:$0x18] =	wrdreg s9  }
0x1b: {  	s16 =	sshrl.u32 s24, $0x3;
	s10 =	simm.s32 $0x5;
	[dreg:$0x5] =	wrdreg s2  }
0x1c: {  	s11 =	sshrl.u32 s5, $0x3;
	s14 =	simm.s32 $0x80;
	[dreg:$0x7] =	wrdreg s8  }
0x1d: {  	s24 =	simm.s32 $0x14B80;
	s26 =	simm.s32 $0x14C00;
	[dreg:$0x1b] =	wrdreg s16  }
0x1e: {  	s21 =	simm.s32 $0x14480;
	s7 =	simm.s32 $0x14780;
	[dreg:$0x14] =	wrdreg s24  }
0x1f: {  	s25 =	sadd.s32 $0xBA00, s22;
	s0 =	sadd.s32 $0x29A00, s0;
	[dreg:$0x16] =	wrdreg s26  }
0x20: {  	s22 =	simm.s32 $0x14B00;
	s16 =	simm.s32 $0x1;
	[dreg:$0x1c] =	wrdreg s11  }
0x21: {  	s24 =	simm.s32 $0x14D00;
	s26 =	simm.s32 $0x14D80;
	[dreg:$0x6] =	wrdreg s25  }
0x22: {  	s2 =	simm.s32 $0x14700;
	s8 =	simm.s32 $0x14F80;
	[dreg:$0x19] =	wrdreg s0  }
0x23: {  	[dreg:$0x12] =	wrdreg s22;
	s25 =	simm.s32 $0x14400;
	s22 =	simm.s32 $0x14C80  }
0x24: {  	s0 =	simm.s32 $0x14F00;
	[dreg:$0x15] =	wrdreg s25;
	s25 =	simm.s32 $0x14580  }
.LBB2_1:
0x25: {  	[dreg:$0x1d] =	wrdreg s6  }
0x26: {  	s5 =	rddreg [dreg:$0x17]  }
0x27: {  	s6 =	rddreg [dreg:$0x1b]  }
0x28: {  	[spmem:s6], [sflag:s9] =	dma.local [hbm:s5], $0x1400  }
0x29: {  	_ =	swait.ge [sflag:s10], $0x1400  }
0x2a: {  	[sflag:s10] =	ssyncset.done $0x0  }
0x2b: {  	[sflag:s10] =	ssyncadd.s32 $0xFFFFEC00  }
0x2c: {  	[spmem:s11], [sflag:s9] =	dma.local [hbm:s5], $0x1400  }
0x2d: {  	_ =	swait.ge [sflag:s10], $0x1400  }
0x2e: {  	[sflag:s10] =	ssyncset.done $0x0  }
0x2f: {  	[sflag:s10] =	ssyncadd.s32 $0xFFFFEC00  }
0x30: {  	[bflag:$0x0] =	sbarrier.arrive $0xFFFF  }
0x31: {  	s6 =	rddreg [dreg:$0x6]  }
0x32: {  	s5 =	sadd.s32 $0x0, s6  }
0x33: {  	[tilespmem:s12], [sflag:$0x5] =	stream.linear.gather [hbm4b:s5+s4], $0x800, $0x38;
	[tilespmem:$0x19000] =	vst v63  }
0x34: {  	_ =	swait.ge [sflag:s10], $0x800  }
0x35: {  	s9 =	rddreg [dreg:$0x5];
	[sflag:s10] =	ssyncset.done $0x0  }
0x36: {  	[sflag:s10] =	ssyncadd.s32 $0xFFFFF800;
	s5 =	sadd.s32 $0x0, s9  }
0x37: {  	[tilespmem:s13], [sflag:$0x5] =	stream.linear.gather [hbm4b:s5+s4], $0x800, $0x38;
	[tilespmem:$0x19000] =	vst v63  }
0x38: {  	_ =	swait.ge [sflag:s10], $0x800  }
0x39: {  	[sflag:s10] =	ssyncset.done $0x0  }
0x3a: {  	[sflag:s10] =	ssyncadd.s32 $0xFFFFF800  }
0x3b: {  	[tilespmem:s15], [sflag:$0x1] =	stream.indirect.gather [spmem:s1], $0x40, s12, s14, $0xb8;
	[tilespmem:$0x19000] =	vst v63  }
0x3c: {  	_ =	swait.ge [sflag:s16], $0x2000  }
0x3d: {  	[sflag:s16] =	ssyncset.done $0x0  }
0x3e: {  	[sflag:s16] =	ssyncadd.s32 $0xFFFFE000  }
0x3f: {  	[spmem:s3] =	stream.indirect.scatter.add.bf16 [tilespmem:s15], [sflag:$0x3], $0x40, s13, s14, $0xb8;
	[tilespmem:$0x19000] =	vst v63  }
0x40: {  	s11 =	rddreg [dreg:$0x7]  }
0x41: {  	[tilespmem:s17], [sflag:$0x2] =	stream.indirect.gather [spmem:s1], $0x40, s11, s14, $0xb8;
	[tilespmem:$0x19000] =	vst v63  }
0x42: {  	_ =	swait.ge [sflag:s18], $0x2000  }
0x43: {  	[sflag:s18] =	ssyncset.done $0x0  }
0x44: {  	s6 =	rddreg [dreg:$0x8];
	[sflag:s18] =	ssyncadd.s32 $0xFFFFE000  }
0x45: {  	[spmem:s3] =	stream.indirect.scatter.add.bf16 [tilespmem:s17], [sflag:$0x4], $0x40, s6, s14, $0xb8;
	[tilespmem:$0x19000] =	vst v63  }
0x46: {  	_ =	swait.ge [sflag:s19], $0x2000  }
0x47: {  	[sflag:s19] =	ssyncset.done $0x0  }
0x48: {  	s9 =	rddreg [dreg:$0x9];
	[sflag:s19] =	ssyncadd.s32 $0xFFFFE000  }
0x49: {  	[tilespmem:s15], [sflag:$0x1] =	stream.indirect.gather [spmem:s1], $0x40, s9, s14, $0xb8;
	[tilespmem:$0x19000] =	vst v63  }
0x4a: {  	_ =	swait.ge [sflag:s16], $0x2000  }
0x4b: {  	[sflag:s16] =	ssyncset.done $0x0  }
0x4c: {  	s11 =	rddreg [dreg:$0xa];
	[sflag:s16] =	ssyncadd.s32 $0xFFFFE000  }
0x4d: {  	[spmem:s3] =	stream.indirect.scatter.add.bf16 [tilespmem:s15], [sflag:$0x3], $0x40, s11, s14, $0xb8;
	[tilespmem:$0x19000] =	vst v63  }
0x4e: {  	_ =	swait.ge [sflag:s20], $0x2000  }
0x4f: {  	[sflag:s20] =	ssyncset.done $0x0  }
0x50: {  	s6 =	rddreg [dreg:$0xb];
	[sflag:s20] =	ssyncadd.s32 $0xFFFFE000  }
0x51: {  	[tilespmem:s17], [sflag:$0x2] =	stream.indirect.gather [spmem:s1], $0x40, s6, s14, $0xb8;
	[tilespmem:$0x19000] =	vst v63  }
0x52: {  	_ =	swait.ge [sflag:s18], $0x2000  }
0x53: {  	[sflag:s18] =	ssyncset.done $0x0  }
0x54: {  	s9 =	rddreg [dreg:$0xc];
	[sflag:s18] =	ssyncadd.s32 $0xFFFFE000  }
0x55: {  	[spmem:s3] =	stream.indirect.scatter.add.bf16 [tilespmem:s17], [sflag:$0x4], $0x40, s9, s14, $0xb8;
	[tilespmem:$0x19000] =	vst v63  }
0x56: {  	_ =	swait.ge [sflag:s19], $0x2000  }
0x57: {  	[sflag:s19] =	ssyncset.done $0x0  }
0x58: {  	s11 =	rddreg [dreg:$0xd];
	[sflag:s19] =	ssyncadd.s32 $0xFFFFE000  }
0x59: {  	[tilespmem:s15], [sflag:$0x1] =	stream.indirect.gather [spmem:s1], $0x40, s11, s14, $0xb8;
	[tilespmem:$0x19000] =	vst v63  }
0x5a: {  	_ =	swait.ge [sflag:s16], $0x2000  }
0x5b: {  	[sflag:s16] =	ssyncset.done $0x0  }
0x5c: {  	s6 =	rddreg [dreg:$0xe];
	[sflag:s16] =	ssyncadd.s32 $0xFFFFE000  }
0x5d: {  	[spmem:s3] =	stream.indirect.scatter.add.bf16 [tilespmem:s15], [sflag:$0x3], $0x40, s6, s14, $0xb8;
	[tilespmem:$0x19000] =	vst v63  }
0x5e: {  	_ =	swait.ge [sflag:s20], $0x2000  }
0x5f: {  	[sflag:s20] =	ssyncset.done $0x0  }
0x60: {  	s9 =	rddreg [dreg:$0xf];
	[sflag:s20] =	ssyncadd.s32 $0xFFFFE000  }
0x61: {  	[tilespmem:s17], [sflag:$0x2] =	stream.indirect.gather [spmem:s1], $0x40, s9, s14, $0xb8;
	[tilespmem:$0x19000] =	vst v63  }
0x62: {  	_ =	swait.ge [sflag:s18], $0x2000  }
0x63: {  	[sflag:s18] =	ssyncset.done $0x0  }
0x64: {  	s11 =	rddreg [dreg:$0x10];
	[sflag:s18] =	ssyncadd.s32 $0xFFFFE000  }
0x65: {  	[spmem:s3] =	stream.indirect.scatter.add.bf16 [tilespmem:s17], [sflag:$0x4], $0x40, s11, s14, $0xb8;
	[tilespmem:$0x19000] =	vst v63  }
0x66: {  	_ =	swait.ge [sflag:s19], $0x2000  }
0x67: {  	[sflag:s19] =	ssyncset.done $0x0  }
0x68: {  	s6 =	rddreg [dreg:$0x11];
	[sflag:s19] =	ssyncadd.s32 $0xFFFFE000  }
0x69: {  	[tilespmem:s15], [sflag:$0x1] =	stream.indirect.gather [spmem:s1], $0x40, s6, s14, $0xb8;
	[tilespmem:$0x19000] =	vst v63  }
0x6a: {  	_ =	swait.ge [sflag:s16], $0x2000  }
0x6b: {  	[sflag:s16] =	ssyncset.done $0x0  }
0x6c: {  	s9 =	rddreg [dreg:$0x12];
	[sflag:s16] =	ssyncadd.s32 $0xFFFFE000  }
0x6d: {  	[spmem:s3] =	stream.indirect.scatter.add.bf16 [tilespmem:s15], [sflag:$0x3], $0x40, s9, s14, $0xb8;
	[tilespmem:$0x19000] =	vst v63  }
0x6e: {  	_ =	swait.ge [sflag:s20], $0x2000  }
0x6f: {  	[sflag:s20] =	ssyncset.done $0x0  }
0x70: {  	s11 =	rddreg [dreg:$0x13];
	[sflag:s20] =	ssyncadd.s32 $0xFFFFE000  }
0x71: {  	[tilespmem:s17], [sflag:$0x2] =	stream.indirect.gather [spmem:s1], $0x40, s11, s14, $0xb8;
	[tilespmem:$0x19000] =	vst v63  }
0x72: {  	_ =	swait.ge [sflag:s18], $0x2000  }
0x73: {  	[sflag:s18] =	ssyncset.done $0x0  }
0x74: {  	s6 =	rddreg [dreg:$0x14];
	[sflag:s18] =	ssyncadd.s32 $0xFFFFE000  }
0x75: {  	[spmem:s3] =	stream.indirect.scatter.add.bf16 [tilespmem:s17], [sflag:$0x4], $0x40, s6, s14, $0xb8;
	[tilespmem:$0x19000] =	vst v63  }
0x76: {  	_ =	swait.ge [sflag:s19], $0x2000  }
0x77: {  	[sflag:s19] =	ssyncset.done $0x0  }
0x78: {  	s9 =	rddreg [dreg:$0x15];
	[sflag:s19] =	ssyncadd.s32 $0xFFFFE000  }
0x79: {  	[tilespmem:s15], [sflag:$0x1] =	stream.indirect.gather [spmem:s1], $0x40, s9, s14, $0xb8;
	[tilespmem:$0x19000] =	vst v63  }
0x7a: {  	_ =	swait.ge [sflag:s16], $0x2000  }
0x7b: {  	[sflag:s16] =	ssyncset.done $0x0  }
0x7c: {  	s11 =	rddreg [dreg:$0x16];
	[sflag:s16] =	ssyncadd.s32 $0xFFFFE000  }
0x7d: {  	[spmem:s3] =	stream.indirect.scatter.add.bf16 [tilespmem:s15], [sflag:$0x3], $0x40, s11, s14, $0xb8;
	[tilespmem:$0x19000] =	vst v63  }
0x7e: {  	_ =	swait.ge [sflag:s20], $0x2000  }
0x7f: {  	[sflag:s20] =	ssyncset.done $0x0  }
0x80: {  	[sflag:s20] =	ssyncadd.s32 $0xFFFFE000  }
0x81: {  	[tilespmem:s17], [sflag:$0x2] =	stream.indirect.gather [spmem:s1], $0x40, s21, s14, $0xb8;
	[tilespmem:$0x19000] =	vst v63  }
0x82: {  	_ =	swait.ge [sflag:s18], $0x2000  }
0x83: {  	[sflag:s18] =	ssyncset.done $0x0  }
0x84: {  	[sflag:s18] =	ssyncadd.s32 $0xFFFFE000  }
0x85: {  	[spmem:s3] =	stream.indirect.scatter.add.bf16 [tilespmem:s17], [sflag:$0x4], $0x40, s22, s14, $0xb8;
	[tilespmem:$0x19000] =	vst v63  }
0x86: {  	_ =	swait.ge [sflag:s19], $0x2000  }
0x87: {  	[sflag:s19] =	ssyncset.done $0x0  }
0x88: {  	[sflag:s19] =	ssyncadd.s32 $0xFFFFE000  }
0x89: {  	[tilespmem:s15], [sflag:$0x1] =	stream.indirect.gather [spmem:s1], $0x40, s23, s14, $0xb8;
	[tilespmem:$0x19000] =	vst v63  }
0x8a: {  	_ =	swait.ge [sflag:s16], $0x2000  }
0x8b: {  	[sflag:s16] =	ssyncset.done $0x0  }
0x8c: {  	[sflag:s16] =	ssyncadd.s32 $0xFFFFE000  }
0x8d: {  	[spmem:s3] =	stream.indirect.scatter.add.bf16 [tilespmem:s15], [sflag:$0x3], $0x40, s24, s14, $0xb8;
	[tilespmem:$0x19000] =	vst v63  }
0x8e: {  	_ =	swait.ge [sflag:s20], $0x2000  }
0x8f: {  	[sflag:s20] =	ssyncset.done $0x0  }
0x90: {  	[sflag:s20] =	ssyncadd.s32 $0xFFFFE000  }
0x91: {  	[tilespmem:s17], [sflag:$0x2] =	stream.indirect.gather [spmem:s1], $0x40, s25, s14, $0xb8;
	[tilespmem:$0x19000] =	vst v63  }
0x92: {  	_ =	swait.ge [sflag:s18], $0x2000  }
0x93: {  	[sflag:s18] =	ssyncset.done $0x0  }
0x94: {  	[sflag:s18] =	ssyncadd.s32 $0xFFFFE000  }
0x95: {  	[spmem:s3] =	stream.indirect.scatter.add.bf16 [tilespmem:s17], [sflag:$0x4], $0x40, s26, s14, $0xb8;
	[tilespmem:$0x19000] =	vst v63  }
0x96: {  	_ =	swait.ge [sflag:s19], $0x2000  }
0x97: {  	[sflag:s19] =	ssyncset.done $0x0  }
0x98: {  	[sflag:s19] =	ssyncadd.s32 $0xFFFFE000  }
0x99: {  	[tilespmem:s15], [sflag:$0x1] =	stream.indirect.gather [spmem:s1], $0x40, s28, s14, $0xb8;
	[tilespmem:$0x19000] =	vst v63  }
0x9a: {  	_ =	swait.ge [sflag:s16], $0x2000  }
0x9b: {  	[sflag:s16] =	ssyncset.done $0x0  }
0x9c: {  	[sflag:s16] =	ssyncadd.s32 $0xFFFFE000  }
0x9d: {  	[spmem:s3] =	stream.indirect.scatter.add.bf16 [tilespmem:s15], [sflag:$0x3], $0x40, s29, s14, $0xb8;
	[tilespmem:$0x19000] =	vst v63  }
0x9e: {  	_ =	swait.ge [sflag:s20], $0x2000  }
0x9f: {  	[sflag:s20] =	ssyncset.done $0x0  }
0xa0: {  	[sflag:s20] =	ssyncadd.s32 $0xFFFFE000  }
0xa1: {  	[tilespmem:s17], [sflag:$0x2] =	stream.indirect.gather [spmem:s1], $0x40, s30, s14, $0xb8;
	[tilespmem:$0x19000] =	vst v63  }
0xa2: {  	_ =	swait.ge [sflag:s18], $0x2000  }
0xa3: {  	[sflag:s18] =	ssyncset.done $0x0  }
0xa4: {  	[sflag:s18] =	ssyncadd.s32 $0xFFFFE000  }
0xa5: {  	[spmem:s3] =	stream.indirect.scatter.add.bf16 [tilespmem:s17], [sflag:$0x4], $0x40, s31, s14, $0xb8;
	[tilespmem:$0x19000] =	vst v63  }
0xa6: {  	_ =	swait.ge [sflag:s19], $0x2000  }
0xa7: {  	[sflag:s19] =	ssyncset.done $0x0  }
0xa8: {  	[sflag:s19] =	ssyncadd.s32 $0xFFFFE000  }
0xa9: {  	[tilespmem:s15], [sflag:$0x1] =	stream.indirect.gather [spmem:s1], $0x40, s2, s14, $0xb8;
	[tilespmem:$0x19000] =	vst v63  }
0xaa: {  	_ =	swait.ge [sflag:s16], $0x2000  }
0xab: {  	[sflag:s16] =	ssyncset.done $0x0  }
0xac: {  	[sflag:s16] =	ssyncadd.s32 $0xFFFFE000  }
0xad: {  	[spmem:s3] =	stream.indirect.scatter.add.bf16 [tilespmem:s15], [sflag:$0x3], $0x40, s0, s14, $0xb8;
	[tilespmem:$0x19000] =	vst v63  }
0xae: {  	_ =	swait.ge [sflag:s20], $0x2000  }
0xaf: {  	[sflag:s20] =	ssyncset.done $0x0  }
0xb0: {  	[sflag:s20] =	ssyncadd.s32 $0xFFFFE000  }
0xb1: {  	[tilespmem:s17], [sflag:$0x2] =	stream.indirect.gather [spmem:s1], $0x40, s7, s14, $0xb8;
	[tilespmem:$0x19000] =	vst v63  }
0xb2: {  	_ =	swait.ge [sflag:s18], $0x2000  }
0xb3: {  	[sflag:s18] =	ssyncset.done $0x0  }
0xb4: {  	[sflag:s18] =	ssyncadd.s32 $0xFFFFE000  }
0xb5: {  	[spmem:s3] =	stream.indirect.scatter.add.bf16 [tilespmem:s17], [sflag:$0x4], $0x40, s8, s14, $0xb8;
	[tilespmem:$0x19000] =	vst v63  }
0xb6: {  	_ =	swait.ge [sflag:s19], $0x2000  }
0xb7: {  	[sflag:s19] =	ssyncset.done $0x0  }
0xb8: {  	[sflag:s19] =	ssyncadd.s32 $0xFFFFE000  }
0xb9: {  	s5 =	simm.s32 $0x100;
	_ =	swait.ge [sflag:s20], $0x2000  }
0xba: {  	s11 =	simm.s32 $0x200;
	s6 =	rddreg [dreg:$0x6];
	[sflag:s20] =	ssyncset.done $0x0  }
.LBB2_2:
0xbb: {  	[sflag:s20] =	ssyncadd.s32 $0xFFFFE000;
	s6 =	sadd.s32 s5, s6  }
0xbc: {  	[tilespmem:s12], [sflag:$0x5] =	stream.linear.gather [hbm4b:s6+s4], $0x800, $0x38;
	[tilespmem:$0x19000] =	vst v63  }
0xbd: {  	_ =	swait.ge [sflag:s10], $0x800  }
0xbe: {  	s6 =	rddreg [dreg:$0x5];
	[sflag:s10] =	ssyncset.done $0x0  }
0xbf: {  	[sflag:s10] =	ssyncadd.s32 $0xFFFFF800;
	s6 =	sadd.s32 s5, s6  }
0xc0: {  	[tilespmem:s13], [sflag:$0x5] =	stream.linear.gather [hbm4b:s6+s4], $0x800, $0x38;
	[tilespmem:$0x19000] =	vst v63  }
0xc1: {  	_ =	swait.ge [sflag:s10], $0x800  }
0xc2: {  	[sflag:s10] =	ssyncset.done $0x0  }
0xc3: {  	[sflag:s10] =	ssyncadd.s32 $0xFFFFF800  }
0xc4: {  	[tilespmem:s15], [sflag:$0x1] =	stream.indirect.gather [spmem:s1], $0x40, s12, s14, $0xb8;
	[tilespmem:$0x19000] =	vst v63  }
0xc5: {  	_ =	swait.ge [sflag:s16], $0x2000  }
0xc6: {  	[sflag:s16] =	ssyncset.done $0x0  }
0xc7: {  	s9 =	smov.u32 s11;
	[sflag:s16] =	ssyncadd.s32 $0xFFFFE000  }
0xc8: {  	[spmem:s3] =	stream.indirect.scatter.add.bf16 [tilespmem:s15], [sflag:$0x3], $0x40, s13, s14, $0xb8;
	[tilespmem:$0x19000] =	vst v63  }
0xc9: {  	s5 =	smov.u32 s9;
	s9 =	rddreg [dreg:$0x7]  }
0xca: {  	[tilespmem:s17], [sflag:$0x2] =	stream.indirect.gather [spmem:s1], $0x40, s9, s14, $0xb8;
	[tilespmem:$0x19000] =	vst v63  }
0xcb: {  	_ =	swait.ge [sflag:s18], $0x2000  }
0xcc: {  	[sflag:s18] =	ssyncset.done $0x0  }
0xcd: {  	s9 =	rddreg [dreg:$0x8];
	[sflag:s18] =	ssyncadd.s32 $0xFFFFE000  }
0xce: {  	[spmem:s3] =	stream.indirect.scatter.add.bf16 [tilespmem:s17], [sflag:$0x4], $0x40, s9, s14, $0xb8;
	[tilespmem:$0x19000] =	vst v63  }
0xcf: {  	_ =	swait.ge [sflag:s19], $0x2000  }
0xd0: {  	[sflag:s19] =	ssyncset.done $0x0  }
0xd1: {  	s9 =	rddreg [dreg:$0x9];
	[sflag:s19] =	ssyncadd.s32 $0xFFFFE000  }
0xd2: {  	[tilespmem:s15], [sflag:$0x1] =	stream.indirect.gather [spmem:s1], $0x40, s9, s14, $0xb8;
	[tilespmem:$0x19000] =	vst v63  }
0xd3: {  	_ =	swait.ge [sflag:s16], $0x2000  }
0xd4: {  	[sflag:s16] =	ssyncset.done $0x0  }
0xd5: {  	s9 =	rddreg [dreg:$0xa];
	[sflag:s16] =	ssyncadd.s32 $0xFFFFE000  }
0xd6: {  	[spmem:s3] =	stream.indirect.scatter.add.bf16 [tilespmem:s15], [sflag:$0x3], $0x40, s9, s14, $0xb8;
	[tilespmem:$0x19000] =	vst v63  }
0xd7: {  	_ =	swait.ge [sflag:s20], $0x2000  }
0xd8: {  	[sflag:s20] =	ssyncset.done $0x0  }
0xd9: {  	s9 =	rddreg [dreg:$0xb];
	[sflag:s20] =	ssyncadd.s32 $0xFFFFE000  }
0xda: {  	[tilespmem:s17], [sflag:$0x2] =	stream.indirect.gather [spmem:s1], $0x40, s9, s14, $0xb8;
	[tilespmem:$0x19000] =	vst v63  }
0xdb: {  	_ =	swait.ge [sflag:s18], $0x2000  }
0xdc: {  	[sflag:s18] =	ssyncset.done $0x0  }
0xdd: {  	s9 =	rddreg [dreg:$0xc];
	[sflag:s18] =	ssyncadd.s32 $0xFFFFE000  }
0xde: {  	[spmem:s3] =	stream.indirect.scatter.add.bf16 [tilespmem:s17], [sflag:$0x4], $0x40, s9, s14, $0xb8;
	[tilespmem:$0x19000] =	vst v63  }
0xdf: {  	_ =	swait.ge [sflag:s19], $0x2000  }
0xe0: {  	[sflag:s19] =	ssyncset.done $0x0  }
0xe1: {  	s9 =	rddreg [dreg:$0xd];
	[sflag:s19] =	ssyncadd.s32 $0xFFFFE000  }
0xe2: {  	[tilespmem:s15], [sflag:$0x1] =	stream.indirect.gather [spmem:s1], $0x40, s9, s14, $0xb8;
	[tilespmem:$0x19000] =	vst v63  }
0xe3: {  	_ =	swait.ge [sflag:s16], $0x2000  }
0xe4: {  	[sflag:s16] =	ssyncset.done $0x0  }
0xe5: {  	s9 =	rddreg [dreg:$0xe];
	[sflag:s16] =	ssyncadd.s32 $0xFFFFE000  }
0xe6: {  	[spmem:s3] =	stream.indirect.scatter.add.bf16 [tilespmem:s15], [sflag:$0x3], $0x40, s9, s14, $0xb8;
	[tilespmem:$0x19000] =	vst v63  }
0xe7: {  	_ =	swait.ge [sflag:s20], $0x2000  }
0xe8: {  	[sflag:s20] =	ssyncset.done $0x0  }
0xe9: {  	s9 =	rddreg [dreg:$0xf];
	[sflag:s20] =	ssyncadd.s32 $0xFFFFE000  }
0xea: {  	[tilespmem:s17], [sflag:$0x2] =	stream.indirect.gather [spmem:s1], $0x40, s9, s14, $0xb8;
	[tilespmem:$0x19000] =	vst v63  }
0xeb: {  	_ =	swait.ge [sflag:s18], $0x2000  }
0xec: {  	[sflag:s18] =	ssyncset.done $0x0  }
0xed: {  	s9 =	rddreg [dreg:$0x10];
	[sflag:s18] =	ssyncadd.s32 $0xFFFFE000  }
0xee: {  	[spmem:s3] =	stream.indirect.scatter.add.bf16 [tilespmem:s17], [sflag:$0x4], $0x40, s9, s14, $0xb8;
	[tilespmem:$0x19000] =	vst v63  }
0xef: {  	_ =	swait.ge [sflag:s19], $0x2000  }
0xf0: {  	[sflag:s19] =	ssyncset.done $0x0  }
0xf1: {  	s9 =	rddreg [dreg:$0x11];
	[sflag:s19] =	ssyncadd.s32 $0xFFFFE000  }
0xf2: {  	[tilespmem:s15], [sflag:$0x1] =	stream.indirect.gather [spmem:s1], $0x40, s9, s14, $0xb8;
	[tilespmem:$0x19000] =	vst v63  }
0xf3: {  	_ =	swait.ge [sflag:s16], $0x2000  }
0xf4: {  	[sflag:s16] =	ssyncset.done $0x0  }
0xf5: {  	s9 =	rddreg [dreg:$0x12];
	[sflag:s16] =	ssyncadd.s32 $0xFFFFE000  }
0xf6: {  	[spmem:s3] =	stream.indirect.scatter.add.bf16 [tilespmem:s15], [sflag:$0x3], $0x40, s9, s14, $0xb8;
	[tilespmem:$0x19000] =	vst v63  }
0xf7: {  	_ =	swait.ge [sflag:s20], $0x2000  }
0xf8: {  	[sflag:s20] =	ssyncset.done $0x0  }
0xf9: {  	s9 =	rddreg [dreg:$0x13];
	[sflag:s20] =	ssyncadd.s32 $0xFFFFE000  }
0xfa: {  	[tilespmem:s17], [sflag:$0x2] =	stream.indirect.gather [spmem:s1], $0x40, s9, s14, $0xb8;
	[tilespmem:$0x19000] =	vst v63  }
0xfb: {  	_ =	swait.ge [sflag:s18], $0x2000  }
0xfc: {  	[sflag:s18] =	ssyncset.done $0x0  }
0xfd: {  	s9 =	rddreg [dreg:$0x14];
	[sflag:s18] =	ssyncadd.s32 $0xFFFFE000  }
0xfe: {  	[spmem:s3] =	stream.indirect.scatter.add.bf16 [tilespmem:s17], [sflag:$0x4], $0x40, s9, s14, $0xb8;
	[tilespmem:$0x19000] =	vst v63  }
0xff: {  	_ =	swait.ge [sflag:s19], $0x2000  }
0x100: {  	[sflag:s19] =	ssyncset.done $0x0  }
0x101: {  	s9 =	rddreg [dreg:$0x15];
	[sflag:s19] =	ssyncadd.s32 $0xFFFFE000  }
0x102: {  	[tilespmem:s15], [sflag:$0x1] =	stream.indirect.gather [spmem:s1], $0x40, s9, s14, $0xb8;
	[tilespmem:$0x19000] =	vst v63  }
0x103: {  	_ =	swait.ge [sflag:s16], $0x2000  }
0x104: {  	[sflag:s16] =	ssyncset.done $0x0  }
0x105: {  	s9 =	rddreg [dreg:$0x16];
	[sflag:s16] =	ssyncadd.s32 $0xFFFFE000  }
0x106: {  	[spmem:s3] =	stream.indirect.scatter.add.bf16 [tilespmem:s15], [sflag:$0x3], $0x40, s9, s14, $0xb8;
	[tilespmem:$0x19000] =	vst v63  }
0x107: {  	_ =	swait.ge [sflag:s20], $0x2000  }
0x108: {  	[sflag:s20] =	ssyncset.done $0x0  }
0x109: {  	[sflag:s20] =	ssyncadd.s32 $0xFFFFE000  }
0x10a: {  	[tilespmem:s17], [sflag:$0x2] =	stream.indirect.gather [spmem:s1], $0x40, s21, s14, $0xb8;
	[tilespmem:$0x19000] =	vst v63  }
0x10b: {  	_ =	swait.ge [sflag:s18], $0x2000  }
0x10c: {  	[sflag:s18] =	ssyncset.done $0x0  }
0x10d: {  	[sflag:s18] =	ssyncadd.s32 $0xFFFFE000  }
0x10e: {  	[spmem:s3] =	stream.indirect.scatter.add.bf16 [tilespmem:s17], [sflag:$0x4], $0x40, s22, s14, $0xb8;
	[tilespmem:$0x19000] =	vst v63  }
0x10f: {  	_ =	swait.ge [sflag:s19], $0x2000  }
0x110: {  	[sflag:s19] =	ssyncset.done $0x0  }
0x111: {  	[sflag:s19] =	ssyncadd.s32 $0xFFFFE000  }
0x112: {  	[tilespmem:s15], [sflag:$0x1] =	stream.indirect.gather [spmem:s1], $0x40, s23, s14, $0xb8;
	[tilespmem:$0x19000] =	vst v63  }
0x113: {  	_ =	swait.ge [sflag:s16], $0x2000  }
0x114: {  	[sflag:s16] =	ssyncset.done $0x0  }
0x115: {  	[sflag:s16] =	ssyncadd.s32 $0xFFFFE000  }
0x116: {  	[spmem:s3] =	stream.indirect.scatter.add.bf16 [tilespmem:s15], [sflag:$0x3], $0x40, s24, s14, $0xb8;
	[tilespmem:$0x19000] =	vst v63  }
0x117: {  	_ =	swait.ge [sflag:s20], $0x2000  }
0x118: {  	[sflag:s20] =	ssyncset.done $0x0  }
0x119: {  	[sflag:s20] =	ssyncadd.s32 $0xFFFFE000  }
0x11a: {  	[tilespmem:s17], [sflag:$0x2] =	stream.indirect.gather [spmem:s1], $0x40, s25, s14, $0xb8;
	[tilespmem:$0x19000] =	vst v63  }
0x11b: {  	_ =	swait.ge [sflag:s18], $0x2000  }
0x11c: {  	[sflag:s18] =	ssyncset.done $0x0  }
0x11d: {  	[sflag:s18] =	ssyncadd.s32 $0xFFFFE000  }
0x11e: {  	[spmem:s3] =	stream.indirect.scatter.add.bf16 [tilespmem:s17], [sflag:$0x4], $0x40, s26, s14, $0xb8;
	[tilespmem:$0x19000] =	vst v63  }
0x11f: {  	_ =	swait.ge [sflag:s19], $0x2000  }
0x120: {  	[sflag:s19] =	ssyncset.done $0x0  }
0x121: {  	[sflag:s19] =	ssyncadd.s32 $0xFFFFE000  }
0x122: {  	[tilespmem:s15], [sflag:$0x1] =	stream.indirect.gather [spmem:s1], $0x40, s28, s14, $0xb8;
	[tilespmem:$0x19000] =	vst v63  }
0x123: {  	_ =	swait.ge [sflag:s16], $0x2000  }
0x124: {  	[sflag:s16] =	ssyncset.done $0x0  }
0x125: {  	[sflag:s16] =	ssyncadd.s32 $0xFFFFE000  }
0x126: {  	[spmem:s3] =	stream.indirect.scatter.add.bf16 [tilespmem:s15], [sflag:$0x3], $0x40, s29, s14, $0xb8;
	[tilespmem:$0x19000] =	vst v63  }
0x127: {  	_ =	swait.ge [sflag:s20], $0x2000  }
0x128: {  	[sflag:s20] =	ssyncset.done $0x0  }
0x129: {  	[sflag:s20] =	ssyncadd.s32 $0xFFFFE000  }
0x12a: {  	[tilespmem:s17], [sflag:$0x2] =	stream.indirect.gather [spmem:s1], $0x40, s30, s14, $0xb8;
	[tilespmem:$0x19000] =	vst v63  }
0x12b: {  	_ =	swait.ge [sflag:s18], $0x2000  }
0x12c: {  	[sflag:s18] =	ssyncset.done $0x0  }
0x12d: {  	[sflag:s18] =	ssyncadd.s32 $0xFFFFE000  }
0x12e: {  	[spmem:s3] =	stream.indirect.scatter.add.bf16 [tilespmem:s17], [sflag:$0x4], $0x40, s31, s14, $0xb8;
	[tilespmem:$0x19000] =	vst v63  }
0x12f: {  	_ =	swait.ge [sflag:s19], $0x2000  }
0x130: {  	[sflag:s19] =	ssyncset.done $0x0  }
0x131: {  	[sflag:s19] =	ssyncadd.s32 $0xFFFFE000  }
0x132: {  	[tilespmem:s15], [sflag:$0x1] =	stream.indirect.gather [spmem:s1], $0x40, s2, s14, $0xb8;
	[tilespmem:$0x19000] =	vst v63  }
0x133: {  	_ =	swait.ge [sflag:s16], $0x2000  }
0x134: {  	[sflag:s16] =	ssyncset.done $0x0  }
0x135: {  	[sflag:s16] =	ssyncadd.s32 $0xFFFFE000  }
0x136: {  	[spmem:s3] =	stream.indirect.scatter.add.bf16 [tilespmem:s15], [sflag:$0x3], $0x40, s0, s14, $0xb8;
	[tilespmem:$0x19000] =	vst v63  }
0x137: {  	_ =	swait.ge [sflag:s20], $0x2000  }
0x138: {  	[sflag:s20] =	ssyncset.done $0x0  }
0x139: {  	[sflag:s20] =	ssyncadd.s32 $0xFFFFE000  }
0x13a: {  	[tilespmem:s17], [sflag:$0x2] =	stream.indirect.gather [spmem:s1], $0x40, s7, s14, $0xb8;
	[tilespmem:$0x19000] =	vst v63  }
0x13b: {  	_ =	swait.ge [sflag:s18], $0x2000  }
0x13c: {  	[sflag:s18] =	ssyncset.done $0x0  }
0x13d: {  	p0 =	sne.s32 s11, $0x400;
	[sflag:s18] =	ssyncadd.s32 $0xFFFFE000  }
0x13e: {  	[spmem:s3] =	stream.indirect.scatter.add.bf16 [tilespmem:s17], [sflag:$0x4], $0x40, s8, s14, $0xb8;
	[tilespmem:$0x19000] =	vst v63  }
.Ltmp0:
0x13f: {  	_ =	swait.ge [sflag:s19], $0x2000;
	(pc) =	sbr.rel @p0 .LBB2_2-.Ltmp0, $4  }
0x140: {  	[sflag:s19] =	ssyncset.done $0x0  }
0x141: {  	[sflag:s19] =	ssyncadd.s32 $0xFFFFE000  }
0x142: {  	_ =	swait.ge [sflag:s20], $0x2000  }
0x143: {  	s11 =	sadd.s32 $0x100, s11;
	s6 =	rddreg [dreg:$0x6];
	[sflag:s20] =	ssyncset.done $0x0  }
0x144: {  	[sflag:s20] =	ssyncadd.s32 $0xFFFFE000;
	s6 =	sadd.s32 s5, s6  }
0x145: {  	[tilespmem:s12], [sflag:$0x5] =	stream.linear.gather [hbm4b:s6+s4], $0x800, $0x38;
	[tilespmem:$0x19000] =	vst v63  }
0x146: {  	_ =	swait.ge [sflag:s10], $0x800  }
0x147: {  	s11 =	rddreg [dreg:$0x5];
	[sflag:s10] =	ssyncset.done $0x0  }
0x148: {  	s9 =	sadd.s32 s5, s11;
	[sflag:s10] =	ssyncadd.s32 $0xFFFFF800  }
0x149: {  	[tilespmem:s13], [sflag:$0x5] =	stream.linear.gather [hbm4b:s9+s4], $0x800, $0x38;
	[tilespmem:$0x19000] =	vst v63  }
0x14a: {  	_ =	swait.ge [sflag:s10], $0x800  }
0x14b: {  	[sflag:s10] =	ssyncset.done $0x0  }
0x14c: {  	[sflag:s10] =	ssyncadd.s32 $0xFFFFF800  }
0x14d: {  	[tilespmem:s15], [sflag:$0x1] =	stream.indirect.gather [spmem:s1], $0x40, s12, s14, $0xb8;
	[tilespmem:$0x19000] =	vst v63  }
0x14e: {  	_ =	swait.ge [sflag:s16], $0x2000  }
0x14f: {  	[sflag:s16] =	ssyncset.done $0x0  }
0x150: {  	[sflag:s16] =	ssyncadd.s32 $0xFFFFE000  }
0x151: {  	[spmem:s3] =	stream.indirect.scatter.add.bf16 [tilespmem:s15], [sflag:$0x3], $0x40, s13, s14, $0xb8;
	[tilespmem:$0x19000] =	vst v63  }
0x152: {  	s11 =	rddreg [dreg:$0x7]  }
0x153: {  	[tilespmem:s17], [sflag:$0x2] =	stream.indirect.gather [spmem:s1], $0x40, s11, s14, $0xb8;
	[tilespmem:$0x19000] =	vst v63  }
0x154: {  	_ =	swait.ge [sflag:s18], $0x2000  }
0x155: {  	[sflag:s18] =	ssyncset.done $0x0  }
0x156: {  	s6 =	rddreg [dreg:$0x8];
	[sflag:s18] =	ssyncadd.s32 $0xFFFFE000  }
0x157: {  	[spmem:s3] =	stream.indirect.scatter.add.bf16 [tilespmem:s17], [sflag:$0x4], $0x40, s6, s14, $0xb8;
	[tilespmem:$0x19000] =	vst v63  }
0x158: {  	_ =	swait.ge [sflag:s19], $0x2000  }
0x159: {  	[sflag:s19] =	ssyncset.done $0x0  }
0x15a: {  	s9 =	rddreg [dreg:$0x9];
	[sflag:s19] =	ssyncadd.s32 $0xFFFFE000  }
0x15b: {  	[tilespmem:s15], [sflag:$0x1] =	stream.indirect.gather [spmem:s1], $0x40, s9, s14, $0xb8;
	[tilespmem:$0x19000] =	vst v63  }
0x15c: {  	_ =	swait.ge [sflag:s16], $0x2000  }
0x15d: {  	[sflag:s16] =	ssyncset.done $0x0  }
0x15e: {  	s11 =	rddreg [dreg:$0xa];
	[sflag:s16] =	ssyncadd.s32 $0xFFFFE000  }
0x15f: {  	[spmem:s3] =	stream.indirect.scatter.add.bf16 [tilespmem:s15], [sflag:$0x3], $0x40, s11, s14, $0xb8;
	[tilespmem:$0x19000] =	vst v63  }
0x160: {  	_ =	swait.ge [sflag:s20], $0x2000  }
0x161: {  	[sflag:s20] =	ssyncset.done $0x0  }
0x162: {  	s6 =	rddreg [dreg:$0xb];
	[sflag:s20] =	ssyncadd.s32 $0xFFFFE000  }
0x163: {  	[tilespmem:s17], [sflag:$0x2] =	stream.indirect.gather [spmem:s1], $0x40, s6, s14, $0xb8;
	[tilespmem:$0x19000] =	vst v63  }
0x164: {  	_ =	swait.ge [sflag:s18], $0x2000  }
0x165: {  	[sflag:s18] =	ssyncset.done $0x0  }
0x166: {  	s9 =	rddreg [dreg:$0xc];
	[sflag:s18] =	ssyncadd.s32 $0xFFFFE000  }
0x167: {  	[spmem:s3] =	stream.indirect.scatter.add.bf16 [tilespmem:s17], [sflag:$0x4], $0x40, s9, s14, $0xb8;
	[tilespmem:$0x19000] =	vst v63  }
0x168: {  	_ =	swait.ge [sflag:s19], $0x2000  }
0x169: {  	[sflag:s19] =	ssyncset.done $0x0  }
0x16a: {  	s11 =	rddreg [dreg:$0xd];
	[sflag:s19] =	ssyncadd.s32 $0xFFFFE000  }
0x16b: {  	[tilespmem:s15], [sflag:$0x1] =	stream.indirect.gather [spmem:s1], $0x40, s11, s14, $0xb8;
	[tilespmem:$0x19000] =	vst v63  }
0x16c: {  	_ =	swait.ge [sflag:s16], $0x2000  }
0x16d: {  	[sflag:s16] =	ssyncset.done $0x0  }
0x16e: {  	s6 =	rddreg [dreg:$0xe];
	[sflag:s16] =	ssyncadd.s32 $0xFFFFE000  }
0x16f: {  	[spmem:s3] =	stream.indirect.scatter.add.bf16 [tilespmem:s15], [sflag:$0x3], $0x40, s6, s14, $0xb8;
	[tilespmem:$0x19000] =	vst v63  }
0x170: {  	_ =	swait.ge [sflag:s20], $0x2000  }
0x171: {  	[sflag:s20] =	ssyncset.done $0x0  }
0x172: {  	s9 =	rddreg [dreg:$0xf];
	[sflag:s20] =	ssyncadd.s32 $0xFFFFE000  }
0x173: {  	[tilespmem:s17], [sflag:$0x2] =	stream.indirect.gather [spmem:s1], $0x40, s9, s14, $0xb8;
	[tilespmem:$0x19000] =	vst v63  }
0x174: {  	_ =	swait.ge [sflag:s18], $0x2000  }
0x175: {  	[sflag:s18] =	ssyncset.done $0x0  }
0x176: {  	s11 =	rddreg [dreg:$0x10];
	[sflag:s18] =	ssyncadd.s32 $0xFFFFE000  }
0x177: {  	[spmem:s3] =	stream.indirect.scatter.add.bf16 [tilespmem:s17], [sflag:$0x4], $0x40, s11, s14, $0xb8;
	[tilespmem:$0x19000] =	vst v63  }
0x178: {  	_ =	swait.ge [sflag:s19], $0x2000  }
0x179: {  	[sflag:s19] =	ssyncset.done $0x0  }
0x17a: {  	s6 =	rddreg [dreg:$0x11];
	[sflag:s19] =	ssyncadd.s32 $0xFFFFE000  }
0x17b: {  	[tilespmem:s15], [sflag:$0x1] =	stream.indirect.gather [spmem:s1], $0x40, s6, s14, $0xb8;
	[tilespmem:$0x19000] =	vst v63  }
0x17c: {  	_ =	swait.ge [sflag:s16], $0x2000  }
0x17d: {  	[sflag:s16] =	ssyncset.done $0x0  }
0x17e: {  	s9 =	rddreg [dreg:$0x12];
	[sflag:s16] =	ssyncadd.s32 $0xFFFFE000  }
0x17f: {  	[spmem:s3] =	stream.indirect.scatter.add.bf16 [tilespmem:s15], [sflag:$0x3], $0x40, s9, s14, $0xb8;
	[tilespmem:$0x19000] =	vst v63  }
0x180: {  	_ =	swait.ge [sflag:s20], $0x2000  }
0x181: {  	[sflag:s20] =	ssyncset.done $0x0  }
0x182: {  	s11 =	rddreg [dreg:$0x13];
	[sflag:s20] =	ssyncadd.s32 $0xFFFFE000  }
0x183: {  	[tilespmem:s17], [sflag:$0x2] =	stream.indirect.gather [spmem:s1], $0x40, s11, s14, $0xb8;
	[tilespmem:$0x19000] =	vst v63  }
0x184: {  	_ =	swait.ge [sflag:s18], $0x2000  }
0x185: {  	[sflag:s18] =	ssyncset.done $0x0  }
0x186: {  	s6 =	rddreg [dreg:$0x14];
	[sflag:s18] =	ssyncadd.s32 $0xFFFFE000  }
0x187: {  	[spmem:s3] =	stream.indirect.scatter.add.bf16 [tilespmem:s17], [sflag:$0x4], $0x40, s6, s14, $0xb8;
	[tilespmem:$0x19000] =	vst v63  }
0x188: {  	_ =	swait.ge [sflag:s19], $0x2000  }
0x189: {  	[sflag:s19] =	ssyncset.done $0x0  }
0x18a: {  	s9 =	rddreg [dreg:$0x15];
	[sflag:s19] =	ssyncadd.s32 $0xFFFFE000  }
0x18b: {  	[tilespmem:s15], [sflag:$0x1] =	stream.indirect.gather [spmem:s1], $0x40, s9, s14, $0xb8;
	[tilespmem:$0x19000] =	vst v63  }
0x18c: {  	_ =	swait.ge [sflag:s16], $0x2000  }
0x18d: {  	[sflag:s16] =	ssyncset.done $0x0  }
0x18e: {  	s11 =	rddreg [dreg:$0x16];
	[sflag:s16] =	ssyncadd.s32 $0xFFFFE000  }
0x18f: {  	[spmem:s3] =	stream.indirect.scatter.add.bf16 [tilespmem:s15], [sflag:$0x3], $0x40, s11, s14, $0xb8;
	[tilespmem:$0x19000] =	vst v63  }
0x190: {  	_ =	swait.ge [sflag:s20], $0x2000  }
0x191: {  	[sflag:s20] =	ssyncset.done $0x0  }
0x192: {  	[sflag:s20] =	ssyncadd.s32 $0xFFFFE000  }
0x193: {  	[tilespmem:s17], [sflag:$0x2] =	stream.indirect.gather [spmem:s1], $0x40, s21, s14, $0xb8;
	[tilespmem:$0x19000] =	vst v63  }
0x194: {  	_ =	swait.ge [sflag:s18], $0x2000  }
0x195: {  	[sflag:s18] =	ssyncset.done $0x0  }
0x196: {  	[sflag:s18] =	ssyncadd.s32 $0xFFFFE000  }
0x197: {  	[spmem:s3] =	stream.indirect.scatter.add.bf16 [tilespmem:s17], [sflag:$0x4], $0x40, s22, s14, $0xb8;
	[tilespmem:$0x19000] =	vst v63  }
0x198: {  	_ =	swait.ge [sflag:s19], $0x2000  }
0x199: {  	[sflag:s19] =	ssyncset.done $0x0  }
0x19a: {  	[sflag:s19] =	ssyncadd.s32 $0xFFFFE000  }
0x19b: {  	[tilespmem:s15], [sflag:$0x1] =	stream.indirect.gather [spmem:s1], $0x40, s23, s14, $0xb8;
	[tilespmem:$0x19000] =	vst v63  }
0x19c: {  	_ =	swait.ge [sflag:s16], $0x2000  }
0x19d: {  	[sflag:s16] =	ssyncset.done $0x0  }
0x19e: {  	[sflag:s16] =	ssyncadd.s32 $0xFFFFE000  }
0x19f: {  	[spmem:s3] =	stream.indirect.scatter.add.bf16 [tilespmem:s15], [sflag:$0x3], $0x40, s24, s14, $0xb8;
	[tilespmem:$0x19000] =	vst v63  }
0x1a0: {  	_ =	swait.ge [sflag:s20], $0x2000  }
0x1a1: {  	[sflag:s20] =	ssyncset.done $0x0  }
0x1a2: {  	[sflag:s20] =	ssyncadd.s32 $0xFFFFE000  }
0x1a3: {  	[tilespmem:s17], [sflag:$0x2] =	stream.indirect.gather [spmem:s1], $0x40, s25, s14, $0xb8;
	[tilespmem:$0x19000] =	vst v63  }
0x1a4: {  	_ =	swait.ge [sflag:s18], $0x2000  }
0x1a5: {  	[sflag:s18] =	ssyncset.done $0x0  }
0x1a6: {  	[sflag:s18] =	ssyncadd.s32 $0xFFFFE000  }
0x1a7: {  	[spmem:s3] =	stream.indirect.scatter.add.bf16 [tilespmem:s17], [sflag:$0x4], $0x40, s26, s14, $0xb8;
	[tilespmem:$0x19000] =	vst v63  }
0x1a8: {  	_ =	swait.ge [sflag:s19], $0x2000  }
0x1a9: {  	[sflag:s19] =	ssyncset.done $0x0  }
0x1aa: {  	[sflag:s19] =	ssyncadd.s32 $0xFFFFE000  }
0x1ab: {  	[tilespmem:s15], [sflag:$0x1] =	stream.indirect.gather [spmem:s1], $0x40, s28, s14, $0xb8;
	[tilespmem:$0x19000] =	vst v63  }
0x1ac: {  	_ =	swait.ge [sflag:s16], $0x2000  }
0x1ad: {  	[sflag:s16] =	ssyncset.done $0x0  }
0x1ae: {  	[sflag:s16] =	ssyncadd.s32 $0xFFFFE000  }
0x1af: {  	[spmem:s3] =	stream.indirect.scatter.add.bf16 [tilespmem:s15], [sflag:$0x3], $0x40, s29, s14, $0xb8;
	[tilespmem:$0x19000] =	vst v63  }
0x1b0: {  	_ =	swait.ge [sflag:s20], $0x2000  }
0x1b1: {  	[sflag:s20] =	ssyncset.done $0x0  }
0x1b2: {  	[sflag:s20] =	ssyncadd.s32 $0xFFFFE000  }
0x1b3: {  	[tilespmem:s17], [sflag:$0x2] =	stream.indirect.gather [spmem:s1], $0x40, s30, s14, $0xb8;
	[tilespmem:$0x19000] =	vst v63  }
0x1b4: {  	_ =	swait.ge [sflag:s18], $0x2000  }
0x1b5: {  	[sflag:s18] =	ssyncset.done $0x0  }
0x1b6: {  	[sflag:s18] =	ssyncadd.s32 $0xFFFFE000  }
0x1b7: {  	[spmem:s3] =	stream.indirect.scatter.add.bf16 [tilespmem:s17], [sflag:$0x4], $0x40, s31, s14, $0xb8;
	[tilespmem:$0x19000] =	vst v63  }
0x1b8: {  	_ =	swait.ge [sflag:s19], $0x2000  }
0x1b9: {  	[sflag:s19] =	ssyncset.done $0x0  }
0x1ba: {  	[sflag:s19] =	ssyncadd.s32 $0xFFFFE000  }
0x1bb: {  	[tilespmem:s15], [sflag:$0x1] =	stream.indirect.gather [spmem:s1], $0x40, s2, s14, $0xb8;
	[tilespmem:$0x19000] =	vst v63  }
0x1bc: {  	_ =	swait.ge [sflag:s16], $0x2000  }
0x1bd: {  	[sflag:s16] =	ssyncset.done $0x0  }
0x1be: {  	[sflag:s16] =	ssyncadd.s32 $0xFFFFE000  }
0x1bf: {  	[spmem:s3] =	stream.indirect.scatter.add.bf16 [tilespmem:s15], [sflag:$0x3], $0x40, s0, s14, $0xb8;
	[tilespmem:$0x19000] =	vst v63  }
0x1c0: {  	_ =	swait.ge [sflag:s20], $0x2000  }
0x1c1: {  	[sflag:s20] =	ssyncset.done $0x0  }
0x1c2: {  	[sflag:s20] =	ssyncadd.s32 $0xFFFFE000  }
0x1c3: {  	[tilespmem:s17], [sflag:$0x2] =	stream.indirect.gather [spmem:s1], $0x40, s7, s14, $0xb8;
	[tilespmem:$0x19000] =	vst v63  }
0x1c4: {  	_ =	swait.ge [sflag:s18], $0x2000  }
0x1c5: {  	[sflag:s18] =	ssyncset.done $0x0  }
0x1c6: {  	[sflag:s18] =	ssyncadd.s32 $0xFFFFE000  }
0x1c7: {  	[spmem:s3] =	stream.indirect.scatter.add.bf16 [tilespmem:s17], [sflag:$0x4], $0x40, s8, s14, $0xb8;
	[tilespmem:$0x19000] =	vst v63  }
0x1c8: {  	_ =	swait.ge [sflag:s19], $0x2000  }
0x1c9: {  	[sflag:s19] =	ssyncset.done $0x0  }
0x1ca: {  	[sflag:s19] =	ssyncadd.s32 $0xFFFFE000  }
0x1cb: {  	_ =	swait.ge [sflag:s20], $0x2000  }
0x1cc: {  	[sflag:s20] =	ssyncset.done $0x0  }
0x1cd: {  	[sflag:s20] =	ssyncadd.s32 $0xFFFFE000  }
0x1ce: {  	[bflag:$0x0] =	sbarrier.arrive $0xFFFF  }
0x1cf: {  	s9 =	rddreg [dreg:$0x18]  }
0x1d0: {  	s6 =	rddreg [dreg:$0x19]  }
0x1d1: {  	s11 =	rddreg [dreg:$0x1c]  }
0x1d2: {  	[hbm:s6], [sflag:s9] =	dma.local [spmem:s11], $0x1400  }
0x1d3: {  	_ =	swait.ge [sflag:s10], $0x1400  }
0x1d4: {  	s5 =	rddreg [dreg:$0x1d]  }
0x1d5: {  	s6 =	sadd.s32 $0x1, s5;
	s5 =	rddreg [dreg:$0x1a]  }
0x1d6: {  	p0 =	sne.s32 s6, s5  }
.Ltmp1:
0x1d7: {  	_ = 	snop;
	(pc) =	sbr.rel @p0 .LBB2_1-.Ltmp1, $3  }
0x1d8: {  	_ =	sdelay $0x1  }
0x1d9: {  	[sflag:s10] =	ssyncset.done $0x0  }
0x1da: {  	[sflag:s10] =	ssyncadd.s32 $0xFFFFEC00  }
0x1db: {  	_ =	sfence.sel $0x180000  }
0x1dc: {  	[bflag:$0x0] =	sbarrier.arrive $0xFFFF  }
0x1dd: {  	_ =	strace $0x9000004A  }
0x1de: {  	s0 =	stileid.u32;
	[bflag:$0x2] =	sbarrier.arrive $0xFFFF  }
0x1df: {  	p0 =	sne.s32 s0, $0x0;
	s0 =	rddreg [dreg:$0x4]  }
0x1e0: {  	s0 =	sadd.s32 @!p0 $0x100000, s0  }
0x1e1: {  	[sflag:s0] =	ssyncadd.tile.s32 @!p0 $0x1;
	_ =	shalt  }
.Lfunc_end2:
_tile_overlayer_lowered:
.L_overlay_start_2:
0x1e2: {  	(tag) =	ssettag $0x2  }
0x1e3: {  	s0 =	rddreg [dreg:$0x0];
	s2 =	stileid.u32  }
0x1e4: {  	s1 =	rddreg [dreg:$0x1];
	p0 =	sne.s32 s2, $0x0  }
0x1e5: {  	s3 =	rddreg [dreg:$0x2];
	[bflag:$0x3] =	sbarrier.arrive $0xFFFF;
	s2 =	simm.s32 @!p0 $0x1C05  }
0x1e6: {  	[timem:s3], [sflag:s2] =	dma.local @!p0 [hbm:s0], s1  }
0x1e7: {  	s0 =	simm.s32 @!p0 $0x5  }
0x1e8: {  	_ =	swait.ge @!p0 [sflag:s0], s1  }
0x1e9: {  	s1 =	ssub.s32 @!p0 $0x0, s1;
	[sflag:s0] =	ssyncset.done @!p0 $0x0  }
0x1ea: {  	[sflag:s0] =	ssyncadd.s32 @!p0 s1  }
0x1eb: {  	[bflag:$0x3] =	sbarrier.arrive $0xFFFF  }
0x1ec: {  	_ =	shalt  }

// kernel: kernel.14.cloned.1.call-start
scs
__scs_entry_jumppad:
0x0: {  	(pc) =	sbr.rel $0x88, $3  }
0x1: {  	(tag) =	ssettag $0x0;
	lr =	simm.s32 $0x1  }
0x2: {  	[smem:$0x3F99] =	sst lr;
	_ =	strace $0xD0000000  }
0x3: {  	_ = 	snop  }
0x4: {  	_ = 	snop  }
0x5: {  	_ = 	snop  }
0x6: {  	_ = 	snop  }
0x7: {  	_ = 	snop  }
__scs_overlays_trampoline_lowered:
0x8: {  	[smem:$0x3FA8] =	sst s0  }
0x9: {  	[smem:$0x3FA9] =	sst s1  }
0xa: {  	[smem:$0x3FAA] =	sst s2  }
0xb: {  	[smem:$0x3FAB] =	sst s3  }
0xc: {  	[smem:$0x3FAC] =	sst s4  }
0xd: {  	[smem:$0x3FAD] =	sst s5  }
0xe: {  	[smem:$0x3FAE] =	sst s6  }
0xf: {  	[smem:$0x3FAF] =	sst s7  }
0x10: {  	[smem:$0x3FB0] =	sst s8  }
0x11: {  	[smem:$0x3FB1] =	sst s9;
	s0 =	simm.s32 @!p0 $0x0  }
0x12: {  	s1 =	sld [smem:$0x3F97];
	s0 =	simm.s32 @p0 $0x1  }
0x13: {  	[smem:$0x3FB2] =	sst s0;
	s0 =	simm.s32 @!p1 $0x0  }
0x14: {  	s2 =	sld [smem:$0x3F96];
	s0 =	simm.s32 @p1 $0x1  }
0x15: {  	[smem:$0x3FB3] =	sst s0;
	s0 =	simm.s32 @!p2 $0x0  }
0x16: {  	s3 =	sld [smem:$0x3FDB];
	s0 =	simm.s32 @p2 $0x1  }
0x17: {  	s4 =	simm.s32 $0x1BF5;
	[smem:$0x3FB5] =	sst s0  }
0x18: {  	s0 =	sld [smem:$0x3F98];
	_ =	swait.ge [sflag:s4], $0x0  }
0x19: {  	s7 =	sld [smem:$0x3F99]  }
0x1a: {  	s8 =	sadd.s32 $0xFFFFE003, lr  }
0x1b: {  	s9 =	sadd.s32 $0xFFFFFEF7, lr;
	s5 =	simm.s32 $0xFFFFFFFF;
	p2 =	slt.u32 s8, $0xFFFFF086  }
0x1c: {  	p1 =	slt.u32 s9, $0xF7A;
	s5 =	simm.s32 @!p2 $0x0  }
0x1d: {  	s5 =	simm.s32 @p1 $0x1;
	p0 =	seq.s32 s7, s2  }
0x1e: {  	s7 =	smul.u32 @!p0 $0xF7A, s2;
	p2 =	seq.s32 @!p0 s5, $0x0  }
0x1f: {  	s9 =	smul.u32 $0xF7A, s1;
	s8 =	simm.s32 @!p0 $0x1BF5;
	p2 =	por !p2, p0  }
0x20: {  	[sflag:s8] =	ssyncset.s32 @!p0 $0xFFFFF086;
	s6 =	sadd.s32 @!p0 s3, s7;
	s7 =	simm.s32 @!p0 $0x108  }
0x21: {  	s3 =	sadd.s32 s3, s9;
	s6 =	sadd.s32 @!p0 $0x88, s6;
	s7 =	simm.s32 @p2 $0x1082  }
0x22: {  	[simem:s7], [sflag:s8] =	dma.local @!p0 [hbm:s6], $0xF7A  }
0x23: {  	s9 =	sor.u32 $0xD0000000, s2;
	s6 =	simm.s32 $0x108;
	_ =	swait.ge @!p0 [sflag:s8], $0x0  }
0x24: {  	s3 =	sadd.s32 $0x88, s3;
	s6 =	simm.s32 @!p1 $0x1082;
	[sflag:s4] =	ssyncset.s32 $0xFFFFF086  }
0x25: {  	[simem:s6], [sflag:s4] =	dma.local [hbm:s3], $0xF7A  }
0x26: {  	[smem:$0x3F99] =	sst s1;
	(tag) =	ssettag s2;
	_ =	strace s9  }
0x27: {  	s1 =	sld [smem:$0x3FA9]  }
0x28: {  	s2 =	sld [smem:$0x3FAA]  }
0x29: {  	s4 =	sld [smem:$0x3FAC]  }
0x2a: {  	p0 =	seq.s32 s5, $0x0;
	s5 =	sld [smem:$0x3FAD]  }
0x2b: {  	s6 =	sld [smem:$0x3FAE]  }
0x2c: {  	s7 =	sld [smem:$0x3FAF]  }
0x2d: {  	s3 =	simm.s32 $0x108;
	s8 =	sld [smem:$0x3FB0]  }
0x2e: {  	s3 =	simm.s32 @!p0 $0x1082;
	s9 =	sld [smem:$0x3FB1]  }
0x2f: {  	lr =	sadd.s32 s0, s3;
	s0 =	sld [smem:$0x3FA8]  }
0x30: {  	s3 =	sld [smem:$0x3FAB]  }
0x31: {  	[smem:$0x3FB4] =	sst s10  }
0x32: {  	s10 =	sld [smem:$0x3FB2];
	_ =	sdelay $0x3  }
0x33: {  	p0 =	seq.s32 s10, $0x1;
	s10 =	sld [smem:$0x3FB4];
	_ =	sdelay $0x3  }
0x34: {  	[smem:$0x3FB4] =	sst s10  }
0x35: {  	s10 =	sld [smem:$0x3FB3];
	_ =	sdelay $0x3  }
0x36: {  	p1 =	seq.s32 s10, $0x1;
	s10 =	sld [smem:$0x3FB4];
	_ =	sdelay $0x3  }
0x37: {  	[smem:$0x3FB4] =	sst s10  }
0x38: {  	s10 =	sld [smem:$0x3FB5]  }
0x39: {  	_ = 	snop;
	(pc) =	sbr.ind lr, $3  }
0x3a: {  	_ = 	snop  }
0x3b: {  	_ = 	snop  }
0x3c: {  	p2 =	seq.s32 s10, $0x1;
	s10 =	sld [smem:$0x3FB4]  }
0x3d: {  	_ =	shalt  }
0x3e: {  	_ =	shalt  }
0x3f: {  	_ =	shalt  }
0x40: {  	_ =	shalt  }
0x41: {  	_ =	shalt  }
0x42: {  	_ =	shalt  }
0x43: {  	_ =	shalt  }
0x44: {  	_ =	shalt  }
0x45: {  	_ =	shalt  }
0x46: {  	_ =	shalt  }
0x47: {  	_ =	shalt  }
0x48: {  	_ =	shalt  }
0x49: {  	_ =	shalt  }
0x4a: {  	_ =	shalt  }
0x4b: {  	_ =	shalt  }
0x4c: {  	_ =	shalt  }
0x4d: {  	_ =	shalt  }
0x4e: {  	_ =	shalt  }
0x4f: {  	_ =	shalt  }
0x50: {  	_ =	shalt  }
0x51: {  	_ =	shalt  }
0x52: {  	_ =	shalt  }
0x53: {  	_ =	shalt  }
0x54: {  	_ =	shalt  }
0x55: {  	_ =	shalt  }
0x56: {  	_ =	shalt  }
0x57: {  	_ =	shalt  }
0x58: {  	_ =	shalt  }
0x59: {  	_ =	shalt  }
0x5a: {  	_ =	shalt  }
0x5b: {  	_ =	shalt  }
0x5c: {  	_ =	shalt  }
0x5d: {  	_ =	shalt  }
0x5e: {  	_ =	shalt  }
0x5f: {  	_ =	shalt  }
0x60: {  	_ =	shalt  }
0x61: {  	_ =	shalt  }
0x62: {  	_ =	shalt  }
0x63: {  	_ =	shalt  }
0x64: {  	_ =	shalt  }
0x65: {  	_ =	shalt  }
0x66: {  	_ =	shalt  }
0x67: {  	_ =	shalt  }
0x68: {  	_ =	shalt  }
0x69: {  	_ =	shalt  }
0x6a: {  	_ =	shalt  }
0x6b: {  	_ =	shalt  }
0x6c: {  	_ =	shalt  }
0x6d: {  	_ =	shalt  }
0x6e: {  	_ =	shalt  }
0x6f: {  	_ =	shalt  }
0x70: {  	_ =	shalt  }
0x71: {  	_ =	shalt  }
0x72: {  	_ =	shalt  }
0x73: {  	_ =	shalt  }
0x74: {  	_ =	shalt  }
0x75: {  	_ =	shalt  }
0x76: {  	_ =	shalt  }
0x77: {  	_ =	shalt  }
0x78: {  	_ =	shalt  }
0x79: {  	_ =	shalt  }
0x7a: {  	_ =	shalt  }
0x7b: {  	_ =	shalt  }
0x7c: {  	_ =	shalt  }
0x7d: {  	_ =	shalt  }
0x7e: {  	_ =	shalt  }
0x7f: {  	_ =	shalt  }
0x80: {  	_ =	shalt  }
0x81: {  	_ =	shalt  }
0x82: {  	_ =	shalt  }
0x83: {  	_ =	shalt  }
0x84: {  	_ =	shalt  }
0x85: {  	_ =	shalt  }
0x86: {  	_ =	shalt  }
0x87: {  	_ =	shalt  }
.Lfunc_end0:
.L_simem_size_0:
called_computation.2_lowered:
.L_overlay_start_0:
0x88: {  	s2 =	sld [smem:$0x3FD9]  }
0x89: {  	s3 =	sld [smem:$0x3FFE];
	_ =	sdelay $0x1  }
0x8a: {  	s1 =	srdreg.scid  }
0x8b: {  	s0 =	sand.u32 $0x1, s1  }
0x8c: {  	s17 =	sshll.u32 s0, $0xA;
	s2 =	sadd.s32 s3, s2  }
0x8d: {  	s2 =	sadd.s32 s2, s17  }
0x8e: {  	[smem:$0x3FC0] =	sst s2  }
0x8f: {  	_ = 	snop  }
0x90: {  	s2 =	sld [smem:$0x3FD0];
	(tm) =	ssettm $0x1  }
0x91: {  	s18 =	sld [smem:$0x3FFB];
	_ =	sdelay $0x3  }
0x92: {  	_ =	strace s18  }
0x93: {  	s3 =	sld [smem:$0x3FFC];
	_ =	sdelay $0x3  }
0x94: {  	_ =	strace s3  }
0x95: {  	s3 =	sld [smem:$0x3FFD];
	_ =	sdelay $0x3  }
0x96: {  	_ =	strace s3  }
0x97: {  	_ =	strace $0x8FFFFFFF  }
0x98: {  	s19 =	sld [smem:$0x3FDB];
	_ =	sdelay $0x1  }
0x99: {  	s4 =	simm.s32 $_scs_section_size  }
0x9a: {  	s5 =	simm.s32 $_size__tile_overlayer_lowered;
	s6 =	simm.s32 $_tile_overlayer_lowered  }
0x9b: {  	s22 =	simm.s32 $0x1BFF;
	s21 =	sshll.u32 s6, $0x1;
	s3 =	sadd.s32 s4, s19  }
0x9c: {  	s7 =	simm.s32 $0x0;
	s20 =	sshll.u32 s5, $0x1;
	s5 =	sadd.s32 s21, s3  }
0x9d: {  	[timem:s7], [sflag:s22] =	dma.local [hbm:s5], s20  }
0x9e: {  	_ =	swait.ge [sflag:s22], s20  }
0x9f: {  	s4 =	ssub.s32 $0x0, s20;
	[sflag:s22] =	ssyncset.done $0x0  }
0xa0: {  	[sflag:s22] =	ssyncadd.s32 s4;
	_ =	sdelay $0x1  }
0xa1: {  	s23 =	simm.s32 $0x1B8B  }
0xa2: {  	_ =	swait.ge [sflag:s23], $0x1  }
0xa3: {  	[sflag:s23] =	ssyncset.done $0x0  }
0xa4: {  	s25 =	simm.s32 $0x1B8E;
	s24 =	sld [smem:$0x3FFE];
	[sflag:s23] =	ssyncadd.s32 $0xFFFFFFFF  }
0xa5: {  	s26 =	simm.s32 $execute0_lowered;
	[smem:$0x3FD2] =	sst s25  }
0xa6: {  	s5 =	sshll.u32 s26, $0x1;
	_ =	strace $0x8000004C;
	[dreg:$0x1] =	wrdreg $0xFFFFFFFF  }
0xa7: {  	s28 =	simm.s32 $_size_execute0_lowered;
	s3 =	sadd.s32 s3, s5;
	[dreg:$0x0] =	wrdreg $0x0  }
0xa8: {  	s5 =	sshll.u32 s28, $0x1;
	[dreg:$0x2] =	wrdreg s3  }
0xa9: {  	[dreg:$0x3] =	wrdreg s5  }
0xaa: {  	[dreg:$0x4] =	wrdreg $0xC0  }
0xab: {  	_ =	task [dreg:s7], $0x5FFFF  }
0xac: {  	[dreg:$0x1] =	wrdreg $0xFFFFFFFF  }
0xad: {  	[dreg:$0x0] =	wrdreg $0x60  }
0xae: {  	[dreg:$0x2] =	wrdreg s24  }
0xaf: {  	[dreg:$0x3] =	wrdreg s2  }
0xb0: {  	[dreg:$0x4] =	wrdreg $0x0  }
0xb1: {  	[dreg:$0x5] =	wrdreg $0x28000  }
0xb2: {  	[dreg:$0x6] =	wrdreg $0x9  }
0xb3: {  	_ =	task.clear_ibuf [dreg:s7], $0x7FFFF;
	_ =	strace $0x9000004C  }
0xb4: {  	s29 =	simm.s32 $0x9;
	_ =	strace $0x8000004E  }
0xb5: {  	_ =	swait.ge [sflag:s29], $0x1  }
0xb6: {  	[sflag:s29] =	ssyncadd.s32 $0xFFFFFFFF  }
0xb7: {  	_ =	strace $0x9000004E  }
0xb8: {  	_ =	sfence  }
0xb9: {  	s30 =	sld [smem:$0x0];
	_ =	sdelay $0x2  }
0xba: {  	s31 =	sshll.u32 s1, $0xD;
	s1 =	sshrl.u32 s1, $0x2  }
0xbb: {  	s3 =	sand.u32 $0x4000, s31;
	s1 =	sadd.s32 s1, s30  }
0xbc: {  	s0 =	sor.u32 s3, s0;
	s1 =	sshll.u32 s1, $0x11  }
0xbd: {  	s0 =	sor.u32 s1, s0  }
0xbe: {  	s0 =	sadd.s32 $0x8F2B, s0  }
0xbf: {  	[sflag:s0] =	ssyncadd.remote.s32 $0x1  }
0xc0: {  	_ =	sfence.sel $0xFFFF  }
0xc1: {  	[dreg:$0x0] =	wrdreg $0xFFFFFFFF;
	(pc) =	sbr.abs _section_cstart, $3  }
0xc2: {  	[dreg:$0x1] =	wrdreg $0xFFFFFFFF  }
0xc3: {  	_ =	task.clear_ibuf [dreg:s7], $0x2FFFF;
	_ =	strace $0x9FFFFFFF  }
0xc4: {  	(tm) =	ssettm $0x7FFFFFFF  }
0xc5: {  	_ =	shalt  }
tec
execute0_lowered:
.L_overlay_start_1:
0x0: {  	(tag) =	ssettag $0x1  }
0x1: {  	s0 =	rddreg [dreg:$0x0]  }
0x2: {  	s2 =	rddreg [dreg:$0x1]  }
0x3: {  	s1 =	rddreg [dreg:$0x2]  }
0x4: {  	s12 =	stileid.u32;
	s4 =	srdreg.scid  }
0x5: {  	s3 =	rddreg [dreg:$0x3];
	s13 =	simm.s32 $0x5180;
	s15 =	simm.s32 $0x5980  }
0x6: {  	s17 =	simm.s32 $0x5200;
	s18 =	simm.s32 $0x5A00;
	s19 =	simm.s32 $0x5280  }
0x7: {  	s20 =	simm.s32 $0x5A80;
	s6 =	sand.u32 $0x1, s4;
	s4 =	simm.s32 $0x0  }
0x8: {  	s21 =	simm.s32 $0x5300;
	s28 =	simm.s32 $0x5600;
	[smem:$0x7FF] =	sst s4  }
0x9: {  	s5 =	smul.u32 $0x2800, s12;
	_ =	strace $0x8000004D;
	[dreg:$0xb] =	wrdreg s13  }
0xa: {  	s29 =	simm.s32 $0x5E00;
	s7 =	smul.u32 $0x5000, s12;
	[dreg:$0xc] =	wrdreg s15  }
0xb: {  	s30 =	simm.s32 $0x5680;
	s8 =	smul.u32 $0x2800, s6;
	[dreg:$0xd] =	wrdreg s17  }
0xc: {  	s31 =	simm.s32 $0x5E80;
	s10 =	smul.u32 $0x28000, s6;
	[dreg:$0xe] =	wrdreg s18  }
0xd: {  	s6 =	ssub.s32 $0x2, s6;
	s9 =	sshrl.u32 s5, $0x3;
	[dreg:$0xf] =	wrdreg s19  }
0xe: {  	s11 =	sshrl.u32 s6, $0x1;
	s24 =	sadd.s32 s5, s1;
	[dreg:$0x10] =	wrdreg s20  }
0xf: {  	s13 =	simm.s32 $0x5800;
	[dreg:$0x11] =	wrdreg s21;
	s15 =	simm.s32 $0x6000  }
0x10: {  	s17 =	simm.s32 $0x6800;
	s18 =	simm.s32 $0x2;
	s19 =	simm.s32 $0x3  }
0x11: {  	s20 =	simm.s32 $0x4;
	s21 =	simm.s32 $0x5480;
	s9 =	sadd.s32 s9, s0  }
0x12: {  	s7 =	sadd.s32 s8, s7;
	s22 =	sadd.s32 s5, s10;
	s6 =	ssub.s32 s6, s11  }
0x13: {  	s10 =	simm.s32 $0x5880;
	s11 =	simm.s32 $0x5100;
	s5 =	sadd.s32 s5, s3  }
0x14: {  	s16 =	sshrl.u32 s24, $0x3;
	s24 =	simm.s32 $0x5B80;
	[dreg:$0x8] =	wrdreg s10  }
0x15: {  	s7 =	sshrl.u32 s7, $0x3;
	s8 =	sshrl.u32 s22, $0x3;
	[dreg:$0x9] =	wrdreg s11  }
0x16: {  	s26 =	sadd.s32 $0x1A00, s9;
	s9 =	sshll.u32 s12, $0x6;
	[dreg:$0x1b] =	wrdreg s16  }
0x17: {  	s12 =	simm.s32 $0x5900;
	s14 =	smax.u32 s6, $0x1;
	[dreg:$0x14] =	wrdreg s24  }
0x18: {  	s10 =	simm.s32 $0x5;
	s11 =	sshrl.u32 s5, $0x3;
	[dreg:$0x17] =	wrdreg s26  }
0x19: {  	s22 =	simm.s32 $0x5B00;
	s16 =	simm.s32 $0x1;
	[dreg:$0xa] =	wrdreg s12  }
0x1a: {  	s24 =	simm.s32 $0x5D00;
	s6 =	simm.s32 $0x0;
	[dreg:$0x1a] =	wrdreg s14  }
0x1b: {  	s23 =	sadd.s32 s7, s0;
	s0 =	sadd.s32 s8, s0;
	[dreg:$0x12] =	wrdreg s22  }
0x1c: {  	s2 =	sadd.s32 s7, s2;
	s8 =	simm.s32 $0x5080;
	[dreg:$0x1c] =	wrdreg s11  }
0x1d: {  	s9 =	sor.u32 $0x1C05, s9;
	s12 =	simm.s32 $0x5000;
	[dreg:$0x5] =	wrdreg s2  }
0x1e: {  	s14 =	simm.s32 $0x80;
	s26 =	simm.s32 $0x5C00;
	[dreg:$0x7] =	wrdreg s8  }
0x1f: {  	s22 =	simm.s32 $0x5C80;
	s7 =	simm.s32 $0x5780;
	[dreg:$0x16] =	wrdreg s26  }
0x20: {  	s25 =	sadd.s32 $0xBA00, s23;
	s0 =	sadd.s32 $0x15A00, s0;
	[dreg:$0x18] =	wrdreg s9  }
0x21: {  	s23 =	simm.s32 $0x5380;
	s26 =	simm.s32 $0x5D80;
	[dreg:$0x6] =	wrdreg s25  }
0x22: {  	s2 =	simm.s32 $0x5700;
	s8 =	simm.s32 $0x5F80;
	[dreg:$0x19] =	wrdreg s0  }
0x23: {  	[dreg:$0x13] =	wrdreg s23;
	s25 =	simm.s32 $0x5400;
	s23 =	simm.s32 $0x5500  }
0x24: {  	s0 =	simm.s32 $0x5F00;
	[dreg:$0x15] =	wrdreg s25;
	s25 =	simm.s32 $0x5580  }
.LBB2_1:
0x25: {  	[dreg:$0x1d] =	wrdreg s6  }
0x26: {  	s5 =	rddreg [dreg:$0x17]  }
0x27: {  	s6 =	rddreg [dreg:$0x1b]  }
0x28: {  	[spmem:s6], [sflag:s9] =	dma.local [hbm:s5], $0x500  }
0x29: {  	_ =	swait.ge [sflag:s10], $0x500  }
0x2a: {  	[sflag:s10] =	ssyncset.done $0x0  }
0x2b: {  	[sflag:s10] =	ssyncadd.s32 $0xFFFFFB00  }
0x2c: {  	[spmem:s11], [sflag:s9] =	dma.local [hbm:s5], $0x500  }
0x2d: {  	_ =	swait.ge [sflag:s10], $0x500  }
0x2e: {  	[sflag:s10] =	ssyncset.done $0x0  }
0x2f: {  	[sflag:s10] =	ssyncadd.s32 $0xFFFFFB00  }
0x30: {  	[bflag:$0x0] =	sbarrier.arrive $0xFFFF  }
0x31: {  	s6 =	rddreg [dreg:$0x6]  }
0x32: {  	s5 =	sadd.s32 $0x0, s6  }
0x33: {  	[tilespmem:s12], [sflag:$0x5] =	stream.linear.gather [hbm4b:s5+s4], $0x800, $0x38;
	[tilespmem:$0x7000] =	vst v63  }
0x34: {  	_ =	swait.ge [sflag:s10], $0x800  }
0x35: {  	s9 =	rddreg [dreg:$0x5];
	[sflag:s10] =	ssyncset.done $0x0  }
0x36: {  	[sflag:s10] =	ssyncadd.s32 $0xFFFFF800;
	s5 =	sadd.s32 $0x0, s9  }
0x37: {  	[tilespmem:s13], [sflag:$0x5] =	stream.linear.gather [hbm4b:s5+s4], $0x800, $0x38;
	[tilespmem:$0x7000] =	vst v63  }
0x38: {  	_ =	swait.ge [sflag:s10], $0x800  }
0x39: {  	[sflag:s10] =	ssyncset.done $0x0  }
0x3a: {  	[sflag:s10] =	ssyncadd.s32 $0xFFFFF800  }
0x3b: {  	[tilespmem:s15], [sflag:$0x1] =	stream.indirect.gather [spmem:s1], $0x10, s12, s14, $0xb8;
	[tilespmem:$0x7000] =	vst v63  }
0x3c: {  	_ =	swait.ge [sflag:s16], $0x800  }
0x3d: {  	[sflag:s16] =	ssyncset.done $0x0  }
0x3e: {  	[sflag:s16] =	ssyncadd.s32 $0xFFFFF800  }
0x3f: {  	[spmem:s3] =	stream.indirect.scatter.add.f32 [tilespmem:s15], [sflag:$0x3], $0x10, s13, s14, $0xb8;
	[tilespmem:$0x7000] =	vst v63  }
0x40: {  	s11 =	rddreg [dreg:$0x7]  }
0x41: {  	[tilespmem:s17], [sflag:$0x2] =	stream.indirect.gather [spmem:s1], $0x10, s11, s14, $0xb8;
	[tilespmem:$0x7000] =	vst v63  }
0x42: {  	_ =	swait.ge [sflag:s18], $0x800  }
0x43: {  	[sflag:s18] =	ssyncset.done $0x0  }
0x44: {  	s6 =	rddreg [dreg:$0x8];
	[sflag:s18] =	ssyncadd.s32 $0xFFFFF800  }
0x45: {  	[spmem:s3] =	stream.indirect.scatter.add.f32 [tilespmem:s17], [sflag:$0x4], $0x10, s6, s14, $0xb8;
	[tilespmem:$0x7000] =	vst v63  }
0x46: {  	_ =	swait.ge [sflag:s19], $0x800  }
0x47: {  	[sflag:s19] =	ssyncset.done $0x0  }
0x48: {  	s9 =	rddreg [dreg:$0x9];
	[sflag:s19] =	ssyncadd.s32 $0xFFFFF800  }
0x49: {  	[tilespmem:s15], [sflag:$0x1] =	stream.indirect.gather [spmem:s1], $0x10, s9, s14, $0xb8;
	[tilespmem:$0x7000] =	vst v63  }
0x4a: {  	_ =	swait.ge [sflag:s16], $0x800  }
0x4b: {  	[sflag:s16] =	ssyncset.done $0x0  }
0x4c: {  	s11 =	rddreg [dreg:$0xa];
	[sflag:s16] =	ssyncadd.s32 $0xFFFFF800  }
0x4d: {  	[spmem:s3] =	stream.indirect.scatter.add.f32 [tilespmem:s15], [sflag:$0x3], $0x10, s11, s14, $0xb8;
	[tilespmem:$0x7000] =	vst v63  }
0x4e: {  	_ =	swait.ge [sflag:s20], $0x800  }
0x4f: {  	[sflag:s20] =	ssyncset.done $0x0  }
0x50: {  	s6 =	rddreg [dreg:$0xb];
	[sflag:s20] =	ssyncadd.s32 $0xFFFFF800  }
0x51: {  	[tilespmem:s17], [sflag:$0x2] =	stream.indirect.gather [spmem:s1], $0x10, s6, s14, $0xb8;
	[tilespmem:$0x7000] =	vst v63  }
0x52: {  	_ =	swait.ge [sflag:s18], $0x800  }
0x53: {  	[sflag:s18] =	ssyncset.done $0x0  }
0x54: {  	s9 =	rddreg [dreg:$0xc];
	[sflag:s18] =	ssyncadd.s32 $0xFFFFF800  }
0x55: {  	[spmem:s3] =	stream.indirect.scatter.add.f32 [tilespmem:s17], [sflag:$0x4], $0x10, s9, s14, $0xb8;
	[tilespmem:$0x7000] =	vst v63  }
0x56: {  	_ =	swait.ge [sflag:s19], $0x800  }
0x57: {  	[sflag:s19] =	ssyncset.done $0x0  }
0x58: {  	s11 =	rddreg [dreg:$0xd];
	[sflag:s19] =	ssyncadd.s32 $0xFFFFF800  }
0x59: {  	[tilespmem:s15], [sflag:$0x1] =	stream.indirect.gather [spmem:s1], $0x10, s11, s14, $0xb8;
	[tilespmem:$0x7000] =	vst v63  }
0x5a: {  	_ =	swait.ge [sflag:s16], $0x800  }
0x5b: {  	[sflag:s16] =	ssyncset.done $0x0  }
0x5c: {  	s6 =	rddreg [dreg:$0xe];
	[sflag:s16] =	ssyncadd.s32 $0xFFFFF800  }
0x5d: {  	[spmem:s3] =	stream.indirect.scatter.add.f32 [tilespmem:s15], [sflag:$0x3], $0x10, s6, s14, $0xb8;
	[tilespmem:$0x7000] =	vst v63  }
0x5e: {  	_ =	swait.ge [sflag:s20], $0x800  }
0x5f: {  	[sflag:s20] =	ssyncset.done $0x0  }
0x60: {  	s9 =	rddreg [dreg:$0xf];
	[sflag:s20] =	ssyncadd.s32 $0xFFFFF800  }
0x61: {  	[tilespmem:s17], [sflag:$0x2] =	stream.indirect.gather [spmem:s1], $0x10, s9, s14, $0xb8;
	[tilespmem:$0x7000] =	vst v63  }
0x62: {  	_ =	swait.ge [sflag:s18], $0x800  }
0x63: {  	[sflag:s18] =	ssyncset.done $0x0  }
0x64: {  	s11 =	rddreg [dreg:$0x10];
	[sflag:s18] =	ssyncadd.s32 $0xFFFFF800  }
0x65: {  	[spmem:s3] =	stream.indirect.scatter.add.f32 [tilespmem:s17], [sflag:$0x4], $0x10, s11, s14, $0xb8;
	[tilespmem:$0x7000] =	vst v63  }
0x66: {  	_ =	swait.ge [sflag:s19], $0x800  }
0x67: {  	[sflag:s19] =	ssyncset.done $0x0  }
0x68: {  	s6 =	rddreg [dreg:$0x11];
	[sflag:s19] =	ssyncadd.s32 $0xFFFFF800  }
0x69: {  	[tilespmem:s15], [sflag:$0x1] =	stream.indirect.gather [spmem:s1], $0x10, s6, s14, $0xb8;
	[tilespmem:$0x7000] =	vst v63  }
0x6a: {  	_ =	swait.ge [sflag:s16], $0x800  }
0x6b: {  	[sflag:s16] =	ssyncset.done $0x0  }
0x6c: {  	s9 =	rddreg [dreg:$0x12];
	[sflag:s16] =	ssyncadd.s32 $0xFFFFF800  }
0x6d: {  	[spmem:s3] =	stream.indirect.scatter.add.f32 [tilespmem:s15], [sflag:$0x3], $0x10, s9, s14, $0xb8;
	[tilespmem:$0x7000] =	vst v63  }
0x6e: {  	_ =	swait.ge [sflag:s20], $0x800  }
0x6f: {  	[sflag:s20] =	ssyncset.done $0x0  }
0x70: {  	s11 =	rddreg [dreg:$0x13];
	[sflag:s20] =	ssyncadd.s32 $0xFFFFF800  }
0x71: {  	[tilespmem:s17], [sflag:$0x2] =	stream.indirect.gather [spmem:s1], $0x10, s11, s14, $0xb8;
	[tilespmem:$0x7000] =	vst v63  }
0x72: {  	_ =	swait.ge [sflag:s18], $0x800  }
0x73: {  	[sflag:s18] =	ssyncset.done $0x0  }
0x74: {  	s6 =	rddreg [dreg:$0x14];
	[sflag:s18] =	ssyncadd.s32 $0xFFFFF800  }
0x75: {  	[spmem:s3] =	stream.indirect.scatter.add.f32 [tilespmem:s17], [sflag:$0x4], $0x10, s6, s14, $0xb8;
	[tilespmem:$0x7000] =	vst v63  }
0x76: {  	_ =	swait.ge [sflag:s19], $0x800  }
0x77: {  	[sflag:s19] =	ssyncset.done $0x0  }
0x78: {  	s9 =	rddreg [dreg:$0x15];
	[sflag:s19] =	ssyncadd.s32 $0xFFFFF800  }
0x79: {  	[tilespmem:s15], [sflag:$0x1] =	stream.indirect.gather [spmem:s1], $0x10, s9, s14, $0xb8;
	[tilespmem:$0x7000] =	vst v63  }
0x7a: {  	_ =	swait.ge [sflag:s16], $0x800  }
0x7b: {  	[sflag:s16] =	ssyncset.done $0x0  }
0x7c: {  	s11 =	rddreg [dreg:$0x16];
	[sflag:s16] =	ssyncadd.s32 $0xFFFFF800  }
0x7d: {  	[spmem:s3] =	stream.indirect.scatter.add.f32 [tilespmem:s15], [sflag:$0x3], $0x10, s11, s14, $0xb8;
	[tilespmem:$0x7000] =	vst v63  }
0x7e: {  	_ =	swait.ge [sflag:s20], $0x800  }
0x7f: {  	[sflag:s20] =	ssyncset.done $0x0  }
0x80: {  	[sflag:s20] =	ssyncadd.s32 $0xFFFFF800  }
0x81: {  	[tilespmem:s17], [sflag:$0x2] =	stream.indirect.gather [spmem:s1], $0x10, s21, s14, $0xb8;
	[tilespmem:$0x7000] =	vst v63  }
0x82: {  	_ =	swait.ge [sflag:s18], $0x800  }
0x83: {  	[sflag:s18] =	ssyncset.done $0x0  }
0x84: {  	[sflag:s18] =	ssyncadd.s32 $0xFFFFF800  }
0x85: {  	[spmem:s3] =	stream.indirect.scatter.add.f32 [tilespmem:s17], [sflag:$0x4], $0x10, s22, s14, $0xb8;
	[tilespmem:$0x7000] =	vst v63  }
0x86: {  	_ =	swait.ge [sflag:s19], $0x800  }
0x87: {  	[sflag:s19] =	ssyncset.done $0x0  }
0x88: {  	[sflag:s19] =	ssyncadd.s32 $0xFFFFF800  }
0x89: {  	[tilespmem:s15], [sflag:$0x1] =	stream.indirect.gather [spmem:s1], $0x10, s23, s14, $0xb8;
	[tilespmem:$0x7000] =	vst v63  }
0x8a: {  	_ =	swait.ge [sflag:s16], $0x800  }
0x8b: {  	[sflag:s16] =	ssyncset.done $0x0  }
0x8c: {  	[sflag:s16] =	ssyncadd.s32 $0xFFFFF800  }
0x8d: {  	[spmem:s3] =	stream.indirect.scatter.add.f32 [tilespmem:s15], [sflag:$0x3], $0x10, s24, s14, $0xb8;
	[tilespmem:$0x7000] =	vst v63  }
0x8e: {  	_ =	swait.ge [sflag:s20], $0x800  }
0x8f: {  	[sflag:s20] =	ssyncset.done $0x0  }
0x90: {  	[sflag:s20] =	ssyncadd.s32 $0xFFFFF800  }
0x91: {  	[tilespmem:s17], [sflag:$0x2] =	stream.indirect.gather [spmem:s1], $0x10, s25, s14, $0xb8;
	[tilespmem:$0x7000] =	vst v63  }
0x92: {  	_ =	swait.ge [sflag:s18], $0x800  }
0x93: {  	[sflag:s18] =	ssyncset.done $0x0  }
0x94: {  	[sflag:s18] =	ssyncadd.s32 $0xFFFFF800  }
0x95: {  	[spmem:s3] =	stream.indirect.scatter.add.f32 [tilespmem:s17], [sflag:$0x4], $0x10, s26, s14, $0xb8;
	[tilespmem:$0x7000] =	vst v63  }
0x96: {  	_ =	swait.ge [sflag:s19], $0x800  }
0x97: {  	[sflag:s19] =	ssyncset.done $0x0  }
0x98: {  	[sflag:s19] =	ssyncadd.s32 $0xFFFFF800  }
0x99: {  	[tilespmem:s15], [sflag:$0x1] =	stream.indirect.gather [spmem:s1], $0x10, s28, s14, $0xb8;
	[tilespmem:$0x7000] =	vst v63  }
0x9a: {  	_ =	swait.ge [sflag:s16], $0x800  }
0x9b: {  	[sflag:s16] =	ssyncset.done $0x0  }
0x9c: {  	[sflag:s16] =	ssyncadd.s32 $0xFFFFF800  }
0x9d: {  	[spmem:s3] =	stream.indirect.scatter.add.f32 [tilespmem:s15], [sflag:$0x3], $0x10, s29, s14, $0xb8;
	[tilespmem:$0x7000] =	vst v63  }
0x9e: {  	_ =	swait.ge [sflag:s20], $0x800  }
0x9f: {  	[sflag:s20] =	ssyncset.done $0x0  }
0xa0: {  	[sflag:s20] =	ssyncadd.s32 $0xFFFFF800  }
0xa1: {  	[tilespmem:s17], [sflag:$0x2] =	stream.indirect.gather [spmem:s1], $0x10, s30, s14, $0xb8;
	[tilespmem:$0x7000] =	vst v63  }
0xa2: {  	_ =	swait.ge [sflag:s18], $0x800  }
0xa3: {  	[sflag:s18] =	ssyncset.done $0x0  }
0xa4: {  	[sflag:s18] =	ssyncadd.s32 $0xFFFFF800  }
0xa5: {  	[spmem:s3] =	stream.indirect.scatter.add.f32 [tilespmem:s17], [sflag:$0x4], $0x10, s31, s14, $0xb8;
	[tilespmem:$0x7000] =	vst v63  }
0xa6: {  	_ =	swait.ge [sflag:s19], $0x800  }
0xa7: {  	[sflag:s19] =	ssyncset.done $0x0  }
0xa8: {  	[sflag:s19] =	ssyncadd.s32 $0xFFFFF800  }
0xa9: {  	[tilespmem:s15], [sflag:$0x1] =	stream.indirect.gather [spmem:s1], $0x10, s2, s14, $0xb8;
	[tilespmem:$0x7000] =	vst v63  }
0xaa: {  	_ =	swait.ge [sflag:s16], $0x800  }
0xab: {  	[sflag:s16] =	ssyncset.done $0x0  }
0xac: {  	[sflag:s16] =	ssyncadd.s32 $0xFFFFF800  }
0xad: {  	[spmem:s3] =	stream.indirect.scatter.add.f32 [tilespmem:s15], [sflag:$0x3], $0x10, s0, s14, $0xb8;
	[tilespmem:$0x7000] =	vst v63  }
0xae: {  	_ =	swait.ge [sflag:s20], $0x800  }
0xaf: {  	[sflag:s20] =	ssyncset.done $0x0  }
0xb0: {  	[sflag:s20] =	ssyncadd.s32 $0xFFFFF800  }
0xb1: {  	[tilespmem:s17], [sflag:$0x2] =	stream.indirect.gather [spmem:s1], $0x10, s7, s14, $0xb8;
	[tilespmem:$0x7000] =	vst v63  }
0xb2: {  	_ =	swait.ge [sflag:s18], $0x800  }
0xb3: {  	[sflag:s18] =	ssyncset.done $0x0  }
0xb4: {  	[sflag:s18] =	ssyncadd.s32 $0xFFFFF800  }
0xb5: {  	[spmem:s3] =	stream.indirect.scatter.add.f32 [tilespmem:s17], [sflag:$0x4], $0x10, s8, s14, $0xb8;
	[tilespmem:$0x7000] =	vst v63  }
0xb6: {  	_ =	swait.ge [sflag:s19], $0x800  }
0xb7: {  	[sflag:s19] =	ssyncset.done $0x0  }
0xb8: {  	[sflag:s19] =	ssyncadd.s32 $0xFFFFF800  }
0xb9: {  	s5 =	simm.s32 $0x100;
	_ =	swait.ge [sflag:s20], $0x800  }
0xba: {  	s11 =	simm.s32 $0x200;
	s6 =	rddreg [dreg:$0x6];
	[sflag:s20] =	ssyncset.done $0x0  }
.LBB2_2:
0xbb: {  	[sflag:s20] =	ssyncadd.s32 $0xFFFFF800;
	s6 =	sadd.s32 s5, s6  }
0xbc: {  	[tilespmem:s12], [sflag:$0x5] =	stream.linear.gather [hbm4b:s6+s4], $0x800, $0x38;
	[tilespmem:$0x7000] =	vst v63  }
0xbd: {  	_ =	swait.ge [sflag:s10], $0x800  }
0xbe: {  	s6 =	rddreg [dreg:$0x5];
	[sflag:s10] =	ssyncset.done $0x0  }
0xbf: {  	[sflag:s10] =	ssyncadd.s32 $0xFFFFF800;
	s6 =	sadd.s32 s5, s6  }
0xc0: {  	[tilespmem:s13], [sflag:$0x5] =	stream.linear.gather [hbm4b:s6+s4], $0x800, $0x38;
	[tilespmem:$0x7000] =	vst v63  }
0xc1: {  	_ =	swait.ge [sflag:s10], $0x800  }
0xc2: {  	[sflag:s10] =	ssyncset.done $0x0  }
0xc3: {  	[sflag:s10] =	ssyncadd.s32 $0xFFFFF800  }
0xc4: {  	[tilespmem:s15], [sflag:$0x1] =	stream.indirect.gather [spmem:s1], $0x10, s12, s14, $0xb8;
	[tilespmem:$0x7000] =	vst v63  }
0xc5: {  	_ =	swait.ge [sflag:s16], $0x800  }
0xc6: {  	[sflag:s16] =	ssyncset.done $0x0  }
0xc7: {  	s9 =	smov.u32 s11;
	[sflag:s16] =	ssyncadd.s32 $0xFFFFF800  }
0xc8: {  	[spmem:s3] =	stream.indirect.scatter.add.f32 [tilespmem:s15], [sflag:$0x3], $0x10, s13, s14, $0xb8;
	[tilespmem:$0x7000] =	vst v63  }
0xc9: {  	s5 =	smov.u32 s9;
	s9 =	rddreg [dreg:$0x7]  }
0xca: {  	[tilespmem:s17], [sflag:$0x2] =	stream.indirect.gather [spmem:s1], $0x10, s9, s14, $0xb8;
	[tilespmem:$0x7000] =	vst v63  }
0xcb: {  	_ =	swait.ge [sflag:s18], $0x800  }
0xcc: {  	[sflag:s18] =	ssyncset.done $0x0  }
0xcd: {  	s9 =	rddreg [dreg:$0x8];
	[sflag:s18] =	ssyncadd.s32 $0xFFFFF800  }
0xce: {  	[spmem:s3] =	stream.indirect.scatter.add.f32 [tilespmem:s17], [sflag:$0x4], $0x10, s9, s14, $0xb8;
	[tilespmem:$0x7000] =	vst v63  }
0xcf: {  	_ =	swait.ge [sflag:s19], $0x800  }
0xd0: {  	[sflag:s19] =	ssyncset.done $0x0  }
0xd1: {  	s9 =	rddreg [dreg:$0x9];
	[sflag:s19] =	ssyncadd.s32 $0xFFFFF800  }
0xd2: {  	[tilespmem:s15], [sflag:$0x1] =	stream.indirect.gather [spmem:s1], $0x10, s9, s14, $0xb8;
	[tilespmem:$0x7000] =	vst v63  }
0xd3: {  	_ =	swait.ge [sflag:s16], $0x800  }
0xd4: {  	[sflag:s16] =	ssyncset.done $0x0  }
0xd5: {  	s9 =	rddreg [dreg:$0xa];
	[sflag:s16] =	ssyncadd.s32 $0xFFFFF800  }
0xd6: {  	[spmem:s3] =	stream.indirect.scatter.add.f32 [tilespmem:s15], [sflag:$0x3], $0x10, s9, s14, $0xb8;
	[tilespmem:$0x7000] =	vst v63  }
0xd7: {  	_ =	swait.ge [sflag:s20], $0x800  }
0xd8: {  	[sflag:s20] =	ssyncset.done $0x0  }
0xd9: {  	s9 =	rddreg [dreg:$0xb];
	[sflag:s20] =	ssyncadd.s32 $0xFFFFF800  }
0xda: {  	[tilespmem:s17], [sflag:$0x2] =	stream.indirect.gather [spmem:s1], $0x10, s9, s14, $0xb8;
	[tilespmem:$0x7000] =	vst v63  }
0xdb: {  	_ =	swait.ge [sflag:s18], $0x800  }
0xdc: {  	[sflag:s18] =	ssyncset.done $0x0  }
0xdd: {  	s9 =	rddreg [dreg:$0xc];
	[sflag:s18] =	ssyncadd.s32 $0xFFFFF800  }
0xde: {  	[spmem:s3] =	stream.indirect.scatter.add.f32 [tilespmem:s17], [sflag:$0x4], $0x10, s9, s14, $0xb8;
	[tilespmem:$0x7000] =	vst v63  }
0xdf: {  	_ =	swait.ge [sflag:s19], $0x800  }
0xe0: {  	[sflag:s19] =	ssyncset.done $0x0  }
0xe1: {  	s9 =	rddreg [dreg:$0xd];
	[sflag:s19] =	ssyncadd.s32 $0xFFFFF800  }
0xe2: {  	[tilespmem:s15], [sflag:$0x1] =	stream.indirect.gather [spmem:s1], $0x10, s9, s14, $0xb8;
	[tilespmem:$0x7000] =	vst v63  }
0xe3: {  	_ =	swait.ge [sflag:s16], $0x800  }
0xe4: {  	[sflag:s16] =	ssyncset.done $0x0  }
0xe5: {  	s9 =	rddreg [dreg:$0xe];
	[sflag:s16] =	ssyncadd.s32 $0xFFFFF800  }
0xe6: {  	[spmem:s3] =	stream.indirect.scatter.add.f32 [tilespmem:s15], [sflag:$0x3], $0x10, s9, s14, $0xb8;
	[tilespmem:$0x7000] =	vst v63  }
0xe7: {  	_ =	swait.ge [sflag:s20], $0x800  }
0xe8: {  	[sflag:s20] =	ssyncset.done $0x0  }
0xe9: {  	s9 =	rddreg [dreg:$0xf];
	[sflag:s20] =	ssyncadd.s32 $0xFFFFF800  }
0xea: {  	[tilespmem:s17], [sflag:$0x2] =	stream.indirect.gather [spmem:s1], $0x10, s9, s14, $0xb8;
	[tilespmem:$0x7000] =	vst v63  }
0xeb: {  	_ =	swait.ge [sflag:s18], $0x800  }
0xec: {  	[sflag:s18] =	ssyncset.done $0x0  }
0xed: {  	s9 =	rddreg [dreg:$0x10];
	[sflag:s18] =	ssyncadd.s32 $0xFFFFF800  }
0xee: {  	[spmem:s3] =	stream.indirect.scatter.add.f32 [tilespmem:s17], [sflag:$0x4], $0x10, s9, s14, $0xb8;
	[tilespmem:$0x7000] =	vst v63  }
0xef: {  	_ =	swait.ge [sflag:s19], $0x800  }
0xf0: {  	[sflag:s19] =	ssyncset.done $0x0  }
0xf1: {  	s9 =	rddreg [dreg:$0x11];
	[sflag:s19] =	ssyncadd.s32 $0xFFFFF800  }
0xf2: {  	[tilespmem:s15], [sflag:$0x1] =	stream.indirect.gather [spmem:s1], $0x10, s9, s14, $0xb8;
	[tilespmem:$0x7000] =	vst v63  }
0xf3: {  	_ =	swait.ge [sflag:s16], $0x800  }
0xf4: {  	[sflag:s16] =	ssyncset.done $0x0  }
0xf5: {  	s9 =	rddreg [dreg:$0x12];
	[sflag:s16] =	ssyncadd.s32 $0xFFFFF800  }
0xf6: {  	[spmem:s3] =	stream.indirect.scatter.add.f32 [tilespmem:s15], [sflag:$0x3], $0x10, s9, s14, $0xb8;
	[tilespmem:$0x7000] =	vst v63  }
0xf7: {  	_ =	swait.ge [sflag:s20], $0x800  }
0xf8: {  	[sflag:s20] =	ssyncset.done $0x0  }
0xf9: {  	s9 =	rddreg [dreg:$0x13];
	[sflag:s20] =	ssyncadd.s32 $0xFFFFF800  }
0xfa: {  	[tilespmem:s17], [sflag:$0x2] =	stream.indirect.gather [spmem:s1], $0x10, s9, s14, $0xb8;
	[tilespmem:$0x7000] =	vst v63  }
0xfb: {  	_ =	swait.ge [sflag:s18], $0x800  }
0xfc: {  	[sflag:s18] =	ssyncset.done $0x0  }
0xfd: {  	s9 =	rddreg [dreg:$0x14];
	[sflag:s18] =	ssyncadd.s32 $0xFFFFF800  }
0xfe: {  	[spmem:s3] =	stream.indirect.scatter.add.f32 [tilespmem:s17], [sflag:$0x4], $0x10, s9, s14, $0xb8;
	[tilespmem:$0x7000] =	vst v63  }
0xff: {  	_ =	swait.ge [sflag:s19], $0x800  }
0x100: {  	[sflag:s19] =	ssyncset.done $0x0  }
0x101: {  	s9 =	rddreg [dreg:$0x15];
	[sflag:s19] =	ssyncadd.s32 $0xFFFFF800  }
0x102: {  	[tilespmem:s15], [sflag:$0x1] =	stream.indirect.gather [spmem:s1], $0x10, s9, s14, $0xb8;
	[tilespmem:$0x7000] =	vst v63  }
0x103: {  	_ =	swait.ge [sflag:s16], $0x800  }
0x104: {  	[sflag:s16] =	ssyncset.done $0x0  }
0x105: {  	s9 =	rddreg [dreg:$0x16];
	[sflag:s16] =	ssyncadd.s32 $0xFFFFF800  }
0x106: {  	[spmem:s3] =	stream.indirect.scatter.add.f32 [tilespmem:s15], [sflag:$0x3], $0x10, s9, s14, $0xb8;
	[tilespmem:$0x7000] =	vst v63  }
0x107: {  	_ =	swait.ge [sflag:s20], $0x800  }
0x108: {  	[sflag:s20] =	ssyncset.done $0x0  }
0x109: {  	[sflag:s20] =	ssyncadd.s32 $0xFFFFF800  }
0x10a: {  	[tilespmem:s17], [sflag:$0x2] =	stream.indirect.gather [spmem:s1], $0x10, s21, s14, $0xb8;
	[tilespmem:$0x7000] =	vst v63  }
0x10b: {  	_ =	swait.ge [sflag:s18], $0x800  }
0x10c: {  	[sflag:s18] =	ssyncset.done $0x0  }
0x10d: {  	[sflag:s18] =	ssyncadd.s32 $0xFFFFF800  }
0x10e: {  	[spmem:s3] =	stream.indirect.scatter.add.f32 [tilespmem:s17], [sflag:$0x4], $0x10, s22, s14, $0xb8;
	[tilespmem:$0x7000] =	vst v63  }
0x10f: {  	_ =	swait.ge [sflag:s19], $0x800  }
0x110: {  	[sflag:s19] =	ssyncset.done $0x0  }
0x111: {  	[sflag:s19] =	ssyncadd.s32 $0xFFFFF800  }
0x112: {  	[tilespmem:s15], [sflag:$0x1] =	stream.indirect.gather [spmem:s1], $0x10, s23, s14, $0xb8;
	[tilespmem:$0x7000] =	vst v63  }
0x113: {  	_ =	swait.ge [sflag:s16], $0x800  }
0x114: {  	[sflag:s16] =	ssyncset.done $0x0  }
0x115: {  	[sflag:s16] =	ssyncadd.s32 $0xFFFFF800  }
0x116: {  	[spmem:s3] =	stream.indirect.scatter.add.f32 [tilespmem:s15], [sflag:$0x3], $0x10, s24, s14, $0xb8;
	[tilespmem:$0x7000] =	vst v63  }
0x117: {  	_ =	swait.ge [sflag:s20], $0x800  }
0x118: {  	[sflag:s20] =	ssyncset.done $0x0  }
0x119: {  	[sflag:s20] =	ssyncadd.s32 $0xFFFFF800  }
0x11a: {  	[tilespmem:s17], [sflag:$0x2] =	stream.indirect.gather [spmem:s1], $0x10, s25, s14, $0xb8;
	[tilespmem:$0x7000] =	vst v63  }
0x11b: {  	_ =	swait.ge [sflag:s18], $0x800  }
0x11c: {  	[sflag:s18] =	ssyncset.done $0x0  }
0x11d: {  	[sflag:s18] =	ssyncadd.s32 $0xFFFFF800  }
0x11e: {  	[spmem:s3] =	stream.indirect.scatter.add.f32 [tilespmem:s17], [sflag:$0x4], $0x10, s26, s14, $0xb8;
	[tilespmem:$0x7000] =	vst v63  }
0x11f: {  	_ =	swait.ge [sflag:s19], $0x800  }
0x120: {  	[sflag:s19] =	ssyncset.done $0x0  }
0x121: {  	[sflag:s19] =	ssyncadd.s32 $0xFFFFF800  }
0x122: {  	[tilespmem:s15], [sflag:$0x1] =	stream.indirect.gather [spmem:s1], $0x10, s28, s14, $0xb8;
	[tilespmem:$0x7000] =	vst v63  }
0x123: {  	_ =	swait.ge [sflag:s16], $0x800  }
0x124: {  	[sflag:s16] =	ssyncset.done $0x0  }
0x125: {  	[sflag:s16] =	ssyncadd.s32 $0xFFFFF800  }
0x126: {  	[spmem:s3] =	stream.indirect.scatter.add.f32 [tilespmem:s15], [sflag:$0x3], $0x10, s29, s14, $0xb8;
	[tilespmem:$0x7000] =	vst v63  }
0x127: {  	_ =	swait.ge [sflag:s20], $0x800  }
0x128: {  	[sflag:s20] =	ssyncset.done $0x0  }
0x129: {  	[sflag:s20] =	ssyncadd.s32 $0xFFFFF800  }
0x12a: {  	[tilespmem:s17], [sflag:$0x2] =	stream.indirect.gather [spmem:s1], $0x10, s30, s14, $0xb8;
	[tilespmem:$0x7000] =	vst v63  }
0x12b: {  	_ =	swait.ge [sflag:s18], $0x800  }
0x12c: {  	[sflag:s18] =	ssyncset.done $0x0  }
0x12d: {  	[sflag:s18] =	ssyncadd.s32 $0xFFFFF800  }
0x12e: {  	[spmem:s3] =	stream.indirect.scatter.add.f32 [tilespmem:s17], [sflag:$0x4], $0x10, s31, s14, $0xb8;
	[tilespmem:$0x7000] =	vst v63  }
0x12f: {  	_ =	swait.ge [sflag:s19], $0x800  }
0x130: {  	[sflag:s19] =	ssyncset.done $0x0  }
0x131: {  	[sflag:s19] =	ssyncadd.s32 $0xFFFFF800  }
0x132: {  	[tilespmem:s15], [sflag:$0x1] =	stream.indirect.gather [spmem:s1], $0x10, s2, s14, $0xb8;
	[tilespmem:$0x7000] =	vst v63  }
0x133: {  	_ =	swait.ge [sflag:s16], $0x800  }
0x134: {  	[sflag:s16] =	ssyncset.done $0x0  }
0x135: {  	[sflag:s16] =	ssyncadd.s32 $0xFFFFF800  }
0x136: {  	[spmem:s3] =	stream.indirect.scatter.add.f32 [tilespmem:s15], [sflag:$0x3], $0x10, s0, s14, $0xb8;
	[tilespmem:$0x7000] =	vst v63  }
0x137: {  	_ =	swait.ge [sflag:s20], $0x800  }
0x138: {  	[sflag:s20] =	ssyncset.done $0x0  }
0x139: {  	[sflag:s20] =	ssyncadd.s32 $0xFFFFF800  }
0x13a: {  	[tilespmem:s17], [sflag:$0x2] =	stream.indirect.gather [spmem:s1], $0x10, s7, s14, $0xb8;
	[tilespmem:$0x7000] =	vst v63  }
0x13b: {  	_ =	swait.ge [sflag:s18], $0x800  }
0x13c: {  	[sflag:s18] =	ssyncset.done $0x0  }
0x13d: {  	p0 =	sne.s32 s11, $0x400;
	[sflag:s18] =	ssyncadd.s32 $0xFFFFF800  }
0x13e: {  	[spmem:s3] =	stream.indirect.scatter.add.f32 [tilespmem:s17], [sflag:$0x4], $0x10, s8, s14, $0xb8;
	[tilespmem:$0x7000] =	vst v63  }
.Ltmp0:
0x13f: {  	_ =	swait.ge [sflag:s19], $0x800;
	(pc) =	sbr.rel @p0 .LBB2_2-.Ltmp0, $4  }
0x140: {  	[sflag:s19] =	ssyncset.done $0x0  }
0x141: {  	[sflag:s19] =	ssyncadd.s32 $0xFFFFF800  }
0x142: {  	_ =	swait.ge [sflag:s20], $0x800  }
0x143: {  	s11 =	sadd.s32 $0x100, s11;
	s6 =	rddreg [dreg:$0x6];
	[sflag:s20] =	ssyncset.done $0x0  }
0x144: {  	[sflag:s20] =	ssyncadd.s32 $0xFFFFF800;
	s6 =	sadd.s32 s5, s6  }
0x145: {  	[tilespmem:s12], [sflag:$0x5] =	stream.linear.gather [hbm4b:s6+s4], $0x800, $0x38;
	[tilespmem:$0x7000] =	vst v63  }
0x146: {  	_ =	swait.ge [sflag:s10], $0x800  }
0x147: {  	s11 =	rddreg [dreg:$0x5];
	[sflag:s10] =	ssyncset.done $0x0  }
0x148: {  	s9 =	sadd.s32 s5, s11;
	[sflag:s10] =	ssyncadd.s32 $0xFFFFF800  }
0x149: {  	[tilespmem:s13], [sflag:$0x5] =	stream.linear.gather [hbm4b:s9+s4], $0x800, $0x38;
	[tilespmem:$0x7000] =	vst v63  }
0x14a: {  	_ =	swait.ge [sflag:s10], $0x800  }
0x14b: {  	[sflag:s10] =	ssyncset.done $0x0  }
0x14c: {  	[sflag:s10] =	ssyncadd.s32 $0xFFFFF800  }
0x14d: {  	[tilespmem:s15], [sflag:$0x1] =	stream.indirect.gather [spmem:s1], $0x10, s12, s14, $0xb8;
	[tilespmem:$0x7000] =	vst v63  }
0x14e: {  	_ =	swait.ge [sflag:s16], $0x800  }
0x14f: {  	[sflag:s16] =	ssyncset.done $0x0  }
0x150: {  	[sflag:s16] =	ssyncadd.s32 $0xFFFFF800  }
0x151: {  	[spmem:s3] =	stream.indirect.scatter.add.f32 [tilespmem:s15], [sflag:$0x3], $0x10, s13, s14, $0xb8;
	[tilespmem:$0x7000] =	vst v63  }
0x152: {  	s11 =	rddreg [dreg:$0x7]  }
0x153: {  	[tilespmem:s17], [sflag:$0x2] =	stream.indirect.gather [spmem:s1], $0x10, s11, s14, $0xb8;
	[tilespmem:$0x7000] =	vst v63  }
0x154: {  	_ =	swait.ge [sflag:s18], $0x800  }
0x155: {  	[sflag:s18] =	ssyncset.done $0x0  }
0x156: {  	s6 =	rddreg [dreg:$0x8];
	[sflag:s18] =	ssyncadd.s32 $0xFFFFF800  }
0x157: {  	[spmem:s3] =	stream.indirect.scatter.add.f32 [tilespmem:s17], [sflag:$0x4], $0x10, s6, s14, $0xb8;
	[tilespmem:$0x7000] =	vst v63  }
0x158: {  	_ =	swait.ge [sflag:s19], $0x800  }
0x159: {  	[sflag:s19] =	ssyncset.done $0x0  }
0x15a: {  	s9 =	rddreg [dreg:$0x9];
	[sflag:s19] =	ssyncadd.s32 $0xFFFFF800  }
0x15b: {  	[tilespmem:s15], [sflag:$0x1] =	stream.indirect.gather [spmem:s1], $0x10, s9, s14, $0xb8;
	[tilespmem:$0x7000] =	vst v63  }
0x15c: {  	_ =	swait.ge [sflag:s16], $0x800  }
0x15d: {  	[sflag:s16] =	ssyncset.done $0x0  }
0x15e: {  	s11 =	rddreg [dreg:$0xa];
	[sflag:s16] =	ssyncadd.s32 $0xFFFFF800  }
0x15f: {  	[spmem:s3] =	stream.indirect.scatter.add.f32 [tilespmem:s15], [sflag:$0x3], $0x10, s11, s14, $0xb8;
	[tilespmem:$0x7000] =	vst v63  }
0x160: {  	_ =	swait.ge [sflag:s20], $0x800  }
0x161: {  	[sflag:s20] =	ssyncset.done $0x0  }
0x162: {  	s6 =	rddreg [dreg:$0xb];
	[sflag:s20] =	ssyncadd.s32 $0xFFFFF800  }
0x163: {  	[tilespmem:s17], [sflag:$0x2] =	stream.indirect.gather [spmem:s1], $0x10, s6, s14, $0xb8;
	[tilespmem:$0x7000] =	vst v63  }
0x164: {  	_ =	swait.ge [sflag:s18], $0x800  }
0x165: {  	[sflag:s18] =	ssyncset.done $0x0  }
0x166: {  	s9 =	rddreg [dreg:$0xc];
	[sflag:s18] =	ssyncadd.s32 $0xFFFFF800  }
0x167: {  	[spmem:s3] =	stream.indirect.scatter.add.f32 [tilespmem:s17], [sflag:$0x4], $0x10, s9, s14, $0xb8;
	[tilespmem:$0x7000] =	vst v63  }
0x168: {  	_ =	swait.ge [sflag:s19], $0x800  }
0x169: {  	[sflag:s19] =	ssyncset.done $0x0  }
0x16a: {  	s11 =	rddreg [dreg:$0xd];
	[sflag:s19] =	ssyncadd.s32 $0xFFFFF800  }
0x16b: {  	[tilespmem:s15], [sflag:$0x1] =	stream.indirect.gather [spmem:s1], $0x10, s11, s14, $0xb8;
	[tilespmem:$0x7000] =	vst v63  }
0x16c: {  	_ =	swait.ge [sflag:s16], $0x800  }
0x16d: {  	[sflag:s16] =	ssyncset.done $0x0  }
0x16e: {  	s6 =	rddreg [dreg:$0xe];
	[sflag:s16] =	ssyncadd.s32 $0xFFFFF800  }
0x16f: {  	[spmem:s3] =	stream.indirect.scatter.add.f32 [tilespmem:s15], [sflag:$0x3], $0x10, s6, s14, $0xb8;
	[tilespmem:$0x7000] =	vst v63  }
0x170: {  	_ =	swait.ge [sflag:s20], $0x800  }
0x171: {  	[sflag:s20] =	ssyncset.done $0x0  }
0x172: {  	s9 =	rddreg [dreg:$0xf];
	[sflag:s20] =	ssyncadd.s32 $0xFFFFF800  }
0x173: {  	[tilespmem:s17], [sflag:$0x2] =	stream.indirect.gather [spmem:s1], $0x10, s9, s14, $0xb8;
	[tilespmem:$0x7000] =	vst v63  }
0x174: {  	_ =	swait.ge [sflag:s18], $0x800  }
0x175: {  	[sflag:s18] =	ssyncset.done $0x0  }
0x176: {  	s11 =	rddreg [dreg:$0x10];
	[sflag:s18] =	ssyncadd.s32 $0xFFFFF800  }
0x177: {  	[spmem:s3] =	stream.indirect.scatter.add.f32 [tilespmem:s17], [sflag:$0x4], $0x10, s11, s14, $0xb8;
	[tilespmem:$0x7000] =	vst v63  }
0x178: {  	_ =	swait.ge [sflag:s19], $0x800  }
0x179: {  	[sflag:s19] =	ssyncset.done $0x0  }
0x17a: {  	s6 =	rddreg [dreg:$0x11];
	[sflag:s19] =	ssyncadd.s32 $0xFFFFF800  }
0x17b: {  	[tilespmem:s15], [sflag:$0x1] =	stream.indirect.gather [spmem:s1], $0x10, s6, s14, $0xb8;
	[tilespmem:$0x7000] =	vst v63  }
0x17c: {  	_ =	swait.ge [sflag:s16], $0x800  }
0x17d: {  	[sflag:s16] =	ssyncset.done $0x0  }
0x17e: {  	s9 =	rddreg [dreg:$0x12];
	[sflag:s16] =	ssyncadd.s32 $0xFFFFF800  }
0x17f: {  	[spmem:s3] =	stream.indirect.scatter.add.f32 [tilespmem:s15], [sflag:$0x3], $0x10, s9, s14, $0xb8;
	[tilespmem:$0x7000] =	vst v63  }
0x180: {  	_ =	swait.ge [sflag:s20], $0x800  }
0x181: {  	[sflag:s20] =	ssyncset.done $0x0  }
0x182: {  	s11 =	rddreg [dreg:$0x13];
	[sflag:s20] =	ssyncadd.s32 $0xFFFFF800  }
0x183: {  	[tilespmem:s17], [sflag:$0x2] =	stream.indirect.gather [spmem:s1], $0x10, s11, s14, $0xb8;
	[tilespmem:$0x7000] =	vst v63  }
0x184: {  	_ =	swait.ge [sflag:s18], $0x800  }
0x185: {  	[sflag:s18] =	ssyncset.done $0x0  }
0x186: {  	s6 =	rddreg [dreg:$0x14];
	[sflag:s18] =	ssyncadd.s32 $0xFFFFF800  }
0x187: {  	[spmem:s3] =	stream.indirect.scatter.add.f32 [tilespmem:s17], [sflag:$0x4], $0x10, s6, s14, $0xb8;
	[tilespmem:$0x7000] =	vst v63  }
0x188: {  	_ =	swait.ge [sflag:s19], $0x800  }
0x189: {  	[sflag:s19] =	ssyncset.done $0x0  }
0x18a: {  	s9 =	rddreg [dreg:$0x15];
	[sflag:s19] =	ssyncadd.s32 $0xFFFFF800  }
0x18b: {  	[tilespmem:s15], [sflag:$0x1] =	stream.indirect.gather [spmem:s1], $0x10, s9, s14, $0xb8;
	[tilespmem:$0x7000] =	vst v63  }
0x18c: {  	_ =	swait.ge [sflag:s16], $0x800  }
0x18d: {  	[sflag:s16] =	ssyncset.done $0x0  }
0x18e: {  	s11 =	rddreg [dreg:$0x16];
	[sflag:s16] =	ssyncadd.s32 $0xFFFFF800  }
0x18f: {  	[spmem:s3] =	stream.indirect.scatter.add.f32 [tilespmem:s15], [sflag:$0x3], $0x10, s11, s14, $0xb8;
	[tilespmem:$0x7000] =	vst v63  }
0x190: {  	_ =	swait.ge [sflag:s20], $0x800  }
0x191: {  	[sflag:s20] =	ssyncset.done $0x0  }
0x192: {  	[sflag:s20] =	ssyncadd.s32 $0xFFFFF800  }
0x193: {  	[tilespmem:s17], [sflag:$0x2] =	stream.indirect.gather [spmem:s1], $0x10, s21, s14, $0xb8;
	[tilespmem:$0x7000] =	vst v63  }
0x194: {  	_ =	swait.ge [sflag:s18], $0x800  }
0x195: {  	[sflag:s18] =	ssyncset.done $0x0  }
0x196: {  	[sflag:s18] =	ssyncadd.s32 $0xFFFFF800  }
0x197: {  	[spmem:s3] =	stream.indirect.scatter.add.f32 [tilespmem:s17], [sflag:$0x4], $0x10, s22, s14, $0xb8;
	[tilespmem:$0x7000] =	vst v63  }
0x198: {  	_ =	swait.ge [sflag:s19], $0x800  }
0x199: {  	[sflag:s19] =	ssyncset.done $0x0  }
0x19a: {  	[sflag:s19] =	ssyncadd.s32 $0xFFFFF800  }
0x19b: {  	[tilespmem:s15], [sflag:$0x1] =	stream.indirect.gather [spmem:s1], $0x10, s23, s14, $0xb8;
	[tilespmem:$0x7000] =	vst v63  }
0x19c: {  	_ =	swait.ge [sflag:s16], $0x800  }
0x19d: {  	[sflag:s16] =	ssyncset.done $0x0  }
0x19e: {  	[sflag:s16] =	ssyncadd.s32 $0xFFFFF800  }
0x19f: {  	[spmem:s3] =	stream.indirect.scatter.add.f32 [tilespmem:s15], [sflag:$0x3], $0x10, s24, s14, $0xb8;
	[tilespmem:$0x7000] =	vst v63  }
0x1a0: {  	_ =	swait.ge [sflag:s20], $0x800  }
0x1a1: {  	[sflag:s20] =	ssyncset.done $0x0  }
0x1a2: {  	[sflag:s20] =	ssyncadd.s32 $0xFFFFF800  }
0x1a3: {  	[tilespmem:s17], [sflag:$0x2] =	stream.indirect.gather [spmem:s1], $0x10, s25, s14, $0xb8;
	[tilespmem:$0x7000] =	vst v63  }
0x1a4: {  	_ =	swait.ge [sflag:s18], $0x800  }
0x1a5: {  	[sflag:s18] =	ssyncset.done $0x0  }
0x1a6: {  	[sflag:s18] =	ssyncadd.s32 $0xFFFFF800  }
0x1a7: {  	[spmem:s3] =	stream.indirect.scatter.add.f32 [tilespmem:s17], [sflag:$0x4], $0x10, s26, s14, $0xb8;
	[tilespmem:$0x7000] =	vst v63  }
0x1a8: {  	_ =	swait.ge [sflag:s19], $0x800  }
0x1a9: {  	[sflag:s19] =	ssyncset.done $0x0  }
0x1aa: {  	[sflag:s19] =	ssyncadd.s32 $0xFFFFF800  }
0x1ab: {  	[tilespmem:s15], [sflag:$0x1] =	stream.indirect.gather [spmem:s1], $0x10, s28, s14, $0xb8;
	[tilespmem:$0x7000] =	vst v63  }
0x1ac: {  	_ =	swait.ge [sflag:s16], $0x800  }
0x1ad: {  	[sflag:s16] =	ssyncset.done $0x0  }
0x1ae: {  	[sflag:s16] =	ssyncadd.s32 $0xFFFFF800  }
0x1af: {  	[spmem:s3] =	stream.indirect.scatter.add.f32 [tilespmem:s15], [sflag:$0x3], $0x10, s29, s14, $0xb8;
	[tilespmem:$0x7000] =	vst v63  }
0x1b0: {  	_ =	swait.ge [sflag:s20], $0x800  }
0x1b1: {  	[sflag:s20] =	ssyncset.done $0x0  }
0x1b2: {  	[sflag:s20] =	ssyncadd.s32 $0xFFFFF800  }
0x1b3: {  	[tilespmem:s17], [sflag:$0x2] =	stream.indirect.gather [spmem:s1], $0x10, s30, s14, $0xb8;
	[tilespmem:$0x7000] =	vst v63  }
0x1b4: {  	_ =	swait.ge [sflag:s18], $0x800  }
0x1b5: {  	[sflag:s18] =	ssyncset.done $0x0  }
0x1b6: {  	[sflag:s18] =	ssyncadd.s32 $0xFFFFF800  }
0x1b7: {  	[spmem:s3] =	stream.indirect.scatter.add.f32 [tilespmem:s17], [sflag:$0x4], $0x10, s31, s14, $0xb8;
	[tilespmem:$0x7000] =	vst v63  }
0x1b8: {  	_ =	swait.ge [sflag:s19], $0x800  }
0x1b9: {  	[sflag:s19] =	ssyncset.done $0x0  }
0x1ba: {  	[sflag:s19] =	ssyncadd.s32 $0xFFFFF800  }
0x1bb: {  	[tilespmem:s15], [sflag:$0x1] =	stream.indirect.gather [spmem:s1], $0x10, s2, s14, $0xb8;
	[tilespmem:$0x7000] =	vst v63  }
0x1bc: {  	_ =	swait.ge [sflag:s16], $0x800  }
0x1bd: {  	[sflag:s16] =	ssyncset.done $0x0  }
0x1be: {  	[sflag:s16] =	ssyncadd.s32 $0xFFFFF800  }
0x1bf: {  	[spmem:s3] =	stream.indirect.scatter.add.f32 [tilespmem:s15], [sflag:$0x3], $0x10, s0, s14, $0xb8;
	[tilespmem:$0x7000] =	vst v63  }
0x1c0: {  	_ =	swait.ge [sflag:s20], $0x800  }
0x1c1: {  	[sflag:s20] =	ssyncset.done $0x0  }
0x1c2: {  	[sflag:s20] =	ssyncadd.s32 $0xFFFFF800  }
0x1c3: {  	[tilespmem:s17], [sflag:$0x2] =	stream.indirect.gather [spmem:s1], $0x10, s7, s14, $0xb8;
	[tilespmem:$0x7000] =	vst v63  }
0x1c4: {  	_ =	swait.ge [sflag:s18], $0x800  }
0x1c5: {  	[sflag:s18] =	ssyncset.done $0x0  }
0x1c6: {  	[sflag:s18] =	ssyncadd.s32 $0xFFFFF800  }
0x1c7: {  	[spmem:s3] =	stream.indirect.scatter.add.f32 [tilespmem:s17], [sflag:$0x4], $0x10, s8, s14, $0xb8;
	[tilespmem:$0x7000] =	vst v63  }
0x1c8: {  	_ =	swait.ge [sflag:s19], $0x800  }
0x1c9: {  	[sflag:s19] =	ssyncset.done $0x0  }
0x1ca: {  	[sflag:s19] =	ssyncadd.s32 $0xFFFFF800  }
0x1cb: {  	_ =	swait.ge [sflag:s20], $0x800  }
0x1cc: {  	[sflag:s20] =	ssyncset.done $0x0  }
0x1cd: {  	[sflag:s20] =	ssyncadd.s32 $0xFFFFF800  }
0x1ce: {  	[bflag:$0x0] =	sbarrier.arrive $0xFFFF  }
0x1cf: {  	s9 =	rddreg [dreg:$0x18]  }
0x1d0: {  	s6 =	rddreg [dreg:$0x19]  }
0x1d1: {  	s11 =	rddreg [dreg:$0x1c]  }
0x1d2: {  	[hbm:s6], [sflag:s9] =	dma.local [spmem:s11], $0x500  }
0x1d3: {  	_ =	swait.ge [sflag:s10], $0x500  }
0x1d4: {  	s5 =	rddreg [dreg:$0x1d]  }
0x1d5: {  	s6 =	sadd.s32 $0x1, s5;
	s5 =	rddreg [dreg:$0x1a]  }
0x1d6: {  	p0 =	sne.s32 s6, s5  }
.Ltmp1:
0x1d7: {  	_ = 	snop;
	(pc) =	sbr.rel @p0 .LBB2_1-.Ltmp1, $3  }
0x1d8: {  	_ =	sdelay $0x1  }
0x1d9: {  	[sflag:s10] =	ssyncset.done $0x0  }
0x1da: {  	[sflag:s10] =	ssyncadd.s32 $0xFFFFFB00  }
0x1db: {  	_ =	sfence.sel $0x180000  }
0x1dc: {  	[bflag:$0x0] =	sbarrier.arrive $0xFFFF  }
0x1dd: {  	_ =	strace $0x9000004D  }
0x1de: {  	s0 =	stileid.u32;
	[bflag:$0x2] =	sbarrier.arrive $0xFFFF  }
0x1df: {  	p0 =	sne.s32 s0, $0x0;
	s0 =	rddreg [dreg:$0x4]  }
0x1e0: {  	s0 =	sadd.s32 @!p0 $0x100000, s0  }
0x1e1: {  	[sflag:s0] =	ssyncadd.tile.s32 @!p0 $0x1;
	_ =	shalt  }
.Lfunc_end2:
_tile_overlayer_lowered:
.L_overlay_start_2:
0x1e2: {  	(tag) =	ssettag $0x2  }
0x1e3: {  	s0 =	rddreg [dreg:$0x0];
	s2 =	stileid.u32  }
0x1e4: {  	s1 =	rddreg [dreg:$0x1];
	p0 =	sne.s32 s2, $0x0  }
0x1e5: {  	s3 =	rddreg [dreg:$0x2];
	[bflag:$0x3] =	sbarrier.arrive $0xFFFF;
	s2 =	simm.s32 @!p0 $0x1C05  }
0x1e6: {  	[timem:s3], [sflag:s2] =	dma.local @!p0 [hbm:s0], s1  }
0x1e7: {  	s0 =	simm.s32 @!p0 $0x5  }
0x1e8: {  	_ =	swait.ge @!p0 [sflag:s0], s1  }
0x1e9: {  	s1 =	ssub.s32 @!p0 $0x0, s1;
	[sflag:s0] =	ssyncset.done @!p0 $0x0  }
0x1ea: {  	[sflag:s0] =	ssyncadd.s32 @!p0 s1  }
0x1eb: {  	[bflag:$0x3] =	sbarrier.arrive $0xFFFF  }
0x1ec: {  	_ =	shalt  }

// kernel: kernel.8.cloned.1.call-start
scs
__scs_entry_jumppad:
0x0: {  	(pc) =	sbr.rel $0x88, $3  }
0x1: {  	(tag) =	ssettag $0x0;
	lr =	simm.s32 $0x1  }
0x2: {  	[smem:$0x3F99] =	sst lr;
	_ =	strace $0xD0000000  }
0x3: {  	_ = 	snop  }
0x4: {  	_ = 	snop  }
0x5: {  	_ = 	snop  }
0x6: {  	_ = 	snop  }
0x7: {  	_ = 	snop  }
__scs_overlays_trampoline_lowered:
0x8: {  	[smem:$0x3FA8] =	sst s0  }
0x9: {  	[smem:$0x3FA9] =	sst s1  }
0xa: {  	[smem:$0x3FAA] =	sst s2  }
0xb: {  	[smem:$0x3FAB] =	sst s3  }
0xc: {  	[smem:$0x3FAC] =	sst s4  }
0xd: {  	[smem:$0x3FAD] =	sst s5  }
0xe: {  	[smem:$0x3FAE] =	sst s6  }
0xf: {  	[smem:$0x3FAF] =	sst s7  }
0x10: {  	[smem:$0x3FB0] =	sst s8  }
0x11: {  	[smem:$0x3FB1] =	sst s9;
	s0 =	simm.s32 @!p0 $0x0  }
0x12: {  	s1 =	sld [smem:$0x3F97];
	s0 =	simm.s32 @p0 $0x1  }
0x13: {  	[smem:$0x3FB2] =	sst s0;
	s0 =	simm.s32 @!p1 $0x0  }
0x14: {  	s2 =	sld [smem:$0x3F96];
	s0 =	simm.s32 @p1 $0x1  }
0x15: {  	[smem:$0x3FB3] =	sst s0;
	s0 =	simm.s32 @!p2 $0x0  }
0x16: {  	s3 =	sld [smem:$0x3FDB];
	s0 =	simm.s32 @p2 $0x1  }
0x17: {  	s4 =	simm.s32 $0x1BF5;
	[smem:$0x3FB5] =	sst s0  }
0x18: {  	s0 =	sld [smem:$0x3F98];
	_ =	swait.ge [sflag:s4], $0x0  }
0x19: {  	s7 =	sld [smem:$0x3F99]  }
0x1a: {  	s8 =	sadd.s32 $0xFFFFE003, lr  }
0x1b: {  	s9 =	sadd.s32 $0xFFFFFEF7, lr;
	s5 =	simm.s32 $0xFFFFFFFF;
	p2 =	slt.u32 s8, $0xFFFFF086  }
0x1c: {  	p1 =	slt.u32 s9, $0xF7A;
	s5 =	simm.s32 @!p2 $0x0  }
0x1d: {  	s5 =	simm.s32 @p1 $0x1;
	p0 =	seq.s32 s7, s2  }
0x1e: {  	s7 =	smul.u32 @!p0 $0xF7A, s2;
	p2 =	seq.s32 @!p0 s5, $0x0  }
0x1f: {  	s9 =	smul.u32 $0xF7A, s1;
	s8 =	simm.s32 @!p0 $0x1BF5;
	p2 =	por !p2, p0  }
0x20: {  	[sflag:s8] =	ssyncset.s32 @!p0 $0xFFFFF086;
	s6 =	sadd.s32 @!p0 s3, s7;
	s7 =	simm.s32 @!p0 $0x108  }
0x21: {  	s3 =	sadd.s32 s3, s9;
	s6 =	sadd.s32 @!p0 $0x88, s6;
	s7 =	simm.s32 @p2 $0x1082  }
0x22: {  	[simem:s7], [sflag:s8] =	dma.local @!p0 [hbm:s6], $0xF7A  }
0x23: {  	s9 =	sor.u32 $0xD0000000, s2;
	s6 =	simm.s32 $0x108;
	_ =	swait.ge @!p0 [sflag:s8], $0x0  }
0x24: {  	s3 =	sadd.s32 $0x88, s3;
	s6 =	simm.s32 @!p1 $0x1082;
	[sflag:s4] =	ssyncset.s32 $0xFFFFF086  }
0x25: {  	[simem:s6], [sflag:s4] =	dma.local [hbm:s3], $0xF7A  }
0x26: {  	[smem:$0x3F99] =	sst s1;
	(tag) =	ssettag s2;
	_ =	strace s9  }
0x27: {  	s1 =	sld [smem:$0x3FA9]  }
0x28: {  	s2 =	sld [smem:$0x3FAA]  }
0x29: {  	s4 =	sld [smem:$0x3FAC]  }
0x2a: {  	p0 =	seq.s32 s5, $0x0;
	s5 =	sld [smem:$0x3FAD]  }
0x2b: {  	s6 =	sld [smem:$0x3FAE]  }
0x2c: {  	s7 =	sld [smem:$0x3FAF]  }
0x2d: {  	s3 =	simm.s32 $0x108;
	s8 =	sld [smem:$0x3FB0]  }
0x2e: {  	s3 =	simm.s32 @!p0 $0x1082;
	s9 =	sld [smem:$0x3FB1]  }
0x2f: {  	lr =	sadd.s32 s0, s3;
	s0 =	sld [smem:$0x3FA8]  }
0x30: {  	s3 =	sld [smem:$0x3FAB]  }
0x31: {  	[smem:$0x3FB4] =	sst s10  }
0x32: {  	s10 =	sld [smem:$0x3FB2];
	_ =	sdelay $0x3  }
0x33: {  	p0 =	seq.s32 s10, $0x1;
	s10 =	sld [smem:$0x3FB4];
	_ =	sdelay $0x3  }
0x34: {  	[smem:$0x3FB4] =	sst s10  }
0x35: {  	s10 =	sld [smem:$0x3FB3];
	_ =	sdelay $0x3  }
0x36: {  	p1 =	seq.s32 s10, $0x1;
	s10 =	sld [smem:$0x3FB4];
	_ =	sdelay $0x3  }
0x37: {  	[smem:$0x3FB4] =	sst s10  }
0x38: {  	s10 =	sld [smem:$0x3FB5]  }
0x39: {  	_ = 	snop;
	(pc) =	sbr.ind lr, $3  }
0x3a: {  	_ = 	snop  }
0x3b: {  	_ = 	snop  }
0x3c: {  	p2 =	seq.s32 s10, $0x1;
	s10 =	sld [smem:$0x3FB4]  }
0x3d: {  	_ =	shalt  }
0x3e: {  	_ =	shalt  }
0x3f: {  	_ =	shalt  }
0x40: {  	_ =	shalt  }
0x41: {  	_ =	shalt  }
0x42: {  	_ =	shalt  }
0x43: {  	_ =	shalt  }
0x44: {  	_ =	shalt  }
0x45: {  	_ =	shalt  }
0x46: {  	_ =	shalt  }
0x47: {  	_ =	shalt  }
0x48: {  	_ =	shalt  }
0x49: {  	_ =	shalt  }
0x4a: {  	_ =	shalt  }
0x4b: {  	_ =	shalt  }
0x4c: {  	_ =	shalt  }
0x4d: {  	_ =	shalt  }
0x4e: {  	_ =	shalt  }
0x4f: {  	_ =	shalt  }
0x50: {  	_ =	shalt  }
0x51: {  	_ =	shalt  }
0x52: {  	_ =	shalt  }
0x53: {  	_ =	shalt  }
0x54: {  	_ =	shalt  }
0x55: {  	_ =	shalt  }
0x56: {  	_ =	shalt  }
0x57: {  	_ =	shalt  }
0x58: {  	_ =	shalt  }
0x59: {  	_ =	shalt  }
0x5a: {  	_ =	shalt  }
0x5b: {  	_ =	shalt  }
0x5c: {  	_ =	shalt  }
0x5d: {  	_ =	shalt  }
0x5e: {  	_ =	shalt  }
0x5f: {  	_ =	shalt  }
0x60: {  	_ =	shalt  }
0x61: {  	_ =	shalt  }
0x62: {  	_ =	shalt  }
0x63: {  	_ =	shalt  }
0x64: {  	_ =	shalt  }
0x65: {  	_ =	shalt  }
0x66: {  	_ =	shalt  }
0x67: {  	_ =	shalt  }
0x68: {  	_ =	shalt  }
0x69: {  	_ =	shalt  }
0x6a: {  	_ =	shalt  }
0x6b: {  	_ =	shalt  }
0x6c: {  	_ =	shalt  }
0x6d: {  	_ =	shalt  }
0x6e: {  	_ =	shalt  }
0x6f: {  	_ =	shalt  }
0x70: {  	_ =	shalt  }
0x71: {  	_ =	shalt  }
0x72: {  	_ =	shalt  }
0x73: {  	_ =	shalt  }
0x74: {  	_ =	shalt  }
0x75: {  	_ =	shalt  }
0x76: {  	_ =	shalt  }
0x77: {  	_ =	shalt  }
0x78: {  	_ =	shalt  }
0x79: {  	_ =	shalt  }
0x7a: {  	_ =	shalt  }
0x7b: {  	_ =	shalt  }
0x7c: {  	_ =	shalt  }
0x7d: {  	_ =	shalt  }
0x7e: {  	_ =	shalt  }
0x7f: {  	_ =	shalt  }
0x80: {  	_ =	shalt  }
0x81: {  	_ =	shalt  }
0x82: {  	_ =	shalt  }
0x83: {  	_ =	shalt  }
0x84: {  	_ =	shalt  }
0x85: {  	_ =	shalt  }
0x86: {  	_ =	shalt  }
0x87: {  	_ =	shalt  }
.Lfunc_end0:
.L_simem_size_0:
called_computation_lowered:
.L_overlay_start_0:
0x88: {  	s2 =	sld [smem:$0x3FD9]  }
0x89: {  	s3 =	sld [smem:$0x3FFE];
	_ =	sdelay $0x1  }
0x8a: {  	s1 =	srdreg.scid  }
0x8b: {  	s0 =	sand.u32 $0x1, s1  }
0x8c: {  	s17 =	sshll.u32 s0, $0xA;
	s2 =	sadd.s32 s3, s2  }
0x8d: {  	s2 =	sadd.s32 s2, s17  }
0x8e: {  	[smem:$0x3FC0] =	sst s2  }
0x8f: {  	_ = 	snop  }
0x90: {  	s2 =	sld [smem:$0x3FD0];
	(tm) =	ssettm $0x1  }
0x91: {  	s18 =	sld [smem:$0x3FFB];
	_ =	sdelay $0x3  }
0x92: {  	_ =	strace s18  }
0x93: {  	s3 =	sld [smem:$0x3FFC];
	_ =	sdelay $0x3  }
0x94: {  	_ =	strace s3  }
0x95: {  	s3 =	sld [smem:$0x3FFD];
	_ =	sdelay $0x3  }
0x96: {  	_ =	strace s3  }
0x97: {  	_ =	strace $0x8FFFFFFF  }
0x98: {  	s19 =	sld [smem:$0x3FDB];
	_ =	sdelay $0x1  }
0x99: {  	s4 =	simm.s32 $_scs_section_size  }
0x9a: {  	s5 =	simm.s32 $_size__tile_overlayer_lowered;
	s6 =	simm.s32 $_tile_overlayer_lowered  }
0x9b: {  	s22 =	simm.s32 $0x1BFF;
	s21 =	sshll.u32 s6, $0x1;
	s3 =	sadd.s32 s4, s19  }
0x9c: {  	s7 =	simm.s32 $0x0;
	s20 =	sshll.u32 s5, $0x1;
	s5 =	sadd.s32 s21, s3  }
0x9d: {  	[timem:s7], [sflag:s22] =	dma.local [hbm:s5], s20  }
0x9e: {  	_ =	swait.ge [sflag:s22], s20  }
0x9f: {  	s4 =	ssub.s32 $0x0, s20;
	[sflag:s22] =	ssyncset.done $0x0  }
0xa0: {  	[sflag:s22] =	ssyncadd.s32 s4;
	_ =	sdelay $0x1  }
0xa1: {  	s23 =	simm.s32 $0x1B8B  }
0xa2: {  	_ =	swait.ge [sflag:s23], $0x1  }
0xa3: {  	[sflag:s23] =	ssyncset.done $0x0  }
0xa4: {  	s25 =	simm.s32 $0x1B8E;
	s24 =	sld [smem:$0x3FFE];
	[sflag:s23] =	ssyncadd.s32 $0xFFFFFFFF  }
0xa5: {  	s26 =	simm.s32 $execute0_lowered;
	[smem:$0x3FD2] =	sst s25  }
0xa6: {  	s5 =	sshll.u32 s26, $0x1;
	_ =	strace $0x80000046;
	[dreg:$0x1] =	wrdreg $0xFFFFFFFF  }
0xa7: {  	s28 =	simm.s32 $_size_execute0_lowered;
	s3 =	sadd.s32 s3, s5;
	[dreg:$0x0] =	wrdreg $0x0  }
0xa8: {  	s5 =	sshll.u32 s28, $0x1;
	[dreg:$0x2] =	wrdreg s3  }
0xa9: {  	[dreg:$0x3] =	wrdreg s5  }
0xaa: {  	[dreg:$0x4] =	wrdreg $0xC0  }
0xab: {  	_ =	task [dreg:s7], $0x5FFFF  }
0xac: {  	[dreg:$0x1] =	wrdreg $0xFFFFFFFF  }
0xad: {  	[dreg:$0x0] =	wrdreg $0x60  }
0xae: {  	[dreg:$0x2] =	wrdreg s2  }
0xaf: {  	[dreg:$0x3] =	wrdreg s24  }
0xb0: {  	[dreg:$0x4] =	wrdreg $0x9  }
0xb1: {  	_ =	task.clear_ibuf [dreg:s7], $0x5FFFF;
	_ =	strace $0x90000046  }
0xb2: {  	s29 =	simm.s32 $0x9;
	_ =	strace $0x80000048  }
0xb3: {  	_ =	swait.ge [sflag:s29], $0x1  }
0xb4: {  	[sflag:s29] =	ssyncadd.s32 $0xFFFFFFFF  }
0xb5: {  	_ =	strace $0x90000048  }
0xb6: {  	_ =	sfence  }
0xb7: {  	s30 =	sld [smem:$0x0];
	_ =	sdelay $0x2  }
0xb8: {  	s31 =	sshll.u32 s1, $0xD;
	s1 =	sshrl.u32 s1, $0x2  }
0xb9: {  	s3 =	sand.u32 $0x4000, s31;
	s1 =	sadd.s32 s1, s30  }
0xba: {  	s0 =	sor.u32 s3, s0;
	s1 =	sshll.u32 s1, $0x11  }
0xbb: {  	s0 =	sor.u32 s1, s0  }
0xbc: {  	s0 =	sadd.s32 $0x8F2B, s0  }
0xbd: {  	[sflag:s0] =	ssyncadd.remote.s32 $0x1  }
0xbe: {  	_ =	sfence.sel $0xFFFF  }
0xbf: {  	[dreg:$0x0] =	wrdreg $0xFFFFFFFF;
	(pc) =	sbr.abs _section_cstart, $3  }
0xc0: {  	[dreg:$0x1] =	wrdreg $0xFFFFFFFF  }
0xc1: {  	_ =	task.clear_ibuf [dreg:s7], $0x2FFFF;
	_ =	strace $0x9FFFFFFF  }
0xc2: {  	(tm) =	ssettm $0x7FFFFFFF  }
0xc3: {  	_ =	shalt  }
tec
execute0_lowered:
.L_overlay_start_1:
0x0: {  	(tag) =	ssettag $0x1  }
0x1: {  	s3 =	rddreg [dreg:$0x0];
	s1 =	srdreg.scid  }
0x2: {  	s0 =	stileid.u32;
	s4 =	rddreg [dreg:$0x1]  }
0x3: {  	s8 =	simm.s32 $0x0;
	s5 =	sand.u32 $0x1, s1;
	s2 =	sshll.u32 s0, $0x1  }
0x4: {  	s6 =	sor.u32 s5, s2;
	s2 =	simm.s32 $0x0;
	s5 =	ssub.s32 $0x2, s5  }
0x5: {  	s6 =	smul.u32 $0x500, s6;
	[smem:$0x7FF] =	sst s2;
	s7 =	sshrl.u32 s5, $0x1  }
0x6: {  	s1 =	rddreg [dreg:$0x2];
	_ =	strace $0x80000047;
	s5 =	ssub.s32 s5, s7  }
0x7: {  	s7 =	simm.s32 $0x2800;
	s4 =	sadd.s32 s6, s4;
	s3 =	sadd.s32 s3, s6  }
0x8: {  	v0 =	vimm.f32 $0.0e+00;
	v1 =	vimm.f32 $1.000000000e+00;
	s5 =	smax.u32 s5, $0x1;
	s6 =	simm.s32 $0x1;
	s4 =	sadd.s32 $0x1A00, s4  }
.LBB2_1:
0x9: {  	s9 =	simm.s32 $0x0;
	s10 =	simm.s32 $0x200  }
.LBB2_2:
0xa: {  	p0 =	sne.s32 s10, $0x9E00;
	[tilespmem:s9+$0x2870] =	vst v0  }
0xb: {  	[tilespmem:s9+$0x2800] =	vst v0  }
0xc: {  	[tilespmem:s9+$0x2810] =	vst v0  }
.Ltmp0:
0xd: {  	[tilespmem:s9+$0x2820] =	vst v0;
	(pc) =	sbr.rel @p0 .LBB2_2-.Ltmp0, $4  }
0xe: {  	[tilespmem:s9+$0x2830] =	vst v0  }
0xf: {  	[tilespmem:s9+$0x2840] =	vst v0  }
0x10: {  	[tilespmem:s9+$0x2850] =	vst v0  }
0x11: {  	[tilespmem:s9+$0x2860] =	vst v0;
	s9 =	sshra.s32 s10, $0x2;
	s10 =	sadd.s32 $0x200, s10  }
0x12: {  	[tilespmem:s9+$0x2870] =	vst v0  }
0x13: {  	[tilespmem:s9+$0x2800] =	vst v0  }
0x14: {  	[tilespmem:s9+$0x2810] =	vst v0  }
0x15: {  	[tilespmem:s9+$0x2820] =	vst v0  }
0x16: {  	[tilespmem:s9+$0x2830] =	vst v0  }
0x17: {  	[tilespmem:s9+$0x2840] =	vst v0  }
0x18: {  	[tilespmem:s9+$0x2850] =	vst v0  }
0x19: {  	[tilespmem:s9+$0x2860] =	vst v0;
	s9 =	simm.s32 $0x0  }
0x1a: {  	[tilespmem:s9], [sflag:$0x1] =	stream.linear.gather [hbm4b:s3+s9], $0x2800, $0x38;
	[tilespmem:$0x5000] =	vst v63  }
0x1b: {  	_ =	swait.ge [sflag:s6], $0x2800  }
0x1c: {  	[sflag:s6] =	ssyncset.done $0x0  }
0x1d: {  	[sflag:s6] =	ssyncadd.s32 $0xFFFFD800  }
.LBB2_4:
0x1e: {  	s10 =	sshra.s32 s9, $0x2  }
0x1f: {  	v2 =	vld [tilespmem:s10+$0x0];
	_ =	sdelay $0x7  }
0x20: {  	[tilespmem:v2+s7+$0x0] =	vst.idx.add.f32.msk $0xffff, v1  }
0x21: {  	v2 =	vld [tilespmem:s10+$0x10];
	_ =	sdelay $0x7  }
0x22: {  	[tilespmem:v2+s7+$0x0] =	vst.idx.add.f32.msk $0xffff, v1  }
0x23: {  	v2 =	vld [tilespmem:s10+$0x20];
	_ =	sdelay $0x7  }
0x24: {  	[tilespmem:v2+s7+$0x0] =	vst.idx.add.f32.msk $0xffff, v1  }
0x25: {  	v2 =	vld [tilespmem:s10+$0x30];
	_ =	sdelay $0x7  }
0x26: {  	[tilespmem:v2+s7+$0x0] =	vst.idx.add.f32.msk $0xffff, v1  }
0x27: {  	v2 =	vld [tilespmem:s10+$0x40];
	_ =	sdelay $0x7  }
0x28: {  	[tilespmem:v2+s7+$0x0] =	vst.idx.add.f32.msk $0xffff, v1  }
0x29: {  	v2 =	vld [tilespmem:s10+$0x50];
	_ =	sdelay $0x7  }
0x2a: {  	[tilespmem:v2+s7+$0x0] =	vst.idx.add.f32.msk $0xffff, v1  }
0x2b: {  	v2 =	vld [tilespmem:s10+$0x60];
	_ =	sdelay $0x7  }
0x2c: {  	[tilespmem:v2+s7+$0x0] =	vst.idx.add.f32.msk $0xffff, v1  }
0x2d: {  	v2 =	vld [tilespmem:s10+$0x70];
	_ =	sdelay $0x2  }
0x2e: {  	p0 =	sne.s32 s9, $0x9E00  }
.Ltmp1:
0x2f: {  	_ = 	snop;
	(pc) =	sbr.rel @p0 .LBB2_4-.Ltmp1, $2  }
0x30: {  	_ =	sdelay $0x2  }
0x31: {  	s9 =	sadd.s32 $0x200, s9;
	[tilespmem:v2+s7+$0x0] =	vst.idx.add.f32.msk $0xffff, v1  }
0x32: {  	s8 =	sadd.s32 $0x1, s8  }
0x33: {  	p0 =	sne.s32 s8, s5  }
.Ltmp2:
0x34: {  	_ = 	snop;
	(pc) =	sbr.rel @p0 .LBB2_1-.Ltmp2, $4  }
0x35: {  	[hbm4b:s4+s2] =	stream.linear.scatter [tilespmem:s7], [sflag:$0x1], $0x2800, $0x38;
	[tilespmem:$0x5000] =	vst v63  }
0x36: {  	_ =	swait.ge [sflag:s6], $0x2800  }
0x37: {  	[sflag:s6] =	ssyncset.done $0x0  }
0x38: {  	[sflag:s6] =	ssyncadd.s32 $0xFFFFD800  }
0x39: {  	_ =	sfence.sel $0x180000  }
0x3a: {  	[bflag:$0x0] =	sbarrier.arrive $0xFFFF  }
0x3b: {  	p0 =	sne.s32 s0, $0x0;
	_ =	strace $0x90000047  }
0x3c: {  	s0 =	sadd.s32 @!p0 $0x100000, s1;
	[bflag:$0x2] =	sbarrier.arrive $0xFFFF  }
0x3d: {  	[sflag:s0] =	ssyncadd.tile.s32 @!p0 $0x1;
	_ =	shalt  }
.Lfunc_end2:
_tile_overlayer_lowered:
.L_overlay_start_2:
0x3e: {  	(tag) =	ssettag $0x2  }
0x3f: {  	s0 =	rddreg [dreg:$0x0];
	s2 =	stileid.u32  }
0x40: {  	s1 =	rddreg [dreg:$0x1];
	p0 =	sne.s32 s2, $0x0  }
0x41: {  	s3 =	rddreg [dreg:$0x2];
	[bflag:$0x3] =	sbarrier.arrive $0xFFFF;
	s2 =	simm.s32 @!p0 $0x1C01  }
0x42: {  	[timem:s3], [sflag:s2] =	dma.local @!p0 [hbm:s0], s1  }
0x43: {  	s0 =	simm.s32 @!p0 $0x1  }
0x44: {  	_ =	swait.ge @!p0 [sflag:s0], s1  }
0x45: {  	s1 =	ssub.s32 @!p0 $0x0, s1;
	[sflag:s0] =	ssyncset.done @!p0 $0x0  }
0x46: {  	[sflag:s0] =	ssyncadd.s32 @!p0 s1  }
0x47: {  	[bflag:$0x3] =	sbarrier.arrive $0xFFFF  }
0x48: {  	_ =	shalt  }

</sc_bundles>
